<compile_context>
chip_gen: v7x
topology: tpu7x:2x2x1
jax: 0.10.2.dev20260603
libtpu: 0.0.44.dev20260713+nightly
codegen_flags: <defaults>
</compile_context>

<pallas_src>
import functools

import jax
import jax.numpy as jnp
from jax import lax
from jax.experimental import pallas as pl
from jax.experimental.pallas import tpu as pltpu
from jax.experimental.pallas import tpu_sc as plsc

NC, NS = 2, 16
NW = NC * NS
NBUF = 8
TBUF = 2


def _make_gather(bsz, seq, d):
    tb = bsz // 128
    assert tb == NW and d % 8 == 0 and seq % NBUF == 0
    d8 = d // 8
    mesh = plsc.VectorSubcoreMesh(core_axis_name="c", subcore_axis_name="s")

    @functools.partial(
        pl.kernel,
        out_type=jax.ShapeDtypeStruct((seq, d8, tb, 8, 128), jnp.float32),
        mesh=mesh,
        scratch_types=[
            pltpu.VMEM((seq // 8, 8, 128), jnp.int32),
            pltpu.VMEM((NBUF, 128, d), jnp.float32),
            pltpu.VMEM((TBUF, d8, 8, 129), jnp.float32),
            pltpu.SemaphoreType.DMA((NBUF,)),
            pltpu.SemaphoreType.DMA((TBUF,)),
        ],
        compiler_params=pltpu.CompilerParams(use_tc_tiling_on_sc=False,
                                             needs_layout_passes=False),
    )
    def gather_kernel(idx_hbm, table_hbm, out_hbm, idx_v, rows_v, t_v,
                      gsem, osem):
        wid = lax.axis_index("s") * NC + lax.axis_index("c")
        pltpu.sync_copy(idx_hbm.at[:, wid], idx_v)

        io16 = lax.iota(jnp.int32, 16)
        i0s = [(io16 + 16 * g) >> 3 for g in range(4)]
        i1s = [(io16 + 16 * g) & 7 for g in range(4)]

        for b in range(NBUF):
            pltpu.async_copy(table_hbm.at[idx_v.at[b // 8, b % 8]],
                             rows_v.at[b], gsem.at[b])

        @pl.loop(0, seq, step=NBUF)
        def step(j):
            for b in range(NBUF):
                i = j + b
                t = b % TBUF
                pltpu.make_async_copy(table_hbm.at[idx_v.at[i // 8, i % 8]],
                                      rows_v.at[b], gsem.at[b]).wait()

                @pl.when(i >= TBUF)
                def _wait_write():
                    pltpu.make_async_copy(
                        t_v.at[t, :, :, pl.ds(0, 128)],
                        out_hbm.at[i - TBUF, pl.ds(0, d8), wid],
                        osem.at[t]).wait()

                rows = rows_v.at[b]
                tdst = t_v.at[t]

                @pl.loop(0, 128, step=4)
                def _col(c0):
                    for cc in range(4):
                        c = c0 + cc
                        cvec = jnp.full((16,), c, jnp.int32)
                        for g in range(4):
                            vals = rows[c, pl.ds(16 * g, 16)]
                            plsc.store_scatter(
                                tdst, [i0s[g], i1s[g], cvec], vals)

                @pl.when(i + NBUF < seq)
                def _refire():
                    pltpu.async_copy(
                        table_hbm.at[idx_v.at[(i + NBUF) // 8,
                                              (i + NBUF) % 8]],
                        rows_v.at[b], gsem.at[b])

                pltpu.async_copy(t_v.at[t, :, :, pl.ds(0, 128)],
                                 out_hbm.at[i, pl.ds(0, d8), wid],
                                 osem.at[t])

        for k in range(TBUF):
            i = seq - TBUF + k
            pltpu.make_async_copy(t_v.at[i % TBUF, :, :, pl.ds(0, 128)],
                                  out_hbm.at[i, pl.ds(0, d8), wid],
                                  osem.at[i % TBUF]).wait()

    return gather_kernel


def kernel(inputs, table):
    bsz, seq = inputs.shape
    _, d = table.shape
    idx4 = (inputs.astype(jnp.int32)
            .reshape(bsz // 128, 128, seq // 8, 8)
            .transpose(2, 0, 3, 1))
    out5 = _make_gather(bsz, seq, d)(idx4, table)
    out = out5.transpose(2, 4, 0, 1, 3).reshape(bsz, seq, d)
    return out

# --- scband reference (transcript-rebuilt; emitter-appended) ---
"""Pipeline reference for scband-shared-embedding-29600914604367 (READ-ONLY COPY).

The authoritative reference and input builder live on the scoring server;
editing this copy changes nothing except your own understanding.
"""

import jax, jax.numpy as jnp
import numpy as np

VOCAB = 1000000
EMBED_DIM = 64
BATCH = 4096
SEQ = 200

def setup_inputs(seed: int = 0) -> dict:
    key = jax.random.key(seed)
    k_idx, k_tab = jax.random.split(key)
    inputs = jax.random.randint(k_idx, (BATCH, SEQ), 0, VOCAB, dtype=jnp.int64 if jax.config.jax_enable_x64 else jnp.int32)
    table = jax.random.normal(k_tab, (VOCAB, EMBED_DIM), dtype=jnp.float32) * 0.02
    return {"inputs": inputs, "table": table}

def reference(inputs, table):
    # SharedEmbedding.call: embedding lookup (mask_zero only attaches a Keras mask,
    # it does not change the returned embedded values)
    embedded = jnp.take(table, inputs, axis=0)
    return embedded

if __name__ == "__main__":
    import jax
    _d = setup_inputs()
    print(jax.jit(kernel)(*tuple(_d.values())))

</pallas_src>

<mosaic_0001>
#map = affine_map<(d0, d1) -> (0, 0, 0, 0)>
#map1 = affine_map<(d0, d1) -> (0, 0)>
#map2 = affine_map<(d0, d1) -> (0, 0, 0, 0, 0)>
module attributes {stable_mosaic.version = 14 : i64} {
  func.func @gather_kernel(%arg0: i32, %arg1: i32, %arg2: memref<25x32x8x128xi32, #tpu.memory_space<hbm>>, %arg3: memref<1000000x64xf32, #tpu.memory_space<hbm>>, %arg4: memref<200x8x32x8x128xf32, #tpu.memory_space<hbm>>, %arg5: memref<25x8x128xi32, #tpu.memory_space<vmem>>, %arg6: memref<8x128x64xf32, #tpu.memory_space<vmem>>, %arg7: memref<2x8x8x129xf32, #tpu.memory_space<vmem>>, %arg8: memref<8x!tpu.dma_semaphore, #tpu.memory_space<semaphore_mem>>, %arg9: memref<2x!tpu.dma_semaphore, #tpu.memory_space<semaphore_mem>>) attributes {dimension_semantics = [#tpu.dimension_semantics<core_parallel>, #tpu.dimension_semantics<subcore_parallel>], iteration_bounds = array<i64: 2, 16>, scalar_prefetch = 0 : i64, scratch_operands = 5 : i64, tpu.core_type = #tpu.core_type<sc_vector_subcore>, window_params = [{transform_indices = #map}, {transform_indices = #map1}, {transform_indices = #map2}]} {
    %mul3A = arith.constant 2 : i32
    %mul3A_0 = arith.muli %arg1, %mul3A : i32
    %add3A = arith.addi %mul3A_0, %arg0 : i32
    "tpu.region"() ({
      %run_scoped3A = tpu.sem_alloc : memref<!tpu.dma_semaphore, #tpu.memory_space<semaphore_mem>>
      %dma_start3A_227 = arith.constant 0 : i32
      %dma_start3A_228 = arith.constant 0 : i32
      %dma_start3A_229 = arith.constant 0 : i32
      %dma_start3A_230 = tpu.memref_slice %arg2[%dma_start3A_227, %add3A, %dma_start3A_228, %dma_start3A_229] : memref<25x32x8x128xi32, #tpu.memory_space<hbm>> -> memref<25x1x8x128xi32, #tpu.memory_space<hbm>>
      %dma_start3A_231 = tpu.memref_squeeze %dma_start3A_230 : memref<25x1x8x128xi32, #tpu.memory_space<hbm>> -> memref<25x8x128xi32, #tpu.memory_space<hbm>>
      %dma_start3A_232 = arith.constant 0 : i32
      %dma_start3A_233 = arith.constant 0 : i32
      %dma_start3A_234 = arith.constant 0 : i32
      %dma_start3A_235 = tpu.memref_slice %arg2[%dma_start3A_232, %add3A, %dma_start3A_233, %dma_start3A_234] : memref<25x32x8x128xi32, #tpu.memory_space<hbm>> -> memref<25x1x8x128xi32, #tpu.memory_space<hbm>>
      %dma_start3A_236 = tpu.memref_squeeze %dma_start3A_235 : memref<25x1x8x128xi32, #tpu.memory_space<hbm>> -> memref<25x8x128xi32, #tpu.memory_space<hbm>>
      tpu.enqueue_dma source(%dma_start3A_236 : memref<25x8x128xi32, #tpu.memory_space<hbm>>) target(%arg5 : memref<25x8x128xi32, #tpu.memory_space<vmem>>) target_semaphore(%run_scoped3A : memref<!tpu.dma_semaphore, #tpu.memory_space<semaphore_mem>>)
      %dma_wait3A_237 = arith.constant 0 : i32
      %dma_wait3A_238 = arith.constant 0 : i32
      %dma_wait3A_239 = arith.constant 0 : i32
      %dma_wait3A_240 = tpu.memref_slice %arg2[%dma_wait3A_237, %add3A, %dma_wait3A_238, %dma_wait3A_239] : memref<25x32x8x128xi32, #tpu.memory_space<hbm>> -> memref<25x1x8x128xi32, #tpu.memory_space<hbm>>
      %dma_wait3A_241 = tpu.memref_squeeze %dma_wait3A_240 : memref<25x1x8x128xi32, #tpu.memory_space<hbm>> -> memref<25x8x128xi32, #tpu.memory_space<hbm>>
      %dma_wait3A_242 = arith.constant 0 : i32
      %dma_wait3A_243 = arith.constant 0 : i32
      %dma_wait3A_244 = arith.constant 0 : i32
      %dma_wait3A_245 = tpu.memref_slice %arg2[%dma_wait3A_242, %add3A, %dma_wait3A_243, %dma_wait3A_244] : memref<25x32x8x128xi32, #tpu.memory_space<hbm>> -> memref<25x1x8x128xi32, #tpu.memory_space<hbm>>
      %dma_wait3A_246 = tpu.memref_squeeze %dma_wait3A_245 : memref<25x1x8x128xi32, #tpu.memory_space<hbm>> -> memref<25x8x128xi32, #tpu.memory_space<hbm>>
      tpu.wait_dma2 semaphore(%run_scoped3A : memref<!tpu.dma_semaphore, #tpu.memory_space<semaphore_mem>>) src(%dma_wait3A_246 : memref<25x8x128xi32, #tpu.memory_space<hbm>>) dst(%arg5 : memref<25x8x128xi32, #tpu.memory_space<vmem>>)
      tpu.yield
    }) : () -> ()
    %iota3A = tpu.iota {dimensions = array<i32: 0>} : vector<16xi32>
    %add3A_1 = arith.constant 0 : i32
    %add3A_2 = vector.broadcast %add3A_1 : i32 to vector<16xi32>
    %add3A_3 = arith.addi %iota3A, %add3A_2 : vector<16xi32>
    %shift_right_arithmetic3A = arith.constant 3 : i32
    %shift_right_arithmetic3A_4 = vector.broadcast %shift_right_arithmetic3A : i32 to vector<16xi32>
    %shift_right_arithmetic3A_5 = arith.shrsi %add3A_3, %shift_right_arithmetic3A_4 : vector<16xi32>
    %add3A_6 = arith.constant 16 : i32
    %add3A_7 = vector.broadcast %add3A_6 : i32 to vector<16xi32>
    %add3A_8 = arith.addi %iota3A, %add3A_7 : vector<16xi32>
    %shift_right_arithmetic3A_9 = arith.constant 3 : i32
    %shift_right_arithmetic3A_10 = vector.broadcast %shift_right_arithmetic3A_9 : i32 to vector<16xi32>
    %shift_right_arithmetic3A_11 = arith.shrsi %add3A_8, %shift_right_arithmetic3A_10 : vector<16xi32>
    %add3A_12 = arith.constant 32 : i32
    %add3A_13 = vector.broadcast %add3A_12 : i32 to vector<16xi32>
    %add3A_14 = arith.addi %iota3A, %add3A_13 : vector<16xi32>
    %shift_right_arithmetic3A_15 = arith.constant 3 : i32
    %shift_right_arithmetic3A_16 = vector.broadcast %shift_right_arithmetic3A_15 : i32 to vector<16xi32>
    %shift_right_arithmetic3A_17 = arith.shrsi %add3A_14, %shift_right_arithmetic3A_16 : vector<16xi32>
    %add3A_18 = arith.constant 48 : i32
    %add3A_19 = vector.broadcast %add3A_18 : i32 to vector<16xi32>
    %add3A_20 = arith.addi %iota3A, %add3A_19 : vector<16xi32>
    %shift_right_arithmetic3A_21 = arith.constant 3 : i32
    %shift_right_arithmetic3A_22 = vector.broadcast %shift_right_arithmetic3A_21 : i32 to vector<16xi32>
    %shift_right_arithmetic3A_23 = arith.shrsi %add3A_20, %shift_right_arithmetic3A_22 : vector<16xi32>
    %add3A_24 = arith.constant 0 : i32
    %add3A_25 = vector.broadcast %add3A_24 : i32 to vector<16xi32>
    %add3A_26 = arith.addi %iota3A, %add3A_25 : vector<16xi32>
    %and3A = arith.constant 7 : i32
    %and3A_27 = vector.broadcast %and3A : i32 to vector<16xi32>
    %and3A_28 = arith.andi %add3A_26, %and3A_27 : vector<16xi32>
    %add3A_29 = arith.constant 16 : i32
    %add3A_30 = vector.broadcast %add3A_29 : i32 to vector<16xi32>
    %add3A_31 = arith.addi %iota3A, %add3A_30 : vector<16xi32>
    %and3A_32 = arith.constant 7 : i32
    %and3A_33 = vector.broadcast %and3A_32 : i32 to vector<16xi32>
    %and3A_34 = arith.andi %add3A_31, %and3A_33 : vector<16xi32>
    %add3A_35 = arith.constant 32 : i32
    %add3A_36 = vector.broadcast %add3A_35 : i32 to vector<16xi32>
    %add3A_37 = arith.addi %iota3A, %add3A_36 : vector<16xi32>
    %and3A_38 = arith.constant 7 : i32
    %and3A_39 = vector.broadcast %and3A_38 : i32 to vector<16xi32>
    %and3A_40 = arith.andi %add3A_37, %and3A_39 : vector<16xi32>
    %add3A_41 = arith.constant 48 : i32
    %add3A_42 = vector.broadcast %add3A_41 : i32 to vector<16xi32>
    %add3A_43 = arith.addi %iota3A, %add3A_42 : vector<16xi32>
    %and3A_44 = arith.constant 7 : i32
    %and3A_45 = vector.broadcast %and3A_44 : i32 to vector<16xi32>
    %and3A_46 = arith.andi %add3A_43, %and3A_45 : vector<16xi32>
    %dma_start3A = arith.constant 0 : i32
    %dma_start3A_47 = arith.constant 0 : i32
    %dma_start3A_48 = arith.constant 0 : i32
    %dma_start3A_49 = arith.constant 0 : i32
    %dma_start3A_50 = arith.constant 0 : i32
    %dma_start3A_51 = arith.constant 0 : i32
    %dma_start3A_52 = tpu.memref_slice %arg6[%dma_start3A_48, %dma_start3A_50, %dma_start3A_51] : memref<8x128x64xf32, #tpu.memory_space<vmem>> -> memref<1x128x64xf32, #tpu.memory_space<vmem>>
    %dma_start3A_53 = tpu.memref_squeeze %dma_start3A_52 : memref<1x128x64xf32, #tpu.memory_space<vmem>> -> memref<128x64xf32, #tpu.memory_space<vmem>>
    %dma_start3A_54 = arith.constant 0 : i32
    %dma_start3A_55 = tpu.memref_slice %arg5[%dma_start3A, %dma_start3A_47, %dma_start3A_54] : memref<25x8x128xi32, #tpu.memory_space<vmem>> -> memref<1x1x128xi32, #tpu.memory_space<vmem>>
    %dma_start3A_56 = tpu.memref_squeeze %dma_start3A_55 : memref<1x1x128xi32, #tpu.memory_space<vmem>> -> memref<128xi32, #tpu.memory_space<vmem>>
    %dma_start3A_57 = arith.constant 0 : i32
    %dma_start3A_58 = arith.constant 0 : i32
    %dma_start3A_59 = tpu.memref_slice %arg3[%dma_start3A_57, %dma_start3A_58] : memref<1000000x64xf32, #tpu.memory_space<hbm>> -> memref<1000000x64xf32, #tpu.memory_space<hbm>>
    %dma_start3A_60 = tpu.memref_slice %arg8[%dma_start3A_49] : memref<8x!tpu.dma_semaphore, #tpu.memory_space<semaphore_mem>> -> memref<1x!tpu.dma_semaphore, #tpu.memory_space<semaphore_mem>>
    %dma_start3A_61 = tpu.memref_squeeze %dma_start3A_60 : memref<1x!tpu.dma_semaphore, #tpu.memory_space<semaphore_mem>> -> memref<!tpu.dma_semaphore, #tpu.memory_space<semaphore_mem>>
    tpu.enqueue_indirect_dma source(%dma_start3A_59 : memref<1000000x64xf32, #tpu.memory_space<hbm>>) target(%dma_start3A_53 : memref<128x64xf32, #tpu.memory_space<vmem>>) offsets(%dma_start3A_56 : memref<128xi32, #tpu.memory_space<vmem>>) semaphore(%dma_start3A_61 : memref<!tpu.dma_semaphore, #tpu.memory_space<semaphore_mem>>)
    %dma_start3A_62 = arith.constant 0 : i32
    %dma_start3A_63 = arith.constant 1 : i32
    %dma_start3A_64 = arith.constant 1 : i32
    %dma_start3A_65 = arith.constant 1 : i32
    %dma_start3A_66 = arith.constant 0 : i32
    %dma_start3A_67 = arith.constant 0 : i32
    %dma_start3A_68 = tpu.memref_slice %arg6[%dma_start3A_64, %dma_start3A_66, %dma_start3A_67] : memref<8x128x64xf32, #tpu.memory_space<vmem>> -> memref<1x128x64xf32, #tpu.memory_space<vmem>>
    %dma_start3A_69 = tpu.memref_squeeze %dma_start3A_68 : memref<1x128x64xf32, #tpu.memory_space<vmem>> -> memref<128x64xf32, #tpu.memory_space<vmem>>
    %dma_start3A_70 = arith.constant 0 : i32
    %dma_start3A_71 = tpu.memref_slice %arg5[%dma_start3A_62, %dma_start3A_63, %dma_start3A_70] : memref<25x8x128xi32, #tpu.memory_space<vmem>> -> memref<1x1x128xi32, #tpu.memory_space<vmem>>
    %dma_start3A_72 = tpu.memref_squeeze %dma_start3A_71 : memref<1x1x128xi32, #tpu.memory_space<vmem>> -> memref<128xi32, #tpu.memory_space<vmem>>
    %dma_start3A_73 = arith.constant 0 : i32
    %dma_start3A_74 = arith.constant 0 : i32
    %dma_start3A_75 = tpu.memref_slice %arg3[%dma_start3A_73, %dma_start3A_74] : memref<1000000x64xf32, #tpu.memory_space<hbm>> -> memref<1000000x64xf32, #tpu.memory_space<hbm>>
    %dma_start3A_76 = tpu.memref_slice %arg8[%dma_start3A_65] : memref<8x!tpu.dma_semaphore, #tpu.memory_space<semaphore_mem>> -> memref<1x!tpu.dma_semaphore, #tpu.memory_space<semaphore_mem>>
    %dma_start3A_77 = tpu.memref_squeeze %dma_start3A_76 : memref<1x!tpu.dma_semaphore, #tpu.memory_space<semaphore_mem>> -> memref<!tpu.dma_semaphore, #tpu.memory_space<semaphore_mem>>
    tpu.enqueue_indirect_dma source(%dma_start3A_75 : memref<1000000x64xf32, #tpu.memory_space<hbm>>) target(%dma_start3A_69 : memref<128x64xf32, #tpu.memory_space<vmem>>) offsets(%dma_start3A_72 : memref<128xi32, #tpu.memory_space<vmem>>) semaphore(%dma_start3A_77 : memref<!tpu.dma_semaphore, #tpu.memory_space<semaphore_mem>>)
    %dma_start3A_78 = arith.constant 0 : i32
    %dma_start3A_79 = arith.constant 2 : i32
    %dma_start3A_80 = arith.constant 2 : i32
    %dma_start3A_81 = arith.constant 2 : i32
    %dma_start3A_82 = arith.constant 0 : i32
    %dma_start3A_83 = arith.constant 0 : i32
    %dma_start3A_84 = tpu.memref_slice %arg6[%dma_start3A_80, %dma_start3A_82, %dma_start3A_83] : memref<8x128x64xf32, #tpu.memory_space<vmem>> -> memref<1x128x64xf32, #tpu.memory_space<vmem>>
    %dma_start3A_85 = tpu.memref_squeeze %dma_start3A_84 : memref<1x128x64xf32, #tpu.memory_space<vmem>> -> memref<128x64xf32, #tpu.memory_space<vmem>>
    %dma_start3A_86 = arith.constant 0 : i32
    %dma_start3A_87 = tpu.memref_slice %arg5[%dma_start3A_78, %dma_start3A_79, %dma_start3A_86] : memref<25x8x128xi32, #tpu.memory_space<vmem>> -> memref<1x1x128xi32, #tpu.memory_space<vmem>>
    %dma_start3A_88 = tpu.memref_squeeze %dma_start3A_87 : memref<1x1x128xi32, #tpu.memory_space<vmem>> -> memref<128xi32, #tpu.memory_space<vmem>>
    %dma_start3A_89 = arith.constant 0 : i32
    %dma_start3A_90 = arith.constant 0 : i32
    %dma_start3A_91 = tpu.memref_slice %arg3[%dma_start3A_89, %dma_start3A_90] : memref<1000000x64xf32, #tpu.memory_space<hbm>> -> memref<1000000x64xf32, #tpu.memory_space<hbm>>
    %dma_start3A_92 = tpu.memref_slice %arg8[%dma_start3A_81] : memref<8x!tpu.dma_semaphore, #tpu.memory_space<semaphore_mem>> -> memref<1x!tpu.dma_semaphore, #tpu.memory_space<semaphore_mem>>
    %dma_start3A_93 = tpu.memref_squeeze %dma_start3A_92 : memref<1x!tpu.dma_semaphore, #tpu.memory_space<semaphore_mem>> -> memref<!tpu.dma_semaphore, #tpu.memory_space<semaphore_mem>>
    tpu.enqueue_indirect_dma source(%dma_start3A_91 : memref<1000000x64xf32, #tpu.memory_space<hbm>>) target(%dma_start3A_85 : memref<128x64xf32, #tpu.memory_space<vmem>>) offsets(%dma_start3A_88 : memref<128xi32, #tpu.memory_space<vmem>>) semaphore(%dma_start3A_93 : memref<!tpu.dma_semaphore, #tpu.memory_space<semaphore_mem>>)
    %dma_start3A_94 = arith.constant 0 : i32
    %dma_start3A_95 = arith.constant 3 : i32
    %dma_start3A_96 = arith.constant 3 : i32
    %dma_start3A_97 = arith.constant 3 : i32
    %dma_start3A_98 = arith.constant 0 : i32
    %dma_start3A_99 = arith.constant 0 : i32
    %dma_start3A_100 = tpu.memref_slice %arg6[%dma_start3A_96, %dma_start3A_98, %dma_start3A_99] : memref<8x128x64xf32, #tpu.memory_space<vmem>> -> memref<1x128x64xf32, #tpu.memory_space<vmem>>
    %dma_start3A_101 = tpu.memref_squeeze %dma_start3A_100 : memref<1x128x64xf32, #tpu.memory_space<vmem>> -> memref<128x64xf32, #tpu.memory_space<vmem>>
    %dma_start3A_102 = arith.constant 0 : i32
    %dma_start3A_103 = tpu.memref_slice %arg5[%dma_start3A_94, %dma_start3A_95, %dma_start3A_102] : memref<25x8x128xi32, #tpu.memory_space<vmem>> -> memref<1x1x128xi32, #tpu.memory_space<vmem>>
    %dma_start3A_104 = tpu.memref_squeeze %dma_start3A_103 : memref<1x1x128xi32, #tpu.memory_space<vmem>> -> memref<128xi32, #tpu.memory_space<vmem>>
    %dma_start3A_105 = arith.constant 0 : i32
    %dma_start3A_106 = arith.constant 0 : i32
    %dma_start3A_107 = tpu.memref_slice %arg3[%dma_start3A_105, %dma_start3A_106] : memref<1000000x64xf32, #tpu.memory_space<hbm>> -> memref<1000000x64xf32, #tpu.memory_space<hbm>>
    %dma_start3A_108 = tpu.memref_slice %arg8[%dma_start3A_97] : memref<8x!tpu.dma_semaphore, #tpu.memory_space<semaphore_mem>> -> memref<1x!tpu.dma_semaphore, #tpu.memory_space<semaphore_mem>>
    %dma_start3A_109 = tpu.memref_squeeze %dma_start3A_108 : memref<1x!tpu.dma_semaphore, #tpu.memory_space<semaphore_mem>> -> memref<!tpu.dma_semaphore, #tpu.memory_space<semaphore_mem>>
    tpu.enqueue_indirect_dma source(%dma_start3A_107 : memref<1000000x64xf32, #tpu.memory_space<hbm>>) target(%dma_start3A_101 : memref<128x64xf32, #tpu.memory_space<vmem>>) offsets(%dma_start3A_104 : memref<128xi32, #tpu.memory_space<vmem>>) semaphore(%dma_start3A_109 : memref<!tpu.dma_semaphore, #tpu.memory_space<semaphore_mem>>)
    %dma_start3A_110 = arith.constant 0 : i32
    %dma_start3A_111 = arith.constant 4 : i32
    %dma_start3A_112 = arith.constant 4 : i32
    %dma_start3A_113 = arith.constant 4 : i32
    %dma_start3A_114 = arith.constant 0 : i32
    %dma_start3A_115 = arith.constant 0 : i32
    %dma_start3A_116 = tpu.memref_slice %arg6[%dma_start3A_112, %dma_start3A_114, %dma_start3A_115] : memref<8x128x64xf32, #tpu.memory_space<vmem>> -> memref<1x128x64xf32, #tpu.memory_space<vmem>>
    %dma_start3A_117 = tpu.memref_squeeze %dma_start3A_116 : memref<1x128x64xf32, #tpu.memory_space<vmem>> -> memref<128x64xf32, #tpu.memory_space<vmem>>
    %dma_start3A_118 = arith.constant 0 : i32
    %dma_start3A_119 = tpu.memref_slice %arg5[%dma_start3A_110, %dma_start3A_111, %dma_start3A_118] : memref<25x8x128xi32, #tpu.memory_space<vmem>> -> memref<1x1x128xi32, #tpu.memory_space<vmem>>
    %dma_start3A_120 = tpu.memref_squeeze %dma_start3A_119 : memref<1x1x128xi32, #tpu.memory_space<vmem>> -> memref<128xi32, #tpu.memory_space<vmem>>
    %dma_start3A_121 = arith.constant 0 : i32
    %dma_start3A_122 = arith.constant 0 : i32
    %dma_start3A_123 = tpu.memref_slice %arg3[%dma_start3A_121, %dma_start3A_122] : memref<1000000x64xf32, #tpu.memory_space<hbm>> -> memref<1000000x64xf32, #tpu.memory_space<hbm>>
    %dma_start3A_124 = tpu.memref_slice %arg8[%dma_start3A_113] : memref<8x!tpu.dma_semaphore, #tpu.memory_space<semaphore_mem>> -> memref<1x!tpu.dma_semaphore, #tpu.memory_space<semaphore_mem>>
    %dma_start3A_125 = tpu.memref_squeeze %dma_start3A_124 : memref<1x!tpu.dma_semaphore, #tpu.memory_space<semaphore_mem>> -> memref<!tpu.dma_semaphore, #tpu.memory_space<semaphore_mem>>
    tpu.enqueue_indirect_dma source(%dma_start3A_123 : memref<1000000x64xf32, #tpu.memory_space<hbm>>) target(%dma_start3A_117 : memref<128x64xf32, #tpu.memory_space<vmem>>) offsets(%dma_start3A_120 : memref<128xi32, #tpu.memory_space<vmem>>) semaphore(%dma_start3A_125 : memref<!tpu.dma_semaphore, #tpu.memory_space<semaphore_mem>>)
    %dma_start3A_126 = arith.constant 0 : i32
    %dma_start3A_127 = arith.constant 5 : i32
    %dma_start3A_128 = arith.constant 5 : i32
    %dma_start3A_129 = arith.constant 5 : i32
    %dma_start3A_130 = arith.constant 0 : i32
    %dma_start3A_131 = arith.constant 0 : i32
    %dma_start3A_132 = tpu.memref_slice %arg6[%dma_start3A_128, %dma_start3A_130, %dma_start3A_131] : memref<8x128x64xf32, #tpu.memory_space<vmem>> -> memref<1x128x64xf32, #tpu.memory_space<vmem>>
    %dma_start3A_133 = tpu.memref_squeeze %dma_start3A_132 : memref<1x128x64xf32, #tpu.memory_space<vmem>> -> memref<128x64xf32, #tpu.memory_space<vmem>>
    %dma_start3A_134 = arith.constant 0 : i32
    %dma_start3A_135 = tpu.memref_slice %arg5[%dma_start3A_126, %dma_start3A_127, %dma_start3A_134] : memref<25x8x128xi32, #tpu.memory_space<vmem>> -> memref<1x1x128xi32, #tpu.memory_space<vmem>>
    %dma_start3A_136 = tpu.memref_squeeze %dma_start3A_135 : memref<1x1x128xi32, #tpu.memory_space<vmem>> -> memref<128xi32, #tpu.memory_space<vmem>>
    %dma_start3A_137 = arith.constant 0 : i32
    %dma_start3A_138 = arith.constant 0 : i32
    %dma_start3A_139 = tpu.memref_slice %arg3[%dma_start3A_137, %dma_start3A_138] : memref<1000000x64xf32, #tpu.memory_space<hbm>> -> memref<1000000x64xf32, #tpu.memory_space<hbm>>
    %dma_start3A_140 = tpu.memref_slice %arg8[%dma_start3A_129] : memref<8x!tpu.dma_semaphore, #tpu.memory_space<semaphore_mem>> -> memref<1x!tpu.dma_semaphore, #tpu.memory_space<semaphore_mem>>
    %dma_start3A_141 = tpu.memref_squeeze %dma_start3A_140 : memref<1x!tpu.dma_semaphore, #tpu.memory_space<semaphore_mem>> -> memref<!tpu.dma_semaphore, #tpu.memory_space<semaphore_mem>>
    tpu.enqueue_indirect_dma source(%dma_start3A_139 : memref<1000000x64xf32, #tpu.memory_space<hbm>>) target(%dma_start3A_133 : memref<128x64xf32, #tpu.memory_space<vmem>>) offsets(%dma_start3A_136 : memref<128xi32, #tpu.memory_space<vmem>>) semaphore(%dma_start3A_141 : memref<!tpu.dma_semaphore, #tpu.memory_space<semaphore_mem>>)
    %dma_start3A_142 = arith.constant 0 : i32
    %dma_start3A_143 = arith.constant 6 : i32
    %dma_start3A_144 = arith.constant 6 : i32
    %dma_start3A_145 = arith.constant 6 : i32
    %dma_start3A_146 = arith.constant 0 : i32
    %dma_start3A_147 = arith.constant 0 : i32
    %dma_start3A_148 = tpu.memref_slice %arg6[%dma_start3A_144, %dma_start3A_146, %dma_start3A_147] : memref<8x128x64xf32, #tpu.memory_space<vmem>> -> memref<1x128x64xf32, #tpu.memory_space<vmem>>
    %dma_start3A_149 = tpu.memref_squeeze %dma_start3A_148 : memref<1x128x64xf32, #tpu.memory_space<vmem>> -> memref<128x64xf32, #tpu.memory_space<vmem>>
    %dma_start3A_150 = arith.constant 0 : i32
    %dma_start3A_151 = tpu.memref_slice %arg5[%dma_start3A_142, %dma_start3A_143, %dma_start3A_150] : memref<25x8x128xi32, #tpu.memory_space<vmem>> -> memref<1x1x128xi32, #tpu.memory_space<vmem>>
    %dma_start3A_152 = tpu.memref_squeeze %dma_start3A_151 : memref<1x1x128xi32, #tpu.memory_space<vmem>> -> memref<128xi32, #tpu.memory_space<vmem>>
    %dma_start3A_153 = arith.constant 0 : i32
    %dma_start3A_154 = arith.constant 0 : i32
    %dma_start3A_155 = tpu.memref_slice %arg3[%dma_start3A_153, %dma_start3A_154] : memref<1000000x64xf32, #tpu.memory_space<hbm>> -> memref<1000000x64xf32, #tpu.memory_space<hbm>>
    %dma_start3A_156 = tpu.memref_slice %arg8[%dma_start3A_145] : memref<8x!tpu.dma_semaphore, #tpu.memory_space<semaphore_mem>> -> memref<1x!tpu.dma_semaphore, #tpu.memory_space<semaphore_mem>>
    %dma_start3A_157 = tpu.memref_squeeze %dma_start3A_156 : memref<1x!tpu.dma_semaphore, #tpu.memory_space<semaphore_mem>> -> memref<!tpu.dma_semaphore, #tpu.memory_space<semaphore_mem>>
    tpu.enqueue_indirect_dma source(%dma_start3A_155 : memref<1000000x64xf32, #tpu.memory_space<hbm>>) target(%dma_start3A_149 : memref<128x64xf32, #tpu.memory_space<vmem>>) offsets(%dma_start3A_152 : memref<128xi32, #tpu.memory_space<vmem>>) semaphore(%dma_start3A_157 : memref<!tpu.dma_semaphore, #tpu.memory_space<semaphore_mem>>)
    %dma_start3A_158 = arith.constant 0 : i32
    %dma_start3A_159 = arith.constant 7 : i32
    %dma_start3A_160 = arith.constant 7 : i32
    %dma_start3A_161 = arith.constant 7 : i32
    %dma_start3A_162 = arith.constant 0 : i32
    %dma_start3A_163 = arith.constant 0 : i32
    %dma_start3A_164 = tpu.memref_slice %arg6[%dma_start3A_160, %dma_start3A_162, %dma_start3A_163] : memref<8x128x64xf32, #tpu.memory_space<vmem>> -> memref<1x128x64xf32, #tpu.memory_space<vmem>>
    %dma_start3A_165 = tpu.memref_squeeze %dma_start3A_164 : memref<1x128x64xf32, #tpu.memory_space<vmem>> -> memref<128x64xf32, #tpu.memory_space<vmem>>
    %dma_start3A_166 = arith.constant 0 : i32
    %dma_start3A_167 = tpu.memref_slice %arg5[%dma_start3A_158, %dma_start3A_159, %dma_start3A_166] : memref<25x8x128xi32, #tpu.memory_space<vmem>> -> memref<1x1x128xi32, #tpu.memory_space<vmem>>
    %dma_start3A_168 = tpu.memref_squeeze %dma_start3A_167 : memref<1x1x128xi32, #tpu.memory_space<vmem>> -> memref<128xi32, #tpu.memory_space<vmem>>
    %dma_start3A_169 = arith.constant 0 : i32
    %dma_start3A_170 = arith.constant 0 : i32
    %dma_start3A_171 = tpu.memref_slice %arg3[%dma_start3A_169, %dma_start3A_170] : memref<1000000x64xf32, #tpu.memory_space<hbm>> -> memref<1000000x64xf32, #tpu.memory_space<hbm>>
    %dma_start3A_172 = tpu.memref_slice %arg8[%dma_start3A_161] : memref<8x!tpu.dma_semaphore, #tpu.memory_space<semaphore_mem>> -> memref<1x!tpu.dma_semaphore, #tpu.memory_space<semaphore_mem>>
    %dma_start3A_173 = tpu.memref_squeeze %dma_start3A_172 : memref<1x!tpu.dma_semaphore, #tpu.memory_space<semaphore_mem>> -> memref<!tpu.dma_semaphore, #tpu.memory_space<semaphore_mem>>
    tpu.enqueue_indirect_dma source(%dma_start3A_171 : memref<1000000x64xf32, #tpu.memory_space<hbm>>) target(%dma_start3A_165 : memref<128x64xf32, #tpu.memory_space<vmem>>) offsets(%dma_start3A_168 : memref<128xi32, #tpu.memory_space<vmem>>) semaphore(%dma_start3A_173 : memref<!tpu.dma_semaphore, #tpu.memory_space<semaphore_mem>>)
    %scan3A = arith.constant 0 : i32
    %scan3A_174 = arith.constant 25 : i32
    %scan3A_175 = arith.addi %scan3A, %scan3A_174 : i32
    %scan3A_176 = arith.constant 1 : i32
    scf.for %scan3A_227 = %scan3A to %scan3A_175 step %scan3A_176  : i32 {
      %mul3A_228 = arith.constant 8 : i32
      %mul3A_229 = arith.muli %scan3A_227, %mul3A_228 : i32
      %add3A_230 = arith.constant 0 : i32
      %add3A_231 = arith.addi %add3A_230, %mul3A_229 : i32
      %add3A_232 = arith.constant 0 : i32
      %add3A_233 = arith.addi %add3A_231, %add3A_232 : i32
      %jit3A = arith.constant 8 : i32
      %div3A = arith.divsi %add3A_233, %jit3A : i32
      %sign3A = arith.constant 0 : i32
      %sign3A_234 = arith.cmpi sgt, %add3A_233, %sign3A : i32
      %sign3A_235 = arith.extui %sign3A_234 : i1 to i32
      %sign3A_236 = arith.constant 0 : i32
      %sign3A_237 = arith.cmpi slt, %add3A_233, %sign3A_236 : i32
      %sign3A_238 = arith.extui %sign3A_237 : i1 to i32
      %sign3A_239 = arith.subi %sign3A_235, %sign3A_238 : i32
      %sign3A_240 = arith.constant 0 : i32
      %sign3A_241 = arith.cmpi sgt, %jit3A, %sign3A_240 : i32
      %sign3A_242 = arith.extui %sign3A_241 : i1 to i32
      %sign3A_243 = arith.constant 0 : i32
      %sign3A_244 = arith.cmpi slt, %jit3A, %sign3A_243 : i32
      %sign3A_245 = arith.extui %sign3A_244 : i1 to i32
      %sign3A_246 = arith.subi %sign3A_242, %sign3A_245 : i32
      %ne3A = arith.cmpi ne, %sign3A_239, %sign3A_246 : i32
      %rem3A = arith.remsi %add3A_233, %jit3A : i32
      %ne3A_247 = arith.constant 0 : i32
      %ne3A_248 = arith.cmpi ne, %rem3A, %ne3A_247 : i32
      %and3A_249 = arith.andi %ne3A, %ne3A_248 : i1
      %sub3A = arith.constant 1 : i32
      %sub3A_250 = arith.subi %div3A, %sub3A : i32
      %select_n3A = arith.select %and3A_249, %sub3A_250, %div3A : i32
      %jit3A_251 = arith.constant 8 : i32
      %eq3A = arith.constant 0 : i32
      %eq3A_252 = arith.cmpi eq, %jit3A_251, %eq3A : i32
      %jit3A_253 = arith.constant 1 : i32
      %select_n3A_254 = arith.select %eq3A_252, %jit3A_253, %jit3A_251 : i32
      %rem3A_255 = arith.remsi %add3A_233, %select_n3A_254 : i32
      %ne3A_256 = arith.constant 0 : i32
      %ne3A_257 = arith.cmpi ne, %rem3A_255, %ne3A_256 : i32
      %lt3A = arith.constant 0 : i32
      %lt3A_258 = arith.cmpi slt, %rem3A_255, %lt3A : i32
      %lt3A_259 = arith.constant 0 : i32
      %lt3A_260 = arith.cmpi slt, %select_n3A_254, %lt3A_259 : i32
      %ne3A_261 = arith.xori %lt3A_258, %lt3A_260 : i1
      %and3A_262 = arith.andi %ne3A_261, %ne3A_257 : i1
      %add3A_263 = arith.addi %rem3A_255, %select_n3A_254 : i32
      %select_n3A_264 = arith.select %and3A_262, %add3A_263, %rem3A_255 : i32
      %dma_wait3A_265 = arith.constant 0 : i32
      %dma_wait3A_266 = arith.constant 0 : i32
      %dma_wait3A_267 = arith.constant 0 : i32
      %dma_wait3A_268 = arith.constant 0 : i32
      %dma_wait3A_269 = tpu.memref_slice %arg6[%dma_wait3A_265, %dma_wait3A_267, %dma_wait3A_268] : memref<8x128x64xf32, #tpu.memory_space<vmem>> -> memref<1x128x64xf32, #tpu.memory_space<vmem>>
      %dma_wait3A_270 = tpu.memref_squeeze %dma_wait3A_269 : memref<1x128x64xf32, #tpu.memory_space<vmem>> -> memref<128x64xf32, #tpu.memory_space<vmem>>
      %dma_wait3A_271 = arith.constant 0 : i32
      %dma_wait3A_272 = tpu.memref_slice %arg5[%select_n3A, %select_n3A_264, %dma_wait3A_271] : memref<25x8x128xi32, #tpu.memory_space<vmem>> -> memref<1x1x128xi32, #tpu.memory_space<vmem>>
      %dma_wait3A_273 = tpu.memref_squeeze %dma_wait3A_272 : memref<1x1x128xi32, #tpu.memory_space<vmem>> -> memref<128xi32, #tpu.memory_space<vmem>>
      %dma_wait3A_274 = arith.constant 0 : i32
      %dma_wait3A_275 = arith.constant 0 : i32
      %dma_wait3A_276 = tpu.memref_slice %arg3[%dma_wait3A_274, %dma_wait3A_275] : memref<1000000x64xf32, #tpu.memory_space<hbm>> -> memref<1000000x64xf32, #tpu.memory_space<hbm>>
      %dma_wait3A_277 = tpu.memref_slice %arg8[%dma_wait3A_266] : memref<8x!tpu.dma_semaphore, #tpu.memory_space<semaphore_mem>> -> memref<1x!tpu.dma_semaphore, #tpu.memory_space<semaphore_mem>>
      %dma_wait3A_278 = tpu.memref_squeeze %dma_wait3A_277 : memref<1x!tpu.dma_semaphore, #tpu.memory_space<semaphore_mem>> -> memref<!tpu.dma_semaphore, #tpu.memory_space<semaphore_mem>>
      tpu.wait_indirect_dma semaphore(%dma_wait3A_278 : memref<!tpu.dma_semaphore, #tpu.memory_space<semaphore_mem>>) src(%dma_wait3A_276 : memref<1000000x64xf32, #tpu.memory_space<hbm>>) dst(%dma_wait3A_270 : memref<128x64xf32, #tpu.memory_space<vmem>>)
      %ge3A = arith.constant 2 : i32
      %ge3A_279 = arith.cmpi sge, %add3A_233, %ge3A : i32
      %convert_element_type3A = arith.extui %ge3A_279 : i1 to i32
      %cond3A = arith.constant 0 : i32
      %cond3A_280 = arith.cmpi ne, %convert_element_type3A, %cond3A : i32
      scf.if %cond3A_280 {
        %sub3A_1012 = arith.constant 2 : i32
        %sub3A_1013 = arith.subi %add3A_233, %sub3A_1012 : i32
        %dma_wait3A_1014 = arith.constant 0 : i32
        %dma_wait3A_1015 = arith.constant 0 : i32
        %dma_wait3A_1016 = arith.constant 0 : i32
        %dma_wait3A_1017 = arith.constant 0 : i32
        %dma_wait3A_1018 = arith.constant 0 : i32
        %dma_wait3A_1019 = tpu.memref_slice %arg7[%dma_wait3A_1014, %dma_wait3A_1016, %dma_wait3A_1017, %dma_wait3A_1018] : memref<2x8x8x129xf32, #tpu.memory_space<vmem>> -> memref<1x8x8x128xf32, #tpu.memory_space<vmem>>
        %dma_wait3A_1020 = tpu.memref_squeeze %dma_wait3A_1019 : memref<1x8x8x128xf32, #tpu.memory_space<vmem>> -> memref<8x8x128xf32, #tpu.memory_space<vmem>>
        %dma_wait3A_1021 = arith.constant 0 : i32
        %dma_wait3A_1022 = arith.constant 0 : i32
        %dma_wait3A_1023 = arith.constant 0 : i32
        %dma_wait3A_1024 = tpu.memref_slice %arg4[%sub3A_1013, %dma_wait3A_1021, %add3A, %dma_wait3A_1022, %dma_wait3A_1023] : memref<200x8x32x8x128xf32, #tpu.memory_space<hbm>> -> memref<1x8x1x8x128xf32, #tpu.memory_space<hbm>>
        %dma_wait3A_1025 = tpu.memref_squeeze %dma_wait3A_1024 : memref<1x8x1x8x128xf32, #tpu.memory_space<hbm>> -> memref<8x8x128xf32, #tpu.memory_space<hbm>>
        %dma_wait3A_1026 = tpu.memref_slice %arg9[%dma_wait3A_1015] : memref<2x!tpu.dma_semaphore, #tpu.memory_space<semaphore_mem>> -> memref<1x!tpu.dma_semaphore, #tpu.memory_space<semaphore_mem>>
        %dma_wait3A_1027 = tpu.memref_squeeze %dma_wait3A_1026 : memref<1x!tpu.dma_semaphore, #tpu.memory_space<semaphore_mem>> -> memref<!tpu.dma_semaphore, #tpu.memory_space<semaphore_mem>>
        %dma_wait3A_1028 = arith.constant 0 : i32
        %dma_wait3A_1029 = arith.constant 0 : i32
        %dma_wait3A_1030 = arith.constant 0 : i32
        %dma_wait3A_1031 = tpu.memref_slice %arg4[%sub3A_1013, %dma_wait3A_1028, %add3A, %dma_wait3A_1029, %dma_wait3A_1030] : memref<200x8x32x8x128xf32, #tpu.memory_space<hbm>> -> memref<1x8x1x8x128xf32, #tpu.memory_space<hbm>>
        %dma_wait3A_1032 = tpu.memref_squeeze %dma_wait3A_1031 : memref<1x8x1x8x128xf32, #tpu.memory_space<hbm>> -> memref<8x8x128xf32, #tpu.memory_space<hbm>>
        %dma_wait3A_1033 = arith.constant 0 : i32
        %dma_wait3A_1034 = arith.constant 0 : i32
        %dma_wait3A_1035 = arith.constant 0 : i32
        %dma_wait3A_1036 = tpu.memref_slice %arg7[%dma_wait3A_1014, %dma_wait3A_1033, %dma_wait3A_1034, %dma_wait3A_1035] : memref<2x8x8x129xf32, #tpu.memory_space<vmem>> -> memref<1x8x8x128xf32, #tpu.memory_space<vmem>>
        %dma_wait3A_1037 = tpu.memref_squeeze %dma_wait3A_1036 : memref<1x8x8x128xf32, #tpu.memory_space<vmem>> -> memref<8x8x128xf32, #tpu.memory_space<vmem>>
        tpu.wait_dma2 semaphore(%dma_wait3A_1027 : memref<!tpu.dma_semaphore, #tpu.memory_space<semaphore_mem>>) src(%dma_wait3A_1037 : memref<8x8x128xf32, #tpu.memory_space<vmem>>) dst(%dma_wait3A_1032 : memref<8x8x128xf32, #tpu.memory_space<hbm>>)
      } else {
      }
      %scan3A_281 = arith.constant 0 : i32
      %scan3A_282 = arith.constant 0 : i32
      %scan3A_283 = arith.constant 0 : i32
      %scan3A_284 = arith.constant 32 : i32
      %scan3A_285 = arith.addi %scan3A_283, %scan3A_284 : i32
      %scan3A_286 = arith.constant 1 : i32
      scf.for %scan3A_1012 = %scan3A_283 to %scan3A_285 step %scan3A_286  : i32 {
        %mul3A_1013 = arith.constant 4 : i32
        %mul3A_1014 = arith.muli %scan3A_1012, %mul3A_1013 : i32
        %add3A_1015 = arith.constant 0 : i32
        %add3A_1016 = arith.addi %add3A_1015, %mul3A_1014 : i32
        %add3A_1017 = arith.constant 0 : i32
        %add3A_1018 = arith.addi %add3A_1016, %add3A_1017 : i32
        %broadcast_in_dim3A = vector.broadcast %add3A_1018 : i32 to vector<16xi32>
        %get3A = arith.constant 0 : i32
        %get3A_1019 = arith.constant 0 : i32
        %get3A_1020 = tpu.memref_slice %arg6[%scan3A_281, %get3A, %get3A_1019] : memref<8x128x64xf32, #tpu.memory_space<vmem>> -> memref<1x128x64xf32, #tpu.memory_space<vmem>>
        %get3A_1021 = tpu.memref_squeeze %get3A_1020 : memref<1x128x64xf32, #tpu.memory_space<vmem>> -> memref<128x64xf32, #tpu.memory_space<vmem>>
        %get3A_1022 = arith.index_cast %add3A_1018 : i32 to index
        %get3A_1023 = arith.constant 0 : index
        %get3A_1024 = tpu.vector_load %get3A_1021[%get3A_1022, %get3A_1023] {strides = array<i32>} : memref<128x64xf32, #tpu.memory_space<vmem>>, vector<16xf32>,
        %scatter3A = arith.constant 0 : i32
        %scatter3A_1025 = arith.constant 0 : i32
        %scatter3A_1026 = arith.constant 0 : i32
        %scatter3A_1027 = tpu.memref_slice %arg7[%scan3A_282, %scatter3A, %scatter3A_1025, %scatter3A_1026] : memref<2x8x8x129xf32, #tpu.memory_space<vmem>> -> memref<1x8x8x129xf32, #tpu.memory_space<vmem>>
        %scatter3A_1028 = tpu.memref_squeeze %scatter3A_1027 : memref<1x8x8x129xf32, #tpu.memory_space<vmem>> -> memref<8x8x129xf32, #tpu.memory_space<vmem>>
        tpu.vector_store_idx %scatter3A_1028[%shift_right_arithmetic3A_5, %and3A_28, %broadcast_in_dim3A], %get3A_1024 : memref<8x8x129xf32, #tpu.memory_space<vmem>>[vector<16xi32>, vector<16xi32>, vector<16xi32>], vector<16xf32>,
        %get3A_1029 = arith.constant 0 : i32
        %get3A_1030 = arith.constant 0 : i32
        %get3A_1031 = tpu.memref_slice %arg6[%scan3A_281, %get3A_1029, %get3A_1030] : memref<8x128x64xf32, #tpu.memory_space<vmem>> -> memref<1x128x64xf32, #tpu.memory_space<vmem>>
        %get3A_1032 = tpu.memref_squeeze %get3A_1031 : memref<1x128x64xf32, #tpu.memory_space<vmem>> -> memref<128x64xf32, #tpu.memory_space<vmem>>
        %get3A_1033 = arith.index_cast %add3A_1018 : i32 to index
        %get3A_1034 = arith.constant 16 : index
        %get3A_1035 = tpu.vector_load %get3A_1032[%get3A_1033, %get3A_1034] {strides = array<i32>} : memref<128x64xf32, #tpu.memory_space<vmem>>, vector<16xf32>,
        %scatter3A_1036 = arith.constant 0 : i32
        %scatter3A_1037 = arith.constant 0 : i32
        %scatter3A_1038 = arith.constant 0 : i32
        %scatter3A_1039 = tpu.memref_slice %arg7[%scan3A_282, %scatter3A_1036, %scatter3A_1037, %scatter3A_1038] : memref<2x8x8x129xf32, #tpu.memory_space<vmem>> -> memref<1x8x8x129xf32, #tpu.memory_space<vmem>>
        %scatter3A_1040 = tpu.memref_squeeze %scatter3A_1039 : memref<1x8x8x129xf32, #tpu.memory_space<vmem>> -> memref<8x8x129xf32, #tpu.memory_space<vmem>>
        tpu.vector_store_idx %scatter3A_1040[%shift_right_arithmetic3A_11, %and3A_34, %broadcast_in_dim3A], %get3A_1035 : memref<8x8x129xf32, #tpu.memory_space<vmem>>[vector<16xi32>, vector<16xi32>, vector<16xi32>], vector<16xf32>,
        %get3A_1041 = arith.constant 0 : i32
        %get3A_1042 = arith.constant 0 : i32
        %get3A_1043 = tpu.memref_slice %arg6[%scan3A_281, %get3A_1041, %get3A_1042] : memref<8x128x64xf32, #tpu.memory_space<vmem>> -> memref<1x128x64xf32, #tpu.memory_space<vmem>>
        %get3A_1044 = tpu.memref_squeeze %get3A_1043 : memref<1x128x64xf32, #tpu.memory_space<vmem>> -> memref<128x64xf32, #tpu.memory_space<vmem>>
        %get3A_1045 = arith.index_cast %add3A_1018 : i32 to index
        %get3A_1046 = arith.constant 32 : index
        %get3A_1047 = tpu.vector_load %get3A_1044[%get3A_1045, %get3A_1046] {strides = array<i32>} : memref<128x64xf32, #tpu.memory_space<vmem>>, vector<16xf32>,
        %scatter3A_1048 = arith.constant 0 : i32
        %scatter3A_1049 = arith.constant 0 : i32
        %scatter3A_1050 = arith.constant 0 : i32
        %scatter3A_1051 = tpu.memref_slice %arg7[%scan3A_282, %scatter3A_1048, %scatter3A_1049, %scatter3A_1050] : memref<2x8x8x129xf32, #tpu.memory_space<vmem>> -> memref<1x8x8x129xf32, #tpu.memory_space<vmem>>
        %scatter3A_1052 = tpu.memref_squeeze %scatter3A_1051 : memref<1x8x8x129xf32, #tpu.memory_space<vmem>> -> memref<8x8x129xf32, #tpu.memory_space<vmem>>
        tpu.vector_store_idx %scatter3A_1052[%shift_right_arithmetic3A_17, %and3A_40, %broadcast_in_dim3A], %get3A_1047 : memref<8x8x129xf32, #tpu.memory_space<vmem>>[vector<16xi32>, vector<16xi32>, vector<16xi32>], vector<16xf32>,
        %get3A_1053 = arith.constant 0 : i32
        %get3A_1054 = arith.constant 0 : i32
        %get3A_1055 = tpu.memref_slice %arg6[%scan3A_281, %get3A_1053, %get3A_1054] : memref<8x128x64xf32, #tpu.memory_space<vmem>> -> memref<1x128x64xf32, #tpu.memory_space<vmem>>
        %get3A_1056 = tpu.memref_squeeze %get3A_1055 : memref<1x128x64xf32, #tpu.memory_space<vmem>> -> memref<128x64xf32, #tpu.memory_space<vmem>>
        %get3A_1057 = arith.index_cast %add3A_1018 : i32 to index
        %get3A_1058 = arith.constant 48 : index
        %get3A_1059 = tpu.vector_load %get3A_1056[%get3A_1057, %get3A_1058] {strides = array<i32>} : memref<128x64xf32, #tpu.memory_space<vmem>>, vector<16xf32>,
        %scatter3A_1060 = arith.constant 0 : i32
        %scatter3A_1061 = arith.constant 0 : i32
        %scatter3A_1062 = arith.constant 0 : i32
        %scatter3A_1063 = tpu.memref_slice %arg7[%scan3A_282, %scatter3A_1060, %scatter3A_1061, %scatter3A_1062] : memref<2x8x8x129xf32, #tpu.memory_space<vmem>> -> memref<1x8x8x129xf32, #tpu.memory_space<vmem>>
        %scatter3A_1064 = tpu.memref_squeeze %scatter3A_1063 : memref<1x8x8x129xf32, #tpu.memory_space<vmem>> -> memref<8x8x129xf32, #tpu.memory_space<vmem>>
        tpu.vector_store_idx %scatter3A_1064[%shift_right_arithmetic3A_23, %and3A_46, %broadcast_in_dim3A], %get3A_1059 : memref<8x8x129xf32, #tpu.memory_space<vmem>>[vector<16xi32>, vector<16xi32>, vector<16xi32>], vector<16xf32>,
        %add3A_1065 = arith.constant 1 : i32
        %add3A_1066 = arith.addi %add3A_1016, %add3A_1065 : i32
        %broadcast_in_dim3A_1067 = vector.broadcast %add3A_1066 : i32 to vector<16xi32>
        %get3A_1068 = arith.constant 0 : i32
        %get3A_1069 = arith.constant 0 : i32
        %get3A_1070 = tpu.memref_slice %arg6[%scan3A_281, %get3A_1068, %get3A_1069] : memref<8x128x64xf32, #tpu.memory_space<vmem>> -> memref<1x128x64xf32, #tpu.memory_space<vmem>>
        %get3A_1071 = tpu.memref_squeeze %get3A_1070 : memref<1x128x64xf32, #tpu.memory_space<vmem>> -> memref<128x64xf32, #tpu.memory_space<vmem>>
        %get3A_1072 = arith.index_cast %add3A_1066 : i32 to index
        %get3A_1073 = arith.constant 0 : index
        %get3A_1074 = tpu.vector_load %get3A_1071[%get3A_1072, %get3A_1073] {strides = array<i32>} : memref<128x64xf32, #tpu.memory_space<vmem>>, vector<16xf32>,
        %scatter3A_1075 = arith.constant 0 : i32
        %scatter3A_1076 = arith.constant 0 : i32
        %scatter3A_1077 = arith.constant 0 : i32
        %scatter3A_1078 = tpu.memref_slice %arg7[%scan3A_282, %scatter3A_1075, %scatter3A_1076, %scatter3A_1077] : memref<2x8x8x129xf32, #tpu.memory_space<vmem>> -> memref<1x8x8x129xf32, #tpu.memory_space<vmem>>
        %scatter3A_1079 = tpu.memref_squeeze %scatter3A_1078 : memref<1x8x8x129xf32, #tpu.memory_space<vmem>> -> memref<8x8x129xf32, #tpu.memory_space<vmem>>
        tpu.vector_store_idx %scatter3A_1079[%shift_right_arithmetic3A_5, %and3A_28, %broadcast_in_dim3A_1067], %get3A_1074 : memref<8x8x129xf32, #tpu.memory_space<vmem>>[vector<16xi32>, vector<16xi32>, vector<16xi32>], vector<16xf32>,
        %get3A_1080 = arith.constant 0 : i32
        %get3A_1081 = arith.constant 0 : i32
        %get3A_1082 = tpu.memref_slice %arg6[%scan3A_281, %get3A_1080, %get3A_1081] : memref<8x128x64xf32, #tpu.memory_space<vmem>> -> memref<1x128x64xf32, #tpu.memory_space<vmem>>
        %get3A_1083 = tpu.memref_squeeze %get3A_1082 : memref<1x128x64xf32, #tpu.memory_space<vmem>> -> memref<128x64xf32, #tpu.memory_space<vmem>>
        %get3A_1084 = arith.index_cast %add3A_1066 : i32 to index
        %get3A_1085 = arith.constant 16 : index
        %get3A_1086 = tpu.vector_load %get3A_1083[%get3A_1084, %get3A_1085] {strides = array<i32>} : memref<128x64xf32, #tpu.memory_space<vmem>>, vector<16xf32>,
        %scatter3A_1087 = arith.constant 0 : i32
        %scatter3A_1088 = arith.constant 0 : i32
        %scatter3A_1089 = arith.constant 0 : i32
        %scatter3A_1090 = tpu.memref_slice %arg7[%scan3A_282, %scatter3A_1087, %scatter3A_1088, %scatter3A_1089] : memref<2x8x8x129xf32, #tpu.memory_space<vmem>> -> memref<1x8x8x129xf32, #tpu.memory_space<vmem>>
        %scatter3A_1091 = tpu.memref_squeeze %scatter3A_1090 : memref<1x8x8x129xf32, #tpu.memory_space<vmem>> -> memref<8x8x129xf32, #tpu.memory_space<vmem>>
        tpu.vector_store_idx %scatter3A_1091[%shift_right_arithmetic3A_11, %and3A_34, %broadcast_in_dim3A_1067], %get3A_1086 : memref<8x8x129xf32, #tpu.memory_space<vmem>>[vector<16xi32>, vector<16xi32>, vector<16xi32>], vector<16xf32>,
        %get3A_1092 = arith.constant 0 : i32
        %get3A_1093 = arith.constant 0 : i32
        %get3A_1094 = tpu.memref_slice %arg6[%scan3A_281, %get3A_1092, %get3A_1093] : memref<8x128x64xf32, #tpu.memory_space<vmem>> -> memref<1x128x64xf32, #tpu.memory_space<vmem>>
        %get3A_1095 = tpu.memref_squeeze %get3A_1094 : memref<1x128x64xf32, #tpu.memory_space<vmem>> -> memref<128x64xf32, #tpu.memory_space<vmem>>
        %get3A_1096 = arith.index_cast %add3A_1066 : i32 to index
        %get3A_1097 = arith.constant 32 : index
        %get3A_1098 = tpu.vector_load %get3A_1095[%get3A_1096, %get3A_1097] {strides = array<i32>} : memref<128x64xf32, #tpu.memory_space<vmem>>, vector<16xf32>,
        %scatter3A_1099 = arith.constant 0 : i32
        %scatter3A_1100 = arith.constant 0 : i32
        %scatter3A_1101 = arith.constant 0 : i32
        %scatter3A_1102 = tpu.memref_slice %arg7[%scan3A_282, %scatter3A_1099, %scatter3A_1100, %scatter3A_1101] : memref<2x8x8x129xf32, #tpu.memory_space<vmem>> -> memref<1x8x8x129xf32, #tpu.memory_space<vmem>>
        %scatter3A_1103 = tpu.memref_squeeze %scatter3A_1102 : memref<1x8x8x129xf32, #tpu.memory_space<vmem>> -> memref<8x8x129xf32, #tpu.memory_space<vmem>>
        tpu.vector_store_idx %scatter3A_1103[%shift_right_arithmetic3A_17, %and3A_40, %broadcast_in_dim3A_1067], %get3A_1098 : memref<8x8x129xf32, #tpu.memory_space<vmem>>[vector<16xi32>, vector<16xi32>, vector<16xi32>], vector<16xf32>,
        %get3A_1104 = arith.constant 0 : i32
        %get3A_1105 = arith.constant 0 : i32
        %get3A_1106 = tpu.memref_slice %arg6[%scan3A_281, %get3A_1104, %get3A_1105] : memref<8x128x64xf32, #tpu.memory_space<vmem>> -> memref<1x128x64xf32, #tpu.memory_space<vmem>>
        %get3A_1107 = tpu.memref_squeeze %get3A_1106 : memref<1x128x64xf32, #tpu.memory_space<vmem>> -> memref<128x64xf32, #tpu.memory_space<vmem>>
        %get3A_1108 = arith.index_cast %add3A_1066 : i32 to index
        %get3A_1109 = arith.constant 48 : index
        %get3A_1110 = tpu.vector_load %get3A_1107[%get3A_1108, %get3A_1109] {strides = array<i32>} : memref<128x64xf32, #tpu.memory_space<vmem>>, vector<16xf32>,
        %scatter3A_1111 = arith.constant 0 : i32
        %scatter3A_1112 = arith.constant 0 : i32
        %scatter3A_1113 = arith.constant 0 : i32
        %scatter3A_1114 = tpu.memref_slice %arg7[%scan3A_282, %scatter3A_1111, %scatter3A_1112, %scatter3A_1113] : memref<2x8x8x129xf32, #tpu.memory_space<vmem>> -> memref<1x8x8x129xf32, #tpu.memory_space<vmem>>
        %scatter3A_1115 = tpu.memref_squeeze %scatter3A_1114 : memref<1x8x8x129xf32, #tpu.memory_space<vmem>> -> memref<8x8x129xf32, #tpu.memory_space<vmem>>
        tpu.vector_store_idx %scatter3A_1115[%shift_right_arithmetic3A_23, %and3A_46, %broadcast_in_dim3A_1067], %get3A_1110 : memref<8x8x129xf32, #tpu.memory_space<vmem>>[vector<16xi32>, vector<16xi32>, vector<16xi32>], vector<16xf32>,
        %add3A_1116 = arith.constant 2 : i32
        %add3A_1117 = arith.addi %add3A_1016, %add3A_1116 : i32
        %broadcast_in_dim3A_1118 = vector.broadcast %add3A_1117 : i32 to vector<16xi32>
        %get3A_1119 = arith.constant 0 : i32
        %get3A_1120 = arith.constant 0 : i32
        %get3A_1121 = tpu.memref_slice %arg6[%scan3A_281, %get3A_1119, %get3A_1120] : memref<8x128x64xf32, #tpu.memory_space<vmem>> -> memref<1x128x64xf32, #tpu.memory_space<vmem>>
        %get3A_1122 = tpu.memref_squeeze %get3A_1121 : memref<1x128x64xf32, #tpu.memory_space<vmem>> -> memref<128x64xf32, #tpu.memory_space<vmem>>
        %get3A_1123 = arith.index_cast %add3A_1117 : i32 to index
        %get3A_1124 = arith.constant 0 : index
        %get3A_1125 = tpu.vector_load %get3A_1122[%get3A_1123, %get3A_1124] {strides = array<i32>} : memref<128x64xf32, #tpu.memory_space<vmem>>, vector<16xf32>,
        %scatter3A_1126 = arith.constant 0 : i32
        %scatter3A_1127 = arith.constant 0 : i32
        %scatter3A_1128 = arith.constant 0 : i32
        %scatter3A_1129 = tpu.memref_slice %arg7[%scan3A_282, %scatter3A_1126, %scatter3A_1127, %scatter3A_1128] : memref<2x8x8x129xf32, #tpu.memory_space<vmem>> -> memref<1x8x8x129xf32, #tpu.memory_space<vmem>>
        %scatter3A_1130 = tpu.memref_squeeze %scatter3A_1129 : memref<1x8x8x129xf32, #tpu.memory_space<vmem>> -> memref<8x8x129xf32, #tpu.memory_space<vmem>>
        tpu.vector_store_idx %scatter3A_1130[%shift_right_arithmetic3A_5, %and3A_28, %broadcast_in_dim3A_1118], %get3A_1125 : memref<8x8x129xf32, #tpu.memory_space<vmem>>[vector<16xi32>, vector<16xi32>, vector<16xi32>], vector<16xf32>,
        %get3A_1131 = arith.constant 0 : i32
        %get3A_1132 = arith.constant 0 : i32
        %get3A_1133 = tpu.memref_slice %arg6[%scan3A_281, %get3A_1131, %get3A_1132] : memref<8x128x64xf32, #tpu.memory_space<vmem>> -> memref<1x128x64xf32, #tpu.memory_space<vmem>>
        %get3A_1134 = tpu.memref_squeeze %get3A_1133 : memref<1x128x64xf32, #tpu.memory_space<vmem>> -> memref<128x64xf32, #tpu.memory_space<vmem>>
        %get3A_1135 = arith.index_cast %add3A_1117 : i32 to index
        %get3A_1136 = arith.constant 16 : index
        %get3A_1137 = tpu.vector_load %get3A_1134[%get3A_1135, %get3A_1136] {strides = array<i32>} : memref<128x64xf32, #tpu.memory_space<vmem>>, vector<16xf32>,
        %scatter3A_1138 = arith.constant 0 : i32
        %scatter3A_1139 = arith.constant 0 : i32
        %scatter3A_1140 = arith.constant 0 : i32
        %scatter3A_1141 = tpu.memref_slice %arg7[%scan3A_282, %scatter3A_1138, %scatter3A_1139, %scatter3A_1140] : memref<2x8x8x129xf32, #tpu.memory_space<vmem>> -> memref<1x8x8x129xf32, #tpu.memory_space<vmem>>
        %scatter3A_1142 = tpu.memref_squeeze %scatter3A_1141 : memref<1x8x8x129xf32, #tpu.memory_space<vmem>> -> memref<8x8x129xf32, #tpu.memory_space<vmem>>
        tpu.vector_store_idx %scatter3A_1142[%shift_right_arithmetic3A_11, %and3A_34, %broadcast_in_dim3A_1118], %get3A_1137 : memref<8x8x129xf32, #tpu.memory_space<vmem>>[vector<16xi32>, vector<16xi32>, vector<16xi32>], vector<16xf32>,
        %get3A_1143 = arith.constant 0 : i32
        %get3A_1144 = arith.constant 0 : i32
        %get3A_1145 = tpu.memref_slice %arg6[%scan3A_281, %get3A_1143, %get3A_1144] : memref<8x128x64xf32, #tpu.memory_space<vmem>> -> memref<1x128x64xf32, #tpu.memory_space<vmem>>
        %get3A_1146 = tpu.memref_squeeze %get3A_1145 : memref<1x128x64xf32, #tpu.memory_space<vmem>> -> memref<128x64xf32, #tpu.memory_space<vmem>>
        %get3A_1147 = arith.index_cast %add3A_1117 : i32 to index
        %get3A_1148 = arith.constant 32 : index
        %get3A_1149 = tpu.vector_load %get3A_1146[%get3A_1147, %get3A_1148] {strides = array<i32>} : memref<128x64xf32, #tpu.memory_space<vmem>>, vector<16xf32>,
        %scatter3A_1150 = arith.constant 0 : i32
        %scatter3A_1151 = arith.constant 0 : i32
        %scatter3A_1152 = arith.constant 0 : i32
        %scatter3A_1153 = tpu.memref_slice %arg7[%scan3A_282, %scatter3A_1150, %scatter3A_1151, %scatter3A_1152] : memref<2x8x8x129xf32, #tpu.memory_space<vmem>> -> memref<1x8x8x129xf32, #tpu.memory_space<vmem>>
        %scatter3A_1154 = tpu.memref_squeeze %scatter3A_1153 : memref<1x8x8x129xf32, #tpu.memory_space<vmem>> -> memref<8x8x129xf32, #tpu.memory_space<vmem>>
        tpu.vector_store_idx %scatter3A_1154[%shift_right_arithmetic3A_17, %and3A_40, %broadcast_in_dim3A_1118], %get3A_1149 : memref<8x8x129xf32, #tpu.memory_space<vmem>>[vector<16xi32>, vector<16xi32>, vector<16xi32>], vector<16xf32>,
        %get3A_1155 = arith.constant 0 : i32
        %get3A_1156 = arith.constant 0 : i32
        %get3A_1157 = tpu.memref_slice %arg6[%scan3A_281, %get3A_1155, %get3A_1156] : memref<8x128x64xf32, #tpu.memory_space<vmem>> -> memref<1x128x64xf32, #tpu.memory_space<vmem>>
        %get3A_1158 = tpu.memref_squeeze %get3A_1157 : memref<1x128x64xf32, #tpu.memory_space<vmem>> -> memref<128x64xf32, #tpu.memory_space<vmem>>
        %get3A_1159 = arith.index_cast %add3A_1117 : i32 to index
        %get3A_1160 = arith.constant 48 : index
        %get3A_1161 = tpu.vector_load %get3A_1158[%get3A_1159, %get3A_1160] {strides = array<i32>} : memref<128x64xf32, #tpu.memory_space<vmem>>, vector<16xf32>,
        %scatter3A_1162 = arith.constant 0 : i32
        %scatter3A_1163 = arith.constant 0 : i32
        %scatter3A_1164 = arith.constant 0 : i32
        %scatter3A_1165 = tpu.memref_slice %arg7[%scan3A_282, %scatter3A_1162, %scatter3A_1163, %scatter3A_1164] : memref<2x8x8x129xf32, #tpu.memory_space<vmem>> -> memref<1x8x8x129xf32, #tpu.memory_space<vmem>>
        %scatter3A_1166 = tpu.memref_squeeze %scatter3A_1165 : memref<1x8x8x129xf32, #tpu.memory_space<vmem>> -> memref<8x8x129xf32, #tpu.memory_space<vmem>>
        tpu.vector_store_idx %scatter3A_1166[%shift_right_arithmetic3A_23, %and3A_46, %broadcast_in_dim3A_1118], %get3A_1161 : memref<8x8x129xf32, #tpu.memory_space<vmem>>[vector<16xi32>, vector<16xi32>, vector<16xi32>], vector<16xf32>,
        %add3A_1167 = arith.constant 3 : i32
        %add3A_1168 = arith.addi %add3A_1016, %add3A_1167 : i32
        %broadcast_in_dim3A_1169 = vector.broadcast %add3A_1168 : i32 to vector<16xi32>
        %get3A_1170 = arith.constant 0 : i32
        %get3A_1171 = arith.constant 0 : i32
        %get3A_1172 = tpu.memref_slice %arg6[%scan3A_281, %get3A_1170, %get3A_1171] : memref<8x128x64xf32, #tpu.memory_space<vmem>> -> memref<1x128x64xf32, #tpu.memory_space<vmem>>
        %get3A_1173 = tpu.memref_squeeze %get3A_1172 : memref<1x128x64xf32, #tpu.memory_space<vmem>> -> memref<128x64xf32, #tpu.memory_space<vmem>>
        %get3A_1174 = arith.index_cast %add3A_1168 : i32 to index
        %get3A_1175 = arith.constant 0 : index
        %get3A_1176 = tpu.vector_load %get3A_1173[%get3A_1174, %get3A_1175] {strides = array<i32>} : memref<128x64xf32, #tpu.memory_space<vmem>>, vector<16xf32>,
        %scatter3A_1177 = arith.constant 0 : i32
        %scatter3A_1178 = arith.constant 0 : i32
        %scatter3A_1179 = arith.constant 0 : i32
        %scatter3A_1180 = tpu.memref_slice %arg7[%scan3A_282, %scatter3A_1177, %scatter3A_1178, %scatter3A_1179] : memref<2x8x8x129xf32, #tpu.memory_space<vmem>> -> memref<1x8x8x129xf32, #tpu.memory_space<vmem>>
        %scatter3A_1181 = tpu.memref_squeeze %scatter3A_1180 : memref<1x8x8x129xf32, #tpu.memory_space<vmem>> -> memref<8x8x129xf32, #tpu.memory_space<vmem>>
        tpu.vector_store_idx %scatter3A_1181[%shift_right_arithmetic3A_5, %and3A_28, %broadcast_in_dim3A_1169], %get3A_1176 : memref<8x8x129xf32, #tpu.memory_space<vmem>>[vector<16xi32>, vector<16xi32>, vector<16xi32>], vector<16xf32>,
        %get3A_1182 = arith.constant 0 : i32
        %get3A_1183 = arith.constant 0 : i32
        %get3A_1184 = tpu.memref_slice %arg6[%scan3A_281, %get3A_1182, %get3A_1183] : memref<8x128x64xf32, #tpu.memory_space<vmem>> -> memref<1x128x64xf32, #tpu.memory_space<vmem>>
        %get3A_1185 = tpu.memref_squeeze %get3A_1184 : memref<1x128x64xf32, #tpu.memory_space<vmem>> -> memref<128x64xf32, #tpu.memory_space<vmem>>
        %get3A_1186 = arith.index_cast %add3A_1168 : i32 to index
        %get3A_1187 = arith.constant 16 : index
        %get3A_1188 = tpu.vector_load %get3A_1185[%get3A_1186, %get3A_1187] {strides = array<i32>} : memref<128x64xf32, #tpu.memory_space<vmem>>, vector<16xf32>,
        %scatter3A_1189 = arith.constant 0 : i32
        %scatter3A_1190 = arith.constant 0 : i32
        %scatter3A_1191 = arith.constant 0 : i32
        %scatter3A_1192 = tpu.memref_slice %arg7[%scan3A_282, %scatter3A_1189, %scatter3A_1190, %scatter3A_1191] : memref<2x8x8x129xf32, #tpu.memory_space<vmem>> -> memref<1x8x8x129xf32, #tpu.memory_space<vmem>>
        %scatter3A_1193 = tpu.memref_squeeze %scatter3A_1192 : memref<1x8x8x129xf32, #tpu.memory_space<vmem>> -> memref<8x8x129xf32, #tpu.memory_space<vmem>>
        tpu.vector_store_idx %scatter3A_1193[%shift_right_arithmetic3A_11, %and3A_34, %broadcast_in_dim3A_1169], %get3A_1188 : memref<8x8x129xf32, #tpu.memory_space<vmem>>[vector<16xi32>, vector<16xi32>, vector<16xi32>], vector<16xf32>,
        %get3A_1194 = arith.constant 0 : i32
        %get3A_1195 = arith.constant 0 : i32
        %get3A_1196 = tpu.memref_slice %arg6[%scan3A_281, %get3A_1194, %get3A_1195] : memref<8x128x64xf32, #tpu.memory_space<vmem>> -> memref<1x128x64xf32, #tpu.memory_space<vmem>>
        %get3A_1197 = tpu.memref_squeeze %get3A_1196 : memref<1x128x64xf32, #tpu.memory_space<vmem>> -> memref<128x64xf32, #tpu.memory_space<vmem>>
        %get3A_1198 = arith.index_cast %add3A_1168 : i32 to index
        %get3A_1199 = arith.constant 32 : index
        %get3A_1200 = tpu.vector_load %get3A_1197[%get3A_1198, %get3A_1199] {strides = array<i32>} : memref<128x64xf32, #tpu.memory_space<vmem>>, vector<16xf32>,
        %scatter3A_1201 = arith.constant 0 : i32
        %scatter3A_1202 = arith.constant 0 : i32
        %scatter3A_1203 = arith.constant 0 : i32
        %scatter3A_1204 = tpu.memref_slice %arg7[%scan3A_282, %scatter3A_1201, %scatter3A_1202, %scatter3A_1203] : memref<2x8x8x129xf32, #tpu.memory_space<vmem>> -> memref<1x8x8x129xf32, #tpu.memory_space<vmem>>
        %scatter3A_1205 = tpu.memref_squeeze %scatter3A_1204 : memref<1x8x8x129xf32, #tpu.memory_space<vmem>> -> memref<8x8x129xf32, #tpu.memory_space<vmem>>
        tpu.vector_store_idx %scatter3A_1205[%shift_right_arithmetic3A_17, %and3A_40, %broadcast_in_dim3A_1169], %get3A_1200 : memref<8x8x129xf32, #tpu.memory_space<vmem>>[vector<16xi32>, vector<16xi32>, vector<16xi32>], vector<16xf32>,
        %get3A_1206 = arith.constant 0 : i32
        %get3A_1207 = arith.constant 0 : i32
        %get3A_1208 = tpu.memref_slice %arg6[%scan3A_281, %get3A_1206, %get3A_1207] : memref<8x128x64xf32, #tpu.memory_space<vmem>> -> memref<1x128x64xf32, #tpu.memory_space<vmem>>
        %get3A_1209 = tpu.memref_squeeze %get3A_1208 : memref<1x128x64xf32, #tpu.memory_space<vmem>> -> memref<128x64xf32, #tpu.memory_space<vmem>>
        %get3A_1210 = arith.index_cast %add3A_1168 : i32 to index
        %get3A_1211 = arith.constant 48 : index
        %get3A_1212 = tpu.vector_load %get3A_1209[%get3A_1210, %get3A_1211] {strides = array<i32>} : memref<128x64xf32, #tpu.memory_space<vmem>>, vector<16xf32>,
        %scatter3A_1213 = arith.constant 0 : i32
        %scatter3A_1214 = arith.constant 0 : i32
        %scatter3A_1215 = arith.constant 0 : i32
        %scatter3A_1216 = tpu.memref_slice %arg7[%scan3A_282, %scatter3A_1213, %scatter3A_1214, %scatter3A_1215] : memref<2x8x8x129xf32, #tpu.memory_space<vmem>> -> memref<1x8x8x129xf32, #tpu.memory_space<vmem>>
        %scatter3A_1217 = tpu.memref_squeeze %scatter3A_1216 : memref<1x8x8x129xf32, #tpu.memory_space<vmem>> -> memref<8x8x129xf32, #tpu.memory_space<vmem>>
        tpu.vector_store_idx %scatter3A_1217[%shift_right_arithmetic3A_23, %and3A_46, %broadcast_in_dim3A_1169], %get3A_1212 : memref<8x8x129xf32, #tpu.memory_space<vmem>>[vector<16xi32>, vector<16xi32>, vector<16xi32>], vector<16xf32>,
      }
      %scan3A_287 = arith.constant 32 : i32
      %add3A_288 = arith.constant 8 : i32
      %add3A_289 = arith.addi %add3A_233, %add3A_288 : i32
      %lt3A_290 = arith.constant 200 : i32
      %lt3A_291 = arith.cmpi slt, %add3A_289, %lt3A_290 : i32
      %convert_element_type3A_292 = arith.extui %lt3A_291 : i1 to i32
      %cond3A_293 = arith.constant 0 : i32
      %cond3A_294 = arith.cmpi ne, %convert_element_type3A_292, %cond3A_293 : i32
      scf.if %cond3A_294 {
        %add3A_1012 = arith.constant 8 : i32
        %add3A_1013 = arith.addi %add3A_233, %add3A_1012 : i32
        %jit3A_1014 = arith.constant 8 : i32
        %div3A_1015 = arith.divsi %add3A_1013, %jit3A_1014 : i32
        %sign3A_1016 = arith.constant 0 : i32
        %sign3A_1017 = arith.cmpi sgt, %add3A_1013, %sign3A_1016 : i32
        %sign3A_1018 = arith.extui %sign3A_1017 : i1 to i32
        %sign3A_1019 = arith.constant 0 : i32
        %sign3A_1020 = arith.cmpi slt, %add3A_1013, %sign3A_1019 : i32
        %sign3A_1021 = arith.extui %sign3A_1020 : i1 to i32
        %sign3A_1022 = arith.subi %sign3A_1018, %sign3A_1021 : i32
        %sign3A_1023 = arith.constant 0 : i32
        %sign3A_1024 = arith.cmpi sgt, %jit3A_1014, %sign3A_1023 : i32
        %sign3A_1025 = arith.extui %sign3A_1024 : i1 to i32
        %sign3A_1026 = arith.constant 0 : i32
        %sign3A_1027 = arith.cmpi slt, %jit3A_1014, %sign3A_1026 : i32
        %sign3A_1028 = arith.extui %sign3A_1027 : i1 to i32
        %sign3A_1029 = arith.subi %sign3A_1025, %sign3A_1028 : i32
        %ne3A_1030 = arith.cmpi ne, %sign3A_1022, %sign3A_1029 : i32
        %rem3A_1031 = arith.remsi %add3A_1013, %jit3A_1014 : i32
        %ne3A_1032 = arith.constant 0 : i32
        %ne3A_1033 = arith.cmpi ne, %rem3A_1031, %ne3A_1032 : i32
        %and3A_1034 = arith.andi %ne3A_1030, %ne3A_1033 : i1
        %sub3A_1035 = arith.constant 1 : i32
        %sub3A_1036 = arith.subi %div3A_1015, %sub3A_1035 : i32
        %select_n3A_1037 = arith.select %and3A_1034, %sub3A_1036, %div3A_1015 : i32
        %add3A_1038 = arith.constant 8 : i32
        %add3A_1039 = arith.addi %add3A_233, %add3A_1038 : i32
        %jit3A_1040 = arith.constant 8 : i32
        %eq3A_1041 = arith.constant 0 : i32
        %eq3A_1042 = arith.cmpi eq, %jit3A_1040, %eq3A_1041 : i32
        %jit3A_1043 = arith.constant 1 : i32
        %select_n3A_1044 = arith.select %eq3A_1042, %jit3A_1043, %jit3A_1040 : i32
        %rem3A_1045 = arith.remsi %add3A_1039, %select_n3A_1044 : i32
        %ne3A_1046 = arith.constant 0 : i32
        %ne3A_1047 = arith.cmpi ne, %rem3A_1045, %ne3A_1046 : i32
        %lt3A_1048 = arith.constant 0 : i32
        %lt3A_1049 = arith.cmpi slt, %rem3A_1045, %lt3A_1048 : i32
        %lt3A_1050 = arith.constant 0 : i32
        %lt3A_1051 = arith.cmpi slt, %select_n3A_1044, %lt3A_1050 : i32
        %ne3A_1052 = arith.xori %lt3A_1049, %lt3A_1051 : i1
        %and3A_1053 = arith.andi %ne3A_1052, %ne3A_1047 : i1
        %add3A_1054 = arith.addi %rem3A_1045, %select_n3A_1044 : i32
        %select_n3A_1055 = arith.select %and3A_1053, %add3A_1054, %rem3A_1045 : i32
        %dma_start3A_1056 = arith.constant 0 : i32
        %dma_start3A_1057 = arith.constant 0 : i32
        %dma_start3A_1058 = arith.constant 0 : i32
        %dma_start3A_1059 = arith.constant 0 : i32
        %dma_start3A_1060 = tpu.memref_slice %arg6[%dma_start3A_1056, %dma_start3A_1058, %dma_start3A_1059] : memref<8x128x64xf32, #tpu.memory_space<vmem>> -> memref<1x128x64xf32, #tpu.memory_space<vmem>>
        %dma_start3A_1061 = tpu.memref_squeeze %dma_start3A_1060 : memref<1x128x64xf32, #tpu.memory_space<vmem>> -> memref<128x64xf32, #tpu.memory_space<vmem>>
        %dma_start3A_1062 = arith.constant 0 : i32
        %dma_start3A_1063 = tpu.memref_slice %arg5[%select_n3A_1037, %select_n3A_1055, %dma_start3A_1062] : memref<25x8x128xi32, #tpu.memory_space<vmem>> -> memref<1x1x128xi32, #tpu.memory_space<vmem>>
        %dma_start3A_1064 = tpu.memref_squeeze %dma_start3A_1063 : memref<1x1x128xi32, #tpu.memory_space<vmem>> -> memref<128xi32, #tpu.memory_space<vmem>>
        %dma_start3A_1065 = arith.constant 0 : i32
        %dma_start3A_1066 = arith.constant 0 : i32
        %dma_start3A_1067 = tpu.memref_slice %arg3[%dma_start3A_1065, %dma_start3A_1066] : memref<1000000x64xf32, #tpu.memory_space<hbm>> -> memref<1000000x64xf32, #tpu.memory_space<hbm>>
        %dma_start3A_1068 = tpu.memref_slice %arg8[%dma_start3A_1057] : memref<8x!tpu.dma_semaphore, #tpu.memory_space<semaphore_mem>> -> memref<1x!tpu.dma_semaphore, #tpu.memory_space<semaphore_mem>>
        %dma_start3A_1069 = tpu.memref_squeeze %dma_start3A_1068 : memref<1x!tpu.dma_semaphore, #tpu.memory_space<semaphore_mem>> -> memref<!tpu.dma_semaphore, #tpu.memory_space<semaphore_mem>>
        tpu.enqueue_indirect_dma source(%dma_start3A_1067 : memref<1000000x64xf32, #tpu.memory_space<hbm>>) target(%dma_start3A_1061 : memref<128x64xf32, #tpu.memory_space<vmem>>) offsets(%dma_start3A_1064 : memref<128xi32, #tpu.memory_space<vmem>>) semaphore(%dma_start3A_1069 : memref<!tpu.dma_semaphore, #tpu.memory_space<semaphore_mem>>)
      } else {
      }
      %dma_start3A_295 = arith.constant 0 : i32
      %dma_start3A_296 = arith.constant 0 : i32
      %dma_start3A_297 = arith.constant 0 : i32
      %dma_start3A_298 = arith.constant 0 : i32
      %dma_start3A_299 = arith.constant 0 : i32
      %dma_start3A_300 = tpu.memref_slice %arg7[%dma_start3A_295, %dma_start3A_297, %dma_start3A_298, %dma_start3A_299] : memref<2x8x8x129xf32, #tpu.memory_space<vmem>> -> memref<1x8x8x128xf32, #tpu.memory_space<vmem>>
      %dma_start3A_301 = tpu.memref_squeeze %dma_start3A_300 : memref<1x8x8x128xf32, #tpu.memory_space<vmem>> -> memref<8x8x128xf32, #tpu.memory_space<vmem>>
      %dma_start3A_302 = arith.constant 0 : i32
      %dma_start3A_303 = arith.constant 0 : i32
      %dma_start3A_304 = arith.constant 0 : i32
      %dma_start3A_305 = tpu.memref_slice %arg4[%add3A_233, %dma_start3A_302, %add3A, %dma_start3A_303, %dma_start3A_304] : memref<200x8x32x8x128xf32, #tpu.memory_space<hbm>> -> memref<1x8x1x8x128xf32, #tpu.memory_space<hbm>>
      %dma_start3A_306 = tpu.memref_squeeze %dma_start3A_305 : memref<1x8x1x8x128xf32, #tpu.memory_space<hbm>> -> memref<8x8x128xf32, #tpu.memory_space<hbm>>
      %dma_start3A_307 = tpu.memref_slice %arg9[%dma_start3A_296] : memref<2x!tpu.dma_semaphore, #tpu.memory_space<semaphore_mem>> -> memref<1x!tpu.dma_semaphore, #tpu.memory_space<semaphore_mem>>
      %dma_start3A_308 = tpu.memref_squeeze %dma_start3A_307 : memref<1x!tpu.dma_semaphore, #tpu.memory_space<semaphore_mem>> -> memref<!tpu.dma_semaphore, #tpu.memory_space<semaphore_mem>>
      %dma_start3A_309 = arith.constant 0 : i32
      %dma_start3A_310 = arith.constant 0 : i32
      %dma_start3A_311 = arith.constant 0 : i32
      %dma_start3A_312 = tpu.memref_slice %arg4[%add3A_233, %dma_start3A_309, %add3A, %dma_start3A_310, %dma_start3A_311] : memref<200x8x32x8x128xf32, #tpu.memory_space<hbm>> -> memref<1x8x1x8x128xf32, #tpu.memory_space<hbm>>
      %dma_start3A_313 = tpu.memref_squeeze %dma_start3A_312 : memref<1x8x1x8x128xf32, #tpu.memory_space<hbm>> -> memref<8x8x128xf32, #tpu.memory_space<hbm>>
      %dma_start3A_314 = arith.constant 0 : i32
      %dma_start3A_315 = arith.constant 0 : i32
      %dma_start3A_316 = arith.constant 0 : i32
      %dma_start3A_317 = tpu.memref_slice %arg7[%dma_start3A_295, %dma_start3A_314, %dma_start3A_315, %dma_start3A_316] : memref<2x8x8x129xf32, #tpu.memory_space<vmem>> -> memref<1x8x8x128xf32, #tpu.memory_space<vmem>>
      %dma_start3A_318 = tpu.memref_squeeze %dma_start3A_317 : memref<1x8x8x128xf32, #tpu.memory_space<vmem>> -> memref<8x8x128xf32, #tpu.memory_space<vmem>>
      tpu.enqueue_dma source(%dma_start3A_318 : memref<8x8x128xf32, #tpu.memory_space<vmem>>) target(%dma_start3A_313 : memref<8x8x128xf32, #tpu.memory_space<hbm>>) target_semaphore(%dma_start3A_308 : memref<!tpu.dma_semaphore, #tpu.memory_space<semaphore_mem>>)
      %add3A_319 = arith.constant 1 : i32
      %add3A_320 = arith.addi %add3A_231, %add3A_319 : i32
      %jit3A_321 = arith.constant 8 : i32
      %div3A_322 = arith.divsi %add3A_320, %jit3A_321 : i32
      %sign3A_323 = arith.constant 0 : i32
      %sign3A_324 = arith.cmpi sgt, %add3A_320, %sign3A_323 : i32
      %sign3A_325 = arith.extui %sign3A_324 : i1 to i32
      %sign3A_326 = arith.constant 0 : i32
      %sign3A_327 = arith.cmpi slt, %add3A_320, %sign3A_326 : i32
      %sign3A_328 = arith.extui %sign3A_327 : i1 to i32
      %sign3A_329 = arith.subi %sign3A_325, %sign3A_328 : i32
      %sign3A_330 = arith.constant 0 : i32
      %sign3A_331 = arith.cmpi sgt, %jit3A_321, %sign3A_330 : i32
      %sign3A_332 = arith.extui %sign3A_331 : i1 to i32
      %sign3A_333 = arith.constant 0 : i32
      %sign3A_334 = arith.cmpi slt, %jit3A_321, %sign3A_333 : i32
      %sign3A_335 = arith.extui %sign3A_334 : i1 to i32
      %sign3A_336 = arith.subi %sign3A_332, %sign3A_335 : i32
      %ne3A_337 = arith.cmpi ne, %sign3A_329, %sign3A_336 : i32
      %rem3A_338 = arith.remsi %add3A_320, %jit3A_321 : i32
      %ne3A_339 = arith.constant 0 : i32
      %ne3A_340 = arith.cmpi ne, %rem3A_338, %ne3A_339 : i32
      %and3A_341 = arith.andi %ne3A_337, %ne3A_340 : i1
      %sub3A_342 = arith.constant 1 : i32
      %sub3A_343 = arith.subi %div3A_322, %sub3A_342 : i32
      %select_n3A_344 = arith.select %and3A_341, %sub3A_343, %div3A_322 : i32
      %jit3A_345 = arith.constant 8 : i32
      %eq3A_346 = arith.constant 0 : i32
      %eq3A_347 = arith.cmpi eq, %jit3A_345, %eq3A_346 : i32
      %jit3A_348 = arith.constant 1 : i32
      %select_n3A_349 = arith.select %eq3A_347, %jit3A_348, %jit3A_345 : i32
      %rem3A_350 = arith.remsi %add3A_320, %select_n3A_349 : i32
      %ne3A_351 = arith.constant 0 : i32
      %ne3A_352 = arith.cmpi ne, %rem3A_350, %ne3A_351 : i32
      %lt3A_353 = arith.constant 0 : i32
      %lt3A_354 = arith.cmpi slt, %rem3A_350, %lt3A_353 : i32
      %lt3A_355 = arith.constant 0 : i32
      %lt3A_356 = arith.cmpi slt, %select_n3A_349, %lt3A_355 : i32
      %ne3A_357 = arith.xori %lt3A_354, %lt3A_356 : i1
      %and3A_358 = arith.andi %ne3A_357, %ne3A_352 : i1
      %add3A_359 = arith.addi %rem3A_350, %select_n3A_349 : i32
      %select_n3A_360 = arith.select %and3A_358, %add3A_359, %rem3A_350 : i32
      %dma_wait3A_361 = arith.constant 1 : i32
      %dma_wait3A_362 = arith.constant 1 : i32
      %dma_wait3A_363 = arith.constant 0 : i32
      %dma_wait3A_364 = arith.constant 0 : i32
      %dma_wait3A_365 = tpu.memref_slice %arg6[%dma_wait3A_361, %dma_wait3A_363, %dma_wait3A_364] : memref<8x128x64xf32, #tpu.memory_space<vmem>> -> memref<1x128x64xf32, #tpu.memory_space<vmem>>
      %dma_wait3A_366 = tpu.memref_squeeze %dma_wait3A_365 : memref<1x128x64xf32, #tpu.memory_space<vmem>> -> memref<128x64xf32, #tpu.memory_space<vmem>>
      %dma_wait3A_367 = arith.constant 0 : i32
      %dma_wait3A_368 = tpu.memref_slice %arg5[%select_n3A_344, %select_n3A_360, %dma_wait3A_367] : memref<25x8x128xi32, #tpu.memory_space<vmem>> -> memref<1x1x128xi32, #tpu.memory_space<vmem>>
      %dma_wait3A_369 = tpu.memref_squeeze %dma_wait3A_368 : memref<1x1x128xi32, #tpu.memory_space<vmem>> -> memref<128xi32, #tpu.memory_space<vmem>>
      %dma_wait3A_370 = arith.constant 0 : i32
      %dma_wait3A_371 = arith.constant 0 : i32
      %dma_wait3A_372 = tpu.memref_slice %arg3[%dma_wait3A_370, %dma_wait3A_371] : memref<1000000x64xf32, #tpu.memory_space<hbm>> -> memref<1000000x64xf32, #tpu.memory_space<hbm>>
      %dma_wait3A_373 = tpu.memref_slice %arg8[%dma_wait3A_362] : memref<8x!tpu.dma_semaphore, #tpu.memory_space<semaphore_mem>> -> memref<1x!tpu.dma_semaphore, #tpu.memory_space<semaphore_mem>>
      %dma_wait3A_374 = tpu.memref_squeeze %dma_wait3A_373 : memref<1x!tpu.dma_semaphore, #tpu.memory_space<semaphore_mem>> -> memref<!tpu.dma_semaphore, #tpu.memory_space<semaphore_mem>>
      tpu.wait_indirect_dma semaphore(%dma_wait3A_374 : memref<!tpu.dma_semaphore, #tpu.memory_space<semaphore_mem>>) src(%dma_wait3A_372 : memref<1000000x64xf32, #tpu.memory_space<hbm>>) dst(%dma_wait3A_366 : memref<128x64xf32, #tpu.memory_space<vmem>>)
      %ge3A_375 = arith.constant 2 : i32
      %ge3A_376 = arith.cmpi sge, %add3A_320, %ge3A_375 : i32
      %convert_element_type3A_377 = arith.extui %ge3A_376 : i1 to i32
      %cond3A_378 = arith.constant 0 : i32
      %cond3A_379 = arith.cmpi ne, %convert_element_type3A_377, %cond3A_378 : i32
      scf.if %cond3A_379 {
        %sub3A_1012 = arith.constant 2 : i32
        %sub3A_1013 = arith.subi %add3A_320, %sub3A_1012 : i32
        %dma_wait3A_1014 = arith.constant 1 : i32
        %dma_wait3A_1015 = arith.constant 1 : i32
        %dma_wait3A_1016 = arith.constant 0 : i32
        %dma_wait3A_1017 = arith.constant 0 : i32
        %dma_wait3A_1018 = arith.constant 0 : i32
        %dma_wait3A_1019 = tpu.memref_slice %arg7[%dma_wait3A_1014, %dma_wait3A_1016, %dma_wait3A_1017, %dma_wait3A_1018] : memref<2x8x8x129xf32, #tpu.memory_space<vmem>> -> memref<1x8x8x128xf32, #tpu.memory_space<vmem>>
        %dma_wait3A_1020 = tpu.memref_squeeze %dma_wait3A_1019 : memref<1x8x8x128xf32, #tpu.memory_space<vmem>> -> memref<8x8x128xf32, #tpu.memory_space<vmem>>
        %dma_wait3A_1021 = arith.constant 0 : i32
        %dma_wait3A_1022 = arith.constant 0 : i32
        %dma_wait3A_1023 = arith.constant 0 : i32
        %dma_wait3A_1024 = tpu.memref_slice %arg4[%sub3A_1013, %dma_wait3A_1021, %add3A, %dma_wait3A_1022, %dma_wait3A_1023] : memref<200x8x32x8x128xf32, #tpu.memory_space<hbm>> -> memref<1x8x1x8x128xf32, #tpu.memory_space<hbm>>
        %dma_wait3A_1025 = tpu.memref_squeeze %dma_wait3A_1024 : memref<1x8x1x8x128xf32, #tpu.memory_space<hbm>> -> memref<8x8x128xf32, #tpu.memory_space<hbm>>
        %dma_wait3A_1026 = tpu.memref_slice %arg9[%dma_wait3A_1015] : memref<2x!tpu.dma_semaphore, #tpu.memory_space<semaphore_mem>> -> memref<1x!tpu.dma_semaphore, #tpu.memory_space<semaphore_mem>>
        %dma_wait3A_1027 = tpu.memref_squeeze %dma_wait3A_1026 : memref<1x!tpu.dma_semaphore, #tpu.memory_space<semaphore_mem>> -> memref<!tpu.dma_semaphore, #tpu.memory_space<semaphore_mem>>
        %dma_wait3A_1028 = arith.constant 0 : i32
        %dma_wait3A_1029 = arith.constant 0 : i32
        %dma_wait3A_1030 = arith.constant 0 : i32
        %dma_wait3A_1031 = tpu.memref_slice %arg4[%sub3A_1013, %dma_wait3A_1028, %add3A, %dma_wait3A_1029, %dma_wait3A_1030] : memref<200x8x32x8x128xf32, #tpu.memory_space<hbm>> -> memref<1x8x1x8x128xf32, #tpu.memory_space<hbm>>
        %dma_wait3A_1032 = tpu.memref_squeeze %dma_wait3A_1031 : memref<1x8x1x8x128xf32, #tpu.memory_space<hbm>> -> memref<8x8x128xf32, #tpu.memory_space<hbm>>
        %dma_wait3A_1033 = arith.constant 0 : i32
        %dma_wait3A_1034 = arith.constant 0 : i32
        %dma_wait3A_1035 = arith.constant 0 : i32
        %dma_wait3A_1036 = tpu.memref_slice %arg7[%dma_wait3A_1014, %dma_wait3A_1033, %dma_wait3A_1034, %dma_wait3A_1035] : memref<2x8x8x129xf32, #tpu.memory_space<vmem>> -> memref<1x8x8x128xf32, #tpu.memory_space<vmem>>
        %dma_wait3A_1037 = tpu.memref_squeeze %dma_wait3A_1036 : memref<1x8x8x128xf32, #tpu.memory_space<vmem>> -> memref<8x8x128xf32, #tpu.memory_space<vmem>>
        tpu.wait_dma2 semaphore(%dma_wait3A_1027 : memref<!tpu.dma_semaphore, #tpu.memory_space<semaphore_mem>>) src(%dma_wait3A_1037 : memref<8x8x128xf32, #tpu.memory_space<vmem>>) dst(%dma_wait3A_1032 : memref<8x8x128xf32, #tpu.memory_space<hbm>>)
      } else {
      }
      %scan3A_380 = arith.constant 1 : i32
      %scan3A_381 = arith.constant 1 : i32
      %scan3A_382 = arith.constant 0 : i32
      %scan3A_383 = arith.constant 32 : i32
      %scan3A_384 = arith.addi %scan3A_382, %scan3A_383 : i32
      %scan3A_385 = arith.constant 1 : i32
      scf.for %scan3A_1012 = %scan3A_382 to %scan3A_384 step %scan3A_385  : i32 {
        %mul3A_1013 = arith.constant 4 : i32
        %mul3A_1014 = arith.muli %scan3A_1012, %mul3A_1013 : i32
        %add3A_1015 = arith.constant 0 : i32
        %add3A_1016 = arith.addi %add3A_1015, %mul3A_1014 : i32
        %add3A_1017 = arith.constant 0 : i32
        %add3A_1018 = arith.addi %add3A_1016, %add3A_1017 : i32
        %broadcast_in_dim3A = vector.broadcast %add3A_1018 : i32 to vector<16xi32>
        %get3A = arith.constant 0 : i32
        %get3A_1019 = arith.constant 0 : i32
        %get3A_1020 = tpu.memref_slice %arg6[%scan3A_380, %get3A, %get3A_1019] : memref<8x128x64xf32, #tpu.memory_space<vmem>> -> memref<1x128x64xf32, #tpu.memory_space<vmem>>
        %get3A_1021 = tpu.memref_squeeze %get3A_1020 : memref<1x128x64xf32, #tpu.memory_space<vmem>> -> memref<128x64xf32, #tpu.memory_space<vmem>>
        %get3A_1022 = arith.index_cast %add3A_1018 : i32 to index
        %get3A_1023 = arith.constant 0 : index
        %get3A_1024 = tpu.vector_load %get3A_1021[%get3A_1022, %get3A_1023] {strides = array<i32>} : memref<128x64xf32, #tpu.memory_space<vmem>>, vector<16xf32>,
        %scatter3A = arith.constant 0 : i32
        %scatter3A_1025 = arith.constant 0 : i32
        %scatter3A_1026 = arith.constant 0 : i32
        %scatter3A_1027 = tpu.memref_slice %arg7[%scan3A_381, %scatter3A, %scatter3A_1025, %scatter3A_1026] : memref<2x8x8x129xf32, #tpu.memory_space<vmem>> -> memref<1x8x8x129xf32, #tpu.memory_space<vmem>>
        %scatter3A_1028 = tpu.memref_squeeze %scatter3A_1027 : memref<1x8x8x129xf32, #tpu.memory_space<vmem>> -> memref<8x8x129xf32, #tpu.memory_space<vmem>>
        tpu.vector_store_idx %scatter3A_1028[%shift_right_arithmetic3A_5, %and3A_28, %broadcast_in_dim3A], %get3A_1024 : memref<8x8x129xf32, #tpu.memory_space<vmem>>[vector<16xi32>, vector<16xi32>, vector<16xi32>], vector<16xf32>,
        %get3A_1029 = arith.constant 0 : i32
        %get3A_1030 = arith.constant 0 : i32
        %get3A_1031 = tpu.memref_slice %arg6[%scan3A_380, %get3A_1029, %get3A_1030] : memref<8x128x64xf32, #tpu.memory_space<vmem>> -> memref<1x128x64xf32, #tpu.memory_space<vmem>>
        %get3A_1032 = tpu.memref_squeeze %get3A_1031 : memref<1x128x64xf32, #tpu.memory_space<vmem>> -> memref<128x64xf32, #tpu.memory_space<vmem>>
        %get3A_1033 = arith.index_cast %add3A_1018 : i32 to index
        %get3A_1034 = arith.constant 16 : index
        %get3A_1035 = tpu.vector_load %get3A_1032[%get3A_1033, %get3A_1034] {strides = array<i32>} : memref<128x64xf32, #tpu.memory_space<vmem>>, vector<16xf32>,
        %scatter3A_1036 = arith.constant 0 : i32
        %scatter3A_1037 = arith.constant 0 : i32
        %scatter3A_1038 = arith.constant 0 : i32
        %scatter3A_1039 = tpu.memref_slice %arg7[%scan3A_381, %scatter3A_1036, %scatter3A_1037, %scatter3A_1038] : memref<2x8x8x129xf32, #tpu.memory_space<vmem>> -> memref<1x8x8x129xf32, #tpu.memory_space<vmem>>
        %scatter3A_1040 = tpu.memref_squeeze %scatter3A_1039 : memref<1x8x8x129xf32, #tpu.memory_space<vmem>> -> memref<8x8x129xf32, #tpu.memory_space<vmem>>
        tpu.vector_store_idx %scatter3A_1040[%shift_right_arithmetic3A_11, %and3A_34, %broadcast_in_dim3A], %get3A_1035 : memref<8x8x129xf32, #tpu.memory_space<vmem>>[vector<16xi32>, vector<16xi32>, vector<16xi32>], vector<16xf32>,
        %get3A_1041 = arith.constant 0 : i32
        %get3A_1042 = arith.constant 0 : i32
        %get3A_1043 = tpu.memref_slice %arg6[%scan3A_380, %get3A_1041, %get3A_1042] : memref<8x128x64xf32, #tpu.memory_space<vmem>> -> memref<1x128x64xf32, #tpu.memory_space<vmem>>
        %get3A_1044 = tpu.memref_squeeze %get3A_1043 : memref<1x128x64xf32, #tpu.memory_space<vmem>> -> memref<128x64xf32, #tpu.memory_space<vmem>>
        %get3A_1045 = arith.index_cast %add3A_1018 : i32 to index
        %get3A_1046 = arith.constant 32 : index
        %get3A_1047 = tpu.vector_load %get3A_1044[%get3A_1045, %get3A_1046] {strides = array<i32>} : memref<128x64xf32, #tpu.memory_space<vmem>>, vector<16xf32>,
        %scatter3A_1048 = arith.constant 0 : i32
        %scatter3A_1049 = arith.constant 0 : i32
        %scatter3A_1050 = arith.constant 0 : i32
        %scatter3A_1051 = tpu.memref_slice %arg7[%scan3A_381, %scatter3A_1048, %scatter3A_1049, %scatter3A_1050] : memref<2x8x8x129xf32, #tpu.memory_space<vmem>> -> memref<1x8x8x129xf32, #tpu.memory_space<vmem>>
        %scatter3A_1052 = tpu.memref_squeeze %scatter3A_1051 : memref<1x8x8x129xf32, #tpu.memory_space<vmem>> -> memref<8x8x129xf32, #tpu.memory_space<vmem>>
        tpu.vector_store_idx %scatter3A_1052[%shift_right_arithmetic3A_17, %and3A_40, %broadcast_in_dim3A], %get3A_1047 : memref<8x8x129xf32, #tpu.memory_space<vmem>>[vector<16xi32>, vector<16xi32>, vector<16xi32>], vector<16xf32>,
        %get3A_1053 = arith.constant 0 : i32
        %get3A_1054 = arith.constant 0 : i32
        %get3A_1055 = tpu.memref_slice %arg6[%scan3A_380, %get3A_1053, %get3A_1054] : memref<8x128x64xf32, #tpu.memory_space<vmem>> -> memref<1x128x64xf32, #tpu.memory_space<vmem>>
        %get3A_1056 = tpu.memref_squeeze %get3A_1055 : memref<1x128x64xf32, #tpu.memory_space<vmem>> -> memref<128x64xf32, #tpu.memory_space<vmem>>
        %get3A_1057 = arith.index_cast %add3A_1018 : i32 to index
        %get3A_1058 = arith.constant 48 : index
        %get3A_1059 = tpu.vector_load %get3A_1056[%get3A_1057, %get3A_1058] {strides = array<i32>} : memref<128x64xf32, #tpu.memory_space<vmem>>, vector<16xf32>,
        %scatter3A_1060 = arith.constant 0 : i32
        %scatter3A_1061 = arith.constant 0 : i32
        %scatter3A_1062 = arith.constant 0 : i32
        %scatter3A_1063 = tpu.memref_slice %arg7[%scan3A_381, %scatter3A_1060, %scatter3A_1061, %scatter3A_1062] : memref<2x8x8x129xf32, #tpu.memory_space<vmem>> -> memref<1x8x8x129xf32, #tpu.memory_space<vmem>>
        %scatter3A_1064 = tpu.memref_squeeze %scatter3A_1063 : memref<1x8x8x129xf32, #tpu.memory_space<vmem>> -> memref<8x8x129xf32, #tpu.memory_space<vmem>>
        tpu.vector_store_idx %scatter3A_1064[%shift_right_arithmetic3A_23, %and3A_46, %broadcast_in_dim3A], %get3A_1059 : memref<8x8x129xf32, #tpu.memory_space<vmem>>[vector<16xi32>, vector<16xi32>, vector<16xi32>], vector<16xf32>,
        %add3A_1065 = arith.constant 1 : i32
        %add3A_1066 = arith.addi %add3A_1016, %add3A_1065 : i32
        %broadcast_in_dim3A_1067 = vector.broadcast %add3A_1066 : i32 to vector<16xi32>
        %get3A_1068 = arith.constant 0 : i32
        %get3A_1069 = arith.constant 0 : i32
        %get3A_1070 = tpu.memref_slice %arg6[%scan3A_380, %get3A_1068, %get3A_1069] : memref<8x128x64xf32, #tpu.memory_space<vmem>> -> memref<1x128x64xf32, #tpu.memory_space<vmem>>
        %get3A_1071 = tpu.memref_squeeze %get3A_1070 : memref<1x128x64xf32, #tpu.memory_space<vmem>> -> memref<128x64xf32, #tpu.memory_space<vmem>>
        %get3A_1072 = arith.index_cast %add3A_1066 : i32 to index
        %get3A_1073 = arith.constant 0 : index
        %get3A_1074 = tpu.vector_load %get3A_1071[%get3A_1072, %get3A_1073] {strides = array<i32>} : memref<128x64xf32, #tpu.memory_space<vmem>>, vector<16xf32>,
        %scatter3A_1075 = arith.constant 0 : i32
        %scatter3A_1076 = arith.constant 0 : i32
        %scatter3A_1077 = arith.constant 0 : i32
        %scatter3A_1078 = tpu.memref_slice %arg7[%scan3A_381, %scatter3A_1075, %scatter3A_1076, %scatter3A_1077] : memref<2x8x8x129xf32, #tpu.memory_space<vmem>> -> memref<1x8x8x129xf32, #tpu.memory_space<vmem>>
        %scatter3A_1079 = tpu.memref_squeeze %scatter3A_1078 : memref<1x8x8x129xf32, #tpu.memory_space<vmem>> -> memref<8x8x129xf32, #tpu.memory_space<vmem>>
        tpu.vector_store_idx %scatter3A_1079[%shift_right_arithmetic3A_5, %and3A_28, %broadcast_in_dim3A_1067], %get3A_1074 : memref<8x8x129xf32, #tpu.memory_space<vmem>>[vector<16xi32>, vector<16xi32>, vector<16xi32>], vector<16xf32>,
        %get3A_1080 = arith.constant 0 : i32
        %get3A_1081 = arith.constant 0 : i32
        %get3A_1082 = tpu.memref_slice %arg6[%scan3A_380, %get3A_1080, %get3A_1081] : memref<8x128x64xf32, #tpu.memory_space<vmem>> -> memref<1x128x64xf32, #tpu.memory_space<vmem>>
        %get3A_1083 = tpu.memref_squeeze %get3A_1082 : memref<1x128x64xf32, #tpu.memory_space<vmem>> -> memref<128x64xf32, #tpu.memory_space<vmem>>
        %get3A_1084 = arith.index_cast %add3A_1066 : i32 to index
        %get3A_1085 = arith.constant 16 : index
        %get3A_1086 = tpu.vector_load %get3A_1083[%get3A_1084, %get3A_1085] {strides = array<i32>} : memref<128x64xf32, #tpu.memory_space<vmem>>, vector<16xf32>,
        %scatter3A_1087 = arith.constant 0 : i32
        %scatter3A_1088 = arith.constant 0 : i32
        %scatter3A_1089 = arith.constant 0 : i32
        %scatter3A_1090 = tpu.memref_slice %arg7[%scan3A_381, %scatter3A_1087, %scatter3A_1088, %scatter3A_1089] : memref<2x8x8x129xf32, #tpu.memory_space<vmem>> -> memref<1x8x8x129xf32, #tpu.memory_space<vmem>>
        %scatter3A_1091 = tpu.memref_squeeze %scatter3A_1090 : memref<1x8x8x129xf32, #tpu.memory_space<vmem>> -> memref<8x8x129xf32, #tpu.memory_space<vmem>>
        tpu.vector_store_idx %scatter3A_1091[%shift_right_arithmetic3A_11, %and3A_34, %broadcast_in_dim3A_1067], %get3A_1086 : memref<8x8x129xf32, #tpu.memory_space<vmem>>[vector<16xi32>, vector<16xi32>, vector<16xi32>], vector<16xf32>,
        %get3A_1092 = arith.constant 0 : i32
        %get3A_1093 = arith.constant 0 : i32
        %get3A_1094 = tpu.memref_slice %arg6[%scan3A_380, %get3A_1092, %get3A_1093] : memref<8x128x64xf32, #tpu.memory_space<vmem>> -> memref<1x128x64xf32, #tpu.memory_space<vmem>>
        %get3A_1095 = tpu.memref_squeeze %get3A_1094 : memref<1x128x64xf32, #tpu.memory_space<vmem>> -> memref<128x64xf32, #tpu.memory_space<vmem>>
        %get3A_1096 = arith.index_cast %add3A_1066 : i32 to index
        %get3A_1097 = arith.constant 32 : index
        %get3A_1098 = tpu.vector_load %get3A_1095[%get3A_1096, %get3A_1097] {strides = array<i32>} : memref<128x64xf32, #tpu.memory_space<vmem>>, vector<16xf32>,
        %scatter3A_1099 = arith.constant 0 : i32
        %scatter3A_1100 = arith.constant 0 : i32
        %scatter3A_1101 = arith.constant 0 : i32
        %scatter3A_1102 = tpu.memref_slice %arg7[%scan3A_381, %scatter3A_1099, %scatter3A_1100, %scatter3A_1101] : memref<2x8x8x129xf32, #tpu.memory_space<vmem>> -> memref<1x8x8x129xf32, #tpu.memory_space<vmem>>
        %scatter3A_1103 = tpu.memref_squeeze %scatter3A_1102 : memref<1x8x8x129xf32, #tpu.memory_space<vmem>> -> memref<8x8x129xf32, #tpu.memory_space<vmem>>
        tpu.vector_store_idx %scatter3A_1103[%shift_right_arithmetic3A_17, %and3A_40, %broadcast_in_dim3A_1067], %get3A_1098 : memref<8x8x129xf32, #tpu.memory_space<vmem>>[vector<16xi32>, vector<16xi32>, vector<16xi32>], vector<16xf32>,
        %get3A_1104 = arith.constant 0 : i32
        %get3A_1105 = arith.constant 0 : i32
        %get3A_1106 = tpu.memref_slice %arg6[%scan3A_380, %get3A_1104, %get3A_1105] : memref<8x128x64xf32, #tpu.memory_space<vmem>> -> memref<1x128x64xf32, #tpu.memory_space<vmem>>
        %get3A_1107 = tpu.memref_squeeze %get3A_1106 : memref<1x128x64xf32, #tpu.memory_space<vmem>> -> memref<128x64xf32, #tpu.memory_space<vmem>>
        %get3A_1108 = arith.index_cast %add3A_1066 : i32 to index
        %get3A_1109 = arith.constant 48 : index
        %get3A_1110 = tpu.vector_load %get3A_1107[%get3A_1108, %get3A_1109] {strides = array<i32>} : memref<128x64xf32, #tpu.memory_space<vmem>>, vector<16xf32>,
        %scatter3A_1111 = arith.constant 0 : i32
        %scatter3A_1112 = arith.constant 0 : i32
        %scatter3A_1113 = arith.constant 0 : i32
        %scatter3A_1114 = tpu.memref_slice %arg7[%scan3A_381, %scatter3A_1111, %scatter3A_1112, %scatter3A_1113] : memref<2x8x8x129xf32, #tpu.memory_space<vmem>> -> memref<1x8x8x129xf32, #tpu.memory_space<vmem>>
        %scatter3A_1115 = tpu.memref_squeeze %scatter3A_1114 : memref<1x8x8x129xf32, #tpu.memory_space<vmem>> -> memref<8x8x129xf32, #tpu.memory_space<vmem>>
        tpu.vector_store_idx %scatter3A_1115[%shift_right_arithmetic3A_23, %and3A_46, %broadcast_in_dim3A_1067], %get3A_1110 : memref<8x8x129xf32, #tpu.memory_space<vmem>>[vector<16xi32>, vector<16xi32>, vector<16xi32>], vector<16xf32>,
        %add3A_1116 = arith.constant 2 : i32
        %add3A_1117 = arith.addi %add3A_1016, %add3A_1116 : i32
        %broadcast_in_dim3A_1118 = vector.broadcast %add3A_1117 : i32 to vector<16xi32>
        %get3A_1119 = arith.constant 0 : i32
        %get3A_1120 = arith.constant 0 : i32
        %get3A_1121 = tpu.memref_slice %arg6[%scan3A_380, %get3A_1119, %get3A_1120] : memref<8x128x64xf32, #tpu.memory_space<vmem>> -> memref<1x128x64xf32, #tpu.memory_space<vmem>>
        %get3A_1122 = tpu.memref_squeeze %get3A_1121 : memref<1x128x64xf32, #tpu.memory_space<vmem>> -> memref<128x64xf32, #tpu.memory_space<vmem>>
        %get3A_1123 = arith.index_cast %add3A_1117 : i32 to index
        %get3A_1124 = arith.constant 0 : index
        %get3A_1125 = tpu.vector_load %get3A_1122[%get3A_1123, %get3A_1124] {strides = array<i32>} : memref<128x64xf32, #tpu.memory_space<vmem>>, vector<16xf32>,
        %scatter3A_1126 = arith.constant 0 : i32
        %scatter3A_1127 = arith.constant 0 : i32
        %scatter3A_1128 = arith.constant 0 : i32
        %scatter3A_1129 = tpu.memref_slice %arg7[%scan3A_381, %scatter3A_1126, %scatter3A_1127, %scatter3A_1128] : memref<2x8x8x129xf32, #tpu.memory_space<vmem>> -> memref<1x8x8x129xf32, #tpu.memory_space<vmem>>
        %scatter3A_1130 = tpu.memref_squeeze %scatter3A_1129 : memref<1x8x8x129xf32, #tpu.memory_space<vmem>> -> memref<8x8x129xf32, #tpu.memory_space<vmem>>
        tpu.vector_store_idx %scatter3A_1130[%shift_right_arithmetic3A_5, %and3A_28, %broadcast_in_dim3A_1118], %get3A_1125 : memref<8x8x129xf32, #tpu.memory_space<vmem>>[vector<16xi32>, vector<16xi32>, vector<16xi32>], vector<16xf32>,
        %get3A_1131 = arith.constant 0 : i32
        %get3A_1132 = arith.constant 0 : i32
        %get3A_1133 = tpu.memref_slice %arg6[%scan3A_380, %get3A_1131, %get3A_1132] : memref<8x128x64xf32, #tpu.memory_space<vmem>> -> memref<1x128x64xf32, #tpu.memory_space<vmem>>
        %get3A_1134 = tpu.memref_squeeze %get3A_1133 : memref<1x128x64xf32, #tpu.memory_space<vmem>> -> memref<128x64xf32, #tpu.memory_space<vmem>>
        %get3A_1135 = arith.index_cast %add3A_1117 : i32 to index
        %get3A_1136 = arith.constant 16 : index
        %get3A_1137 = tpu.vector_load %get3A_1134[%get3A_1135, %get3A_1136] {strides = array<i32>} : memref<128x64xf32, #tpu.memory_space<vmem>>, vector<16xf32>,
        %scatter3A_1138 = arith.constant 0 : i32
        %scatter3A_1139 = arith.constant 0 : i32
        %scatter3A_1140 = arith.constant 0 : i32
        %scatter3A_1141 = tpu.memref_slice %arg7[%scan3A_381, %scatter3A_1138, %scatter3A_1139, %scatter3A_1140] : memref<2x8x8x129xf32, #tpu.memory_space<vmem>> -> memref<1x8x8x129xf32, #tpu.memory_space<vmem>>
        %scatter3A_1142 = tpu.memref_squeeze %scatter3A_1141 : memref<1x8x8x129xf32, #tpu.memory_space<vmem>> -> memref<8x8x129xf32, #tpu.memory_space<vmem>>
        tpu.vector_store_idx %scatter3A_1142[%shift_right_arithmetic3A_11, %and3A_34, %broadcast_in_dim3A_1118], %get3A_1137 : memref<8x8x129xf32, #tpu.memory_space<vmem>>[vector<16xi32>, vector<16xi32>, vector<16xi32>], vector<16xf32>,
        %get3A_1143 = arith.constant 0 : i32
        %get3A_1144 = arith.constant 0 : i32
        %get3A_1145 = tpu.memref_slice %arg6[%scan3A_380, %get3A_1143, %get3A_1144] : memref<8x128x64xf32, #tpu.memory_space<vmem>> -> memref<1x128x64xf32, #tpu.memory_space<vmem>>
        %get3A_1146 = tpu.memref_squeeze %get3A_1145 : memref<1x128x64xf32, #tpu.memory_space<vmem>> -> memref<128x64xf32, #tpu.memory_space<vmem>>
        %get3A_1147 = arith.index_cast %add3A_1117 : i32 to index
        %get3A_1148 = arith.constant 32 : index
        %get3A_1149 = tpu.vector_load %get3A_1146[%get3A_1147, %get3A_1148] {strides = array<i32>} : memref<128x64xf32, #tpu.memory_space<vmem>>, vector<16xf32>,
        %scatter3A_1150 = arith.constant 0 : i32
        %scatter3A_1151 = arith.constant 0 : i32
        %scatter3A_1152 = arith.constant 0 : i32
        %scatter3A_1153 = tpu.memref_slice %arg7[%scan3A_381, %scatter3A_1150, %scatter3A_1151, %scatter3A_1152] : memref<2x8x8x129xf32, #tpu.memory_space<vmem>> -> memref<1x8x8x129xf32, #tpu.memory_space<vmem>>
        %scatter3A_1154 = tpu.memref_squeeze %scatter3A_1153 : memref<1x8x8x129xf32, #tpu.memory_space<vmem>> -> memref<8x8x129xf32, #tpu.memory_space<vmem>>
        tpu.vector_store_idx %scatter3A_1154[%shift_right_arithmetic3A_17, %and3A_40, %broadcast_in_dim3A_1118], %get3A_1149 : memref<8x8x129xf32, #tpu.memory_space<vmem>>[vector<16xi32>, vector<16xi32>, vector<16xi32>], vector<16xf32>,
        %get3A_1155 = arith.constant 0 : i32
        %get3A_1156 = arith.constant 0 : i32
        %get3A_1157 = tpu.memref_slice %arg6[%scan3A_380, %get3A_1155, %get3A_1156] : memref<8x128x64xf32, #tpu.memory_space<vmem>> -> memref<1x128x64xf32, #tpu.memory_space<vmem>>
        %get3A_1158 = tpu.memref_squeeze %get3A_1157 : memref<1x128x64xf32, #tpu.memory_space<vmem>> -> memref<128x64xf32, #tpu.memory_space<vmem>>
        %get3A_1159 = arith.index_cast %add3A_1117 : i32 to index
        %get3A_1160 = arith.constant 48 : index
        %get3A_1161 = tpu.vector_load %get3A_1158[%get3A_1159, %get3A_1160] {strides = array<i32>} : memref<128x64xf32, #tpu.memory_space<vmem>>, vector<16xf32>,
        %scatter3A_1162 = arith.constant 0 : i32
        %scatter3A_1163 = arith.constant 0 : i32
        %scatter3A_1164 = arith.constant 0 : i32
        %scatter3A_1165 = tpu.memref_slice %arg7[%scan3A_381, %scatter3A_1162, %scatter3A_1163, %scatter3A_1164] : memref<2x8x8x129xf32, #tpu.memory_space<vmem>> -> memref<1x8x8x129xf32, #tpu.memory_space<vmem>>
        %scatter3A_1166 = tpu.memref_squeeze %scatter3A_1165 : memref<1x8x8x129xf32, #tpu.memory_space<vmem>> -> memref<8x8x129xf32, #tpu.memory_space<vmem>>
        tpu.vector_store_idx %scatter3A_1166[%shift_right_arithmetic3A_23, %and3A_46, %broadcast_in_dim3A_1118], %get3A_1161 : memref<8x8x129xf32, #tpu.memory_space<vmem>>[vector<16xi32>, vector<16xi32>, vector<16xi32>], vector<16xf32>,
        %add3A_1167 = arith.constant 3 : i32
        %add3A_1168 = arith.addi %add3A_1016, %add3A_1167 : i32
        %broadcast_in_dim3A_1169 = vector.broadcast %add3A_1168 : i32 to vector<16xi32>
        %get3A_1170 = arith.constant 0 : i32
        %get3A_1171 = arith.constant 0 : i32
        %get3A_1172 = tpu.memref_slice %arg6[%scan3A_380, %get3A_1170, %get3A_1171] : memref<8x128x64xf32, #tpu.memory_space<vmem>> -> memref<1x128x64xf32, #tpu.memory_space<vmem>>
        %get3A_1173 = tpu.memref_squeeze %get3A_1172 : memref<1x128x64xf32, #tpu.memory_space<vmem>> -> memref<128x64xf32, #tpu.memory_space<vmem>>
        %get3A_1174 = arith.index_cast %add3A_1168 : i32 to index
        %get3A_1175 = arith.constant 0 : index
        %get3A_1176 = tpu.vector_load %get3A_1173[%get3A_1174, %get3A_1175] {strides = array<i32>} : memref<128x64xf32, #tpu.memory_space<vmem>>, vector<16xf32>,
        %scatter3A_1177 = arith.constant 0 : i32
        %scatter3A_1178 = arith.constant 0 : i32
        %scatter3A_1179 = arith.constant 0 : i32
        %scatter3A_1180 = tpu.memref_slice %arg7[%scan3A_381, %scatter3A_1177, %scatter3A_1178, %scatter3A_1179] : memref<2x8x8x129xf32, #tpu.memory_space<vmem>> -> memref<1x8x8x129xf32, #tpu.memory_space<vmem>>
        %scatter3A_1181 = tpu.memref_squeeze %scatter3A_1180 : memref<1x8x8x129xf32, #tpu.memory_space<vmem>> -> memref<8x8x129xf32, #tpu.memory_space<vmem>>
        tpu.vector_store_idx %scatter3A_1181[%shift_right_arithmetic3A_5, %and3A_28, %broadcast_in_dim3A_1169], %get3A_1176 : memref<8x8x129xf32, #tpu.memory_space<vmem>>[vector<16xi32>, vector<16xi32>, vector<16xi32>], vector<16xf32>,
        %get3A_1182 = arith.constant 0 : i32
        %get3A_1183 = arith.constant 0 : i32
        %get3A_1184 = tpu.memref_slice %arg6[%scan3A_380, %get3A_1182, %get3A_1183] : memref<8x128x64xf32, #tpu.memory_space<vmem>> -> memref<1x128x64xf32, #tpu.memory_space<vmem>>
        %get3A_1185 = tpu.memref_squeeze %get3A_1184 : memref<1x128x64xf32, #tpu.memory_space<vmem>> -> memref<128x64xf32, #tpu.memory_space<vmem>>
        %get3A_1186 = arith.index_cast %add3A_1168 : i32 to index
        %get3A_1187 = arith.constant 16 : index
        %get3A_1188 = tpu.vector_load %get3A_1185[%get3A_1186, %get3A_1187] {strides = array<i32>} : memref<128x64xf32, #tpu.memory_space<vmem>>, vector<16xf32>,
        %scatter3A_1189 = arith.constant 0 : i32
        %scatter3A_1190 = arith.constant 0 : i32
        %scatter3A_1191 = arith.constant 0 : i32
        %scatter3A_1192 = tpu.memref_slice %arg7[%scan3A_381, %scatter3A_1189, %scatter3A_1190, %scatter3A_1191] : memref<2x8x8x129xf32, #tpu.memory_space<vmem>> -> memref<1x8x8x129xf32, #tpu.memory_space<vmem>>
        %scatter3A_1193 = tpu.memref_squeeze %scatter3A_1192 : memref<1x8x8x129xf32, #tpu.memory_space<vmem>> -> memref<8x8x129xf32, #tpu.memory_space<vmem>>
        tpu.vector_store_idx %scatter3A_1193[%shift_right_arithmetic3A_11, %and3A_34, %broadcast_in_dim3A_1169], %get3A_1188 : memref<8x8x129xf32, #tpu.memory_space<vmem>>[vector<16xi32>, vector<16xi32>, vector<16xi32>], vector<16xf32>,
        %get3A_1194 = arith.constant 0 : i32
        %get3A_1195 = arith.constant 0 : i32
        %get3A_1196 = tpu.memref_slice %arg6[%scan3A_380, %get3A_1194, %get3A_1195] : memref<8x128x64xf32, #tpu.memory_space<vmem>> -> memref<1x128x64xf32, #tpu.memory_space<vmem>>
        %get3A_1197 = tpu.memref_squeeze %get3A_1196 : memref<1x128x64xf32, #tpu.memory_space<vmem>> -> memref<128x64xf32, #tpu.memory_space<vmem>>
        %get3A_1198 = arith.index_cast %add3A_1168 : i32 to index
        %get3A_1199 = arith.constant 32 : index
        %get3A_1200 = tpu.vector_load %get3A_1197[%get3A_1198, %get3A_1199] {strides = array<i32>} : memref<128x64xf32, #tpu.memory_space<vmem>>, vector<16xf32>,
        %scatter3A_1201 = arith.constant 0 : i32
        %scatter3A_1202 = arith.constant 0 : i32
        %scatter3A_1203 = arith.constant 0 : i32
        %scatter3A_1204 = tpu.memref_slice %arg7[%scan3A_381, %scatter3A_1201, %scatter3A_1202, %scatter3A_1203] : memref<2x8x8x129xf32, #tpu.memory_space<vmem>> -> memref<1x8x8x129xf32, #tpu.memory_space<vmem>>
        %scatter3A_1205 = tpu.memref_squeeze %scatter3A_1204 : memref<1x8x8x129xf32, #tpu.memory_space<vmem>> -> memref<8x8x129xf32, #tpu.memory_space<vmem>>
        tpu.vector_store_idx %scatter3A_1205[%shift_right_arithmetic3A_17, %and3A_40, %broadcast_in_dim3A_1169], %get3A_1200 : memref<8x8x129xf32, #tpu.memory_space<vmem>>[vector<16xi32>, vector<16xi32>, vector<16xi32>], vector<16xf32>,
        %get3A_1206 = arith.constant 0 : i32
        %get3A_1207 = arith.constant 0 : i32
        %get3A_1208 = tpu.memref_slice %arg6[%scan3A_380, %get3A_1206, %get3A_1207] : memref<8x128x64xf32, #tpu.memory_space<vmem>> -> memref<1x128x64xf32, #tpu.memory_space<vmem>>
        %get3A_1209 = tpu.memref_squeeze %get3A_1208 : memref<1x128x64xf32, #tpu.memory_space<vmem>> -> memref<128x64xf32, #tpu.memory_space<vmem>>
        %get3A_1210 = arith.index_cast %add3A_1168 : i32 to index
        %get3A_1211 = arith.constant 48 : index
        %get3A_1212 = tpu.vector_load %get3A_1209[%get3A_1210, %get3A_1211] {strides = array<i32>} : memref<128x64xf32, #tpu.memory_space<vmem>>, vector<16xf32>,
        %scatter3A_1213 = arith.constant 0 : i32
        %scatter3A_1214 = arith.constant 0 : i32
        %scatter3A_1215 = arith.constant 0 : i32
        %scatter3A_1216 = tpu.memref_slice %arg7[%scan3A_381, %scatter3A_1213, %scatter3A_1214, %scatter3A_1215] : memref<2x8x8x129xf32, #tpu.memory_space<vmem>> -> memref<1x8x8x129xf32, #tpu.memory_space<vmem>>
        %scatter3A_1217 = tpu.memref_squeeze %scatter3A_1216 : memref<1x8x8x129xf32, #tpu.memory_space<vmem>> -> memref<8x8x129xf32, #tpu.memory_space<vmem>>
        tpu.vector_store_idx %scatter3A_1217[%shift_right_arithmetic3A_23, %and3A_46, %broadcast_in_dim3A_1169], %get3A_1212 : memref<8x8x129xf32, #tpu.memory_space<vmem>>[vector<16xi32>, vector<16xi32>, vector<16xi32>], vector<16xf32>,
      }
      %scan3A_386 = arith.constant 32 : i32
      %add3A_387 = arith.constant 8 : i32
      %add3A_388 = arith.addi %add3A_320, %add3A_387 : i32
      %lt3A_389 = arith.constant 200 : i32
      %lt3A_390 = arith.cmpi slt, %add3A_388, %lt3A_389 : i32
      %convert_element_type3A_391 = arith.extui %lt3A_390 : i1 to i32
      %cond3A_392 = arith.constant 0 : i32
      %cond3A_393 = arith.cmpi ne, %convert_element_type3A_391, %cond3A_392 : i32
      scf.if %cond3A_393 {
        %add3A_1012 = arith.constant 8 : i32
        %add3A_1013 = arith.addi %add3A_320, %add3A_1012 : i32
        %jit3A_1014 = arith.constant 8 : i32
        %div3A_1015 = arith.divsi %add3A_1013, %jit3A_1014 : i32
        %sign3A_1016 = arith.constant 0 : i32
        %sign3A_1017 = arith.cmpi sgt, %add3A_1013, %sign3A_1016 : i32
        %sign3A_1018 = arith.extui %sign3A_1017 : i1 to i32
        %sign3A_1019 = arith.constant 0 : i32
        %sign3A_1020 = arith.cmpi slt, %add3A_1013, %sign3A_1019 : i32
        %sign3A_1021 = arith.extui %sign3A_1020 : i1 to i32
        %sign3A_1022 = arith.subi %sign3A_1018, %sign3A_1021 : i32
        %sign3A_1023 = arith.constant 0 : i32
        %sign3A_1024 = arith.cmpi sgt, %jit3A_1014, %sign3A_1023 : i32
        %sign3A_1025 = arith.extui %sign3A_1024 : i1 to i32
        %sign3A_1026 = arith.constant 0 : i32
        %sign3A_1027 = arith.cmpi slt, %jit3A_1014, %sign3A_1026 : i32
        %sign3A_1028 = arith.extui %sign3A_1027 : i1 to i32
        %sign3A_1029 = arith.subi %sign3A_1025, %sign3A_1028 : i32
        %ne3A_1030 = arith.cmpi ne, %sign3A_1022, %sign3A_1029 : i32
        %rem3A_1031 = arith.remsi %add3A_1013, %jit3A_1014 : i32
        %ne3A_1032 = arith.constant 0 : i32
        %ne3A_1033 = arith.cmpi ne, %rem3A_1031, %ne3A_1032 : i32
        %and3A_1034 = arith.andi %ne3A_1030, %ne3A_1033 : i1
        %sub3A_1035 = arith.constant 1 : i32
        %sub3A_1036 = arith.subi %div3A_1015, %sub3A_1035 : i32
        %select_n3A_1037 = arith.select %and3A_1034, %sub3A_1036, %div3A_1015 : i32
        %add3A_1038 = arith.constant 8 : i32
        %add3A_1039 = arith.addi %add3A_320, %add3A_1038 : i32
        %jit3A_1040 = arith.constant 8 : i32
        %eq3A_1041 = arith.constant 0 : i32
        %eq3A_1042 = arith.cmpi eq, %jit3A_1040, %eq3A_1041 : i32
        %jit3A_1043 = arith.constant 1 : i32
        %select_n3A_1044 = arith.select %eq3A_1042, %jit3A_1043, %jit3A_1040 : i32
        %rem3A_1045 = arith.remsi %add3A_1039, %select_n3A_1044 : i32
        %ne3A_1046 = arith.constant 0 : i32
        %ne3A_1047 = arith.cmpi ne, %rem3A_1045, %ne3A_1046 : i32
        %lt3A_1048 = arith.constant 0 : i32
        %lt3A_1049 = arith.cmpi slt, %rem3A_1045, %lt3A_1048 : i32
        %lt3A_1050 = arith.constant 0 : i32
        %lt3A_1051 = arith.cmpi slt, %select_n3A_1044, %lt3A_1050 : i32
        %ne3A_1052 = arith.xori %lt3A_1049, %lt3A_1051 : i1
        %and3A_1053 = arith.andi %ne3A_1052, %ne3A_1047 : i1
        %add3A_1054 = arith.addi %rem3A_1045, %select_n3A_1044 : i32
        %select_n3A_1055 = arith.select %and3A_1053, %add3A_1054, %rem3A_1045 : i32
        %dma_start3A_1056 = arith.constant 1 : i32
        %dma_start3A_1057 = arith.constant 1 : i32
        %dma_start3A_1058 = arith.constant 0 : i32
        %dma_start3A_1059 = arith.constant 0 : i32
        %dma_start3A_1060 = tpu.memref_slice %arg6[%dma_start3A_1056, %dma_start3A_1058, %dma_start3A_1059] : memref<8x128x64xf32, #tpu.memory_space<vmem>> -> memref<1x128x64xf32, #tpu.memory_space<vmem>>
        %dma_start3A_1061 = tpu.memref_squeeze %dma_start3A_1060 : memref<1x128x64xf32, #tpu.memory_space<vmem>> -> memref<128x64xf32, #tpu.memory_space<vmem>>
        %dma_start3A_1062 = arith.constant 0 : i32
        %dma_start3A_1063 = tpu.memref_slice %arg5[%select_n3A_1037, %select_n3A_1055, %dma_start3A_1062] : memref<25x8x128xi32, #tpu.memory_space<vmem>> -> memref<1x1x128xi32, #tpu.memory_space<vmem>>
        %dma_start3A_1064 = tpu.memref_squeeze %dma_start3A_1063 : memref<1x1x128xi32, #tpu.memory_space<vmem>> -> memref<128xi32, #tpu.memory_space<vmem>>
        %dma_start3A_1065 = arith.constant 0 : i32
        %dma_start3A_1066 = arith.constant 0 : i32
        %dma_start3A_1067 = tpu.memref_slice %arg3[%dma_start3A_1065, %dma_start3A_1066] : memref<1000000x64xf32, #tpu.memory_space<hbm>> -> memref<1000000x64xf32, #tpu.memory_space<hbm>>
        %dma_start3A_1068 = tpu.memref_slice %arg8[%dma_start3A_1057] : memref<8x!tpu.dma_semaphore, #tpu.memory_space<semaphore_mem>> -> memref<1x!tpu.dma_semaphore, #tpu.memory_space<semaphore_mem>>
        %dma_start3A_1069 = tpu.memref_squeeze %dma_start3A_1068 : memref<1x!tpu.dma_semaphore, #tpu.memory_space<semaphore_mem>> -> memref<!tpu.dma_semaphore, #tpu.memory_space<semaphore_mem>>
        tpu.enqueue_indirect_dma source(%dma_start3A_1067 : memref<1000000x64xf32, #tpu.memory_space<hbm>>) target(%dma_start3A_1061 : memref<128x64xf32, #tpu.memory_space<vmem>>) offsets(%dma_start3A_1064 : memref<128xi32, #tpu.memory_space<vmem>>) semaphore(%dma_start3A_1069 : memref<!tpu.dma_semaphore, #tpu.memory_space<semaphore_mem>>)
      } else {
      }
      %dma_start3A_394 = arith.constant 1 : i32
      %dma_start3A_395 = arith.constant 1 : i32
      %dma_start3A_396 = arith.constant 0 : i32
      %dma_start3A_397 = arith.constant 0 : i32
      %dma_start3A_398 = arith.constant 0 : i32
      %dma_start3A_399 = tpu.memref_slice %arg7[%dma_start3A_394, %dma_start3A_396, %dma_start3A_397, %dma_start3A_398] : memref<2x8x8x129xf32, #tpu.memory_space<vmem>> -> memref<1x8x8x128xf32, #tpu.memory_space<vmem>>
      %dma_start3A_400 = tpu.memref_squeeze %dma_start3A_399 : memref<1x8x8x128xf32, #tpu.memory_space<vmem>> -> memref<8x8x128xf32, #tpu.memory_space<vmem>>
      %dma_start3A_401 = arith.constant 0 : i32
      %dma_start3A_402 = arith.constant 0 : i32
      %dma_start3A_403 = arith.constant 0 : i32
      %dma_start3A_404 = tpu.memref_slice %arg4[%add3A_320, %dma_start3A_401, %add3A, %dma_start3A_402, %dma_start3A_403] : memref<200x8x32x8x128xf32, #tpu.memory_space<hbm>> -> memref<1x8x1x8x128xf32, #tpu.memory_space<hbm>>
      %dma_start3A_405 = tpu.memref_squeeze %dma_start3A_404 : memref<1x8x1x8x128xf32, #tpu.memory_space<hbm>> -> memref<8x8x128xf32, #tpu.memory_space<hbm>>
      %dma_start3A_406 = tpu.memref_slice %arg9[%dma_start3A_395] : memref<2x!tpu.dma_semaphore, #tpu.memory_space<semaphore_mem>> -> memref<1x!tpu.dma_semaphore, #tpu.memory_space<semaphore_mem>>
      %dma_start3A_407 = tpu.memref_squeeze %dma_start3A_406 : memref<1x!tpu.dma_semaphore, #tpu.memory_space<semaphore_mem>> -> memref<!tpu.dma_semaphore, #tpu.memory_space<semaphore_mem>>
      %dma_start3A_408 = arith.constant 0 : i32
      %dma_start3A_409 = arith.constant 0 : i32
      %dma_start3A_410 = arith.constant 0 : i32
      %dma_start3A_411 = tpu.memref_slice %arg4[%add3A_320, %dma_start3A_408, %add3A, %dma_start3A_409, %dma_start3A_410] : memref<200x8x32x8x128xf32, #tpu.memory_space<hbm>> -> memref<1x8x1x8x128xf32, #tpu.memory_space<hbm>>
      %dma_start3A_412 = tpu.memref_squeeze %dma_start3A_411 : memref<1x8x1x8x128xf32, #tpu.memory_space<hbm>> -> memref<8x8x128xf32, #tpu.memory_space<hbm>>
      %dma_start3A_413 = arith.constant 0 : i32
      %dma_start3A_414 = arith.constant 0 : i32
      %dma_start3A_415 = arith.constant 0 : i32
      %dma_start3A_416 = tpu.memref_slice %arg7[%dma_start3A_394, %dma_start3A_413, %dma_start3A_414, %dma_start3A_415] : memref<2x8x8x129xf32, #tpu.memory_space<vmem>> -> memref<1x8x8x128xf32, #tpu.memory_space<vmem>>
      %dma_start3A_417 = tpu.memref_squeeze %dma_start3A_416 : memref<1x8x8x128xf32, #tpu.memory_space<vmem>> -> memref<8x8x128xf32, #tpu.memory_space<vmem>>
      tpu.enqueue_dma source(%dma_start3A_417 : memref<8x8x128xf32, #tpu.memory_space<vmem>>) target(%dma_start3A_412 : memref<8x8x128xf32, #tpu.memory_space<hbm>>) target_semaphore(%dma_start3A_407 : memref<!tpu.dma_semaphore, #tpu.memory_space<semaphore_mem>>)
      %add3A_418 = arith.constant 2 : i32
      %add3A_419 = arith.addi %add3A_231, %add3A_418 : i32
      %jit3A_420 = arith.constant 8 : i32
      %div3A_421 = arith.divsi %add3A_419, %jit3A_420 : i32
      %sign3A_422 = arith.constant 0 : i32
      %sign3A_423 = arith.cmpi sgt, %add3A_419, %sign3A_422 : i32
      %sign3A_424 = arith.extui %sign3A_423 : i1 to i32
      %sign3A_425 = arith.constant 0 : i32
      %sign3A_426 = arith.cmpi slt, %add3A_419, %sign3A_425 : i32
      %sign3A_427 = arith.extui %sign3A_426 : i1 to i32
      %sign3A_428 = arith.subi %sign3A_424, %sign3A_427 : i32
      %sign3A_429 = arith.constant 0 : i32
      %sign3A_430 = arith.cmpi sgt, %jit3A_420, %sign3A_429 : i32
      %sign3A_431 = arith.extui %sign3A_430 : i1 to i32
      %sign3A_432 = arith.constant 0 : i32
      %sign3A_433 = arith.cmpi slt, %jit3A_420, %sign3A_432 : i32
      %sign3A_434 = arith.extui %sign3A_433 : i1 to i32
      %sign3A_435 = arith.subi %sign3A_431, %sign3A_434 : i32
      %ne3A_436 = arith.cmpi ne, %sign3A_428, %sign3A_435 : i32
      %rem3A_437 = arith.remsi %add3A_419, %jit3A_420 : i32
      %ne3A_438 = arith.constant 0 : i32
      %ne3A_439 = arith.cmpi ne, %rem3A_437, %ne3A_438 : i32
      %and3A_440 = arith.andi %ne3A_436, %ne3A_439 : i1
      %sub3A_441 = arith.constant 1 : i32
      %sub3A_442 = arith.subi %div3A_421, %sub3A_441 : i32
      %select_n3A_443 = arith.select %and3A_440, %sub3A_442, %div3A_421 : i32
      %jit3A_444 = arith.constant 8 : i32
      %eq3A_445 = arith.constant 0 : i32
      %eq3A_446 = arith.cmpi eq, %jit3A_444, %eq3A_445 : i32
      %jit3A_447 = arith.constant 1 : i32
      %select_n3A_448 = arith.select %eq3A_446, %jit3A_447, %jit3A_444 : i32
      %rem3A_449 = arith.remsi %add3A_419, %select_n3A_448 : i32
      %ne3A_450 = arith.constant 0 : i32
      %ne3A_451 = arith.cmpi ne, %rem3A_449, %ne3A_450 : i32
      %lt3A_452 = arith.constant 0 : i32
      %lt3A_453 = arith.cmpi slt, %rem3A_449, %lt3A_452 : i32
      %lt3A_454 = arith.constant 0 : i32
      %lt3A_455 = arith.cmpi slt, %select_n3A_448, %lt3A_454 : i32
      %ne3A_456 = arith.xori %lt3A_453, %lt3A_455 : i1
      %and3A_457 = arith.andi %ne3A_456, %ne3A_451 : i1
      %add3A_458 = arith.addi %rem3A_449, %select_n3A_448 : i32
      %select_n3A_459 = arith.select %and3A_457, %add3A_458, %rem3A_449 : i32
      %dma_wait3A_460 = arith.constant 2 : i32
      %dma_wait3A_461 = arith.constant 2 : i32
      %dma_wait3A_462 = arith.constant 0 : i32
      %dma_wait3A_463 = arith.constant 0 : i32
      %dma_wait3A_464 = tpu.memref_slice %arg6[%dma_wait3A_460, %dma_wait3A_462, %dma_wait3A_463] : memref<8x128x64xf32, #tpu.memory_space<vmem>> -> memref<1x128x64xf32, #tpu.memory_space<vmem>>
      %dma_wait3A_465 = tpu.memref_squeeze %dma_wait3A_464 : memref<1x128x64xf32, #tpu.memory_space<vmem>> -> memref<128x64xf32, #tpu.memory_space<vmem>>
      %dma_wait3A_466 = arith.constant 0 : i32
      %dma_wait3A_467 = tpu.memref_slice %arg5[%select_n3A_443, %select_n3A_459, %dma_wait3A_466] : memref<25x8x128xi32, #tpu.memory_space<vmem>> -> memref<1x1x128xi32, #tpu.memory_space<vmem>>
      %dma_wait3A_468 = tpu.memref_squeeze %dma_wait3A_467 : memref<1x1x128xi32, #tpu.memory_space<vmem>> -> memref<128xi32, #tpu.memory_space<vmem>>
      %dma_wait3A_469 = arith.constant 0 : i32
      %dma_wait3A_470 = arith.constant 0 : i32
      %dma_wait3A_471 = tpu.memref_slice %arg3[%dma_wait3A_469, %dma_wait3A_470] : memref<1000000x64xf32, #tpu.memory_space<hbm>> -> memref<1000000x64xf32, #tpu.memory_space<hbm>>
      %dma_wait3A_472 = tpu.memref_slice %arg8[%dma_wait3A_461] : memref<8x!tpu.dma_semaphore, #tpu.memory_space<semaphore_mem>> -> memref<1x!tpu.dma_semaphore, #tpu.memory_space<semaphore_mem>>
      %dma_wait3A_473 = tpu.memref_squeeze %dma_wait3A_472 : memref<1x!tpu.dma_semaphore, #tpu.memory_space<semaphore_mem>> -> memref<!tpu.dma_semaphore, #tpu.memory_space<semaphore_mem>>
      tpu.wait_indirect_dma semaphore(%dma_wait3A_473 : memref<!tpu.dma_semaphore, #tpu.memory_space<semaphore_mem>>) src(%dma_wait3A_471 : memref<1000000x64xf32, #tpu.memory_space<hbm>>) dst(%dma_wait3A_465 : memref<128x64xf32, #tpu.memory_space<vmem>>)
      %ge3A_474 = arith.constant 2 : i32
      %ge3A_475 = arith.cmpi sge, %add3A_419, %ge3A_474 : i32
      %convert_element_type3A_476 = arith.extui %ge3A_475 : i1 to i32
      %cond3A_477 = arith.constant 0 : i32
      %cond3A_478 = arith.cmpi ne, %convert_element_type3A_476, %cond3A_477 : i32
      scf.if %cond3A_478 {
        %sub3A_1012 = arith.constant 2 : i32
        %sub3A_1013 = arith.subi %add3A_419, %sub3A_1012 : i32
        %dma_wait3A_1014 = arith.constant 0 : i32
        %dma_wait3A_1015 = arith.constant 0 : i32
        %dma_wait3A_1016 = arith.constant 0 : i32
        %dma_wait3A_1017 = arith.constant 0 : i32
        %dma_wait3A_1018 = arith.constant 0 : i32
        %dma_wait3A_1019 = tpu.memref_slice %arg7[%dma_wait3A_1014, %dma_wait3A_1016, %dma_wait3A_1017, %dma_wait3A_1018] : memref<2x8x8x129xf32, #tpu.memory_space<vmem>> -> memref<1x8x8x128xf32, #tpu.memory_space<vmem>>
        %dma_wait3A_1020 = tpu.memref_squeeze %dma_wait3A_1019 : memref<1x8x8x128xf32, #tpu.memory_space<vmem>> -> memref<8x8x128xf32, #tpu.memory_space<vmem>>
        %dma_wait3A_1021 = arith.constant 0 : i32
        %dma_wait3A_1022 = arith.constant 0 : i32
        %dma_wait3A_1023 = arith.constant 0 : i32
        %dma_wait3A_1024 = tpu.memref_slice %arg4[%sub3A_1013, %dma_wait3A_1021, %add3A, %dma_wait3A_1022, %dma_wait3A_1023] : memref<200x8x32x8x128xf32, #tpu.memory_space<hbm>> -> memref<1x8x1x8x128xf32, #tpu.memory_space<hbm>>
        %dma_wait3A_1025 = tpu.memref_squeeze %dma_wait3A_1024 : memref<1x8x1x8x128xf32, #tpu.memory_space<hbm>> -> memref<8x8x128xf32, #tpu.memory_space<hbm>>
        %dma_wait3A_1026 = tpu.memref_slice %arg9[%dma_wait3A_1015] : memref<2x!tpu.dma_semaphore, #tpu.memory_space<semaphore_mem>> -> memref<1x!tpu.dma_semaphore, #tpu.memory_space<semaphore_mem>>
        %dma_wait3A_1027 = tpu.memref_squeeze %dma_wait3A_1026 : memref<1x!tpu.dma_semaphore, #tpu.memory_space<semaphore_mem>> -> memref<!tpu.dma_semaphore, #tpu.memory_space<semaphore_mem>>
        %dma_wait3A_1028 = arith.constant 0 : i32
        %dma_wait3A_1029 = arith.constant 0 : i32
        %dma_wait3A_1030 = arith.constant 0 : i32
        %dma_wait3A_1031 = tpu.memref_slice %arg4[%sub3A_1013, %dma_wait3A_1028, %add3A, %dma_wait3A_1029, %dma_wait3A_1030] : memref<200x8x32x8x128xf32, #tpu.memory_space<hbm>> -> memref<1x8x1x8x128xf32, #tpu.memory_space<hbm>>
        %dma_wait3A_1032 = tpu.memref_squeeze %dma_wait3A_1031 : memref<1x8x1x8x128xf32, #tpu.memory_space<hbm>> -> memref<8x8x128xf32, #tpu.memory_space<hbm>>
        %dma_wait3A_1033 = arith.constant 0 : i32
        %dma_wait3A_1034 = arith.constant 0 : i32
        %dma_wait3A_1035 = arith.constant 0 : i32
        %dma_wait3A_1036 = tpu.memref_slice %arg7[%dma_wait3A_1014, %dma_wait3A_1033, %dma_wait3A_1034, %dma_wait3A_1035] : memref<2x8x8x129xf32, #tpu.memory_space<vmem>> -> memref<1x8x8x128xf32, #tpu.memory_space<vmem>>
        %dma_wait3A_1037 = tpu.memref_squeeze %dma_wait3A_1036 : memref<1x8x8x128xf32, #tpu.memory_space<vmem>> -> memref<8x8x128xf32, #tpu.memory_space<vmem>>
        tpu.wait_dma2 semaphore(%dma_wait3A_1027 : memref<!tpu.dma_semaphore, #tpu.memory_space<semaphore_mem>>) src(%dma_wait3A_1037 : memref<8x8x128xf32, #tpu.memory_space<vmem>>) dst(%dma_wait3A_1032 : memref<8x8x128xf32, #tpu.memory_space<hbm>>)
      } else {
      }
      %scan3A_479 = arith.constant 2 : i32
      %scan3A_480 = arith.constant 0 : i32
      %scan3A_481 = arith.constant 0 : i32
      %scan3A_482 = arith.constant 32 : i32
      %scan3A_483 = arith.addi %scan3A_481, %scan3A_482 : i32
      %scan3A_484 = arith.constant 1 : i32
      scf.for %scan3A_1012 = %scan3A_481 to %scan3A_483 step %scan3A_484  : i32 {
        %mul3A_1013 = arith.constant 4 : i32
        %mul3A_1014 = arith.muli %scan3A_1012, %mul3A_1013 : i32
        %add3A_1015 = arith.constant 0 : i32
        %add3A_1016 = arith.addi %add3A_1015, %mul3A_1014 : i32
        %add3A_1017 = arith.constant 0 : i32
        %add3A_1018 = arith.addi %add3A_1016, %add3A_1017 : i32
        %broadcast_in_dim3A = vector.broadcast %add3A_1018 : i32 to vector<16xi32>
        %get3A = arith.constant 0 : i32
        %get3A_1019 = arith.constant 0 : i32
        %get3A_1020 = tpu.memref_slice %arg6[%scan3A_479, %get3A, %get3A_1019] : memref<8x128x64xf32, #tpu.memory_space<vmem>> -> memref<1x128x64xf32, #tpu.memory_space<vmem>>
        %get3A_1021 = tpu.memref_squeeze %get3A_1020 : memref<1x128x64xf32, #tpu.memory_space<vmem>> -> memref<128x64xf32, #tpu.memory_space<vmem>>
        %get3A_1022 = arith.index_cast %add3A_1018 : i32 to index
        %get3A_1023 = arith.constant 0 : index
        %get3A_1024 = tpu.vector_load %get3A_1021[%get3A_1022, %get3A_1023] {strides = array<i32>} : memref<128x64xf32, #tpu.memory_space<vmem>>, vector<16xf32>,
        %scatter3A = arith.constant 0 : i32
        %scatter3A_1025 = arith.constant 0 : i32
        %scatter3A_1026 = arith.constant 0 : i32
        %scatter3A_1027 = tpu.memref_slice %arg7[%scan3A_480, %scatter3A, %scatter3A_1025, %scatter3A_1026] : memref<2x8x8x129xf32, #tpu.memory_space<vmem>> -> memref<1x8x8x129xf32, #tpu.memory_space<vmem>>
        %scatter3A_1028 = tpu.memref_squeeze %scatter3A_1027 : memref<1x8x8x129xf32, #tpu.memory_space<vmem>> -> memref<8x8x129xf32, #tpu.memory_space<vmem>>
        tpu.vector_store_idx %scatter3A_1028[%shift_right_arithmetic3A_5, %and3A_28, %broadcast_in_dim3A], %get3A_1024 : memref<8x8x129xf32, #tpu.memory_space<vmem>>[vector<16xi32>, vector<16xi32>, vector<16xi32>], vector<16xf32>,
        %get3A_1029 = arith.constant 0 : i32
        %get3A_1030 = arith.constant 0 : i32
        %get3A_1031 = tpu.memref_slice %arg6[%scan3A_479, %get3A_1029, %get3A_1030] : memref<8x128x64xf32, #tpu.memory_space<vmem>> -> memref<1x128x64xf32, #tpu.memory_space<vmem>>
        %get3A_1032 = tpu.memref_squeeze %get3A_1031 : memref<1x128x64xf32, #tpu.memory_space<vmem>> -> memref<128x64xf32, #tpu.memory_space<vmem>>
        %get3A_1033 = arith.index_cast %add3A_1018 : i32 to index
        %get3A_1034 = arith.constant 16 : index
        %get3A_1035 = tpu.vector_load %get3A_1032[%get3A_1033, %get3A_1034] {strides = array<i32>} : memref<128x64xf32, #tpu.memory_space<vmem>>, vector<16xf32>,
        %scatter3A_1036 = arith.constant 0 : i32
        %scatter3A_1037 = arith.constant 0 : i32
        %scatter3A_1038 = arith.constant 0 : i32
        %scatter3A_1039 = tpu.memref_slice %arg7[%scan3A_480, %scatter3A_1036, %scatter3A_1037, %scatter3A_1038] : memref<2x8x8x129xf32, #tpu.memory_space<vmem>> -> memref<1x8x8x129xf32, #tpu.memory_space<vmem>>
        %scatter3A_1040 = tpu.memref_squeeze %scatter3A_1039 : memref<1x8x8x129xf32, #tpu.memory_space<vmem>> -> memref<8x8x129xf32, #tpu.memory_space<vmem>>
        tpu.vector_store_idx %scatter3A_1040[%shift_right_arithmetic3A_11, %and3A_34, %broadcast_in_dim3A], %get3A_1035 : memref<8x8x129xf32, #tpu.memory_space<vmem>>[vector<16xi32>, vector<16xi32>, vector<16xi32>], vector<16xf32>,
        %get3A_1041 = arith.constant 0 : i32
        %get3A_1042 = arith.constant 0 : i32
        %get3A_1043 = tpu.memref_slice %arg6[%scan3A_479, %get3A_1041, %get3A_1042] : memref<8x128x64xf32, #tpu.memory_space<vmem>> -> memref<1x128x64xf32, #tpu.memory_space<vmem>>
        %get3A_1044 = tpu.memref_squeeze %get3A_1043 : memref<1x128x64xf32, #tpu.memory_space<vmem>> -> memref<128x64xf32, #tpu.memory_space<vmem>>
        %get3A_1045 = arith.index_cast %add3A_1018 : i32 to index
        %get3A_1046 = arith.constant 32 : index
        %get3A_1047 = tpu.vector_load %get3A_1044[%get3A_1045, %get3A_1046] {strides = array<i32>} : memref<128x64xf32, #tpu.memory_space<vmem>>, vector<16xf32>,
        %scatter3A_1048 = arith.constant 0 : i32
        %scatter3A_1049 = arith.constant 0 : i32
        %scatter3A_1050 = arith.constant 0 : i32
        %scatter3A_1051 = tpu.memref_slice %arg7[%scan3A_480, %scatter3A_1048, %scatter3A_1049, %scatter3A_1050] : memref<2x8x8x129xf32, #tpu.memory_space<vmem>> -> memref<1x8x8x129xf32, #tpu.memory_space<vmem>>
        %scatter3A_1052 = tpu.memref_squeeze %scatter3A_1051 : memref<1x8x8x129xf32, #tpu.memory_space<vmem>> -> memref<8x8x129xf32, #tpu.memory_space<vmem>>
        tpu.vector_store_idx %scatter3A_1052[%shift_right_arithmetic3A_17, %and3A_40, %broadcast_in_dim3A], %get3A_1047 : memref<8x8x129xf32, #tpu.memory_space<vmem>>[vector<16xi32>, vector<16xi32>, vector<16xi32>], vector<16xf32>,
        %get3A_1053 = arith.constant 0 : i32
        %get3A_1054 = arith.constant 0 : i32
        %get3A_1055 = tpu.memref_slice %arg6[%scan3A_479, %get3A_1053, %get3A_1054] : memref<8x128x64xf32, #tpu.memory_space<vmem>> -> memref<1x128x64xf32, #tpu.memory_space<vmem>>
        %get3A_1056 = tpu.memref_squeeze %get3A_1055 : memref<1x128x64xf32, #tpu.memory_space<vmem>> -> memref<128x64xf32, #tpu.memory_space<vmem>>
        %get3A_1057 = arith.index_cast %add3A_1018 : i32 to index
        %get3A_1058 = arith.constant 48 : index
        %get3A_1059 = tpu.vector_load %get3A_1056[%get3A_1057, %get3A_1058] {strides = array<i32>} : memref<128x64xf32, #tpu.memory_space<vmem>>, vector<16xf32>,
        %scatter3A_1060 = arith.constant 0 : i32
        %scatter3A_1061 = arith.constant 0 : i32
        %scatter3A_1062 = arith.constant 0 : i32
        %scatter3A_1063 = tpu.memref_slice %arg7[%scan3A_480, %scatter3A_1060, %scatter3A_1061, %scatter3A_1062] : memref<2x8x8x129xf32, #tpu.memory_space<vmem>> -> memref<1x8x8x129xf32, #tpu.memory_space<vmem>>
        %scatter3A_1064 = tpu.memref_squeeze %scatter3A_1063 : memref<1x8x8x129xf32, #tpu.memory_space<vmem>> -> memref<8x8x129xf32, #tpu.memory_space<vmem>>
        tpu.vector_store_idx %scatter3A_1064[%shift_right_arithmetic3A_23, %and3A_46, %broadcast_in_dim3A], %get3A_1059 : memref<8x8x129xf32, #tpu.memory_space<vmem>>[vector<16xi32>, vector<16xi32>, vector<16xi32>], vector<16xf32>,
        %add3A_1065 = arith.constant 1 : i32
        %add3A_1066 = arith.addi %add3A_1016, %add3A_1065 : i32
        %broadcast_in_dim3A_1067 = vector.broadcast %add3A_1066 : i32 to vector<16xi32>
        %get3A_1068 = arith.constant 0 : i32
        %get3A_1069 = arith.constant 0 : i32
        %get3A_1070 = tpu.memref_slice %arg6[%scan3A_479, %get3A_1068, %get3A_1069] : memref<8x128x64xf32, #tpu.memory_space<vmem>> -> memref<1x128x64xf32, #tpu.memory_space<vmem>>
        %get3A_1071 = tpu.memref_squeeze %get3A_1070 : memref<1x128x64xf32, #tpu.memory_space<vmem>> -> memref<128x64xf32, #tpu.memory_space<vmem>>
        %get3A_1072 = arith.index_cast %add3A_1066 : i32 to index
        %get3A_1073 = arith.constant 0 : index
        %get3A_1074 = tpu.vector_load %get3A_1071[%get3A_1072, %get3A_1073] {strides = array<i32>} : memref<128x64xf32, #tpu.memory_space<vmem>>, vector<16xf32>,
        %scatter3A_1075 = arith.constant 0 : i32
        %scatter3A_1076 = arith.constant 0 : i32
        %scatter3A_1077 = arith.constant 0 : i32
        %scatter3A_1078 = tpu.memref_slice %arg7[%scan3A_480, %scatter3A_1075, %scatter3A_1076, %scatter3A_1077] : memref<2x8x8x129xf32, #tpu.memory_space<vmem>> -> memref<1x8x8x129xf32, #tpu.memory_space<vmem>>
        %scatter3A_1079 = tpu.memref_squeeze %scatter3A_1078 : memref<1x8x8x129xf32, #tpu.memory_space<vmem>> -> memref<8x8x129xf32, #tpu.memory_space<vmem>>
        tpu.vector_store_idx %scatter3A_1079[%shift_right_arithmetic3A_5, %and3A_28, %broadcast_in_dim3A_1067], %get3A_1074 : memref<8x8x129xf32, #tpu.memory_space<vmem>>[vector<16xi32>, vector<16xi32>, vector<16xi32>], vector<16xf32>,
        %get3A_1080 = arith.constant 0 : i32
        %get3A_1081 = arith.constant 0 : i32
        %get3A_1082 = tpu.memref_slice %arg6[%scan3A_479, %get3A_1080, %get3A_1081] : memref<8x128x64xf32, #tpu.memory_space<vmem>> -> memref<1x128x64xf32, #tpu.memory_space<vmem>>
        %get3A_1083 = tpu.memref_squeeze %get3A_1082 : memref<1x128x64xf32, #tpu.memory_space<vmem>> -> memref<128x64xf32, #tpu.memory_space<vmem>>
        %get3A_1084 = arith.index_cast %add3A_1066 : i32 to index
        %get3A_1085 = arith.constant 16 : index
        %get3A_1086 = tpu.vector_load %get3A_1083[%get3A_1084, %get3A_1085] {strides = array<i32>} : memref<128x64xf32, #tpu.memory_space<vmem>>, vector<16xf32>,
        %scatter3A_1087 = arith.constant 0 : i32
        %scatter3A_1088 = arith.constant 0 : i32
        %scatter3A_1089 = arith.constant 0 : i32
        %scatter3A_1090 = tpu.memref_slice %arg7[%scan3A_480, %scatter3A_1087, %scatter3A_1088, %scatter3A_1089] : memref<2x8x8x129xf32, #tpu.memory_space<vmem>> -> memref<1x8x8x129xf32, #tpu.memory_space<vmem>>
        %scatter3A_1091 = tpu.memref_squeeze %scatter3A_1090 : memref<1x8x8x129xf32, #tpu.memory_space<vmem>> -> memref<8x8x129xf32, #tpu.memory_space<vmem>>
        tpu.vector_store_idx %scatter3A_1091[%shift_right_arithmetic3A_11, %and3A_34, %broadcast_in_dim3A_1067], %get3A_1086 : memref<8x8x129xf32, #tpu.memory_space<vmem>>[vector<16xi32>, vector<16xi32>, vector<16xi32>], vector<16xf32>,
        %get3A_1092 = arith.constant 0 : i32
        %get3A_1093 = arith.constant 0 : i32
        %get3A_1094 = tpu.memref_slice %arg6[%scan3A_479, %get3A_1092, %get3A_1093] : memref<8x128x64xf32, #tpu.memory_space<vmem>> -> memref<1x128x64xf32, #tpu.memory_space<vmem>>
        %get3A_1095 = tpu.memref_squeeze %get3A_1094 : memref<1x128x64xf32, #tpu.memory_space<vmem>> -> memref<128x64xf32, #tpu.memory_space<vmem>>
        %get3A_1096 = arith.index_cast %add3A_1066 : i32 to index
        %get3A_1097 = arith.constant 32 : index
        %get3A_1098 = tpu.vector_load %get3A_1095[%get3A_1096, %get3A_1097] {strides = array<i32>} : memref<128x64xf32, #tpu.memory_space<vmem>>, vector<16xf32>,
        %scatter3A_1099 = arith.constant 0 : i32
        %scatter3A_1100 = arith.constant 0 : i32
        %scatter3A_1101 = arith.constant 0 : i32
        %scatter3A_1102 = tpu.memref_slice %arg7[%scan3A_480, %scatter3A_1099, %scatter3A_1100, %scatter3A_1101] : memref<2x8x8x129xf32, #tpu.memory_space<vmem>> -> memref<1x8x8x129xf32, #tpu.memory_space<vmem>>
        %scatter3A_1103 = tpu.memref_squeeze %scatter3A_1102 : memref<1x8x8x129xf32, #tpu.memory_space<vmem>> -> memref<8x8x129xf32, #tpu.memory_space<vmem>>
        tpu.vector_store_idx %scatter3A_1103[%shift_right_arithmetic3A_17, %and3A_40, %broadcast_in_dim3A_1067], %get3A_1098 : memref<8x8x129xf32, #tpu.memory_space<vmem>>[vector<16xi32>, vector<16xi32>, vector<16xi32>], vector<16xf32>,
        %get3A_1104 = arith.constant 0 : i32
        %get3A_1105 = arith.constant 0 : i32
        %get3A_1106 = tpu.memref_slice %arg6[%scan3A_479, %get3A_1104, %get3A_1105] : memref<8x128x64xf32, #tpu.memory_space<vmem>> -> memref<1x128x64xf32, #tpu.memory_space<vmem>>
        %get3A_1107 = tpu.memref_squeeze %get3A_1106 : memref<1x128x64xf32, #tpu.memory_space<vmem>> -> memref<128x64xf32, #tpu.memory_space<vmem>>
        %get3A_1108 = arith.index_cast %add3A_1066 : i32 to index
        %get3A_1109 = arith.constant 48 : index
        %get3A_1110 = tpu.vector_load %get3A_1107[%get3A_1108, %get3A_1109] {strides = array<i32>} : memref<128x64xf32, #tpu.memory_space<vmem>>, vector<16xf32>,
        %scatter3A_1111 = arith.constant 0 : i32
        %scatter3A_1112 = arith.constant 0 : i32
        %scatter3A_1113 = arith.constant 0 : i32
        %scatter3A_1114 = tpu.memref_slice %arg7[%scan3A_480, %scatter3A_1111, %scatter3A_1112, %scatter3A_1113] : memref<2x8x8x129xf32, #tpu.memory_space<vmem>> -> memref<1x8x8x129xf32, #tpu.memory_space<vmem>>
        %scatter3A_1115 = tpu.memref_squeeze %scatter3A_1114 : memref<1x8x8x129xf32, #tpu.memory_space<vmem>> -> memref<8x8x129xf32, #tpu.memory_space<vmem>>
        tpu.vector_store_idx %scatter3A_1115[%shift_right_arithmetic3A_23, %and3A_46, %broadcast_in_dim3A_1067], %get3A_1110 : memref<8x8x129xf32, #tpu.memory_space<vmem>>[vector<16xi32>, vector<16xi32>, vector<16xi32>], vector<16xf32>,
        %add3A_1116 = arith.constant 2 : i32
        %add3A_1117 = arith.addi %add3A_1016, %add3A_1116 : i32
        %broadcast_in_dim3A_1118 = vector.broadcast %add3A_1117 : i32 to vector<16xi32>
        %get3A_1119 = arith.constant 0 : i32
        %get3A_1120 = arith.constant 0 : i32
        %get3A_1121 = tpu.memref_slice %arg6[%scan3A_479, %get3A_1119, %get3A_1120] : memref<8x128x64xf32, #tpu.memory_space<vmem>> -> memref<1x128x64xf32, #tpu.memory_space<vmem>>
        %get3A_1122 = tpu.memref_squeeze %get3A_1121 : memref<1x128x64xf32, #tpu.memory_space<vmem>> -> memref<128x64xf32, #tpu.memory_space<vmem>>
        %get3A_1123 = arith.index_cast %add3A_1117 : i32 to index
        %get3A_1124 = arith.constant 0 : index
        %get3A_1125 = tpu.vector_load %get3A_1122[%get3A_1123, %get3A_1124] {strides = array<i32>} : memref<128x64xf32, #tpu.memory_space<vmem>>, vector<16xf32>,
        %scatter3A_1126 = arith.constant 0 : i32
        %scatter3A_1127 = arith.constant 0 : i32
        %scatter3A_1128 = arith.constant 0 : i32
        %scatter3A_1129 = tpu.memref_slice %arg7[%scan3A_480, %scatter3A_1126, %scatter3A_1127, %scatter3A_1128] : memref<2x8x8x129xf32, #tpu.memory_space<vmem>> -> memref<1x8x8x129xf32, #tpu.memory_space<vmem>>
        %scatter3A_1130 = tpu.memref_squeeze %scatter3A_1129 : memref<1x8x8x129xf32, #tpu.memory_space<vmem>> -> memref<8x8x129xf32, #tpu.memory_space<vmem>>
        tpu.vector_store_idx %scatter3A_1130[%shift_right_arithmetic3A_5, %and3A_28, %broadcast_in_dim3A_1118], %get3A_1125 : memref<8x8x129xf32, #tpu.memory_space<vmem>>[vector<16xi32>, vector<16xi32>, vector<16xi32>], vector<16xf32>,
        %get3A_1131 = arith.constant 0 : i32
        %get3A_1132 = arith.constant 0 : i32
        %get3A_1133 = tpu.memref_slice %arg6[%scan3A_479, %get3A_1131, %get3A_1132] : memref<8x128x64xf32, #tpu.memory_space<vmem>> -> memref<1x128x64xf32, #tpu.memory_space<vmem>>
        %get3A_1134 = tpu.memref_squeeze %get3A_1133 : memref<1x128x64xf32, #tpu.memory_space<vmem>> -> memref<128x64xf32, #tpu.memory_space<vmem>>
        %get3A_1135 = arith.index_cast %add3A_1117 : i32 to index
        %get3A_1136 = arith.constant 16 : index
        %get3A_1137 = tpu.vector_load %get3A_1134[%get3A_1135, %get3A_1136] {strides = array<i32>} : memref<128x64xf32, #tpu.memory_space<vmem>>, vector<16xf32>,
        %scatter3A_1138 = arith.constant 0 : i32
        %scatter3A_1139 = arith.constant 0 : i32
        %scatter3A_1140 = arith.constant 0 : i32
        %scatter3A_1141 = tpu.memref_slice %arg7[%scan3A_480, %scatter3A_1138, %scatter3A_1139, %scatter3A_1140] : memref<2x8x8x129xf32, #tpu.memory_space<vmem>> -> memref<1x8x8x129xf32, #tpu.memory_space<vmem>>
        %scatter3A_1142 = tpu.memref_squeeze %scatter3A_1141 : memref<1x8x8x129xf32, #tpu.memory_space<vmem>> -> memref<8x8x129xf32, #tpu.memory_space<vmem>>
        tpu.vector_store_idx %scatter3A_1142[%shift_right_arithmetic3A_11, %and3A_34, %broadcast_in_dim3A_1118], %get3A_1137 : memref<8x8x129xf32, #tpu.memory_space<vmem>>[vector<16xi32>, vector<16xi32>, vector<16xi32>], vector<16xf32>,
        %get3A_1143 = arith.constant 0 : i32
        %get3A_1144 = arith.constant 0 : i32
        %get3A_1145 = tpu.memref_slice %arg6[%scan3A_479, %get3A_1143, %get3A_1144] : memref<8x128x64xf32, #tpu.memory_space<vmem>> -> memref<1x128x64xf32, #tpu.memory_space<vmem>>
        %get3A_1146 = tpu.memref_squeeze %get3A_1145 : memref<1x128x64xf32, #tpu.memory_space<vmem>> -> memref<128x64xf32, #tpu.memory_space<vmem>>
        %get3A_1147 = arith.index_cast %add3A_1117 : i32 to index
        %get3A_1148 = arith.constant 32 : index
        %get3A_1149 = tpu.vector_load %get3A_1146[%get3A_1147, %get3A_1148] {strides = array<i32>} : memref<128x64xf32, #tpu.memory_space<vmem>>, vector<16xf32>,
        %scatter3A_1150 = arith.constant 0 : i32
        %scatter3A_1151 = arith.constant 0 : i32
        %scatter3A_1152 = arith.constant 0 : i32
        %scatter3A_1153 = tpu.memref_slice %arg7[%scan3A_480, %scatter3A_1150, %scatter3A_1151, %scatter3A_1152] : memref<2x8x8x129xf32, #tpu.memory_space<vmem>> -> memref<1x8x8x129xf32, #tpu.memory_space<vmem>>
        %scatter3A_1154 = tpu.memref_squeeze %scatter3A_1153 : memref<1x8x8x129xf32, #tpu.memory_space<vmem>> -> memref<8x8x129xf32, #tpu.memory_space<vmem>>
        tpu.vector_store_idx %scatter3A_1154[%shift_right_arithmetic3A_17, %and3A_40, %broadcast_in_dim3A_1118], %get3A_1149 : memref<8x8x129xf32, #tpu.memory_space<vmem>>[vector<16xi32>, vector<16xi32>, vector<16xi32>], vector<16xf32>,
        %get3A_1155 = arith.constant 0 : i32
        %get3A_1156 = arith.constant 0 : i32
        %get3A_1157 = tpu.memref_slice %arg6[%scan3A_479, %get3A_1155, %get3A_1156] : memref<8x128x64xf32, #tpu.memory_space<vmem>> -> memref<1x128x64xf32, #tpu.memory_space<vmem>>
        %get3A_1158 = tpu.memref_squeeze %get3A_1157 : memref<1x128x64xf32, #tpu.memory_space<vmem>> -> memref<128x64xf32, #tpu.memory_space<vmem>>
        %get3A_1159 = arith.index_cast %add3A_1117 : i32 to index
        %get3A_1160 = arith.constant 48 : index
        %get3A_1161 = tpu.vector_load %get3A_1158[%get3A_1159, %get3A_1160] {strides = array<i32>} : memref<128x64xf32, #tpu.memory_space<vmem>>, vector<16xf32>,
        %scatter3A_1162 = arith.constant 0 : i32
        %scatter3A_1163 = arith.constant 0 : i32
        %scatter3A_1164 = arith.constant 0 : i32
        %scatter3A_1165 = tpu.memref_slice %arg7[%scan3A_480, %scatter3A_1162, %scatter3A_1163, %scatter3A_1164] : memref<2x8x8x129xf32, #tpu.memory_space<vmem>> -> memref<1x8x8x129xf32, #tpu.memory_space<vmem>>
        %scatter3A_1166 = tpu.memref_squeeze %scatter3A_1165 : memref<1x8x8x129xf32, #tpu.memory_space<vmem>> -> memref<8x8x129xf32, #tpu.memory_space<vmem>>
        tpu.vector_store_idx %scatter3A_1166[%shift_right_arithmetic3A_23, %and3A_46, %broadcast_in_dim3A_1118], %get3A_1161 : memref<8x8x129xf32, #tpu.memory_space<vmem>>[vector<16xi32>, vector<16xi32>, vector<16xi32>], vector<16xf32>,
        %add3A_1167 = arith.constant 3 : i32
        %add3A_1168 = arith.addi %add3A_1016, %add3A_1167 : i32
        %broadcast_in_dim3A_1169 = vector.broadcast %add3A_1168 : i32 to vector<16xi32>
        %get3A_1170 = arith.constant 0 : i32
        %get3A_1171 = arith.constant 0 : i32
        %get3A_1172 = tpu.memref_slice %arg6[%scan3A_479, %get3A_1170, %get3A_1171] : memref<8x128x64xf32, #tpu.memory_space<vmem>> -> memref<1x128x64xf32, #tpu.memory_space<vmem>>
        %get3A_1173 = tpu.memref_squeeze %get3A_1172 : memref<1x128x64xf32, #tpu.memory_space<vmem>> -> memref<128x64xf32, #tpu.memory_space<vmem>>
        %get3A_1174 = arith.index_cast %add3A_1168 : i32 to index
        %get3A_1175 = arith.constant 0 : index
        %get3A_1176 = tpu.vector_load %get3A_1173[%get3A_1174, %get3A_1175] {strides = array<i32>} : memref<128x64xf32, #tpu.memory_space<vmem>>, vector<16xf32>,
        %scatter3A_1177 = arith.constant 0 : i32
        %scatter3A_1178 = arith.constant 0 : i32
        %scatter3A_1179 = arith.constant 0 : i32
        %scatter3A_1180 = tpu.memref_slice %arg7[%scan3A_480, %scatter3A_1177, %scatter3A_1178, %scatter3A_1179] : memref<2x8x8x129xf32, #tpu.memory_space<vmem>> -> memref<1x8x8x129xf32, #tpu.memory_space<vmem>>
        %scatter3A_1181 = tpu.memref_squeeze %scatter3A_1180 : memref<1x8x8x129xf32, #tpu.memory_space<vmem>> -> memref<8x8x129xf32, #tpu.memory_space<vmem>>
        tpu.vector_store_idx %scatter3A_1181[%shift_right_arithmetic3A_5, %and3A_28, %broadcast_in_dim3A_1169], %get3A_1176 : memref<8x8x129xf32, #tpu.memory_space<vmem>>[vector<16xi32>, vector<16xi32>, vector<16xi32>], vector<16xf32>,
        %get3A_1182 = arith.constant 0 : i32
        %get3A_1183 = arith.constant 0 : i32
        %get3A_1184 = tpu.memref_slice %arg6[%scan3A_479, %get3A_1182, %get3A_1183] : memref<8x128x64xf32, #tpu.memory_space<vmem>> -> memref<1x128x64xf32, #tpu.memory_space<vmem>>
        %get3A_1185 = tpu.memref_squeeze %get3A_1184 : memref<1x128x64xf32, #tpu.memory_space<vmem>> -> memref<128x64xf32, #tpu.memory_space<vmem>>
        %get3A_1186 = arith.index_cast %add3A_1168 : i32 to index
        %get3A_1187 = arith.constant 16 : index
        %get3A_1188 = tpu.vector_load %get3A_1185[%get3A_1186, %get3A_1187] {strides = array<i32>} : memref<128x64xf32, #tpu.memory_space<vmem>>, vector<16xf32>,
        %scatter3A_1189 = arith.constant 0 : i32
        %scatter3A_1190 = arith.constant 0 : i32
        %scatter3A_1191 = arith.constant 0 : i32
        %scatter3A_1192 = tpu.memref_slice %arg7[%scan3A_480, %scatter3A_1189, %scatter3A_1190, %scatter3A_1191] : memref<2x8x8x129xf32, #tpu.memory_space<vmem>> -> memref<1x8x8x129xf32, #tpu.memory_space<vmem>>
        %scatter3A_1193 = tpu.memref_squeeze %scatter3A_1192 : memref<1x8x8x129xf32, #tpu.memory_space<vmem>> -> memref<8x8x129xf32, #tpu.memory_space<vmem>>
        tpu.vector_store_idx %scatter3A_1193[%shift_right_arithmetic3A_11, %and3A_34, %broadcast_in_dim3A_1169], %get3A_1188 : memref<8x8x129xf32, #tpu.memory_space<vmem>>[vector<16xi32>, vector<16xi32>, vector<16xi32>], vector<16xf32>,
        %get3A_1194 = arith.constant 0 : i32
        %get3A_1195 = arith.constant 0 : i32
        %get3A_1196 = tpu.memref_slice %arg6[%scan3A_479, %get3A_1194, %get3A_1195] : memref<8x128x64xf32, #tpu.memory_space<vmem>> -> memref<1x128x64xf32, #tpu.memory_space<vmem>>
        %get3A_1197 = tpu.memref_squeeze %get3A_1196 : memref<1x128x64xf32, #tpu.memory_space<vmem>> -> memref<128x64xf32, #tpu.memory_space<vmem>>
        %get3A_1198 = arith.index_cast %add3A_1168 : i32 to index
        %get3A_1199 = arith.constant 32 : index
        %get3A_1200 = tpu.vector_load %get3A_1197[%get3A_1198, %get3A_1199] {strides = array<i32>} : memref<128x64xf32, #tpu.memory_space<vmem>>, vector<16xf32>,
        %scatter3A_1201 = arith.constant 0 : i32
        %scatter3A_1202 = arith.constant 0 : i32
        %scatter3A_1203 = arith.constant 0 : i32
        %scatter3A_1204 = tpu.memref_slice %arg7[%scan3A_480, %scatter3A_1201, %scatter3A_1202, %scatter3A_1203] : memref<2x8x8x129xf32, #tpu.memory_space<vmem>> -> memref<1x8x8x129xf32, #tpu.memory_space<vmem>>
        %scatter3A_1205 = tpu.memref_squeeze %scatter3A_1204 : memref<1x8x8x129xf32, #tpu.memory_space<vmem>> -> memref<8x8x129xf32, #tpu.memory_space<vmem>>
        tpu.vector_store_idx %scatter3A_1205[%shift_right_arithmetic3A_17, %and3A_40, %broadcast_in_dim3A_1169], %get3A_1200 : memref<8x8x129xf32, #tpu.memory_space<vmem>>[vector<16xi32>, vector<16xi32>, vector<16xi32>], vector<16xf32>,
        %get3A_1206 = arith.constant 0 : i32
        %get3A_1207 = arith.constant 0 : i32
        %get3A_1208 = tpu.memref_slice %arg6[%scan3A_479, %get3A_1206, %get3A_1207] : memref<8x128x64xf32, #tpu.memory_space<vmem>> -> memref<1x128x64xf32, #tpu.memory_space<vmem>>
        %get3A_1209 = tpu.memref_squeeze %get3A_1208 : memref<1x128x64xf32, #tpu.memory_space<vmem>> -> memref<128x64xf32, #tpu.memory_space<vmem>>
        %get3A_1210 = arith.index_cast %add3A_1168 : i32 to index
        %get3A_1211 = arith.constant 48 : index
        %get3A_1212 = tpu.vector_load %get3A_1209[%get3A_1210, %get3A_1211] {strides = array<i32>} : memref<128x64xf32, #tpu.memory_space<vmem>>, vector<16xf32>,
        %scatter3A_1213 = arith.constant 0 : i32
        %scatter3A_1214 = arith.constant 0 : i32
        %scatter3A_1215 = arith.constant 0 : i32
        %scatter3A_1216 = tpu.memref_slice %arg7[%scan3A_480, %scatter3A_1213, %scatter3A_1214, %scatter3A_1215] : memref<2x8x8x129xf32, #tpu.memory_space<vmem>> -> memref<1x8x8x129xf32, #tpu.memory_space<vmem>>
        %scatter3A_1217 = tpu.memref_squeeze %scatter3A_1216 : memref<1x8x8x129xf32, #tpu.memory_space<vmem>> -> memref<8x8x129xf32, #tpu.memory_space<vmem>>
        tpu.vector_store_idx %scatter3A_1217[%shift_right_arithmetic3A_23, %and3A_46, %broadcast_in_dim3A_1169], %get3A_1212 : memref<8x8x129xf32, #tpu.memory_space<vmem>>[vector<16xi32>, vector<16xi32>, vector<16xi32>], vector<16xf32>,
      }
      %scan3A_485 = arith.constant 32 : i32
      %add3A_486 = arith.constant 8 : i32
      %add3A_487 = arith.addi %add3A_419, %add3A_486 : i32
      %lt3A_488 = arith.constant 200 : i32
      %lt3A_489 = arith.cmpi slt, %add3A_487, %lt3A_488 : i32
      %convert_element_type3A_490 = arith.extui %lt3A_489 : i1 to i32
      %cond3A_491 = arith.constant 0 : i32
      %cond3A_492 = arith.cmpi ne, %convert_element_type3A_490, %cond3A_491 : i32
      scf.if %cond3A_492 {
        %add3A_1012 = arith.constant 8 : i32
        %add3A_1013 = arith.addi %add3A_419, %add3A_1012 : i32
        %jit3A_1014 = arith.constant 8 : i32
        %div3A_1015 = arith.divsi %add3A_1013, %jit3A_1014 : i32
        %sign3A_1016 = arith.constant 0 : i32
        %sign3A_1017 = arith.cmpi sgt, %add3A_1013, %sign3A_1016 : i32
        %sign3A_1018 = arith.extui %sign3A_1017 : i1 to i32
        %sign3A_1019 = arith.constant 0 : i32
        %sign3A_1020 = arith.cmpi slt, %add3A_1013, %sign3A_1019 : i32
        %sign3A_1021 = arith.extui %sign3A_1020 : i1 to i32
        %sign3A_1022 = arith.subi %sign3A_1018, %sign3A_1021 : i32
        %sign3A_1023 = arith.constant 0 : i32
        %sign3A_1024 = arith.cmpi sgt, %jit3A_1014, %sign3A_1023 : i32
        %sign3A_1025 = arith.extui %sign3A_1024 : i1 to i32
        %sign3A_1026 = arith.constant 0 : i32
        %sign3A_1027 = arith.cmpi slt, %jit3A_1014, %sign3A_1026 : i32
        %sign3A_1028 = arith.extui %sign3A_1027 : i1 to i32
        %sign3A_1029 = arith.subi %sign3A_1025, %sign3A_1028 : i32
        %ne3A_1030 = arith.cmpi ne, %sign3A_1022, %sign3A_1029 : i32
        %rem3A_1031 = arith.remsi %add3A_1013, %jit3A_1014 : i32
        %ne3A_1032 = arith.constant 0 : i32
        %ne3A_1033 = arith.cmpi ne, %rem3A_1031, %ne3A_1032 : i32
        %and3A_1034 = arith.andi %ne3A_1030, %ne3A_1033 : i1
        %sub3A_1035 = arith.constant 1 : i32
        %sub3A_1036 = arith.subi %div3A_1015, %sub3A_1035 : i32
        %select_n3A_1037 = arith.select %and3A_1034, %sub3A_1036, %div3A_1015 : i32
        %add3A_1038 = arith.constant 8 : i32
        %add3A_1039 = arith.addi %add3A_419, %add3A_1038 : i32
        %jit3A_1040 = arith.constant 8 : i32
        %eq3A_1041 = arith.constant 0 : i32
        %eq3A_1042 = arith.cmpi eq, %jit3A_1040, %eq3A_1041 : i32
        %jit3A_1043 = arith.constant 1 : i32
        %select_n3A_1044 = arith.select %eq3A_1042, %jit3A_1043, %jit3A_1040 : i32
        %rem3A_1045 = arith.remsi %add3A_1039, %select_n3A_1044 : i32
        %ne3A_1046 = arith.constant 0 : i32
        %ne3A_1047 = arith.cmpi ne, %rem3A_1045, %ne3A_1046 : i32
        %lt3A_1048 = arith.constant 0 : i32
        %lt3A_1049 = arith.cmpi slt, %rem3A_1045, %lt3A_1048 : i32
        %lt3A_1050 = arith.constant 0 : i32
        %lt3A_1051 = arith.cmpi slt, %select_n3A_1044, %lt3A_1050 : i32
        %ne3A_1052 = arith.xori %lt3A_1049, %lt3A_1051 : i1
        %and3A_1053 = arith.andi %ne3A_1052, %ne3A_1047 : i1
        %add3A_1054 = arith.addi %rem3A_1045, %select_n3A_1044 : i32
        %select_n3A_1055 = arith.select %and3A_1053, %add3A_1054, %rem3A_1045 : i32
        %dma_start3A_1056 = arith.constant 2 : i32
        %dma_start3A_1057 = arith.constant 2 : i32
        %dma_start3A_1058 = arith.constant 0 : i32
        %dma_start3A_1059 = arith.constant 0 : i32
        %dma_start3A_1060 = tpu.memref_slice %arg6[%dma_start3A_1056, %dma_start3A_1058, %dma_start3A_1059] : memref<8x128x64xf32, #tpu.memory_space<vmem>> -> memref<1x128x64xf32, #tpu.memory_space<vmem>>
        %dma_start3A_1061 = tpu.memref_squeeze %dma_start3A_1060 : memref<1x128x64xf32, #tpu.memory_space<vmem>> -> memref<128x64xf32, #tpu.memory_space<vmem>>
        %dma_start3A_1062 = arith.constant 0 : i32
        %dma_start3A_1063 = tpu.memref_slice %arg5[%select_n3A_1037, %select_n3A_1055, %dma_start3A_1062] : memref<25x8x128xi32, #tpu.memory_space<vmem>> -> memref<1x1x128xi32, #tpu.memory_space<vmem>>
        %dma_start3A_1064 = tpu.memref_squeeze %dma_start3A_1063 : memref<1x1x128xi32, #tpu.memory_space<vmem>> -> memref<128xi32, #tpu.memory_space<vmem>>
        %dma_start3A_1065 = arith.constant 0 : i32
        %dma_start3A_1066 = arith.constant 0 : i32
        %dma_start3A_1067 = tpu.memref_slice %arg3[%dma_start3A_1065, %dma_start3A_1066] : memref<1000000x64xf32, #tpu.memory_space<hbm>> -> memref<1000000x64xf32, #tpu.memory_space<hbm>>
        %dma_start3A_1068 = tpu.memref_slice %arg8[%dma_start3A_1057] : memref<8x!tpu.dma_semaphore, #tpu.memory_space<semaphore_mem>> -> memref<1x!tpu.dma_semaphore, #tpu.memory_space<semaphore_mem>>
        %dma_start3A_1069 = tpu.memref_squeeze %dma_start3A_1068 : memref<1x!tpu.dma_semaphore, #tpu.memory_space<semaphore_mem>> -> memref<!tpu.dma_semaphore, #tpu.memory_space<semaphore_mem>>
        tpu.enqueue_indirect_dma source(%dma_start3A_1067 : memref<1000000x64xf32, #tpu.memory_space<hbm>>) target(%dma_start3A_1061 : memref<128x64xf32, #tpu.memory_space<vmem>>) offsets(%dma_start3A_1064 : memref<128xi32, #tpu.memory_space<vmem>>) semaphore(%dma_start3A_1069 : memref<!tpu.dma_semaphore, #tpu.memory_space<semaphore_mem>>)
      } else {
      }
      %dma_start3A_493 = arith.constant 0 : i32
      %dma_start3A_494 = arith.constant 0 : i32
      %dma_start3A_495 = arith.constant 0 : i32
      %dma_start3A_496 = arith.constant 0 : i32
      %dma_start3A_497 = arith.constant 0 : i32
      %dma_start3A_498 = tpu.memref_slice %arg7[%dma_start3A_493, %dma_start3A_495, %dma_start3A_496, %dma_start3A_497] : memref<2x8x8x129xf32, #tpu.memory_space<vmem>> -> memref<1x8x8x128xf32, #tpu.memory_space<vmem>>
      %dma_start3A_499 = tpu.memref_squeeze %dma_start3A_498 : memref<1x8x8x128xf32, #tpu.memory_space<vmem>> -> memref<8x8x128xf32, #tpu.memory_space<vmem>>
      %dma_start3A_500 = arith.constant 0 : i32
      %dma_start3A_501 = arith.constant 0 : i32
      %dma_start3A_502 = arith.constant 0 : i32
      %dma_start3A_503 = tpu.memref_slice %arg4[%add3A_419, %dma_start3A_500, %add3A, %dma_start3A_501, %dma_start3A_502] : memref<200x8x32x8x128xf32, #tpu.memory_space<hbm>> -> memref<1x8x1x8x128xf32, #tpu.memory_space<hbm>>
      %dma_start3A_504 = tpu.memref_squeeze %dma_start3A_503 : memref<1x8x1x8x128xf32, #tpu.memory_space<hbm>> -> memref<8x8x128xf32, #tpu.memory_space<hbm>>
      %dma_start3A_505 = tpu.memref_slice %arg9[%dma_start3A_494] : memref<2x!tpu.dma_semaphore, #tpu.memory_space<semaphore_mem>> -> memref<1x!tpu.dma_semaphore, #tpu.memory_space<semaphore_mem>>
      %dma_start3A_506 = tpu.memref_squeeze %dma_start3A_505 : memref<1x!tpu.dma_semaphore, #tpu.memory_space<semaphore_mem>> -> memref<!tpu.dma_semaphore, #tpu.memory_space<semaphore_mem>>
      %dma_start3A_507 = arith.constant 0 : i32
      %dma_start3A_508 = arith.constant 0 : i32
      %dma_start3A_509 = arith.constant 0 : i32
      %dma_start3A_510 = tpu.memref_slice %arg4[%add3A_419, %dma_start3A_507, %add3A, %dma_start3A_508, %dma_start3A_509] : memref<200x8x32x8x128xf32, #tpu.memory_space<hbm>> -> memref<1x8x1x8x128xf32, #tpu.memory_space<hbm>>
      %dma_start3A_511 = tpu.memref_squeeze %dma_start3A_510 : memref<1x8x1x8x128xf32, #tpu.memory_space<hbm>> -> memref<8x8x128xf32, #tpu.memory_space<hbm>>
      %dma_start3A_512 = arith.constant 0 : i32
      %dma_start3A_513 = arith.constant 0 : i32
      %dma_start3A_514 = arith.constant 0 : i32
      %dma_start3A_515 = tpu.memref_slice %arg7[%dma_start3A_493, %dma_start3A_512, %dma_start3A_513, %dma_start3A_514] : memref<2x8x8x129xf32, #tpu.memory_space<vmem>> -> memref<1x8x8x128xf32, #tpu.memory_space<vmem>>
      %dma_start3A_516 = tpu.memref_squeeze %dma_start3A_515 : memref<1x8x8x128xf32, #tpu.memory_space<vmem>> -> memref<8x8x128xf32, #tpu.memory_space<vmem>>
      tpu.enqueue_dma source(%dma_start3A_516 : memref<8x8x128xf32, #tpu.memory_space<vmem>>) target(%dma_start3A_511 : memref<8x8x128xf32, #tpu.memory_space<hbm>>) target_semaphore(%dma_start3A_506 : memref<!tpu.dma_semaphore, #tpu.memory_space<semaphore_mem>>)
      %add3A_517 = arith.constant 3 : i32
      %add3A_518 = arith.addi %add3A_231, %add3A_517 : i32
      %jit3A_519 = arith.constant 8 : i32
      %div3A_520 = arith.divsi %add3A_518, %jit3A_519 : i32
      %sign3A_521 = arith.constant 0 : i32
      %sign3A_522 = arith.cmpi sgt, %add3A_518, %sign3A_521 : i32
      %sign3A_523 = arith.extui %sign3A_522 : i1 to i32
      %sign3A_524 = arith.constant 0 : i32
      %sign3A_525 = arith.cmpi slt, %add3A_518, %sign3A_524 : i32
      %sign3A_526 = arith.extui %sign3A_525 : i1 to i32
      %sign3A_527 = arith.subi %sign3A_523, %sign3A_526 : i32
      %sign3A_528 = arith.constant 0 : i32
      %sign3A_529 = arith.cmpi sgt, %jit3A_519, %sign3A_528 : i32
      %sign3A_530 = arith.extui %sign3A_529 : i1 to i32
      %sign3A_531 = arith.constant 0 : i32
      %sign3A_532 = arith.cmpi slt, %jit3A_519, %sign3A_531 : i32
      %sign3A_533 = arith.extui %sign3A_532 : i1 to i32
      %sign3A_534 = arith.subi %sign3A_530, %sign3A_533 : i32
      %ne3A_535 = arith.cmpi ne, %sign3A_527, %sign3A_534 : i32
      %rem3A_536 = arith.remsi %add3A_518, %jit3A_519 : i32
      %ne3A_537 = arith.constant 0 : i32
      %ne3A_538 = arith.cmpi ne, %rem3A_536, %ne3A_537 : i32
      %and3A_539 = arith.andi %ne3A_535, %ne3A_538 : i1
      %sub3A_540 = arith.constant 1 : i32
      %sub3A_541 = arith.subi %div3A_520, %sub3A_540 : i32
      %select_n3A_542 = arith.select %and3A_539, %sub3A_541, %div3A_520 : i32
      %jit3A_543 = arith.constant 8 : i32
      %eq3A_544 = arith.constant 0 : i32
      %eq3A_545 = arith.cmpi eq, %jit3A_543, %eq3A_544 : i32
      %jit3A_546 = arith.constant 1 : i32
      %select_n3A_547 = arith.select %eq3A_545, %jit3A_546, %jit3A_543 : i32
      %rem3A_548 = arith.remsi %add3A_518, %select_n3A_547 : i32
      %ne3A_549 = arith.constant 0 : i32
      %ne3A_550 = arith.cmpi ne, %rem3A_548, %ne3A_549 : i32
      %lt3A_551 = arith.constant 0 : i32
      %lt3A_552 = arith.cmpi slt, %rem3A_548, %lt3A_551 : i32
      %lt3A_553 = arith.constant 0 : i32
      %lt3A_554 = arith.cmpi slt, %select_n3A_547, %lt3A_553 : i32
      %ne3A_555 = arith.xori %lt3A_552, %lt3A_554 : i1
      %and3A_556 = arith.andi %ne3A_555, %ne3A_550 : i1
      %add3A_557 = arith.addi %rem3A_548, %select_n3A_547 : i32
      %select_n3A_558 = arith.select %and3A_556, %add3A_557, %rem3A_548 : i32
      %dma_wait3A_559 = arith.constant 3 : i32
      %dma_wait3A_560 = arith.constant 3 : i32
      %dma_wait3A_561 = arith.constant 0 : i32
      %dma_wait3A_562 = arith.constant 0 : i32
      %dma_wait3A_563 = tpu.memref_slice %arg6[%dma_wait3A_559, %dma_wait3A_561, %dma_wait3A_562] : memref<8x128x64xf32, #tpu.memory_space<vmem>> -> memref<1x128x64xf32, #tpu.memory_space<vmem>>
      %dma_wait3A_564 = tpu.memref_squeeze %dma_wait3A_563 : memref<1x128x64xf32, #tpu.memory_space<vmem>> -> memref<128x64xf32, #tpu.memory_space<vmem>>
      %dma_wait3A_565 = arith.constant 0 : i32
      %dma_wait3A_566 = tpu.memref_slice %arg5[%select_n3A_542, %select_n3A_558, %dma_wait3A_565] : memref<25x8x128xi32, #tpu.memory_space<vmem>> -> memref<1x1x128xi32, #tpu.memory_space<vmem>>
      %dma_wait3A_567 = tpu.memref_squeeze %dma_wait3A_566 : memref<1x1x128xi32, #tpu.memory_space<vmem>> -> memref<128xi32, #tpu.memory_space<vmem>>
      %dma_wait3A_568 = arith.constant 0 : i32
      %dma_wait3A_569 = arith.constant 0 : i32
      %dma_wait3A_570 = tpu.memref_slice %arg3[%dma_wait3A_568, %dma_wait3A_569] : memref<1000000x64xf32, #tpu.memory_space<hbm>> -> memref<1000000x64xf32, #tpu.memory_space<hbm>>
      %dma_wait3A_571 = tpu.memref_slice %arg8[%dma_wait3A_560] : memref<8x!tpu.dma_semaphore, #tpu.memory_space<semaphore_mem>> -> memref<1x!tpu.dma_semaphore, #tpu.memory_space<semaphore_mem>>
      %dma_wait3A_572 = tpu.memref_squeeze %dma_wait3A_571 : memref<1x!tpu.dma_semaphore, #tpu.memory_space<semaphore_mem>> -> memref<!tpu.dma_semaphore, #tpu.memory_space<semaphore_mem>>
      tpu.wait_indirect_dma semaphore(%dma_wait3A_572 : memref<!tpu.dma_semaphore, #tpu.memory_space<semaphore_mem>>) src(%dma_wait3A_570 : memref<1000000x64xf32, #tpu.memory_space<hbm>>) dst(%dma_wait3A_564 : memref<128x64xf32, #tpu.memory_space<vmem>>)
      %ge3A_573 = arith.constant 2 : i32
      %ge3A_574 = arith.cmpi sge, %add3A_518, %ge3A_573 : i32
      %convert_element_type3A_575 = arith.extui %ge3A_574 : i1 to i32
      %cond3A_576 = arith.constant 0 : i32
      %cond3A_577 = arith.cmpi ne, %convert_element_type3A_575, %cond3A_576 : i32
      scf.if %cond3A_577 {
        %sub3A_1012 = arith.constant 2 : i32
        %sub3A_1013 = arith.subi %add3A_518, %sub3A_1012 : i32
        %dma_wait3A_1014 = arith.constant 1 : i32
        %dma_wait3A_1015 = arith.constant 1 : i32
        %dma_wait3A_1016 = arith.constant 0 : i32
        %dma_wait3A_1017 = arith.constant 0 : i32
        %dma_wait3A_1018 = arith.constant 0 : i32
        %dma_wait3A_1019 = tpu.memref_slice %arg7[%dma_wait3A_1014, %dma_wait3A_1016, %dma_wait3A_1017, %dma_wait3A_1018] : memref<2x8x8x129xf32, #tpu.memory_space<vmem>> -> memref<1x8x8x128xf32, #tpu.memory_space<vmem>>
        %dma_wait3A_1020 = tpu.memref_squeeze %dma_wait3A_1019 : memref<1x8x8x128xf32, #tpu.memory_space<vmem>> -> memref<8x8x128xf32, #tpu.memory_space<vmem>>
        %dma_wait3A_1021 = arith.constant 0 : i32
        %dma_wait3A_1022 = arith.constant 0 : i32
        %dma_wait3A_1023 = arith.constant 0 : i32
        %dma_wait3A_1024 = tpu.memref_slice %arg4[%sub3A_1013, %dma_wait3A_1021, %add3A, %dma_wait3A_1022, %dma_wait3A_1023] : memref<200x8x32x8x128xf32, #tpu.memory_space<hbm>> -> memref<1x8x1x8x128xf32, #tpu.memory_space<hbm>>
        %dma_wait3A_1025 = tpu.memref_squeeze %dma_wait3A_1024 : memref<1x8x1x8x128xf32, #tpu.memory_space<hbm>> -> memref<8x8x128xf32, #tpu.memory_space<hbm>>
        %dma_wait3A_1026 = tpu.memref_slice %arg9[%dma_wait3A_1015] : memref<2x!tpu.dma_semaphore, #tpu.memory_space<semaphore_mem>> -> memref<1x!tpu.dma_semaphore, #tpu.memory_space<semaphore_mem>>
        %dma_wait3A_1027 = tpu.memref_squeeze %dma_wait3A_1026 : memref<1x!tpu.dma_semaphore, #tpu.memory_space<semaphore_mem>> -> memref<!tpu.dma_semaphore, #tpu.memory_space<semaphore_mem>>
        %dma_wait3A_1028 = arith.constant 0 : i32
        %dma_wait3A_1029 = arith.constant 0 : i32
        %dma_wait3A_1030 = arith.constant 0 : i32
        %dma_wait3A_1031 = tpu.memref_slice %arg4[%sub3A_1013, %dma_wait3A_1028, %add3A, %dma_wait3A_1029, %dma_wait3A_1030] : memref<200x8x32x8x128xf32, #tpu.memory_space<hbm>> -> memref<1x8x1x8x128xf32, #tpu.memory_space<hbm>>
        %dma_wait3A_1032 = tpu.memref_squeeze %dma_wait3A_1031 : memref<1x8x1x8x128xf32, #tpu.memory_space<hbm>> -> memref<8x8x128xf32, #tpu.memory_space<hbm>>
        %dma_wait3A_1033 = arith.constant 0 : i32
        %dma_wait3A_1034 = arith.constant 0 : i32
        %dma_wait3A_1035 = arith.constant 0 : i32
        %dma_wait3A_1036 = tpu.memref_slice %arg7[%dma_wait3A_1014, %dma_wait3A_1033, %dma_wait3A_1034, %dma_wait3A_1035] : memref<2x8x8x129xf32, #tpu.memory_space<vmem>> -> memref<1x8x8x128xf32, #tpu.memory_space<vmem>>
        %dma_wait3A_1037 = tpu.memref_squeeze %dma_wait3A_1036 : memref<1x8x8x128xf32, #tpu.memory_space<vmem>> -> memref<8x8x128xf32, #tpu.memory_space<vmem>>
        tpu.wait_dma2 semaphore(%dma_wait3A_1027 : memref<!tpu.dma_semaphore, #tpu.memory_space<semaphore_mem>>) src(%dma_wait3A_1037 : memref<8x8x128xf32, #tpu.memory_space<vmem>>) dst(%dma_wait3A_1032 : memref<8x8x128xf32, #tpu.memory_space<hbm>>)
      } else {
      }
      %scan3A_578 = arith.constant 3 : i32
      %scan3A_579 = arith.constant 1 : i32
      %scan3A_580 = arith.constant 0 : i32
      %scan3A_581 = arith.constant 32 : i32
      %scan3A_582 = arith.addi %scan3A_580, %scan3A_581 : i32
      %scan3A_583 = arith.constant 1 : i32
      scf.for %scan3A_1012 = %scan3A_580 to %scan3A_582 step %scan3A_583  : i32 {
        %mul3A_1013 = arith.constant 4 : i32
        %mul3A_1014 = arith.muli %scan3A_1012, %mul3A_1013 : i32
        %add3A_1015 = arith.constant 0 : i32
        %add3A_1016 = arith.addi %add3A_1015, %mul3A_1014 : i32
        %add3A_1017 = arith.constant 0 : i32
        %add3A_1018 = arith.addi %add3A_1016, %add3A_1017 : i32
        %broadcast_in_dim3A = vector.broadcast %add3A_1018 : i32 to vector<16xi32>
        %get3A = arith.constant 0 : i32
        %get3A_1019 = arith.constant 0 : i32
        %get3A_1020 = tpu.memref_slice %arg6[%scan3A_578, %get3A, %get3A_1019] : memref<8x128x64xf32, #tpu.memory_space<vmem>> -> memref<1x128x64xf32, #tpu.memory_space<vmem>>
        %get3A_1021 = tpu.memref_squeeze %get3A_1020 : memref<1x128x64xf32, #tpu.memory_space<vmem>> -> memref<128x64xf32, #tpu.memory_space<vmem>>
        %get3A_1022 = arith.index_cast %add3A_1018 : i32 to index
        %get3A_1023 = arith.constant 0 : index
        %get3A_1024 = tpu.vector_load %get3A_1021[%get3A_1022, %get3A_1023] {strides = array<i32>} : memref<128x64xf32, #tpu.memory_space<vmem>>, vector<16xf32>,
        %scatter3A = arith.constant 0 : i32
        %scatter3A_1025 = arith.constant 0 : i32
        %scatter3A_1026 = arith.constant 0 : i32
        %scatter3A_1027 = tpu.memref_slice %arg7[%scan3A_579, %scatter3A, %scatter3A_1025, %scatter3A_1026] : memref<2x8x8x129xf32, #tpu.memory_space<vmem>> -> memref<1x8x8x129xf32, #tpu.memory_space<vmem>>
        %scatter3A_1028 = tpu.memref_squeeze %scatter3A_1027 : memref<1x8x8x129xf32, #tpu.memory_space<vmem>> -> memref<8x8x129xf32, #tpu.memory_space<vmem>>
        tpu.vector_store_idx %scatter3A_1028[%shift_right_arithmetic3A_5, %and3A_28, %broadcast_in_dim3A], %get3A_1024 : memref<8x8x129xf32, #tpu.memory_space<vmem>>[vector<16xi32>, vector<16xi32>, vector<16xi32>], vector<16xf32>,
        %get3A_1029 = arith.constant 0 : i32
        %get3A_1030 = arith.constant 0 : i32
        %get3A_1031 = tpu.memref_slice %arg6[%scan3A_578, %get3A_1029, %get3A_1030] : memref<8x128x64xf32, #tpu.memory_space<vmem>> -> memref<1x128x64xf32, #tpu.memory_space<vmem>>
        %get3A_1032 = tpu.memref_squeeze %get3A_1031 : memref<1x128x64xf32, #tpu.memory_space<vmem>> -> memref<128x64xf32, #tpu.memory_space<vmem>>
        %get3A_1033 = arith.index_cast %add3A_1018 : i32 to index
        %get3A_1034 = arith.constant 16 : index
        %get3A_1035 = tpu.vector_load %get3A_1032[%get3A_1033, %get3A_1034] {strides = array<i32>} : memref<128x64xf32, #tpu.memory_space<vmem>>, vector<16xf32>,
        %scatter3A_1036 = arith.constant 0 : i32
        %scatter3A_1037 = arith.constant 0 : i32
        %scatter3A_1038 = arith.constant 0 : i32
        %scatter3A_1039 = tpu.memref_slice %arg7[%scan3A_579, %scatter3A_1036, %scatter3A_1037, %scatter3A_1038] : memref<2x8x8x129xf32, #tpu.memory_space<vmem>> -> memref<1x8x8x129xf32, #tpu.memory_space<vmem>>
        %scatter3A_1040 = tpu.memref_squeeze %scatter3A_1039 : memref<1x8x8x129xf32, #tpu.memory_space<vmem>> -> memref<8x8x129xf32, #tpu.memory_space<vmem>>
        tpu.vector_store_idx %scatter3A_1040[%shift_right_arithmetic3A_11, %and3A_34, %broadcast_in_dim3A], %get3A_1035 : memref<8x8x129xf32, #tpu.memory_space<vmem>>[vector<16xi32>, vector<16xi32>, vector<16xi32>], vector<16xf32>,
        %get3A_1041 = arith.constant 0 : i32
        %get3A_1042 = arith.constant 0 : i32
        %get3A_1043 = tpu.memref_slice %arg6[%scan3A_578, %get3A_1041, %get3A_1042] : memref<8x128x64xf32, #tpu.memory_space<vmem>> -> memref<1x128x64xf32, #tpu.memory_space<vmem>>
        %get3A_1044 = tpu.memref_squeeze %get3A_1043 : memref<1x128x64xf32, #tpu.memory_space<vmem>> -> memref<128x64xf32, #tpu.memory_space<vmem>>
        %get3A_1045 = arith.index_cast %add3A_1018 : i32 to index
        %get3A_1046 = arith.constant 32 : index
        %get3A_1047 = tpu.vector_load %get3A_1044[%get3A_1045, %get3A_1046] {strides = array<i32>} : memref<128x64xf32, #tpu.memory_space<vmem>>, vector<16xf32>,
        %scatter3A_1048 = arith.constant 0 : i32
        %scatter3A_1049 = arith.constant 0 : i32
        %scatter3A_1050 = arith.constant 0 : i32
        %scatter3A_1051 = tpu.memref_slice %arg7[%scan3A_579, %scatter3A_1048, %scatter3A_1049, %scatter3A_1050] : memref<2x8x8x129xf32, #tpu.memory_space<vmem>> -> memref<1x8x8x129xf32, #tpu.memory_space<vmem>>
        %scatter3A_1052 = tpu.memref_squeeze %scatter3A_1051 : memref<1x8x8x129xf32, #tpu.memory_space<vmem>> -> memref<8x8x129xf32, #tpu.memory_space<vmem>>
        tpu.vector_store_idx %scatter3A_1052[%shift_right_arithmetic3A_17, %and3A_40, %broadcast_in_dim3A], %get3A_1047 : memref<8x8x129xf32, #tpu.memory_space<vmem>>[vector<16xi32>, vector<16xi32>, vector<16xi32>], vector<16xf32>,
        %get3A_1053 = arith.constant 0 : i32
        %get3A_1054 = arith.constant 0 : i32
        %get3A_1055 = tpu.memref_slice %arg6[%scan3A_578, %get3A_1053, %get3A_1054] : memref<8x128x64xf32, #tpu.memory_space<vmem>> -> memref<1x128x64xf32, #tpu.memory_space<vmem>>
        %get3A_1056 = tpu.memref_squeeze %get3A_1055 : memref<1x128x64xf32, #tpu.memory_space<vmem>> -> memref<128x64xf32, #tpu.memory_space<vmem>>
        %get3A_1057 = arith.index_cast %add3A_1018 : i32 to index
        %get3A_1058 = arith.constant 48 : index
        %get3A_1059 = tpu.vector_load %get3A_1056[%get3A_1057, %get3A_1058] {strides = array<i32>} : memref<128x64xf32, #tpu.memory_space<vmem>>, vector<16xf32>,
        %scatter3A_1060 = arith.constant 0 : i32
        %scatter3A_1061 = arith.constant 0 : i32
        %scatter3A_1062 = arith.constant 0 : i32
        %scatter3A_1063 = tpu.memref_slice %arg7[%scan3A_579, %scatter3A_1060, %scatter3A_1061, %scatter3A_1062] : memref<2x8x8x129xf32, #tpu.memory_space<vmem>> -> memref<1x8x8x129xf32, #tpu.memory_space<vmem>>
        %scatter3A_1064 = tpu.memref_squeeze %scatter3A_1063 : memref<1x8x8x129xf32, #tpu.memory_space<vmem>> -> memref<8x8x129xf32, #tpu.memory_space<vmem>>
        tpu.vector_store_idx %scatter3A_1064[%shift_right_arithmetic3A_23, %and3A_46, %broadcast_in_dim3A], %get3A_1059 : memref<8x8x129xf32, #tpu.memory_space<vmem>>[vector<16xi32>, vector<16xi32>, vector<16xi32>], vector<16xf32>,
        %add3A_1065 = arith.constant 1 : i32
        %add3A_1066 = arith.addi %add3A_1016, %add3A_1065 : i32
        %broadcast_in_dim3A_1067 = vector.broadcast %add3A_1066 : i32 to vector<16xi32>
        %get3A_1068 = arith.constant 0 : i32
        %get3A_1069 = arith.constant 0 : i32
        %get3A_1070 = tpu.memref_slice %arg6[%scan3A_578, %get3A_1068, %get3A_1069] : memref<8x128x64xf32, #tpu.memory_space<vmem>> -> memref<1x128x64xf32, #tpu.memory_space<vmem>>
        %get3A_1071 = tpu.memref_squeeze %get3A_1070 : memref<1x128x64xf32, #tpu.memory_space<vmem>> -> memref<128x64xf32, #tpu.memory_space<vmem>>
        %get3A_1072 = arith.index_cast %add3A_1066 : i32 to index
        %get3A_1073 = arith.constant 0 : index
        %get3A_1074 = tpu.vector_load %get3A_1071[%get3A_1072, %get3A_1073] {strides = array<i32>} : memref<128x64xf32, #tpu.memory_space<vmem>>, vector<16xf32>,
        %scatter3A_1075 = arith.constant 0 : i32
        %scatter3A_1076 = arith.constant 0 : i32
        %scatter3A_1077 = arith.constant 0 : i32
        %scatter3A_1078 = tpu.memref_slice %arg7[%scan3A_579, %scatter3A_1075, %scatter3A_1076, %scatter3A_1077] : memref<2x8x8x129xf32, #tpu.memory_space<vmem>> -> memref<1x8x8x129xf32, #tpu.memory_space<vmem>>
        %scatter3A_1079 = tpu.memref_squeeze %scatter3A_1078 : memref<1x8x8x129xf32, #tpu.memory_space<vmem>> -> memref<8x8x129xf32, #tpu.memory_space<vmem>>
        tpu.vector_store_idx %scatter3A_1079[%shift_right_arithmetic3A_5, %and3A_28, %broadcast_in_dim3A_1067], %get3A_1074 : memref<8x8x129xf32, #tpu.memory_space<vmem>>[vector<16xi32>, vector<16xi32>, vector<16xi32>], vector<16xf32>,
        %get3A_1080 = arith.constant 0 : i32
        %get3A_1081 = arith.constant 0 : i32
        %get3A_1082 = tpu.memref_slice %arg6[%scan3A_578, %get3A_1080, %get3A_1081] : memref<8x128x64xf32, #tpu.memory_space<vmem>> -> memref<1x128x64xf32, #tpu.memory_space<vmem>>
        %get3A_1083 = tpu.memref_squeeze %get3A_1082 : memref<1x128x64xf32, #tpu.memory_space<vmem>> -> memref<128x64xf32, #tpu.memory_space<vmem>>
        %get3A_1084 = arith.index_cast %add3A_1066 : i32 to index
        %get3A_1085 = arith.constant 16 : index
        %get3A_1086 = tpu.vector_load %get3A_1083[%get3A_1084, %get3A_1085] {strides = array<i32>} : memref<128x64xf32, #tpu.memory_space<vmem>>, vector<16xf32>,
        %scatter3A_1087 = arith.constant 0 : i32
        %scatter3A_1088 = arith.constant 0 : i32
        %scatter3A_1089 = arith.constant 0 : i32
        %scatter3A_1090 = tpu.memref_slice %arg7[%scan3A_579, %scatter3A_1087, %scatter3A_1088, %scatter3A_1089] : memref<2x8x8x129xf32, #tpu.memory_space<vmem>> -> memref<1x8x8x129xf32, #tpu.memory_space<vmem>>
        %scatter3A_1091 = tpu.memref_squeeze %scatter3A_1090 : memref<1x8x8x129xf32, #tpu.memory_space<vmem>> -> memref<8x8x129xf32, #tpu.memory_space<vmem>>
        tpu.vector_store_idx %scatter3A_1091[%shift_right_arithmetic3A_11, %and3A_34, %broadcast_in_dim3A_1067], %get3A_1086 : memref<8x8x129xf32, #tpu.memory_space<vmem>>[vector<16xi32>, vector<16xi32>, vector<16xi32>], vector<16xf32>,
        %get3A_1092 = arith.constant 0 : i32
        %get3A_1093 = arith.constant 0 : i32
        %get3A_1094 = tpu.memref_slice %arg6[%scan3A_578, %get3A_1092, %get3A_1093] : memref<8x128x64xf32, #tpu.memory_space<vmem>> -> memref<1x128x64xf32, #tpu.memory_space<vmem>>
        %get3A_1095 = tpu.memref_squeeze %get3A_1094 : memref<1x128x64xf32, #tpu.memory_space<vmem>> -> memref<128x64xf32, #tpu.memory_space<vmem>>
        %get3A_1096 = arith.index_cast %add3A_1066 : i32 to index
        %get3A_1097 = arith.constant 32 : index
        %get3A_1098 = tpu.vector_load %get3A_1095[%get3A_1096, %get3A_1097] {strides = array<i32>} : memref<128x64xf32, #tpu.memory_space<vmem>>, vector<16xf32>,
        %scatter3A_1099 = arith.constant 0 : i32
        %scatter3A_1100 = arith.constant 0 : i32
        %scatter3A_1101 = arith.constant 0 : i32
        %scatter3A_1102 = tpu.memref_slice %arg7[%scan3A_579, %scatter3A_1099, %scatter3A_1100, %scatter3A_1101] : memref<2x8x8x129xf32, #tpu.memory_space<vmem>> -> memref<1x8x8x129xf32, #tpu.memory_space<vmem>>
        %scatter3A_1103 = tpu.memref_squeeze %scatter3A_1102 : memref<1x8x8x129xf32, #tpu.memory_space<vmem>> -> memref<8x8x129xf32, #tpu.memory_space<vmem>>
        tpu.vector_store_idx %scatter3A_1103[%shift_right_arithmetic3A_17, %and3A_40, %broadcast_in_dim3A_1067], %get3A_1098 : memref<8x8x129xf32, #tpu.memory_space<vmem>>[vector<16xi32>, vector<16xi32>, vector<16xi32>], vector<16xf32>,
        %get3A_1104 = arith.constant 0 : i32
        %get3A_1105 = arith.constant 0 : i32
        %get3A_1106 = tpu.memref_slice %arg6[%scan3A_578, %get3A_1104, %get3A_1105] : memref<8x128x64xf32, #tpu.memory_space<vmem>> -> memref<1x128x64xf32, #tpu.memory_space<vmem>>
        %get3A_1107 = tpu.memref_squeeze %get3A_1106 : memref<1x128x64xf32, #tpu.memory_space<vmem>> -> memref<128x64xf32, #tpu.memory_space<vmem>>
        %get3A_1108 = arith.index_cast %add3A_1066 : i32 to index
        %get3A_1109 = arith.constant 48 : index
        %get3A_1110 = tpu.vector_load %get3A_1107[%get3A_1108, %get3A_1109] {strides = array<i32>} : memref<128x64xf32, #tpu.memory_space<vmem>>, vector<16xf32>,
        %scatter3A_1111 = arith.constant 0 : i32
        %scatter3A_1112 = arith.constant 0 : i32
        %scatter3A_1113 = arith.constant 0 : i32
        %scatter3A_1114 = tpu.memref_slice %arg7[%scan3A_579, %scatter3A_1111, %scatter3A_1112, %scatter3A_1113] : memref<2x8x8x129xf32, #tpu.memory_space<vmem>> -> memref<1x8x8x129xf32, #tpu.memory_space<vmem>>
        %scatter3A_1115 = tpu.memref_squeeze %scatter3A_1114 : memref<1x8x8x129xf32, #tpu.memory_space<vmem>> -> memref<8x8x129xf32, #tpu.memory_space<vmem>>
        tpu.vector_store_idx %scatter3A_1115[%shift_right_arithmetic3A_23, %and3A_46, %broadcast_in_dim3A_1067], %get3A_1110 : memref<8x8x129xf32, #tpu.memory_space<vmem>>[vector<16xi32>, vector<16xi32>, vector<16xi32>], vector<16xf32>,
        %add3A_1116 = arith.constant 2 : i32
        %add3A_1117 = arith.addi %add3A_1016, %add3A_1116 : i32
        %broadcast_in_dim3A_1118 = vector.broadcast %add3A_1117 : i32 to vector<16xi32>
        %get3A_1119 = arith.constant 0 : i32
        %get3A_1120 = arith.constant 0 : i32
        %get3A_1121 = tpu.memref_slice %arg6[%scan3A_578, %get3A_1119, %get3A_1120] : memref<8x128x64xf32, #tpu.memory_space<vmem>> -> memref<1x128x64xf32, #tpu.memory_space<vmem>>
        %get3A_1122 = tpu.memref_squeeze %get3A_1121 : memref<1x128x64xf32, #tpu.memory_space<vmem>> -> memref<128x64xf32, #tpu.memory_space<vmem>>
        %get3A_1123 = arith.index_cast %add3A_1117 : i32 to index
        %get3A_1124 = arith.constant 0 : index
        %get3A_1125 = tpu.vector_load %get3A_1122[%get3A_1123, %get3A_1124] {strides = array<i32>} : memref<128x64xf32, #tpu.memory_space<vmem>>, vector<16xf32>,
        %scatter3A_1126 = arith.constant 0 : i32
        %scatter3A_1127 = arith.constant 0 : i32
        %scatter3A_1128 = arith.constant 0 : i32
        %scatter3A_1129 = tpu.memref_slice %arg7[%scan3A_579, %scatter3A_1126, %scatter3A_1127, %scatter3A_1128] : memref<2x8x8x129xf32, #tpu.memory_space<vmem>> -> memref<1x8x8x129xf32, #tpu.memory_space<vmem>>
        %scatter3A_1130 = tpu.memref_squeeze %scatter3A_1129 : memref<1x8x8x129xf32, #tpu.memory_space<vmem>> -> memref<8x8x129xf32, #tpu.memory_space<vmem>>
        tpu.vector_store_idx %scatter3A_1130[%shift_right_arithmetic3A_5, %and3A_28, %broadcast_in_dim3A_1118], %get3A_1125 : memref<8x8x129xf32, #tpu.memory_space<vmem>>[vector<16xi32>, vector<16xi32>, vector<16xi32>], vector<16xf32>,
        %get3A_1131 = arith.constant 0 : i32
        %get3A_1132 = arith.constant 0 : i32
        %get3A_1133 = tpu.memref_slice %arg6[%scan3A_578, %get3A_1131, %get3A_1132] : memref<8x128x64xf32, #tpu.memory_space<vmem>> -> memref<1x128x64xf32, #tpu.memory_space<vmem>>
        %get3A_1134 = tpu.memref_squeeze %get3A_1133 : memref<1x128x64xf32, #tpu.memory_space<vmem>> -> memref<128x64xf32, #tpu.memory_space<vmem>>
        %get3A_1135 = arith.index_cast %add3A_1117 : i32 to index
        %get3A_1136 = arith.constant 16 : index
        %get3A_1137 = tpu.vector_load %get3A_1134[%get3A_1135, %get3A_1136] {strides = array<i32>} : memref<128x64xf32, #tpu.memory_space<vmem>>, vector<16xf32>,
        %scatter3A_1138 = arith.constant 0 : i32
        %scatter3A_1139 = arith.constant 0 : i32
        %scatter3A_1140 = arith.constant 0 : i32
        %scatter3A_1141 = tpu.memref_slice %arg7[%scan3A_579, %scatter3A_1138, %scatter3A_1139, %scatter3A_1140] : memref<2x8x8x129xf32, #tpu.memory_space<vmem>> -> memref<1x8x8x129xf32, #tpu.memory_space<vmem>>
        %scatter3A_1142 = tpu.memref_squeeze %scatter3A_1141 : memref<1x8x8x129xf32, #tpu.memory_space<vmem>> -> memref<8x8x129xf32, #tpu.memory_space<vmem>>
        tpu.vector_store_idx %scatter3A_1142[%shift_right_arithmetic3A_11, %and3A_34, %broadcast_in_dim3A_1118], %get3A_1137 : memref<8x8x129xf32, #tpu.memory_space<vmem>>[vector<16xi32>, vector<16xi32>, vector<16xi32>], vector<16xf32>,
        %get3A_1143 = arith.constant 0 : i32
        %get3A_1144 = arith.constant 0 : i32
        %get3A_1145 = tpu.memref_slice %arg6[%scan3A_578, %get3A_1143, %get3A_1144] : memref<8x128x64xf32, #tpu.memory_space<vmem>> -> memref<1x128x64xf32, #tpu.memory_space<vmem>>
        %get3A_1146 = tpu.memref_squeeze %get3A_1145 : memref<1x128x64xf32, #tpu.memory_space<vmem>> -> memref<128x64xf32, #tpu.memory_space<vmem>>
        %get3A_1147 = arith.index_cast %add3A_1117 : i32 to index
        %get3A_1148 = arith.constant 32 : index
        %get3A_1149 = tpu.vector_load %get3A_1146[%get3A_1147, %get3A_1148] {strides = array<i32>} : memref<128x64xf32, #tpu.memory_space<vmem>>, vector<16xf32>,
        %scatter3A_1150 = arith.constant 0 : i32
        %scatter3A_1151 = arith.constant 0 : i32
        %scatter3A_1152 = arith.constant 0 : i32
        %scatter3A_1153 = tpu.memref_slice %arg7[%scan3A_579, %scatter3A_1150, %scatter3A_1151, %scatter3A_1152] : memref<2x8x8x129xf32, #tpu.memory_space<vmem>> -> memref<1x8x8x129xf32, #tpu.memory_space<vmem>>
        %scatter3A_1154 = tpu.memref_squeeze %scatter3A_1153 : memref<1x8x8x129xf32, #tpu.memory_space<vmem>> -> memref<8x8x129xf32, #tpu.memory_space<vmem>>
        tpu.vector_store_idx %scatter3A_1154[%shift_right_arithmetic3A_17, %and3A_40, %broadcast_in_dim3A_1118], %get3A_1149 : memref<8x8x129xf32, #tpu.memory_space<vmem>>[vector<16xi32>, vector<16xi32>, vector<16xi32>], vector<16xf32>,
        %get3A_1155 = arith.constant 0 : i32
        %get3A_1156 = arith.constant 0 : i32
        %get3A_1157 = tpu.memref_slice %arg6[%scan3A_578, %get3A_1155, %get3A_1156] : memref<8x128x64xf32, #tpu.memory_space<vmem>> -> memref<1x128x64xf32, #tpu.memory_space<vmem>>
        %get3A_1158 = tpu.memref_squeeze %get3A_1157 : memref<1x128x64xf32, #tpu.memory_space<vmem>> -> memref<128x64xf32, #tpu.memory_space<vmem>>
        %get3A_1159 = arith.index_cast %add3A_1117 : i32 to index
        %get3A_1160 = arith.constant 48 : index
        %get3A_1161 = tpu.vector_load %get3A_1158[%get3A_1159, %get3A_1160] {strides = array<i32>} : memref<128x64xf32, #tpu.memory_space<vmem>>, vector<16xf32>,
        %scatter3A_1162 = arith.constant 0 : i32
        %scatter3A_1163 = arith.constant 0 : i32
        %scatter3A_1164 = arith.constant 0 : i32
        %scatter3A_1165 = tpu.memref_slice %arg7[%scan3A_579, %scatter3A_1162, %scatter3A_1163, %scatter3A_1164] : memref<2x8x8x129xf32, #tpu.memory_space<vmem>> -> memref<1x8x8x129xf32, #tpu.memory_space<vmem>>
        %scatter3A_1166 = tpu.memref_squeeze %scatter3A_1165 : memref<1x8x8x129xf32, #tpu.memory_space<vmem>> -> memref<8x8x129xf32, #tpu.memory_space<vmem>>
        tpu.vector_store_idx %scatter3A_1166[%shift_right_arithmetic3A_23, %and3A_46, %broadcast_in_dim3A_1118], %get3A_1161 : memref<8x8x129xf32, #tpu.memory_space<vmem>>[vector<16xi32>, vector<16xi32>, vector<16xi32>], vector<16xf32>,
        %add3A_1167 = arith.constant 3 : i32
        %add3A_1168 = arith.addi %add3A_1016, %add3A_1167 : i32
        %broadcast_in_dim3A_1169 = vector.broadcast %add3A_1168 : i32 to vector<16xi32>
        %get3A_1170 = arith.constant 0 : i32
        %get3A_1171 = arith.constant 0 : i32
        %get3A_1172 = tpu.memref_slice %arg6[%scan3A_578, %get3A_1170, %get3A_1171] : memref<8x128x64xf32, #tpu.memory_space<vmem>> -> memref<1x128x64xf32, #tpu.memory_space<vmem>>
        %get3A_1173 = tpu.memref_squeeze %get3A_1172 : memref<1x128x64xf32, #tpu.memory_space<vmem>> -> memref<128x64xf32, #tpu.memory_space<vmem>>
        %get3A_1174 = arith.index_cast %add3A_1168 : i32 to index
        %get3A_1175 = arith.constant 0 : index
        %get3A_1176 = tpu.vector_load %get3A_1173[%get3A_1174, %get3A_1175] {strides = array<i32>} : memref<128x64xf32, #tpu.memory_space<vmem>>, vector<16xf32>,
        %scatter3A_1177 = arith.constant 0 : i32
        %scatter3A_1178 = arith.constant 0 : i32
        %scatter3A_1179 = arith.constant 0 : i32
        %scatter3A_1180 = tpu.memref_slice %arg7[%scan3A_579, %scatter3A_1177, %scatter3A_1178, %scatter3A_1179] : memref<2x8x8x129xf32, #tpu.memory_space<vmem>> -> memref<1x8x8x129xf32, #tpu.memory_space<vmem>>
        %scatter3A_1181 = tpu.memref_squeeze %scatter3A_1180 : memref<1x8x8x129xf32, #tpu.memory_space<vmem>> -> memref<8x8x129xf32, #tpu.memory_space<vmem>>
        tpu.vector_store_idx %scatter3A_1181[%shift_right_arithmetic3A_5, %and3A_28, %broadcast_in_dim3A_1169], %get3A_1176 : memref<8x8x129xf32, #tpu.memory_space<vmem>>[vector<16xi32>, vector<16xi32>, vector<16xi32>], vector<16xf32>,
        %get3A_1182 = arith.constant 0 : i32
        %get3A_1183 = arith.constant 0 : i32
        %get3A_1184 = tpu.memref_slice %arg6[%scan3A_578, %get3A_1182, %get3A_1183] : memref<8x128x64xf32, #tpu.memory_space<vmem>> -> memref<1x128x64xf32, #tpu.memory_space<vmem>>
        %get3A_1185 = tpu.memref_squeeze %get3A_1184 : memref<1x128x64xf32, #tpu.memory_space<vmem>> -> memref<128x64xf32, #tpu.memory_space<vmem>>
        %get3A_1186 = arith.index_cast %add3A_1168 : i32 to index
        %get3A_1187 = arith.constant 16 : index
        %get3A_1188 = tpu.vector_load %get3A_1185[%get3A_1186, %get3A_1187] {strides = array<i32>} : memref<128x64xf32, #tpu.memory_space<vmem>>, vector<16xf32>,
        %scatter3A_1189 = arith.constant 0 : i32
        %scatter3A_1190 = arith.constant 0 : i32
        %scatter3A_1191 = arith.constant 0 : i32
        %scatter3A_1192 = tpu.memref_slice %arg7[%scan3A_579, %scatter3A_1189, %scatter3A_1190, %scatter3A_1191] : memref<2x8x8x129xf32, #tpu.memory_space<vmem>> -> memref<1x8x8x129xf32, #tpu.memory_space<vmem>>
        %scatter3A_1193 = tpu.memref_squeeze %scatter3A_1192 : memref<1x8x8x129xf32, #tpu.memory_space<vmem>> -> memref<8x8x129xf32, #tpu.memory_space<vmem>>
        tpu.vector_store_idx %scatter3A_1193[%shift_right_arithmetic3A_11, %and3A_34, %broadcast_in_dim3A_1169], %get3A_1188 : memref<8x8x129xf32, #tpu.memory_space<vmem>>[vector<16xi32>, vector<16xi32>, vector<16xi32>], vector<16xf32>,
        %get3A_1194 = arith.constant 0 : i32
        %get3A_1195 = arith.constant 0 : i32
        %get3A_1196 = tpu.memref_slice %arg6[%scan3A_578, %get3A_1194, %get3A_1195] : memref<8x128x64xf32, #tpu.memory_space<vmem>> -> memref<1x128x64xf32, #tpu.memory_space<vmem>>
        %get3A_1197 = tpu.memref_squeeze %get3A_1196 : memref<1x128x64xf32, #tpu.memory_space<vmem>> -> memref<128x64xf32, #tpu.memory_space<vmem>>
        %get3A_1198 = arith.index_cast %add3A_1168 : i32 to index
        %get3A_1199 = arith.constant 32 : index
        %get3A_1200 = tpu.vector_load %get3A_1197[%get3A_1198, %get3A_1199] {strides = array<i32>} : memref<128x64xf32, #tpu.memory_space<vmem>>, vector<16xf32>,
        %scatter3A_1201 = arith.constant 0 : i32
        %scatter3A_1202 = arith.constant 0 : i32
        %scatter3A_1203 = arith.constant 0 : i32
        %scatter3A_1204 = tpu.memref_slice %arg7[%scan3A_579, %scatter3A_1201, %scatter3A_1202, %scatter3A_1203] : memref<2x8x8x129xf32, #tpu.memory_space<vmem>> -> memref<1x8x8x129xf32, #tpu.memory_space<vmem>>
        %scatter3A_1205 = tpu.memref_squeeze %scatter3A_1204 : memref<1x8x8x129xf32, #tpu.memory_space<vmem>> -> memref<8x8x129xf32, #tpu.memory_space<vmem>>
        tpu.vector_store_idx %scatter3A_1205[%shift_right_arithmetic3A_17, %and3A_40, %broadcast_in_dim3A_1169], %get3A_1200 : memref<8x8x129xf32, #tpu.memory_space<vmem>>[vector<16xi32>, vector<16xi32>, vector<16xi32>], vector<16xf32>,
        %get3A_1206 = arith.constant 0 : i32
        %get3A_1207 = arith.constant 0 : i32
        %get3A_1208 = tpu.memref_slice %arg6[%scan3A_578, %get3A_1206, %get3A_1207] : memref<8x128x64xf32, #tpu.memory_space<vmem>> -> memref<1x128x64xf32, #tpu.memory_space<vmem>>
        %get3A_1209 = tpu.memref_squeeze %get3A_1208 : memref<1x128x64xf32, #tpu.memory_space<vmem>> -> memref<128x64xf32, #tpu.memory_space<vmem>>
        %get3A_1210 = arith.index_cast %add3A_1168 : i32 to index
        %get3A_1211 = arith.constant 48 : index
        %get3A_1212 = tpu.vector_load %get3A_1209[%get3A_1210, %get3A_1211] {strides = array<i32>} : memref<128x64xf32, #tpu.memory_space<vmem>>, vector<16xf32>,
        %scatter3A_1213 = arith.constant 0 : i32
        %scatter3A_1214 = arith.constant 0 : i32
        %scatter3A_1215 = arith.constant 0 : i32
        %scatter3A_1216 = tpu.memref_slice %arg7[%scan3A_579, %scatter3A_1213, %scatter3A_1214, %scatter3A_1215] : memref<2x8x8x129xf32, #tpu.memory_space<vmem>> -> memref<1x8x8x129xf32, #tpu.memory_space<vmem>>
        %scatter3A_1217 = tpu.memref_squeeze %scatter3A_1216 : memref<1x8x8x129xf32, #tpu.memory_space<vmem>> -> memref<8x8x129xf32, #tpu.memory_space<vmem>>
        tpu.vector_store_idx %scatter3A_1217[%shift_right_arithmetic3A_23, %and3A_46, %broadcast_in_dim3A_1169], %get3A_1212 : memref<8x8x129xf32, #tpu.memory_space<vmem>>[vector<16xi32>, vector<16xi32>, vector<16xi32>], vector<16xf32>,
      }
      %scan3A_584 = arith.constant 32 : i32
      %add3A_585 = arith.constant 8 : i32
      %add3A_586 = arith.addi %add3A_518, %add3A_585 : i32
      %lt3A_587 = arith.constant 200 : i32
      %lt3A_588 = arith.cmpi slt, %add3A_586, %lt3A_587 : i32
      %convert_element_type3A_589 = arith.extui %lt3A_588 : i1 to i32
      %cond3A_590 = arith.constant 0 : i32
      %cond3A_591 = arith.cmpi ne, %convert_element_type3A_589, %cond3A_590 : i32
      scf.if %cond3A_591 {
        %add3A_1012 = arith.constant 8 : i32
        %add3A_1013 = arith.addi %add3A_518, %add3A_1012 : i32
        %jit3A_1014 = arith.constant 8 : i32
        %div3A_1015 = arith.divsi %add3A_1013, %jit3A_1014 : i32
        %sign3A_1016 = arith.constant 0 : i32
        %sign3A_1017 = arith.cmpi sgt, %add3A_1013, %sign3A_1016 : i32
        %sign3A_1018 = arith.extui %sign3A_1017 : i1 to i32
        %sign3A_1019 = arith.constant 0 : i32
        %sign3A_1020 = arith.cmpi slt, %add3A_1013, %sign3A_1019 : i32
        %sign3A_1021 = arith.extui %sign3A_1020 : i1 to i32
        %sign3A_1022 = arith.subi %sign3A_1018, %sign3A_1021 : i32
        %sign3A_1023 = arith.constant 0 : i32
        %sign3A_1024 = arith.cmpi sgt, %jit3A_1014, %sign3A_1023 : i32
        %sign3A_1025 = arith.extui %sign3A_1024 : i1 to i32
        %sign3A_1026 = arith.constant 0 : i32
        %sign3A_1027 = arith.cmpi slt, %jit3A_1014, %sign3A_1026 : i32
        %sign3A_1028 = arith.extui %sign3A_1027 : i1 to i32
        %sign3A_1029 = arith.subi %sign3A_1025, %sign3A_1028 : i32
        %ne3A_1030 = arith.cmpi ne, %sign3A_1022, %sign3A_1029 : i32
        %rem3A_1031 = arith.remsi %add3A_1013, %jit3A_1014 : i32
        %ne3A_1032 = arith.constant 0 : i32
        %ne3A_1033 = arith.cmpi ne, %rem3A_1031, %ne3A_1032 : i32
        %and3A_1034 = arith.andi %ne3A_1030, %ne3A_1033 : i1
        %sub3A_1035 = arith.constant 1 : i32
        %sub3A_1036 = arith.subi %div3A_1015, %sub3A_1035 : i32
        %select_n3A_1037 = arith.select %and3A_1034, %sub3A_1036, %div3A_1015 : i32
        %add3A_1038 = arith.constant 8 : i32
        %add3A_1039 = arith.addi %add3A_518, %add3A_1038 : i32
        %jit3A_1040 = arith.constant 8 : i32
        %eq3A_1041 = arith.constant 0 : i32
        %eq3A_1042 = arith.cmpi eq, %jit3A_1040, %eq3A_1041 : i32
        %jit3A_1043 = arith.constant 1 : i32
        %select_n3A_1044 = arith.select %eq3A_1042, %jit3A_1043, %jit3A_1040 : i32
        %rem3A_1045 = arith.remsi %add3A_1039, %select_n3A_1044 : i32
        %ne3A_1046 = arith.constant 0 : i32
        %ne3A_1047 = arith.cmpi ne, %rem3A_1045, %ne3A_1046 : i32
        %lt3A_1048 = arith.constant 0 : i32
        %lt3A_1049 = arith.cmpi slt, %rem3A_1045, %lt3A_1048 : i32
        %lt3A_1050 = arith.constant 0 : i32
        %lt3A_1051 = arith.cmpi slt, %select_n3A_1044, %lt3A_1050 : i32
        %ne3A_1052 = arith.xori %lt3A_1049, %lt3A_1051 : i1
        %and3A_1053 = arith.andi %ne3A_1052, %ne3A_1047 : i1
        %add3A_1054 = arith.addi %rem3A_1045, %select_n3A_1044 : i32
        %select_n3A_1055 = arith.select %and3A_1053, %add3A_1054, %rem3A_1045 : i32
        %dma_start3A_1056 = arith.constant 3 : i32
        %dma_start3A_1057 = arith.constant 3 : i32
        %dma_start3A_1058 = arith.constant 0 : i32
        %dma_start3A_1059 = arith.constant 0 : i32
        %dma_start3A_1060 = tpu.memref_slice %arg6[%dma_start3A_1056, %dma_start3A_1058, %dma_start3A_1059] : memref<8x128x64xf32, #tpu.memory_space<vmem>> -> memref<1x128x64xf32, #tpu.memory_space<vmem>>
        %dma_start3A_1061 = tpu.memref_squeeze %dma_start3A_1060 : memref<1x128x64xf32, #tpu.memory_space<vmem>> -> memref<128x64xf32, #tpu.memory_space<vmem>>
        %dma_start3A_1062 = arith.constant 0 : i32
        %dma_start3A_1063 = tpu.memref_slice %arg5[%select_n3A_1037, %select_n3A_1055, %dma_start3A_1062] : memref<25x8x128xi32, #tpu.memory_space<vmem>> -> memref<1x1x128xi32, #tpu.memory_space<vmem>>
        %dma_start3A_1064 = tpu.memref_squeeze %dma_start3A_1063 : memref<1x1x128xi32, #tpu.memory_space<vmem>> -> memref<128xi32, #tpu.memory_space<vmem>>
        %dma_start3A_1065 = arith.constant 0 : i32
        %dma_start3A_1066 = arith.constant 0 : i32
        %dma_start3A_1067 = tpu.memref_slice %arg3[%dma_start3A_1065, %dma_start3A_1066] : memref<1000000x64xf32, #tpu.memory_space<hbm>> -> memref<1000000x64xf32, #tpu.memory_space<hbm>>
        %dma_start3A_1068 = tpu.memref_slice %arg8[%dma_start3A_1057] : memref<8x!tpu.dma_semaphore, #tpu.memory_space<semaphore_mem>> -> memref<1x!tpu.dma_semaphore, #tpu.memory_space<semaphore_mem>>
        %dma_start3A_1069 = tpu.memref_squeeze %dma_start3A_1068 : memref<1x!tpu.dma_semaphore, #tpu.memory_space<semaphore_mem>> -> memref<!tpu.dma_semaphore, #tpu.memory_space<semaphore_mem>>
        tpu.enqueue_indirect_dma source(%dma_start3A_1067 : memref<1000000x64xf32, #tpu.memory_space<hbm>>) target(%dma_start3A_1061 : memref<128x64xf32, #tpu.memory_space<vmem>>) offsets(%dma_start3A_1064 : memref<128xi32, #tpu.memory_space<vmem>>) semaphore(%dma_start3A_1069 : memref<!tpu.dma_semaphore, #tpu.memory_space<semaphore_mem>>)
      } else {
      }
      %dma_start3A_592 = arith.constant 1 : i32
      %dma_start3A_593 = arith.constant 1 : i32
      %dma_start3A_594 = arith.constant 0 : i32
      %dma_start3A_595 = arith.constant 0 : i32
      %dma_start3A_596 = arith.constant 0 : i32
      %dma_start3A_597 = tpu.memref_slice %arg7[%dma_start3A_592, %dma_start3A_594, %dma_start3A_595, %dma_start3A_596] : memref<2x8x8x129xf32, #tpu.memory_space<vmem>> -> memref<1x8x8x128xf32, #tpu.memory_space<vmem>>
      %dma_start3A_598 = tpu.memref_squeeze %dma_start3A_597 : memref<1x8x8x128xf32, #tpu.memory_space<vmem>> -> memref<8x8x128xf32, #tpu.memory_space<vmem>>
      %dma_start3A_599 = arith.constant 0 : i32
      %dma_start3A_600 = arith.constant 0 : i32
      %dma_start3A_601 = arith.constant 0 : i32
      %dma_start3A_602 = tpu.memref_slice %arg4[%add3A_518, %dma_start3A_599, %add3A, %dma_start3A_600, %dma_start3A_601] : memref<200x8x32x8x128xf32, #tpu.memory_space<hbm>> -> memref<1x8x1x8x128xf32, #tpu.memory_space<hbm>>
      %dma_start3A_603 = tpu.memref_squeeze %dma_start3A_602 : memref<1x8x1x8x128xf32, #tpu.memory_space<hbm>> -> memref<8x8x128xf32, #tpu.memory_space<hbm>>
      %dma_start3A_604 = tpu.memref_slice %arg9[%dma_start3A_593] : memref<2x!tpu.dma_semaphore, #tpu.memory_space<semaphore_mem>> -> memref<1x!tpu.dma_semaphore, #tpu.memory_space<semaphore_mem>>
      %dma_start3A_605 = tpu.memref_squeeze %dma_start3A_604 : memref<1x!tpu.dma_semaphore, #tpu.memory_space<semaphore_mem>> -> memref<!tpu.dma_semaphore, #tpu.memory_space<semaphore_mem>>
      %dma_start3A_606 = arith.constant 0 : i32
      %dma_start3A_607 = arith.constant 0 : i32
      %dma_start3A_608 = arith.constant 0 : i32
      %dma_start3A_609 = tpu.memref_slice %arg4[%add3A_518, %dma_start3A_606, %add3A, %dma_start3A_607, %dma_start3A_608] : memref<200x8x32x8x128xf32, #tpu.memory_space<hbm>> -> memref<1x8x1x8x128xf32, #tpu.memory_space<hbm>>
      %dma_start3A_610 = tpu.memref_squeeze %dma_start3A_609 : memref<1x8x1x8x128xf32, #tpu.memory_space<hbm>> -> memref<8x8x128xf32, #tpu.memory_space<hbm>>
      %dma_start3A_611 = arith.constant 0 : i32
      %dma_start3A_612 = arith.constant 0 : i32
      %dma_start3A_613 = arith.constant 0 : i32
      %dma_start3A_614 = tpu.memref_slice %arg7[%dma_start3A_592, %dma_start3A_611, %dma_start3A_612, %dma_start3A_613] : memref<2x8x8x129xf32, #tpu.memory_space<vmem>> -> memref<1x8x8x128xf32, #tpu.memory_space<vmem>>
      %dma_start3A_615 = tpu.memref_squeeze %dma_start3A_614 : memref<1x8x8x128xf32, #tpu.memory_space<vmem>> -> memref<8x8x128xf32, #tpu.memory_space<vmem>>
      tpu.enqueue_dma source(%dma_start3A_615 : memref<8x8x128xf32, #tpu.memory_space<vmem>>) target(%dma_start3A_610 : memref<8x8x128xf32, #tpu.memory_space<hbm>>) target_semaphore(%dma_start3A_605 : memref<!tpu.dma_semaphore, #tpu.memory_space<semaphore_mem>>)
      %add3A_616 = arith.constant 4 : i32
      %add3A_617 = arith.addi %add3A_231, %add3A_616 : i32
      %jit3A_618 = arith.constant 8 : i32
      %div3A_619 = arith.divsi %add3A_617, %jit3A_618 : i32
      %sign3A_620 = arith.constant 0 : i32
      %sign3A_621 = arith.cmpi sgt, %add3A_617, %sign3A_620 : i32
      %sign3A_622 = arith.extui %sign3A_621 : i1 to i32
      %sign3A_623 = arith.constant 0 : i32
      %sign3A_624 = arith.cmpi slt, %add3A_617, %sign3A_623 : i32
      %sign3A_625 = arith.extui %sign3A_624 : i1 to i32
      %sign3A_626 = arith.subi %sign3A_622, %sign3A_625 : i32
      %sign3A_627 = arith.constant 0 : i32
      %sign3A_628 = arith.cmpi sgt, %jit3A_618, %sign3A_627 : i32
      %sign3A_629 = arith.extui %sign3A_628 : i1 to i32
      %sign3A_630 = arith.constant 0 : i32
      %sign3A_631 = arith.cmpi slt, %jit3A_618, %sign3A_630 : i32
      %sign3A_632 = arith.extui %sign3A_631 : i1 to i32
      %sign3A_633 = arith.subi %sign3A_629, %sign3A_632 : i32
      %ne3A_634 = arith.cmpi ne, %sign3A_626, %sign3A_633 : i32
      %rem3A_635 = arith.remsi %add3A_617, %jit3A_618 : i32
      %ne3A_636 = arith.constant 0 : i32
      %ne3A_637 = arith.cmpi ne, %rem3A_635, %ne3A_636 : i32
      %and3A_638 = arith.andi %ne3A_634, %ne3A_637 : i1
      %sub3A_639 = arith.constant 1 : i32
      %sub3A_640 = arith.subi %div3A_619, %sub3A_639 : i32
      %select_n3A_641 = arith.select %and3A_638, %sub3A_640, %div3A_619 : i32
      %jit3A_642 = arith.constant 8 : i32
      %eq3A_643 = arith.constant 0 : i32
      %eq3A_644 = arith.cmpi eq, %jit3A_642, %eq3A_643 : i32
      %jit3A_645 = arith.constant 1 : i32
      %select_n3A_646 = arith.select %eq3A_644, %jit3A_645, %jit3A_642 : i32
      %rem3A_647 = arith.remsi %add3A_617, %select_n3A_646 : i32
      %ne3A_648 = arith.constant 0 : i32
      %ne3A_649 = arith.cmpi ne, %rem3A_647, %ne3A_648 : i32
      %lt3A_650 = arith.constant 0 : i32
      %lt3A_651 = arith.cmpi slt, %rem3A_647, %lt3A_650 : i32
      %lt3A_652 = arith.constant 0 : i32
      %lt3A_653 = arith.cmpi slt, %select_n3A_646, %lt3A_652 : i32
      %ne3A_654 = arith.xori %lt3A_651, %lt3A_653 : i1
      %and3A_655 = arith.andi %ne3A_654, %ne3A_649 : i1
      %add3A_656 = arith.addi %rem3A_647, %select_n3A_646 : i32
      %select_n3A_657 = arith.select %and3A_655, %add3A_656, %rem3A_647 : i32
      %dma_wait3A_658 = arith.constant 4 : i32
      %dma_wait3A_659 = arith.constant 4 : i32
      %dma_wait3A_660 = arith.constant 0 : i32
      %dma_wait3A_661 = arith.constant 0 : i32
      %dma_wait3A_662 = tpu.memref_slice %arg6[%dma_wait3A_658, %dma_wait3A_660, %dma_wait3A_661] : memref<8x128x64xf32, #tpu.memory_space<vmem>> -> memref<1x128x64xf32, #tpu.memory_space<vmem>>
      %dma_wait3A_663 = tpu.memref_squeeze %dma_wait3A_662 : memref<1x128x64xf32, #tpu.memory_space<vmem>> -> memref<128x64xf32, #tpu.memory_space<vmem>>
      %dma_wait3A_664 = arith.constant 0 : i32
      %dma_wait3A_665 = tpu.memref_slice %arg5[%select_n3A_641, %select_n3A_657, %dma_wait3A_664] : memref<25x8x128xi32, #tpu.memory_space<vmem>> -> memref<1x1x128xi32, #tpu.memory_space<vmem>>
      %dma_wait3A_666 = tpu.memref_squeeze %dma_wait3A_665 : memref<1x1x128xi32, #tpu.memory_space<vmem>> -> memref<128xi32, #tpu.memory_space<vmem>>
      %dma_wait3A_667 = arith.constant 0 : i32
      %dma_wait3A_668 = arith.constant 0 : i32
      %dma_wait3A_669 = tpu.memref_slice %arg3[%dma_wait3A_667, %dma_wait3A_668] : memref<1000000x64xf32, #tpu.memory_space<hbm>> -> memref<1000000x64xf32, #tpu.memory_space<hbm>>
      %dma_wait3A_670 = tpu.memref_slice %arg8[%dma_wait3A_659] : memref<8x!tpu.dma_semaphore, #tpu.memory_space<semaphore_mem>> -> memref<1x!tpu.dma_semaphore, #tpu.memory_space<semaphore_mem>>
      %dma_wait3A_671 = tpu.memref_squeeze %dma_wait3A_670 : memref<1x!tpu.dma_semaphore, #tpu.memory_space<semaphore_mem>> -> memref<!tpu.dma_semaphore, #tpu.memory_space<semaphore_mem>>
      tpu.wait_indirect_dma semaphore(%dma_wait3A_671 : memref<!tpu.dma_semaphore, #tpu.memory_space<semaphore_mem>>) src(%dma_wait3A_669 : memref<1000000x64xf32, #tpu.memory_space<hbm>>) dst(%dma_wait3A_663 : memref<128x64xf32, #tpu.memory_space<vmem>>)
      %ge3A_672 = arith.constant 2 : i32
      %ge3A_673 = arith.cmpi sge, %add3A_617, %ge3A_672 : i32
      %convert_element_type3A_674 = arith.extui %ge3A_673 : i1 to i32
      %cond3A_675 = arith.constant 0 : i32
      %cond3A_676 = arith.cmpi ne, %convert_element_type3A_674, %cond3A_675 : i32
      scf.if %cond3A_676 {
        %sub3A_1012 = arith.constant 2 : i32
        %sub3A_1013 = arith.subi %add3A_617, %sub3A_1012 : i32
        %dma_wait3A_1014 = arith.constant 0 : i32
        %dma_wait3A_1015 = arith.constant 0 : i32
        %dma_wait3A_1016 = arith.constant 0 : i32
        %dma_wait3A_1017 = arith.constant 0 : i32
        %dma_wait3A_1018 = arith.constant 0 : i32
        %dma_wait3A_1019 = tpu.memref_slice %arg7[%dma_wait3A_1014, %dma_wait3A_1016, %dma_wait3A_1017, %dma_wait3A_1018] : memref<2x8x8x129xf32, #tpu.memory_space<vmem>> -> memref<1x8x8x128xf32, #tpu.memory_space<vmem>>
        %dma_wait3A_1020 = tpu.memref_squeeze %dma_wait3A_1019 : memref<1x8x8x128xf32, #tpu.memory_space<vmem>> -> memref<8x8x128xf32, #tpu.memory_space<vmem>>
        %dma_wait3A_1021 = arith.constant 0 : i32
        %dma_wait3A_1022 = arith.constant 0 : i32
        %dma_wait3A_1023 = arith.constant 0 : i32
        %dma_wait3A_1024 = tpu.memref_slice %arg4[%sub3A_1013, %dma_wait3A_1021, %add3A, %dma_wait3A_1022, %dma_wait3A_1023] : memref<200x8x32x8x128xf32, #tpu.memory_space<hbm>> -> memref<1x8x1x8x128xf32, #tpu.memory_space<hbm>>
        %dma_wait3A_1025 = tpu.memref_squeeze %dma_wait3A_1024 : memref<1x8x1x8x128xf32, #tpu.memory_space<hbm>> -> memref<8x8x128xf32, #tpu.memory_space<hbm>>
        %dma_wait3A_1026 = tpu.memref_slice %arg9[%dma_wait3A_1015] : memref<2x!tpu.dma_semaphore, #tpu.memory_space<semaphore_mem>> -> memref<1x!tpu.dma_semaphore, #tpu.memory_space<semaphore_mem>>
        %dma_wait3A_1027 = tpu.memref_squeeze %dma_wait3A_1026 : memref<1x!tpu.dma_semaphore, #tpu.memory_space<semaphore_mem>> -> memref<!tpu.dma_semaphore, #tpu.memory_space<semaphore_mem>>
        %dma_wait3A_1028 = arith.constant 0 : i32
        %dma_wait3A_1029 = arith.constant 0 : i32
        %dma_wait3A_1030 = arith.constant 0 : i32
        %dma_wait3A_1031 = tpu.memref_slice %arg4[%sub3A_1013, %dma_wait3A_1028, %add3A, %dma_wait3A_1029, %dma_wait3A_1030] : memref<200x8x32x8x128xf32, #tpu.memory_space<hbm>> -> memref<1x8x1x8x128xf32, #tpu.memory_space<hbm>>
        %dma_wait3A_1032 = tpu.memref_squeeze %dma_wait3A_1031 : memref<1x8x1x8x128xf32, #tpu.memory_space<hbm>> -> memref<8x8x128xf32, #tpu.memory_space<hbm>>
        %dma_wait3A_1033 = arith.constant 0 : i32
        %dma_wait3A_1034 = arith.constant 0 : i32
        %dma_wait3A_1035 = arith.constant 0 : i32
        %dma_wait3A_1036 = tpu.memref_slice %arg7[%dma_wait3A_1014, %dma_wait3A_1033, %dma_wait3A_1034, %dma_wait3A_1035] : memref<2x8x8x129xf32, #tpu.memory_space<vmem>> -> memref<1x8x8x128xf32, #tpu.memory_space<vmem>>
        %dma_wait3A_1037 = tpu.memref_squeeze %dma_wait3A_1036 : memref<1x8x8x128xf32, #tpu.memory_space<vmem>> -> memref<8x8x128xf32, #tpu.memory_space<vmem>>
        tpu.wait_dma2 semaphore(%dma_wait3A_1027 : memref<!tpu.dma_semaphore, #tpu.memory_space<semaphore_mem>>) src(%dma_wait3A_1037 : memref<8x8x128xf32, #tpu.memory_space<vmem>>) dst(%dma_wait3A_1032 : memref<8x8x128xf32, #tpu.memory_space<hbm>>)
      } else {
      }
      %scan3A_677 = arith.constant 4 : i32
      %scan3A_678 = arith.constant 0 : i32
      %scan3A_679 = arith.constant 0 : i32
      %scan3A_680 = arith.constant 32 : i32
      %scan3A_681 = arith.addi %scan3A_679, %scan3A_680 : i32
      %scan3A_682 = arith.constant 1 : i32
      scf.for %scan3A_1012 = %scan3A_679 to %scan3A_681 step %scan3A_682  : i32 {
        %mul3A_1013 = arith.constant 4 : i32
        %mul3A_1014 = arith.muli %scan3A_1012, %mul3A_1013 : i32
        %add3A_1015 = arith.constant 0 : i32
        %add3A_1016 = arith.addi %add3A_1015, %mul3A_1014 : i32
        %add3A_1017 = arith.constant 0 : i32
        %add3A_1018 = arith.addi %add3A_1016, %add3A_1017 : i32
        %broadcast_in_dim3A = vector.broadcast %add3A_1018 : i32 to vector<16xi32>
        %get3A = arith.constant 0 : i32
        %get3A_1019 = arith.constant 0 : i32
        %get3A_1020 = tpu.memref_slice %arg6[%scan3A_677, %get3A, %get3A_1019] : memref<8x128x64xf32, #tpu.memory_space<vmem>> -> memref<1x128x64xf32, #tpu.memory_space<vmem>>
        %get3A_1021 = tpu.memref_squeeze %get3A_1020 : memref<1x128x64xf32, #tpu.memory_space<vmem>> -> memref<128x64xf32, #tpu.memory_space<vmem>>
        %get3A_1022 = arith.index_cast %add3A_1018 : i32 to index
        %get3A_1023 = arith.constant 0 : index
        %get3A_1024 = tpu.vector_load %get3A_1021[%get3A_1022, %get3A_1023] {strides = array<i32>} : memref<128x64xf32, #tpu.memory_space<vmem>>, vector<16xf32>,
        %scatter3A = arith.constant 0 : i32
        %scatter3A_1025 = arith.constant 0 : i32
        %scatter3A_1026 = arith.constant 0 : i32
        %scatter3A_1027 = tpu.memref_slice %arg7[%scan3A_678, %scatter3A, %scatter3A_1025, %scatter3A_1026] : memref<2x8x8x129xf32, #tpu.memory_space<vmem>> -> memref<1x8x8x129xf32, #tpu.memory_space<vmem>>
        %scatter3A_1028 = tpu.memref_squeeze %scatter3A_1027 : memref<1x8x8x129xf32, #tpu.memory_space<vmem>> -> memref<8x8x129xf32, #tpu.memory_space<vmem>>
        tpu.vector_store_idx %scatter3A_1028[%shift_right_arithmetic3A_5, %and3A_28, %broadcast_in_dim3A], %get3A_1024 : memref<8x8x129xf32, #tpu.memory_space<vmem>>[vector<16xi32>, vector<16xi32>, vector<16xi32>], vector<16xf32>,
        %get3A_1029 = arith.constant 0 : i32
        %get3A_1030 = arith.constant 0 : i32
        %get3A_1031 = tpu.memref_slice %arg6[%scan3A_677, %get3A_1029, %get3A_1030] : memref<8x128x64xf32, #tpu.memory_space<vmem>> -> memref<1x128x64xf32, #tpu.memory_space<vmem>>
        %get3A_1032 = tpu.memref_squeeze %get3A_1031 : memref<1x128x64xf32, #tpu.memory_space<vmem>> -> memref<128x64xf32, #tpu.memory_space<vmem>>
        %get3A_1033 = arith.index_cast %add3A_1018 : i32 to index
        %get3A_1034 = arith.constant 16 : index
        %get3A_1035 = tpu.vector_load %get3A_1032[%get3A_1033, %get3A_1034] {strides = array<i32>} : memref<128x64xf32, #tpu.memory_space<vmem>>, vector<16xf32>,
        %scatter3A_1036 = arith.constant 0 : i32
        %scatter3A_1037 = arith.constant 0 : i32
        %scatter3A_1038 = arith.constant 0 : i32
        %scatter3A_1039 = tpu.memref_slice %arg7[%scan3A_678, %scatter3A_1036, %scatter3A_1037, %scatter3A_1038] : memref<2x8x8x129xf32, #tpu.memory_space<vmem>> -> memref<1x8x8x129xf32, #tpu.memory_space<vmem>>
        %scatter3A_1040 = tpu.memref_squeeze %scatter3A_1039 : memref<1x8x8x129xf32, #tpu.memory_space<vmem>> -> memref<8x8x129xf32, #tpu.memory_space<vmem>>
        tpu.vector_store_idx %scatter3A_1040[%shift_right_arithmetic3A_11, %and3A_34, %broadcast_in_dim3A], %get3A_1035 : memref<8x8x129xf32, #tpu.memory_space<vmem>>[vector<16xi32>, vector<16xi32>, vector<16xi32>], vector<16xf32>,
        %get3A_1041 = arith.constant 0 : i32
        %get3A_1042 = arith.constant 0 : i32
        %get3A_1043 = tpu.memref_slice %arg6[%scan3A_677, %get3A_1041, %get3A_1042] : memref<8x128x64xf32, #tpu.memory_space<vmem>> -> memref<1x128x64xf32, #tpu.memory_space<vmem>>
        %get3A_1044 = tpu.memref_squeeze %get3A_1043 : memref<1x128x64xf32, #tpu.memory_space<vmem>> -> memref<128x64xf32, #tpu.memory_space<vmem>>
        %get3A_1045 = arith.index_cast %add3A_1018 : i32 to index
        %get3A_1046 = arith.constant 32 : index
        %get3A_1047 = tpu.vector_load %get3A_1044[%get3A_1045, %get3A_1046] {strides = array<i32>} : memref<128x64xf32, #tpu.memory_space<vmem>>, vector<16xf32>,
        %scatter3A_1048 = arith.constant 0 : i32
        %scatter3A_1049 = arith.constant 0 : i32
        %scatter3A_1050 = arith.constant 0 : i32
        %scatter3A_1051 = tpu.memref_slice %arg7[%scan3A_678, %scatter3A_1048, %scatter3A_1049, %scatter3A_1050] : memref<2x8x8x129xf32, #tpu.memory_space<vmem>> -> memref<1x8x8x129xf32, #tpu.memory_space<vmem>>
        %scatter3A_1052 = tpu.memref_squeeze %scatter3A_1051 : memref<1x8x8x129xf32, #tpu.memory_space<vmem>> -> memref<8x8x129xf32, #tpu.memory_space<vmem>>
        tpu.vector_store_idx %scatter3A_1052[%shift_right_arithmetic3A_17, %and3A_40, %broadcast_in_dim3A], %get3A_1047 : memref<8x8x129xf32, #tpu.memory_space<vmem>>[vector<16xi32>, vector<16xi32>, vector<16xi32>], vector<16xf32>,
        %get3A_1053 = arith.constant 0 : i32
        %get3A_1054 = arith.constant 0 : i32
        %get3A_1055 = tpu.memref_slice %arg6[%scan3A_677, %get3A_1053, %get3A_1054] : memref<8x128x64xf32, #tpu.memory_space<vmem>> -> memref<1x128x64xf32, #tpu.memory_space<vmem>>
        %get3A_1056 = tpu.memref_squeeze %get3A_1055 : memref<1x128x64xf32, #tpu.memory_space<vmem>> -> memref<128x64xf32, #tpu.memory_space<vmem>>
        %get3A_1057 = arith.index_cast %add3A_1018 : i32 to index
        %get3A_1058 = arith.constant 48 : index
        %get3A_1059 = tpu.vector_load %get3A_1056[%get3A_1057, %get3A_1058] {strides = array<i32>} : memref<128x64xf32, #tpu.memory_space<vmem>>, vector<16xf32>,
        %scatter3A_1060 = arith.constant 0 : i32
        %scatter3A_1061 = arith.constant 0 : i32
        %scatter3A_1062 = arith.constant 0 : i32
        %scatter3A_1063 = tpu.memref_slice %arg7[%scan3A_678, %scatter3A_1060, %scatter3A_1061, %scatter3A_1062] : memref<2x8x8x129xf32, #tpu.memory_space<vmem>> -> memref<1x8x8x129xf32, #tpu.memory_space<vmem>>
        %scatter3A_1064 = tpu.memref_squeeze %scatter3A_1063 : memref<1x8x8x129xf32, #tpu.memory_space<vmem>> -> memref<8x8x129xf32, #tpu.memory_space<vmem>>
        tpu.vector_store_idx %scatter3A_1064[%shift_right_arithmetic3A_23, %and3A_46, %broadcast_in_dim3A], %get3A_1059 : memref<8x8x129xf32, #tpu.memory_space<vmem>>[vector<16xi32>, vector<16xi32>, vector<16xi32>], vector<16xf32>,
        %add3A_1065 = arith.constant 1 : i32
        %add3A_1066 = arith.addi %add3A_1016, %add3A_1065 : i32
        %broadcast_in_dim3A_1067 = vector.broadcast %add3A_1066 : i32 to vector<16xi32>
        %get3A_1068 = arith.constant 0 : i32
        %get3A_1069 = arith.constant 0 : i32
        %get3A_1070 = tpu.memref_slice %arg6[%scan3A_677, %get3A_1068, %get3A_1069] : memref<8x128x64xf32, #tpu.memory_space<vmem>> -> memref<1x128x64xf32, #tpu.memory_space<vmem>>
        %get3A_1071 = tpu.memref_squeeze %get3A_1070 : memref<1x128x64xf32, #tpu.memory_space<vmem>> -> memref<128x64xf32, #tpu.memory_space<vmem>>
        %get3A_1072 = arith.index_cast %add3A_1066 : i32 to index
        %get3A_1073 = arith.constant 0 : index
        %get3A_1074 = tpu.vector_load %get3A_1071[%get3A_1072, %get3A_1073] {strides = array<i32>} : memref<128x64xf32, #tpu.memory_space<vmem>>, vector<16xf32>,
        %scatter3A_1075 = arith.constant 0 : i32
        %scatter3A_1076 = arith.constant 0 : i32
        %scatter3A_1077 = arith.constant 0 : i32
        %scatter3A_1078 = tpu.memref_slice %arg7[%scan3A_678, %scatter3A_1075, %scatter3A_1076, %scatter3A_1077] : memref<2x8x8x129xf32, #tpu.memory_space<vmem>> -> memref<1x8x8x129xf32, #tpu.memory_space<vmem>>
        %scatter3A_1079 = tpu.memref_squeeze %scatter3A_1078 : memref<1x8x8x129xf32, #tpu.memory_space<vmem>> -> memref<8x8x129xf32, #tpu.memory_space<vmem>>
        tpu.vector_store_idx %scatter3A_1079[%shift_right_arithmetic3A_5, %and3A_28, %broadcast_in_dim3A_1067], %get3A_1074 : memref<8x8x129xf32, #tpu.memory_space<vmem>>[vector<16xi32>, vector<16xi32>, vector<16xi32>], vector<16xf32>,
        %get3A_1080 = arith.constant 0 : i32
        %get3A_1081 = arith.constant 0 : i32
        %get3A_1082 = tpu.memref_slice %arg6[%scan3A_677, %get3A_1080, %get3A_1081] : memref<8x128x64xf32, #tpu.memory_space<vmem>> -> memref<1x128x64xf32, #tpu.memory_space<vmem>>
        %get3A_1083 = tpu.memref_squeeze %get3A_1082 : memref<1x128x64xf32, #tpu.memory_space<vmem>> -> memref<128x64xf32, #tpu.memory_space<vmem>>
        %get3A_1084 = arith.index_cast %add3A_1066 : i32 to index
        %get3A_1085 = arith.constant 16 : index
        %get3A_1086 = tpu.vector_load %get3A_1083[%get3A_1084, %get3A_1085] {strides = array<i32>} : memref<128x64xf32, #tpu.memory_space<vmem>>, vector<16xf32>,
        %scatter3A_1087 = arith.constant 0 : i32
        %scatter3A_1088 = arith.constant 0 : i32
        %scatter3A_1089 = arith.constant 0 : i32
        %scatter3A_1090 = tpu.memref_slice %arg7[%scan3A_678, %scatter3A_1087, %scatter3A_1088, %scatter3A_1089] : memref<2x8x8x129xf32, #tpu.memory_space<vmem>> -> memref<1x8x8x129xf32, #tpu.memory_space<vmem>>
        %scatter3A_1091 = tpu.memref_squeeze %scatter3A_1090 : memref<1x8x8x129xf32, #tpu.memory_space<vmem>> -> memref<8x8x129xf32, #tpu.memory_space<vmem>>
        tpu.vector_store_idx %scatter3A_1091[%shift_right_arithmetic3A_11, %and3A_34, %broadcast_in_dim3A_1067], %get3A_1086 : memref<8x8x129xf32, #tpu.memory_space<vmem>>[vector<16xi32>, vector<16xi32>, vector<16xi32>], vector<16xf32>,
        %get3A_1092 = arith.constant 0 : i32
        %get3A_1093 = arith.constant 0 : i32
        %get3A_1094 = tpu.memref_slice %arg6[%scan3A_677, %get3A_1092, %get3A_1093] : memref<8x128x64xf32, #tpu.memory_space<vmem>> -> memref<1x128x64xf32, #tpu.memory_space<vmem>>
        %get3A_1095 = tpu.memref_squeeze %get3A_1094 : memref<1x128x64xf32, #tpu.memory_space<vmem>> -> memref<128x64xf32, #tpu.memory_space<vmem>>
        %get3A_1096 = arith.index_cast %add3A_1066 : i32 to index
        %get3A_1097 = arith.constant 32 : index
        %get3A_1098 = tpu.vector_load %get3A_1095[%get3A_1096, %get3A_1097] {strides = array<i32>} : memref<128x64xf32, #tpu.memory_space<vmem>>, vector<16xf32>,
        %scatter3A_1099 = arith.constant 0 : i32
        %scatter3A_1100 = arith.constant 0 : i32
        %scatter3A_1101 = arith.constant 0 : i32
        %scatter3A_1102 = tpu.memref_slice %arg7[%scan3A_678, %scatter3A_1099, %scatter3A_1100, %scatter3A_1101] : memref<2x8x8x129xf32, #tpu.memory_space<vmem>> -> memref<1x8x8x129xf32, #tpu.memory_space<vmem>>
        %scatter3A_1103 = tpu.memref_squeeze %scatter3A_1102 : memref<1x8x8x129xf32, #tpu.memory_space<vmem>> -> memref<8x8x129xf32, #tpu.memory_space<vmem>>
        tpu.vector_store_idx %scatter3A_1103[%shift_right_arithmetic3A_17, %and3A_40, %broadcast_in_dim3A_1067], %get3A_1098 : memref<8x8x129xf32, #tpu.memory_space<vmem>>[vector<16xi32>, vector<16xi32>, vector<16xi32>], vector<16xf32>,
        %get3A_1104 = arith.constant 0 : i32
        %get3A_1105 = arith.constant 0 : i32
        %get3A_1106 = tpu.memref_slice %arg6[%scan3A_677, %get3A_1104, %get3A_1105] : memref<8x128x64xf32, #tpu.memory_space<vmem>> -> memref<1x128x64xf32, #tpu.memory_space<vmem>>
        %get3A_1107 = tpu.memref_squeeze %get3A_1106 : memref<1x128x64xf32, #tpu.memory_space<vmem>> -> memref<128x64xf32, #tpu.memory_space<vmem>>
        %get3A_1108 = arith.index_cast %add3A_1066 : i32 to index
        %get3A_1109 = arith.constant 48 : index
        %get3A_1110 = tpu.vector_load %get3A_1107[%get3A_1108, %get3A_1109] {strides = array<i32>} : memref<128x64xf32, #tpu.memory_space<vmem>>, vector<16xf32>,
        %scatter3A_1111 = arith.constant 0 : i32
        %scatter3A_1112 = arith.constant 0 : i32
        %scatter3A_1113 = arith.constant 0 : i32
        %scatter3A_1114 = tpu.memref_slice %arg7[%scan3A_678, %scatter3A_1111, %scatter3A_1112, %scatter3A_1113] : memref<2x8x8x129xf32, #tpu.memory_space<vmem>> -> memref<1x8x8x129xf32, #tpu.memory_space<vmem>>
        %scatter3A_1115 = tpu.memref_squeeze %scatter3A_1114 : memref<1x8x8x129xf32, #tpu.memory_space<vmem>> -> memref<8x8x129xf32, #tpu.memory_space<vmem>>
        tpu.vector_store_idx %scatter3A_1115[%shift_right_arithmetic3A_23, %and3A_46, %broadcast_in_dim3A_1067], %get3A_1110 : memref<8x8x129xf32, #tpu.memory_space<vmem>>[vector<16xi32>, vector<16xi32>, vector<16xi32>], vector<16xf32>,
        %add3A_1116 = arith.constant 2 : i32
        %add3A_1117 = arith.addi %add3A_1016, %add3A_1116 : i32
        %broadcast_in_dim3A_1118 = vector.broadcast %add3A_1117 : i32 to vector<16xi32>
        %get3A_1119 = arith.constant 0 : i32
        %get3A_1120 = arith.constant 0 : i32
        %get3A_1121 = tpu.memref_slice %arg6[%scan3A_677, %get3A_1119, %get3A_1120] : memref<8x128x64xf32, #tpu.memory_space<vmem>> -> memref<1x128x64xf32, #tpu.memory_space<vmem>>
        %get3A_1122 = tpu.memref_squeeze %get3A_1121 : memref<1x128x64xf32, #tpu.memory_space<vmem>> -> memref<128x64xf32, #tpu.memory_space<vmem>>
        %get3A_1123 = arith.index_cast %add3A_1117 : i32 to index
        %get3A_1124 = arith.constant 0 : index
        %get3A_1125 = tpu.vector_load %get3A_1122[%get3A_1123, %get3A_1124] {strides = array<i32>} : memref<128x64xf32, #tpu.memory_space<vmem>>, vector<16xf32>,
        %scatter3A_1126 = arith.constant 0 : i32
        %scatter3A_1127 = arith.constant 0 : i32
        %scatter3A_1128 = arith.constant 0 : i32
        %scatter3A_1129 = tpu.memref_slice %arg7[%scan3A_678, %scatter3A_1126, %scatter3A_1127, %scatter3A_1128] : memref<2x8x8x129xf32, #tpu.memory_space<vmem>> -> memref<1x8x8x129xf32, #tpu.memory_space<vmem>>
        %scatter3A_1130 = tpu.memref_squeeze %scatter3A_1129 : memref<1x8x8x129xf32, #tpu.memory_space<vmem>> -> memref<8x8x129xf32, #tpu.memory_space<vmem>>
        tpu.vector_store_idx %scatter3A_1130[%shift_right_arithmetic3A_5, %and3A_28, %broadcast_in_dim3A_1118], %get3A_1125 : memref<8x8x129xf32, #tpu.memory_space<vmem>>[vector<16xi32>, vector<16xi32>, vector<16xi32>], vector<16xf32>,
        %get3A_1131 = arith.constant 0 : i32
        %get3A_1132 = arith.constant 0 : i32
        %get3A_1133 = tpu.memref_slice %arg6[%scan3A_677, %get3A_1131, %get3A_1132] : memref<8x128x64xf32, #tpu.memory_space<vmem>> -> memref<1x128x64xf32, #tpu.memory_space<vmem>>
        %get3A_1134 = tpu.memref_squeeze %get3A_1133 : memref<1x128x64xf32, #tpu.memory_space<vmem>> -> memref<128x64xf32, #tpu.memory_space<vmem>>
        %get3A_1135 = arith.index_cast %add3A_1117 : i32 to index
        %get3A_1136 = arith.constant 16 : index
        %get3A_1137 = tpu.vector_load %get3A_1134[%get3A_1135, %get3A_1136] {strides = array<i32>} : memref<128x64xf32, #tpu.memory_space<vmem>>, vector<16xf32>,
        %scatter3A_1138 = arith.constant 0 : i32
        %scatter3A_1139 = arith.constant 0 : i32
        %scatter3A_1140 = arith.constant 0 : i32
        %scatter3A_1141 = tpu.memref_slice %arg7[%scan3A_678, %scatter3A_1138, %scatter3A_1139, %scatter3A_1140] : memref<2x8x8x129xf32, #tpu.memory_space<vmem>> -> memref<1x8x8x129xf32, #tpu.memory_space<vmem>>
        %scatter3A_1142 = tpu.memref_squeeze %scatter3A_1141 : memref<1x8x8x129xf32, #tpu.memory_space<vmem>> -> memref<8x8x129xf32, #tpu.memory_space<vmem>>
        tpu.vector_store_idx %scatter3A_1142[%shift_right_arithmetic3A_11, %and3A_34, %broadcast_in_dim3A_1118], %get3A_1137 : memref<8x8x129xf32, #tpu.memory_space<vmem>>[vector<16xi32>, vector<16xi32>, vector<16xi32>], vector<16xf32>,
        %get3A_1143 = arith.constant 0 : i32
        %get3A_1144 = arith.constant 0 : i32
        %get3A_1145 = tpu.memref_slice %arg6[%scan3A_677, %get3A_1143, %get3A_1144] : memref<8x128x64xf32, #tpu.memory_space<vmem>> -> memref<1x128x64xf32, #tpu.memory_space<vmem>>
        %get3A_1146 = tpu.memref_squeeze %get3A_1145 : memref<1x128x64xf32, #tpu.memory_space<vmem>> -> memref<128x64xf32, #tpu.memory_space<vmem>>
        %get3A_1147 = arith.index_cast %add3A_1117 : i32 to index
        %get3A_1148 = arith.constant 32 : index
        %get3A_1149 = tpu.vector_load %get3A_1146[%get3A_1147, %get3A_1148] {strides = array<i32>} : memref<128x64xf32, #tpu.memory_space<vmem>>, vector<16xf32>,
        %scatter3A_1150 = arith.constant 0 : i32
        %scatter3A_1151 = arith.constant 0 : i32
        %scatter3A_1152 = arith.constant 0 : i32
        %scatter3A_1153 = tpu.memref_slice %arg7[%scan3A_678, %scatter3A_1150, %scatter3A_1151, %scatter3A_1152] : memref<2x8x8x129xf32, #tpu.memory_space<vmem>> -> memref<1x8x8x129xf32, #tpu.memory_space<vmem>>
        %scatter3A_1154 = tpu.memref_squeeze %scatter3A_1153 : memref<1x8x8x129xf32, #tpu.memory_space<vmem>> -> memref<8x8x129xf32, #tpu.memory_space<vmem>>
        tpu.vector_store_idx %scatter3A_1154[%shift_right_arithmetic3A_17, %and3A_40, %broadcast_in_dim3A_1118], %get3A_1149 : memref<8x8x129xf32, #tpu.memory_space<vmem>>[vector<16xi32>, vector<16xi32>, vector<16xi32>], vector<16xf32>,
        %get3A_1155 = arith.constant 0 : i32
        %get3A_1156 = arith.constant 0 : i32
        %get3A_1157 = tpu.memref_slice %arg6[%scan3A_677, %get3A_1155, %get3A_1156] : memref<8x128x64xf32, #tpu.memory_space<vmem>> -> memref<1x128x64xf32, #tpu.memory_space<vmem>>
        %get3A_1158 = tpu.memref_squeeze %get3A_1157 : memref<1x128x64xf32, #tpu.memory_space<vmem>> -> memref<128x64xf32, #tpu.memory_space<vmem>>
        %get3A_1159 = arith.index_cast %add3A_1117 : i32 to index
        %get3A_1160 = arith.constant 48 : index
        %get3A_1161 = tpu.vector_load %get3A_1158[%get3A_1159, %get3A_1160] {strides = array<i32>} : memref<128x64xf32, #tpu.memory_space<vmem>>, vector<16xf32>,
        %scatter3A_1162 = arith.constant 0 : i32
        %scatter3A_1163 = arith.constant 0 : i32
        %scatter3A_1164 = arith.constant 0 : i32
        %scatter3A_1165 = tpu.memref_slice %arg7[%scan3A_678, %scatter3A_1162, %scatter3A_1163, %scatter3A_1164] : memref<2x8x8x129xf32, #tpu.memory_space<vmem>> -> memref<1x8x8x129xf32, #tpu.memory_space<vmem>>
        %scatter3A_1166 = tpu.memref_squeeze %scatter3A_1165 : memref<1x8x8x129xf32, #tpu.memory_space<vmem>> -> memref<8x8x129xf32, #tpu.memory_space<vmem>>
        tpu.vector_store_idx %scatter3A_1166[%shift_right_arithmetic3A_23, %and3A_46, %broadcast_in_dim3A_1118], %get3A_1161 : memref<8x8x129xf32, #tpu.memory_space<vmem>>[vector<16xi32>, vector<16xi32>, vector<16xi32>], vector<16xf32>,
        %add3A_1167 = arith.constant 3 : i32
        %add3A_1168 = arith.addi %add3A_1016, %add3A_1167 : i32
        %broadcast_in_dim3A_1169 = vector.broadcast %add3A_1168 : i32 to vector<16xi32>
        %get3A_1170 = arith.constant 0 : i32
        %get3A_1171 = arith.constant 0 : i32
        %get3A_1172 = tpu.memref_slice %arg6[%scan3A_677, %get3A_1170, %get3A_1171] : memref<8x128x64xf32, #tpu.memory_space<vmem>> -> memref<1x128x64xf32, #tpu.memory_space<vmem>>
        %get3A_1173 = tpu.memref_squeeze %get3A_1172 : memref<1x128x64xf32, #tpu.memory_space<vmem>> -> memref<128x64xf32, #tpu.memory_space<vmem>>
        %get3A_1174 = arith.index_cast %add3A_1168 : i32 to index
        %get3A_1175 = arith.constant 0 : index
        %get3A_1176 = tpu.vector_load %get3A_1173[%get3A_1174, %get3A_1175] {strides = array<i32>} : memref<128x64xf32, #tpu.memory_space<vmem>>, vector<16xf32>,
        %scatter3A_1177 = arith.constant 0 : i32
        %scatter3A_1178 = arith.constant 0 : i32
        %scatter3A_1179 = arith.constant 0 : i32
        %scatter3A_1180 = tpu.memref_slice %arg7[%scan3A_678, %scatter3A_1177, %scatter3A_1178, %scatter3A_1179] : memref<2x8x8x129xf32, #tpu.memory_space<vmem>> -> memref<1x8x8x129xf32, #tpu.memory_space<vmem>>
        %scatter3A_1181 = tpu.memref_squeeze %scatter3A_1180 : memref<1x8x8x129xf32, #tpu.memory_space<vmem>> -> memref<8x8x129xf32, #tpu.memory_space<vmem>>
        tpu.vector_store_idx %scatter3A_1181[%shift_right_arithmetic3A_5, %and3A_28, %broadcast_in_dim3A_1169], %get3A_1176 : memref<8x8x129xf32, #tpu.memory_space<vmem>>[vector<16xi32>, vector<16xi32>, vector<16xi32>], vector<16xf32>,
        %get3A_1182 = arith.constant 0 : i32
        %get3A_1183 = arith.constant 0 : i32
        %get3A_1184 = tpu.memref_slice %arg6[%scan3A_677, %get3A_1182, %get3A_1183] : memref<8x128x64xf32, #tpu.memory_space<vmem>> -> memref<1x128x64xf32, #tpu.memory_space<vmem>>
        %get3A_1185 = tpu.memref_squeeze %get3A_1184 : memref<1x128x64xf32, #tpu.memory_space<vmem>> -> memref<128x64xf32, #tpu.memory_space<vmem>>
        %get3A_1186 = arith.index_cast %add3A_1168 : i32 to index
        %get3A_1187 = arith.constant 16 : index
        %get3A_1188 = tpu.vector_load %get3A_1185[%get3A_1186, %get3A_1187] {strides = array<i32>} : memref<128x64xf32, #tpu.memory_space<vmem>>, vector<16xf32>,
        %scatter3A_1189 = arith.constant 0 : i32
        %scatter3A_1190 = arith.constant 0 : i32
        %scatter3A_1191 = arith.constant 0 : i32
        %scatter3A_1192 = tpu.memref_slice %arg7[%scan3A_678, %scatter3A_1189, %scatter3A_1190, %scatter3A_1191] : memref<2x8x8x129xf32, #tpu.memory_space<vmem>> -> memref<1x8x8x129xf32, #tpu.memory_space<vmem>>
        %scatter3A_1193 = tpu.memref_squeeze %scatter3A_1192 : memref<1x8x8x129xf32, #tpu.memory_space<vmem>> -> memref<8x8x129xf32, #tpu.memory_space<vmem>>
        tpu.vector_store_idx %scatter3A_1193[%shift_right_arithmetic3A_11, %and3A_34, %broadcast_in_dim3A_1169], %get3A_1188 : memref<8x8x129xf32, #tpu.memory_space<vmem>>[vector<16xi32>, vector<16xi32>, vector<16xi32>], vector<16xf32>,
        %get3A_1194 = arith.constant 0 : i32
        %get3A_1195 = arith.constant 0 : i32
        %get3A_1196 = tpu.memref_slice %arg6[%scan3A_677, %get3A_1194, %get3A_1195] : memref<8x128x64xf32, #tpu.memory_space<vmem>> -> memref<1x128x64xf32, #tpu.memory_space<vmem>>
        %get3A_1197 = tpu.memref_squeeze %get3A_1196 : memref<1x128x64xf32, #tpu.memory_space<vmem>> -> memref<128x64xf32, #tpu.memory_space<vmem>>
        %get3A_1198 = arith.index_cast %add3A_1168 : i32 to index
        %get3A_1199 = arith.constant 32 : index
        %get3A_1200 = tpu.vector_load %get3A_1197[%get3A_1198, %get3A_1199] {strides = array<i32>} : memref<128x64xf32, #tpu.memory_space<vmem>>, vector<16xf32>,
        %scatter3A_1201 = arith.constant 0 : i32
        %scatter3A_1202 = arith.constant 0 : i32
        %scatter3A_1203 = arith.constant 0 : i32
        %scatter3A_1204 = tpu.memref_slice %arg7[%scan3A_678, %scatter3A_1201, %scatter3A_1202, %scatter3A_1203] : memref<2x8x8x129xf32, #tpu.memory_space<vmem>> -> memref<1x8x8x129xf32, #tpu.memory_space<vmem>>
        %scatter3A_1205 = tpu.memref_squeeze %scatter3A_1204 : memref<1x8x8x129xf32, #tpu.memory_space<vmem>> -> memref<8x8x129xf32, #tpu.memory_space<vmem>>
        tpu.vector_store_idx %scatter3A_1205[%shift_right_arithmetic3A_17, %and3A_40, %broadcast_in_dim3A_1169], %get3A_1200 : memref<8x8x129xf32, #tpu.memory_space<vmem>>[vector<16xi32>, vector<16xi32>, vector<16xi32>], vector<16xf32>,
        %get3A_1206 = arith.constant 0 : i32
        %get3A_1207 = arith.constant 0 : i32
        %get3A_1208 = tpu.memref_slice %arg6[%scan3A_677, %get3A_1206, %get3A_1207] : memref<8x128x64xf32, #tpu.memory_space<vmem>> -> memref<1x128x64xf32, #tpu.memory_space<vmem>>
        %get3A_1209 = tpu.memref_squeeze %get3A_1208 : memref<1x128x64xf32, #tpu.memory_space<vmem>> -> memref<128x64xf32, #tpu.memory_space<vmem>>
        %get3A_1210 = arith.index_cast %add3A_1168 : i32 to index
        %get3A_1211 = arith.constant 48 : index
        %get3A_1212 = tpu.vector_load %get3A_1209[%get3A_1210, %get3A_1211] {strides = array<i32>} : memref<128x64xf32, #tpu.memory_space<vmem>>, vector<16xf32>,
        %scatter3A_1213 = arith.constant 0 : i32
        %scatter3A_1214 = arith.constant 0 : i32
        %scatter3A_1215 = arith.constant 0 : i32
        %scatter3A_1216 = tpu.memref_slice %arg7[%scan3A_678, %scatter3A_1213, %scatter3A_1214, %scatter3A_1215] : memref<2x8x8x129xf32, #tpu.memory_space<vmem>> -> memref<1x8x8x129xf32, #tpu.memory_space<vmem>>
        %scatter3A_1217 = tpu.memref_squeeze %scatter3A_1216 : memref<1x8x8x129xf32, #tpu.memory_space<vmem>> -> memref<8x8x129xf32, #tpu.memory_space<vmem>>
        tpu.vector_store_idx %scatter3A_1217[%shift_right_arithmetic3A_23, %and3A_46, %broadcast_in_dim3A_1169], %get3A_1212 : memref<8x8x129xf32, #tpu.memory_space<vmem>>[vector<16xi32>, vector<16xi32>, vector<16xi32>], vector<16xf32>,
      }
      %scan3A_683 = arith.constant 32 : i32
      %add3A_684 = arith.constant 8 : i32
      %add3A_685 = arith.addi %add3A_617, %add3A_684 : i32
      %lt3A_686 = arith.constant 200 : i32
      %lt3A_687 = arith.cmpi slt, %add3A_685, %lt3A_686 : i32
      %convert_element_type3A_688 = arith.extui %lt3A_687 : i1 to i32
      %cond3A_689 = arith.constant 0 : i32
      %cond3A_690 = arith.cmpi ne, %convert_element_type3A_688, %cond3A_689 : i32
      scf.if %cond3A_690 {
        %add3A_1012 = arith.constant 8 : i32
        %add3A_1013 = arith.addi %add3A_617, %add3A_1012 : i32
        %jit3A_1014 = arith.constant 8 : i32
        %div3A_1015 = arith.divsi %add3A_1013, %jit3A_1014 : i32
        %sign3A_1016 = arith.constant 0 : i32
        %sign3A_1017 = arith.cmpi sgt, %add3A_1013, %sign3A_1016 : i32
        %sign3A_1018 = arith.extui %sign3A_1017 : i1 to i32
        %sign3A_1019 = arith.constant 0 : i32
        %sign3A_1020 = arith.cmpi slt, %add3A_1013, %sign3A_1019 : i32
        %sign3A_1021 = arith.extui %sign3A_1020 : i1 to i32
        %sign3A_1022 = arith.subi %sign3A_1018, %sign3A_1021 : i32
        %sign3A_1023 = arith.constant 0 : i32
        %sign3A_1024 = arith.cmpi sgt, %jit3A_1014, %sign3A_1023 : i32
        %sign3A_1025 = arith.extui %sign3A_1024 : i1 to i32
        %sign3A_1026 = arith.constant 0 : i32
        %sign3A_1027 = arith.cmpi slt, %jit3A_1014, %sign3A_1026 : i32
        %sign3A_1028 = arith.extui %sign3A_1027 : i1 to i32
        %sign3A_1029 = arith.subi %sign3A_1025, %sign3A_1028 : i32
        %ne3A_1030 = arith.cmpi ne, %sign3A_1022, %sign3A_1029 : i32
        %rem3A_1031 = arith.remsi %add3A_1013, %jit3A_1014 : i32
        %ne3A_1032 = arith.constant 0 : i32
        %ne3A_1033 = arith.cmpi ne, %rem3A_1031, %ne3A_1032 : i32
        %and3A_1034 = arith.andi %ne3A_1030, %ne3A_1033 : i1
        %sub3A_1035 = arith.constant 1 : i32
        %sub3A_1036 = arith.subi %div3A_1015, %sub3A_1035 : i32
        %select_n3A_1037 = arith.select %and3A_1034, %sub3A_1036, %div3A_1015 : i32
        %add3A_1038 = arith.constant 8 : i32
        %add3A_1039 = arith.addi %add3A_617, %add3A_1038 : i32
        %jit3A_1040 = arith.constant 8 : i32
        %eq3A_1041 = arith.constant 0 : i32
        %eq3A_1042 = arith.cmpi eq, %jit3A_1040, %eq3A_1041 : i32
        %jit3A_1043 = arith.constant 1 : i32
        %select_n3A_1044 = arith.select %eq3A_1042, %jit3A_1043, %jit3A_1040 : i32
        %rem3A_1045 = arith.remsi %add3A_1039, %select_n3A_1044 : i32
        %ne3A_1046 = arith.constant 0 : i32
        %ne3A_1047 = arith.cmpi ne, %rem3A_1045, %ne3A_1046 : i32
        %lt3A_1048 = arith.constant 0 : i32
        %lt3A_1049 = arith.cmpi slt, %rem3A_1045, %lt3A_1048 : i32
        %lt3A_1050 = arith.constant 0 : i32
        %lt3A_1051 = arith.cmpi slt, %select_n3A_1044, %lt3A_1050 : i32
        %ne3A_1052 = arith.xori %lt3A_1049, %lt3A_1051 : i1
        %and3A_1053 = arith.andi %ne3A_1052, %ne3A_1047 : i1
        %add3A_1054 = arith.addi %rem3A_1045, %select_n3A_1044 : i32
        %select_n3A_1055 = arith.select %and3A_1053, %add3A_1054, %rem3A_1045 : i32
        %dma_start3A_1056 = arith.constant 4 : i32
        %dma_start3A_1057 = arith.constant 4 : i32
        %dma_start3A_1058 = arith.constant 0 : i32
        %dma_start3A_1059 = arith.constant 0 : i32
        %dma_start3A_1060 = tpu.memref_slice %arg6[%dma_start3A_1056, %dma_start3A_1058, %dma_start3A_1059] : memref<8x128x64xf32, #tpu.memory_space<vmem>> -> memref<1x128x64xf32, #tpu.memory_space<vmem>>
        %dma_start3A_1061 = tpu.memref_squeeze %dma_start3A_1060 : memref<1x128x64xf32, #tpu.memory_space<vmem>> -> memref<128x64xf32, #tpu.memory_space<vmem>>
        %dma_start3A_1062 = arith.constant 0 : i32
        %dma_start3A_1063 = tpu.memref_slice %arg5[%select_n3A_1037, %select_n3A_1055, %dma_start3A_1062] : memref<25x8x128xi32, #tpu.memory_space<vmem>> -> memref<1x1x128xi32, #tpu.memory_space<vmem>>
        %dma_start3A_1064 = tpu.memref_squeeze %dma_start3A_1063 : memref<1x1x128xi32, #tpu.memory_space<vmem>> -> memref<128xi32, #tpu.memory_space<vmem>>
        %dma_start3A_1065 = arith.constant 0 : i32
        %dma_start3A_1066 = arith.constant 0 : i32
        %dma_start3A_1067 = tpu.memref_slice %arg3[%dma_start3A_1065, %dma_start3A_1066] : memref<1000000x64xf32, #tpu.memory_space<hbm>> -> memref<1000000x64xf32, #tpu.memory_space<hbm>>
        %dma_start3A_1068 = tpu.memref_slice %arg8[%dma_start3A_1057] : memref<8x!tpu.dma_semaphore, #tpu.memory_space<semaphore_mem>> -> memref<1x!tpu.dma_semaphore, #tpu.memory_space<semaphore_mem>>
        %dma_start3A_1069 = tpu.memref_squeeze %dma_start3A_1068 : memref<1x!tpu.dma_semaphore, #tpu.memory_space<semaphore_mem>> -> memref<!tpu.dma_semaphore, #tpu.memory_space<semaphore_mem>>
        tpu.enqueue_indirect_dma source(%dma_start3A_1067 : memref<1000000x64xf32, #tpu.memory_space<hbm>>) target(%dma_start3A_1061 : memref<128x64xf32, #tpu.memory_space<vmem>>) offsets(%dma_start3A_1064 : memref<128xi32, #tpu.memory_space<vmem>>) semaphore(%dma_start3A_1069 : memref<!tpu.dma_semaphore, #tpu.memory_space<semaphore_mem>>)
      } else {
      }
      %dma_start3A_691 = arith.constant 0 : i32
      %dma_start3A_692 = arith.constant 0 : i32
      %dma_start3A_693 = arith.constant 0 : i32
      %dma_start3A_694 = arith.constant 0 : i32
      %dma_start3A_695 = arith.constant 0 : i32
      %dma_start3A_696 = tpu.memref_slice %arg7[%dma_start3A_691, %dma_start3A_693, %dma_start3A_694, %dma_start3A_695] : memref<2x8x8x129xf32, #tpu.memory_space<vmem>> -> memref<1x8x8x128xf32, #tpu.memory_space<vmem>>
      %dma_start3A_697 = tpu.memref_squeeze %dma_start3A_696 : memref<1x8x8x128xf32, #tpu.memory_space<vmem>> -> memref<8x8x128xf32, #tpu.memory_space<vmem>>
      %dma_start3A_698 = arith.constant 0 : i32
      %dma_start3A_699 = arith.constant 0 : i32
      %dma_start3A_700 = arith.constant 0 : i32
      %dma_start3A_701 = tpu.memref_slice %arg4[%add3A_617, %dma_start3A_698, %add3A, %dma_start3A_699, %dma_start3A_700] : memref<200x8x32x8x128xf32, #tpu.memory_space<hbm>> -> memref<1x8x1x8x128xf32, #tpu.memory_space<hbm>>
      %dma_start3A_702 = tpu.memref_squeeze %dma_start3A_701 : memref<1x8x1x8x128xf32, #tpu.memory_space<hbm>> -> memref<8x8x128xf32, #tpu.memory_space<hbm>>
      %dma_start3A_703 = tpu.memref_slice %arg9[%dma_start3A_692] : memref<2x!tpu.dma_semaphore, #tpu.memory_space<semaphore_mem>> -> memref<1x!tpu.dma_semaphore, #tpu.memory_space<semaphore_mem>>
      %dma_start3A_704 = tpu.memref_squeeze %dma_start3A_703 : memref<1x!tpu.dma_semaphore, #tpu.memory_space<semaphore_mem>> -> memref<!tpu.dma_semaphore, #tpu.memory_space<semaphore_mem>>
      %dma_start3A_705 = arith.constant 0 : i32
      %dma_start3A_706 = arith.constant 0 : i32
      %dma_start3A_707 = arith.constant 0 : i32
      %dma_start3A_708 = tpu.memref_slice %arg4[%add3A_617, %dma_start3A_705, %add3A, %dma_start3A_706, %dma_start3A_707] : memref<200x8x32x8x128xf32, #tpu.memory_space<hbm>> -> memref<1x8x1x8x128xf32, #tpu.memory_space<hbm>>
      %dma_start3A_709 = tpu.memref_squeeze %dma_start3A_708 : memref<1x8x1x8x128xf32, #tpu.memory_space<hbm>> -> memref<8x8x128xf32, #tpu.memory_space<hbm>>
      %dma_start3A_710 = arith.constant 0 : i32
      %dma_start3A_711 = arith.constant 0 : i32
      %dma_start3A_712 = arith.constant 0 : i32
      %dma_start3A_713 = tpu.memref_slice %arg7[%dma_start3A_691, %dma_start3A_710, %dma_start3A_711, %dma_start3A_712] : memref<2x8x8x129xf32, #tpu.memory_space<vmem>> -> memref<1x8x8x128xf32, #tpu.memory_space<vmem>>
      %dma_start3A_714 = tpu.memref_squeeze %dma_start3A_713 : memref<1x8x8x128xf32, #tpu.memory_space<vmem>> -> memref<8x8x128xf32, #tpu.memory_space<vmem>>
      tpu.enqueue_dma source(%dma_start3A_714 : memref<8x8x128xf32, #tpu.memory_space<vmem>>) target(%dma_start3A_709 : memref<8x8x128xf32, #tpu.memory_space<hbm>>) target_semaphore(%dma_start3A_704 : memref<!tpu.dma_semaphore, #tpu.memory_space<semaphore_mem>>)
      %add3A_715 = arith.constant 5 : i32
      %add3A_716 = arith.addi %add3A_231, %add3A_715 : i32
      %jit3A_717 = arith.constant 8 : i32
      %div3A_718 = arith.divsi %add3A_716, %jit3A_717 : i32
      %sign3A_719 = arith.constant 0 : i32
      %sign3A_720 = arith.cmpi sgt, %add3A_716, %sign3A_719 : i32
      %sign3A_721 = arith.extui %sign3A_720 : i1 to i32
      %sign3A_722 = arith.constant 0 : i32
      %sign3A_723 = arith.cmpi slt, %add3A_716, %sign3A_722 : i32
      %sign3A_724 = arith.extui %sign3A_723 : i1 to i32
      %sign3A_725 = arith.subi %sign3A_721, %sign3A_724 : i32
      %sign3A_726 = arith.constant 0 : i32
      %sign3A_727 = arith.cmpi sgt, %jit3A_717, %sign3A_726 : i32
      %sign3A_728 = arith.extui %sign3A_727 : i1 to i32
      %sign3A_729 = arith.constant 0 : i32
      %sign3A_730 = arith.cmpi slt, %jit3A_717, %sign3A_729 : i32
      %sign3A_731 = arith.extui %sign3A_730 : i1 to i32
      %sign3A_732 = arith.subi %sign3A_728, %sign3A_731 : i32
      %ne3A_733 = arith.cmpi ne, %sign3A_725, %sign3A_732 : i32
      %rem3A_734 = arith.remsi %add3A_716, %jit3A_717 : i32
      %ne3A_735 = arith.constant 0 : i32
      %ne3A_736 = arith.cmpi ne, %rem3A_734, %ne3A_735 : i32
      %and3A_737 = arith.andi %ne3A_733, %ne3A_736 : i1
      %sub3A_738 = arith.constant 1 : i32
      %sub3A_739 = arith.subi %div3A_718, %sub3A_738 : i32
      %select_n3A_740 = arith.select %and3A_737, %sub3A_739, %div3A_718 : i32
      %jit3A_741 = arith.constant 8 : i32
      %eq3A_742 = arith.constant 0 : i32
      %eq3A_743 = arith.cmpi eq, %jit3A_741, %eq3A_742 : i32
      %jit3A_744 = arith.constant 1 : i32
      %select_n3A_745 = arith.select %eq3A_743, %jit3A_744, %jit3A_741 : i32
      %rem3A_746 = arith.remsi %add3A_716, %select_n3A_745 : i32
      %ne3A_747 = arith.constant 0 : i32
      %ne3A_748 = arith.cmpi ne, %rem3A_746, %ne3A_747 : i32
      %lt3A_749 = arith.constant 0 : i32
      %lt3A_750 = arith.cmpi slt, %rem3A_746, %lt3A_749 : i32
      %lt3A_751 = arith.constant 0 : i32
      %lt3A_752 = arith.cmpi slt, %select_n3A_745, %lt3A_751 : i32
      %ne3A_753 = arith.xori %lt3A_750, %lt3A_752 : i1
      %and3A_754 = arith.andi %ne3A_753, %ne3A_748 : i1
      %add3A_755 = arith.addi %rem3A_746, %select_n3A_745 : i32
      %select_n3A_756 = arith.select %and3A_754, %add3A_755, %rem3A_746 : i32
      %dma_wait3A_757 = arith.constant 5 : i32
      %dma_wait3A_758 = arith.constant 5 : i32
      %dma_wait3A_759 = arith.constant 0 : i32
      %dma_wait3A_760 = arith.constant 0 : i32
      %dma_wait3A_761 = tpu.memref_slice %arg6[%dma_wait3A_757, %dma_wait3A_759, %dma_wait3A_760] : memref<8x128x64xf32, #tpu.memory_space<vmem>> -> memref<1x128x64xf32, #tpu.memory_space<vmem>>
      %dma_wait3A_762 = tpu.memref_squeeze %dma_wait3A_761 : memref<1x128x64xf32, #tpu.memory_space<vmem>> -> memref<128x64xf32, #tpu.memory_space<vmem>>
      %dma_wait3A_763 = arith.constant 0 : i32
      %dma_wait3A_764 = tpu.memref_slice %arg5[%select_n3A_740, %select_n3A_756, %dma_wait3A_763] : memref<25x8x128xi32, #tpu.memory_space<vmem>> -> memref<1x1x128xi32, #tpu.memory_space<vmem>>
      %dma_wait3A_765 = tpu.memref_squeeze %dma_wait3A_764 : memref<1x1x128xi32, #tpu.memory_space<vmem>> -> memref<128xi32, #tpu.memory_space<vmem>>
      %dma_wait3A_766 = arith.constant 0 : i32
      %dma_wait3A_767 = arith.constant 0 : i32
      %dma_wait3A_768 = tpu.memref_slice %arg3[%dma_wait3A_766, %dma_wait3A_767] : memref<1000000x64xf32, #tpu.memory_space<hbm>> -> memref<1000000x64xf32, #tpu.memory_space<hbm>>
      %dma_wait3A_769 = tpu.memref_slice %arg8[%dma_wait3A_758] : memref<8x!tpu.dma_semaphore, #tpu.memory_space<semaphore_mem>> -> memref<1x!tpu.dma_semaphore, #tpu.memory_space<semaphore_mem>>
      %dma_wait3A_770 = tpu.memref_squeeze %dma_wait3A_769 : memref<1x!tpu.dma_semaphore, #tpu.memory_space<semaphore_mem>> -> memref<!tpu.dma_semaphore, #tpu.memory_space<semaphore_mem>>
      tpu.wait_indirect_dma semaphore(%dma_wait3A_770 : memref<!tpu.dma_semaphore, #tpu.memory_space<semaphore_mem>>) src(%dma_wait3A_768 : memref<1000000x64xf32, #tpu.memory_space<hbm>>) dst(%dma_wait3A_762 : memref<128x64xf32, #tpu.memory_space<vmem>>)
      %ge3A_771 = arith.constant 2 : i32
      %ge3A_772 = arith.cmpi sge, %add3A_716, %ge3A_771 : i32
      %convert_element_type3A_773 = arith.extui %ge3A_772 : i1 to i32
      %cond3A_774 = arith.constant 0 : i32
      %cond3A_775 = arith.cmpi ne, %convert_element_type3A_773, %cond3A_774 : i32
      scf.if %cond3A_775 {
        %sub3A_1012 = arith.constant 2 : i32
        %sub3A_1013 = arith.subi %add3A_716, %sub3A_1012 : i32
        %dma_wait3A_1014 = arith.constant 1 : i32
        %dma_wait3A_1015 = arith.constant 1 : i32
        %dma_wait3A_1016 = arith.constant 0 : i32
        %dma_wait3A_1017 = arith.constant 0 : i32
        %dma_wait3A_1018 = arith.constant 0 : i32
        %dma_wait3A_1019 = tpu.memref_slice %arg7[%dma_wait3A_1014, %dma_wait3A_1016, %dma_wait3A_1017, %dma_wait3A_1018] : memref<2x8x8x129xf32, #tpu.memory_space<vmem>> -> memref<1x8x8x128xf32, #tpu.memory_space<vmem>>
        %dma_wait3A_1020 = tpu.memref_squeeze %dma_wait3A_1019 : memref<1x8x8x128xf32, #tpu.memory_space<vmem>> -> memref<8x8x128xf32, #tpu.memory_space<vmem>>
        %dma_wait3A_1021 = arith.constant 0 : i32
        %dma_wait3A_1022 = arith.constant 0 : i32
        %dma_wait3A_1023 = arith.constant 0 : i32
        %dma_wait3A_1024 = tpu.memref_slice %arg4[%sub3A_1013, %dma_wait3A_1021, %add3A, %dma_wait3A_1022, %dma_wait3A_1023] : memref<200x8x32x8x128xf32, #tpu.memory_space<hbm>> -> memref<1x8x1x8x128xf32, #tpu.memory_space<hbm>>
        %dma_wait3A_1025 = tpu.memref_squeeze %dma_wait3A_1024 : memref<1x8x1x8x128xf32, #tpu.memory_space<hbm>> -> memref<8x8x128xf32, #tpu.memory_space<hbm>>
        %dma_wait3A_1026 = tpu.memref_slice %arg9[%dma_wait3A_1015] : memref<2x!tpu.dma_semaphore, #tpu.memory_space<semaphore_mem>> -> memref<1x!tpu.dma_semaphore, #tpu.memory_space<semaphore_mem>>
        %dma_wait3A_1027 = tpu.memref_squeeze %dma_wait3A_1026 : memref<1x!tpu.dma_semaphore, #tpu.memory_space<semaphore_mem>> -> memref<!tpu.dma_semaphore, #tpu.memory_space<semaphore_mem>>
        %dma_wait3A_1028 = arith.constant 0 : i32
        %dma_wait3A_1029 = arith.constant 0 : i32
        %dma_wait3A_1030 = arith.constant 0 : i32
        %dma_wait3A_1031 = tpu.memref_slice %arg4[%sub3A_1013, %dma_wait3A_1028, %add3A, %dma_wait3A_1029, %dma_wait3A_1030] : memref<200x8x32x8x128xf32, #tpu.memory_space<hbm>> -> memref<1x8x1x8x128xf32, #tpu.memory_space<hbm>>
        %dma_wait3A_1032 = tpu.memref_squeeze %dma_wait3A_1031 : memref<1x8x1x8x128xf32, #tpu.memory_space<hbm>> -> memref<8x8x128xf32, #tpu.memory_space<hbm>>
        %dma_wait3A_1033 = arith.constant 0 : i32
        %dma_wait3A_1034 = arith.constant 0 : i32
        %dma_wait3A_1035 = arith.constant 0 : i32
        %dma_wait3A_1036 = tpu.memref_slice %arg7[%dma_wait3A_1014, %dma_wait3A_1033, %dma_wait3A_1034, %dma_wait3A_1035] : memref<2x8x8x129xf32, #tpu.memory_space<vmem>> -> memref<1x8x8x128xf32, #tpu.memory_space<vmem>>
        %dma_wait3A_1037 = tpu.memref_squeeze %dma_wait3A_1036 : memref<1x8x8x128xf32, #tpu.memory_space<vmem>> -> memref<8x8x128xf32, #tpu.memory_space<vmem>>
        tpu.wait_dma2 semaphore(%dma_wait3A_1027 : memref<!tpu.dma_semaphore, #tpu.memory_space<semaphore_mem>>) src(%dma_wait3A_1037 : memref<8x8x128xf32, #tpu.memory_space<vmem>>) dst(%dma_wait3A_1032 : memref<8x8x128xf32, #tpu.memory_space<hbm>>)
      } else {
      }
      %scan3A_776 = arith.constant 5 : i32
      %scan3A_777 = arith.constant 1 : i32
      %scan3A_778 = arith.constant 0 : i32
      %scan3A_779 = arith.constant 32 : i32
      %scan3A_780 = arith.addi %scan3A_778, %scan3A_779 : i32
      %scan3A_781 = arith.constant 1 : i32
      scf.for %scan3A_1012 = %scan3A_778 to %scan3A_780 step %scan3A_781  : i32 {
        %mul3A_1013 = arith.constant 4 : i32
        %mul3A_1014 = arith.muli %scan3A_1012, %mul3A_1013 : i32
        %add3A_1015 = arith.constant 0 : i32
        %add3A_1016 = arith.addi %add3A_1015, %mul3A_1014 : i32
        %add3A_1017 = arith.constant 0 : i32
        %add3A_1018 = arith.addi %add3A_1016, %add3A_1017 : i32
        %broadcast_in_dim3A = vector.broadcast %add3A_1018 : i32 to vector<16xi32>
        %get3A = arith.constant 0 : i32
        %get3A_1019 = arith.constant 0 : i32
        %get3A_1020 = tpu.memref_slice %arg6[%scan3A_776, %get3A, %get3A_1019] : memref<8x128x64xf32, #tpu.memory_space<vmem>> -> memref<1x128x64xf32, #tpu.memory_space<vmem>>
        %get3A_1021 = tpu.memref_squeeze %get3A_1020 : memref<1x128x64xf32, #tpu.memory_space<vmem>> -> memref<128x64xf32, #tpu.memory_space<vmem>>
        %get3A_1022 = arith.index_cast %add3A_1018 : i32 to index
        %get3A_1023 = arith.constant 0 : index
        %get3A_1024 = tpu.vector_load %get3A_1021[%get3A_1022, %get3A_1023] {strides = array<i32>} : memref<128x64xf32, #tpu.memory_space<vmem>>, vector<16xf32>,
        %scatter3A = arith.constant 0 : i32
        %scatter3A_1025 = arith.constant 0 : i32
        %scatter3A_1026 = arith.constant 0 : i32
        %scatter3A_1027 = tpu.memref_slice %arg7[%scan3A_777, %scatter3A, %scatter3A_1025, %scatter3A_1026] : memref<2x8x8x129xf32, #tpu.memory_space<vmem>> -> memref<1x8x8x129xf32, #tpu.memory_space<vmem>>
        %scatter3A_1028 = tpu.memref_squeeze %scatter3A_1027 : memref<1x8x8x129xf32, #tpu.memory_space<vmem>> -> memref<8x8x129xf32, #tpu.memory_space<vmem>>
        tpu.vector_store_idx %scatter3A_1028[%shift_right_arithmetic3A_5, %and3A_28, %broadcast_in_dim3A], %get3A_1024 : memref<8x8x129xf32, #tpu.memory_space<vmem>>[vector<16xi32>, vector<16xi32>, vector<16xi32>], vector<16xf32>,
        %get3A_1029 = arith.constant 0 : i32
        %get3A_1030 = arith.constant 0 : i32
        %get3A_1031 = tpu.memref_slice %arg6[%scan3A_776, %get3A_1029, %get3A_1030] : memref<8x128x64xf32, #tpu.memory_space<vmem>> -> memref<1x128x64xf32, #tpu.memory_space<vmem>>
        %get3A_1032 = tpu.memref_squeeze %get3A_1031 : memref<1x128x64xf32, #tpu.memory_space<vmem>> -> memref<128x64xf32, #tpu.memory_space<vmem>>
        %get3A_1033 = arith.index_cast %add3A_1018 : i32 to index
        %get3A_1034 = arith.constant 16 : index
        %get3A_1035 = tpu.vector_load %get3A_1032[%get3A_1033, %get3A_1034] {strides = array<i32>} : memref<128x64xf32, #tpu.memory_space<vmem>>, vector<16xf32>,
        %scatter3A_1036 = arith.constant 0 : i32
        %scatter3A_1037 = arith.constant 0 : i32
        %scatter3A_1038 = arith.constant 0 : i32
        %scatter3A_1039 = tpu.memref_slice %arg7[%scan3A_777, %scatter3A_1036, %scatter3A_1037, %scatter3A_1038] : memref<2x8x8x129xf32, #tpu.memory_space<vmem>> -> memref<1x8x8x129xf32, #tpu.memory_space<vmem>>
        %scatter3A_1040 = tpu.memref_squeeze %scatter3A_1039 : memref<1x8x8x129xf32, #tpu.memory_space<vmem>> -> memref<8x8x129xf32, #tpu.memory_space<vmem>>
        tpu.vector_store_idx %scatter3A_1040[%shift_right_arithmetic3A_11, %and3A_34, %broadcast_in_dim3A], %get3A_1035 : memref<8x8x129xf32, #tpu.memory_space<vmem>>[vector<16xi32>, vector<16xi32>, vector<16xi32>], vector<16xf32>,
        %get3A_1041 = arith.constant 0 : i32
        %get3A_1042 = arith.constant 0 : i32
        %get3A_1043 = tpu.memref_slice %arg6[%scan3A_776, %get3A_1041, %get3A_1042] : memref<8x128x64xf32, #tpu.memory_space<vmem>> -> memref<1x128x64xf32, #tpu.memory_space<vmem>>
        %get3A_1044 = tpu.memref_squeeze %get3A_1043 : memref<1x128x64xf32, #tpu.memory_space<vmem>> -> memref<128x64xf32, #tpu.memory_space<vmem>>
        %get3A_1045 = arith.index_cast %add3A_1018 : i32 to index
        %get3A_1046 = arith.constant 32 : index
        %get3A_1047 = tpu.vector_load %get3A_1044[%get3A_1045, %get3A_1046] {strides = array<i32>} : memref<128x64xf32, #tpu.memory_space<vmem>>, vector<16xf32>,
        %scatter3A_1048 = arith.constant 0 : i32
        %scatter3A_1049 = arith.constant 0 : i32
        %scatter3A_1050 = arith.constant 0 : i32
        %scatter3A_1051 = tpu.memref_slice %arg7[%scan3A_777, %scatter3A_1048, %scatter3A_1049, %scatter3A_1050] : memref<2x8x8x129xf32, #tpu.memory_space<vmem>> -> memref<1x8x8x129xf32, #tpu.memory_space<vmem>>
        %scatter3A_1052 = tpu.memref_squeeze %scatter3A_1051 : memref<1x8x8x129xf32, #tpu.memory_space<vmem>> -> memref<8x8x129xf32, #tpu.memory_space<vmem>>
        tpu.vector_store_idx %scatter3A_1052[%shift_right_arithmetic3A_17, %and3A_40, %broadcast_in_dim3A], %get3A_1047 : memref<8x8x129xf32, #tpu.memory_space<vmem>>[vector<16xi32>, vector<16xi32>, vector<16xi32>], vector<16xf32>,
        %get3A_1053 = arith.constant 0 : i32
        %get3A_1054 = arith.constant 0 : i32
        %get3A_1055 = tpu.memref_slice %arg6[%scan3A_776, %get3A_1053, %get3A_1054] : memref<8x128x64xf32, #tpu.memory_space<vmem>> -> memref<1x128x64xf32, #tpu.memory_space<vmem>>
        %get3A_1056 = tpu.memref_squeeze %get3A_1055 : memref<1x128x64xf32, #tpu.memory_space<vmem>> -> memref<128x64xf32, #tpu.memory_space<vmem>>
        %get3A_1057 = arith.index_cast %add3A_1018 : i32 to index
        %get3A_1058 = arith.constant 48 : index
        %get3A_1059 = tpu.vector_load %get3A_1056[%get3A_1057, %get3A_1058] {strides = array<i32>} : memref<128x64xf32, #tpu.memory_space<vmem>>, vector<16xf32>,
        %scatter3A_1060 = arith.constant 0 : i32
        %scatter3A_1061 = arith.constant 0 : i32
        %scatter3A_1062 = arith.constant 0 : i32
        %scatter3A_1063 = tpu.memref_slice %arg7[%scan3A_777, %scatter3A_1060, %scatter3A_1061, %scatter3A_1062] : memref<2x8x8x129xf32, #tpu.memory_space<vmem>> -> memref<1x8x8x129xf32, #tpu.memory_space<vmem>>
        %scatter3A_1064 = tpu.memref_squeeze %scatter3A_1063 : memref<1x8x8x129xf32, #tpu.memory_space<vmem>> -> memref<8x8x129xf32, #tpu.memory_space<vmem>>
        tpu.vector_store_idx %scatter3A_1064[%shift_right_arithmetic3A_23, %and3A_46, %broadcast_in_dim3A], %get3A_1059 : memref<8x8x129xf32, #tpu.memory_space<vmem>>[vector<16xi32>, vector<16xi32>, vector<16xi32>], vector<16xf32>,
        %add3A_1065 = arith.constant 1 : i32
        %add3A_1066 = arith.addi %add3A_1016, %add3A_1065 : i32
        %broadcast_in_dim3A_1067 = vector.broadcast %add3A_1066 : i32 to vector<16xi32>
        %get3A_1068 = arith.constant 0 : i32
        %get3A_1069 = arith.constant 0 : i32
        %get3A_1070 = tpu.memref_slice %arg6[%scan3A_776, %get3A_1068, %get3A_1069] : memref<8x128x64xf32, #tpu.memory_space<vmem>> -> memref<1x128x64xf32, #tpu.memory_space<vmem>>
        %get3A_1071 = tpu.memref_squeeze %get3A_1070 : memref<1x128x64xf32, #tpu.memory_space<vmem>> -> memref<128x64xf32, #tpu.memory_space<vmem>>
        %get3A_1072 = arith.index_cast %add3A_1066 : i32 to index
        %get3A_1073 = arith.constant 0 : index
        %get3A_1074 = tpu.vector_load %get3A_1071[%get3A_1072, %get3A_1073] {strides = array<i32>} : memref<128x64xf32, #tpu.memory_space<vmem>>, vector<16xf32>,
        %scatter3A_1075 = arith.constant 0 : i32
        %scatter3A_1076 = arith.constant 0 : i32
        %scatter3A_1077 = arith.constant 0 : i32
        %scatter3A_1078 = tpu.memref_slice %arg7[%scan3A_777, %scatter3A_1075, %scatter3A_1076, %scatter3A_1077] : memref<2x8x8x129xf32, #tpu.memory_space<vmem>> -> memref<1x8x8x129xf32, #tpu.memory_space<vmem>>
        %scatter3A_1079 = tpu.memref_squeeze %scatter3A_1078 : memref<1x8x8x129xf32, #tpu.memory_space<vmem>> -> memref<8x8x129xf32, #tpu.memory_space<vmem>>
        tpu.vector_store_idx %scatter3A_1079[%shift_right_arithmetic3A_5, %and3A_28, %broadcast_in_dim3A_1067], %get3A_1074 : memref<8x8x129xf32, #tpu.memory_space<vmem>>[vector<16xi32>, vector<16xi32>, vector<16xi32>], vector<16xf32>,
        %get3A_1080 = arith.constant 0 : i32
        %get3A_1081 = arith.constant 0 : i32
        %get3A_1082 = tpu.memref_slice %arg6[%scan3A_776, %get3A_1080, %get3A_1081] : memref<8x128x64xf32, #tpu.memory_space<vmem>> -> memref<1x128x64xf32, #tpu.memory_space<vmem>>
        %get3A_1083 = tpu.memref_squeeze %get3A_1082 : memref<1x128x64xf32, #tpu.memory_space<vmem>> -> memref<128x64xf32, #tpu.memory_space<vmem>>
        %get3A_1084 = arith.index_cast %add3A_1066 : i32 to index
        %get3A_1085 = arith.constant 16 : index
        %get3A_1086 = tpu.vector_load %get3A_1083[%get3A_1084, %get3A_1085] {strides = array<i32>} : memref<128x64xf32, #tpu.memory_space<vmem>>, vector<16xf32>,
        %scatter3A_1087 = arith.constant 0 : i32
        %scatter3A_1088 = arith.constant 0 : i32
        %scatter3A_1089 = arith.constant 0 : i32
        %scatter3A_1090 = tpu.memref_slice %arg7[%scan3A_777, %scatter3A_1087, %scatter3A_1088, %scatter3A_1089] : memref<2x8x8x129xf32, #tpu.memory_space<vmem>> -> memref<1x8x8x129xf32, #tpu.memory_space<vmem>>
        %scatter3A_1091 = tpu.memref_squeeze %scatter3A_1090 : memref<1x8x8x129xf32, #tpu.memory_space<vmem>> -> memref<8x8x129xf32, #tpu.memory_space<vmem>>
        tpu.vector_store_idx %scatter3A_1091[%shift_right_arithmetic3A_11, %and3A_34, %broadcast_in_dim3A_1067], %get3A_1086 : memref<8x8x129xf32, #tpu.memory_space<vmem>>[vector<16xi32>, vector<16xi32>, vector<16xi32>], vector<16xf32>,
        %get3A_1092 = arith.constant 0 : i32
        %get3A_1093 = arith.constant 0 : i32
        %get3A_1094 = tpu.memref_slice %arg6[%scan3A_776, %get3A_1092, %get3A_1093] : memref<8x128x64xf32, #tpu.memory_space<vmem>> -> memref<1x128x64xf32, #tpu.memory_space<vmem>>
        %get3A_1095 = tpu.memref_squeeze %get3A_1094 : memref<1x128x64xf32, #tpu.memory_space<vmem>> -> memref<128x64xf32, #tpu.memory_space<vmem>>
        %get3A_1096 = arith.index_cast %add3A_1066 : i32 to index
        %get3A_1097 = arith.constant 32 : index
        %get3A_1098 = tpu.vector_load %get3A_1095[%get3A_1096, %get3A_1097] {strides = array<i32>} : memref<128x64xf32, #tpu.memory_space<vmem>>, vector<16xf32>,
        %scatter3A_1099 = arith.constant 0 : i32
        %scatter3A_1100 = arith.constant 0 : i32
        %scatter3A_1101 = arith.constant 0 : i32
        %scatter3A_1102 = tpu.memref_slice %arg7[%scan3A_777, %scatter3A_1099, %scatter3A_1100, %scatter3A_1101] : memref<2x8x8x129xf32, #tpu.memory_space<vmem>> -> memref<1x8x8x129xf32, #tpu.memory_space<vmem>>
        %scatter3A_1103 = tpu.memref_squeeze %scatter3A_1102 : memref<1x8x8x129xf32, #tpu.memory_space<vmem>> -> memref<8x8x129xf32, #tpu.memory_space<vmem>>
        tpu.vector_store_idx %scatter3A_1103[%shift_right_arithmetic3A_17, %and3A_40, %broadcast_in_dim3A_1067], %get3A_1098 : memref<8x8x129xf32, #tpu.memory_space<vmem>>[vector<16xi32>, vector<16xi32>, vector<16xi32>], vector<16xf32>,
        %get3A_1104 = arith.constant 0 : i32
        %get3A_1105 = arith.constant 0 : i32
        %get3A_1106 = tpu.memref_slice %arg6[%scan3A_776, %get3A_1104, %get3A_1105] : memref<8x128x64xf32, #tpu.memory_space<vmem>> -> memref<1x128x64xf32, #tpu.memory_space<vmem>>
        %get3A_1107 = tpu.memref_squeeze %get3A_1106 : memref<1x128x64xf32, #tpu.memory_space<vmem>> -> memref<128x64xf32, #tpu.memory_space<vmem>>
        %get3A_1108 = arith.index_cast %add3A_1066 : i32 to index
        %get3A_1109 = arith.constant 48 : index
        %get3A_1110 = tpu.vector_load %get3A_1107[%get3A_1108, %get3A_1109] {strides = array<i32>} : memref<128x64xf32, #tpu.memory_space<vmem>>, vector<16xf32>,
        %scatter3A_1111 = arith.constant 0 : i32
        %scatter3A_1112 = arith.constant 0 : i32
        %scatter3A_1113 = arith.constant 0 : i32
        %scatter3A_1114 = tpu.memref_slice %arg7[%scan3A_777, %scatter3A_1111, %scatter3A_1112, %scatter3A_1113] : memref<2x8x8x129xf32, #tpu.memory_space<vmem>> -> memref<1x8x8x129xf32, #tpu.memory_space<vmem>>
        %scatter3A_1115 = tpu.memref_squeeze %scatter3A_1114 : memref<1x8x8x129xf32, #tpu.memory_space<vmem>> -> memref<8x8x129xf32, #tpu.memory_space<vmem>>
        tpu.vector_store_idx %scatter3A_1115[%shift_right_arithmetic3A_23, %and3A_46, %broadcast_in_dim3A_1067], %get3A_1110 : memref<8x8x129xf32, #tpu.memory_space<vmem>>[vector<16xi32>, vector<16xi32>, vector<16xi32>], vector<16xf32>,
        %add3A_1116 = arith.constant 2 : i32
        %add3A_1117 = arith.addi %add3A_1016, %add3A_1116 : i32
        %broadcast_in_dim3A_1118 = vector.broadcast %add3A_1117 : i32 to vector<16xi32>
        %get3A_1119 = arith.constant 0 : i32
        %get3A_1120 = arith.constant 0 : i32
        %get3A_1121 = tpu.memref_slice %arg6[%scan3A_776, %get3A_1119, %get3A_1120] : memref<8x128x64xf32, #tpu.memory_space<vmem>> -> memref<1x128x64xf32, #tpu.memory_space<vmem>>
        %get3A_1122 = tpu.memref_squeeze %get3A_1121 : memref<1x128x64xf32, #tpu.memory_space<vmem>> -> memref<128x64xf32, #tpu.memory_space<vmem>>
        %get3A_1123 = arith.index_cast %add3A_1117 : i32 to index
        %get3A_1124 = arith.constant 0 : index
        %get3A_1125 = tpu.vector_load %get3A_1122[%get3A_1123, %get3A_1124] {strides = array<i32>} : memref<128x64xf32, #tpu.memory_space<vmem>>, vector<16xf32>,
        %scatter3A_1126 = arith.constant 0 : i32
        %scatter3A_1127 = arith.constant 0 : i32
        %scatter3A_1128 = arith.constant 0 : i32
        %scatter3A_1129 = tpu.memref_slice %arg7[%scan3A_777, %scatter3A_1126, %scatter3A_1127, %scatter3A_1128] : memref<2x8x8x129xf32, #tpu.memory_space<vmem>> -> memref<1x8x8x129xf32, #tpu.memory_space<vmem>>
        %scatter3A_1130 = tpu.memref_squeeze %scatter3A_1129 : memref<1x8x8x129xf32, #tpu.memory_space<vmem>> -> memref<8x8x129xf32, #tpu.memory_space<vmem>>
        tpu.vector_store_idx %scatter3A_1130[%shift_right_arithmetic3A_5, %and3A_28, %broadcast_in_dim3A_1118], %get3A_1125 : memref<8x8x129xf32, #tpu.memory_space<vmem>>[vector<16xi32>, vector<16xi32>, vector<16xi32>], vector<16xf32>,
        %get3A_1131 = arith.constant 0 : i32
        %get3A_1132 = arith.constant 0 : i32
        %get3A_1133 = tpu.memref_slice %arg6[%scan3A_776, %get3A_1131, %get3A_1132] : memref<8x128x64xf32, #tpu.memory_space<vmem>> -> memref<1x128x64xf32, #tpu.memory_space<vmem>>
        %get3A_1134 = tpu.memref_squeeze %get3A_1133 : memref<1x128x64xf32, #tpu.memory_space<vmem>> -> memref<128x64xf32, #tpu.memory_space<vmem>>
        %get3A_1135 = arith.index_cast %add3A_1117 : i32 to index
        %get3A_1136 = arith.constant 16 : index
        %get3A_1137 = tpu.vector_load %get3A_1134[%get3A_1135, %get3A_1136] {strides = array<i32>} : memref<128x64xf32, #tpu.memory_space<vmem>>, vector<16xf32>,
        %scatter3A_1138 = arith.constant 0 : i32
        %scatter3A_1139 = arith.constant 0 : i32
        %scatter3A_1140 = arith.constant 0 : i32
        %scatter3A_1141 = tpu.memref_slice %arg7[%scan3A_777, %scatter3A_1138, %scatter3A_1139, %scatter3A_1140] : memref<2x8x8x129xf32, #tpu.memory_space<vmem>> -> memref<1x8x8x129xf32, #tpu.memory_space<vmem>>
        %scatter3A_1142 = tpu.memref_squeeze %scatter3A_1141 : memref<1x8x8x129xf32, #tpu.memory_space<vmem>> -> memref<8x8x129xf32, #tpu.memory_space<vmem>>
        tpu.vector_store_idx %scatter3A_1142[%shift_right_arithmetic3A_11, %and3A_34, %broadcast_in_dim3A_1118], %get3A_1137 : memref<8x8x129xf32, #tpu.memory_space<vmem>>[vector<16xi32>, vector<16xi32>, vector<16xi32>], vector<16xf32>,
        %get3A_1143 = arith.constant 0 : i32
        %get3A_1144 = arith.constant 0 : i32
        %get3A_1145 = tpu.memref_slice %arg6[%scan3A_776, %get3A_1143, %get3A_1144] : memref<8x128x64xf32, #tpu.memory_space<vmem>> -> memref<1x128x64xf32, #tpu.memory_space<vmem>>
        %get3A_1146 = tpu.memref_squeeze %get3A_1145 : memref<1x128x64xf32, #tpu.memory_space<vmem>> -> memref<128x64xf32, #tpu.memory_space<vmem>>
        %get3A_1147 = arith.index_cast %add3A_1117 : i32 to index
        %get3A_1148 = arith.constant 32 : index
        %get3A_1149 = tpu.vector_load %get3A_1146[%get3A_1147, %get3A_1148] {strides = array<i32>} : memref<128x64xf32, #tpu.memory_space<vmem>>, vector<16xf32>,
        %scatter3A_1150 = arith.constant 0 : i32
        %scatter3A_1151 = arith.constant 0 : i32
        %scatter3A_1152 = arith.constant 0 : i32
        %scatter3A_1153 = tpu.memref_slice %arg7[%scan3A_777, %scatter3A_1150, %scatter3A_1151, %scatter3A_1152] : memref<2x8x8x129xf32, #tpu.memory_space<vmem>> -> memref<1x8x8x129xf32, #tpu.memory_space<vmem>>
        %scatter3A_1154 = tpu.memref_squeeze %scatter3A_1153 : memref<1x8x8x129xf32, #tpu.memory_space<vmem>> -> memref<8x8x129xf32, #tpu.memory_space<vmem>>
        tpu.vector_store_idx %scatter3A_1154[%shift_right_arithmetic3A_17, %and3A_40, %broadcast_in_dim3A_1118], %get3A_1149 : memref<8x8x129xf32, #tpu.memory_space<vmem>>[vector<16xi32>, vector<16xi32>, vector<16xi32>], vector<16xf32>,
        %get3A_1155 = arith.constant 0 : i32
        %get3A_1156 = arith.constant 0 : i32
        %get3A_1157 = tpu.memref_slice %arg6[%scan3A_776, %get3A_1155, %get3A_1156] : memref<8x128x64xf32, #tpu.memory_space<vmem>> -> memref<1x128x64xf32, #tpu.memory_space<vmem>>
        %get3A_1158 = tpu.memref_squeeze %get3A_1157 : memref<1x128x64xf32, #tpu.memory_space<vmem>> -> memref<128x64xf32, #tpu.memory_space<vmem>>
        %get3A_1159 = arith.index_cast %add3A_1117 : i32 to index
        %get3A_1160 = arith.constant 48 : index
        %get3A_1161 = tpu.vector_load %get3A_1158[%get3A_1159, %get3A_1160] {strides = array<i32>} : memref<128x64xf32, #tpu.memory_space<vmem>>, vector<16xf32>,
        %scatter3A_1162 = arith.constant 0 : i32
        %scatter3A_1163 = arith.constant 0 : i32
        %scatter3A_1164 = arith.constant 0 : i32
        %scatter3A_1165 = tpu.memref_slice %arg7[%scan3A_777, %scatter3A_1162, %scatter3A_1163, %scatter3A_1164] : memref<2x8x8x129xf32, #tpu.memory_space<vmem>> -> memref<1x8x8x129xf32, #tpu.memory_space<vmem>>
        %scatter3A_1166 = tpu.memref_squeeze %scatter3A_1165 : memref<1x8x8x129xf32, #tpu.memory_space<vmem>> -> memref<8x8x129xf32, #tpu.memory_space<vmem>>
        tpu.vector_store_idx %scatter3A_1166[%shift_right_arithmetic3A_23, %and3A_46, %broadcast_in_dim3A_1118], %get3A_1161 : memref<8x8x129xf32, #tpu.memory_space<vmem>>[vector<16xi32>, vector<16xi32>, vector<16xi32>], vector<16xf32>,
        %add3A_1167 = arith.constant 3 : i32
        %add3A_1168 = arith.addi %add3A_1016, %add3A_1167 : i32
        %broadcast_in_dim3A_1169 = vector.broadcast %add3A_1168 : i32 to vector<16xi32>
        %get3A_1170 = arith.constant 0 : i32
        %get3A_1171 = arith.constant 0 : i32
        %get3A_1172 = tpu.memref_slice %arg6[%scan3A_776, %get3A_1170, %get3A_1171] : memref<8x128x64xf32, #tpu.memory_space<vmem>> -> memref<1x128x64xf32, #tpu.memory_space<vmem>>
        %get3A_1173 = tpu.memref_squeeze %get3A_1172 : memref<1x128x64xf32, #tpu.memory_space<vmem>> -> memref<128x64xf32, #tpu.memory_space<vmem>>
        %get3A_1174 = arith.index_cast %add3A_1168 : i32 to index
        %get3A_1175 = arith.constant 0 : index
        %get3A_1176 = tpu.vector_load %get3A_1173[%get3A_1174, %get3A_1175] {strides = array<i32>} : memref<128x64xf32, #tpu.memory_space<vmem>>, vector<16xf32>,
        %scatter3A_1177 = arith.constant 0 : i32
        %scatter3A_1178 = arith.constant 0 : i32
        %scatter3A_1179 = arith.constant 0 : i32
        %scatter3A_1180 = tpu.memref_slice %arg7[%scan3A_777, %scatter3A_1177, %scatter3A_1178, %scatter3A_1179] : memref<2x8x8x129xf32, #tpu.memory_space<vmem>> -> memref<1x8x8x129xf32, #tpu.memory_space<vmem>>
        %scatter3A_1181 = tpu.memref_squeeze %scatter3A_1180 : memref<1x8x8x129xf32, #tpu.memory_space<vmem>> -> memref<8x8x129xf32, #tpu.memory_space<vmem>>
        tpu.vector_store_idx %scatter3A_1181[%shift_right_arithmetic3A_5, %and3A_28, %broadcast_in_dim3A_1169], %get3A_1176 : memref<8x8x129xf32, #tpu.memory_space<vmem>>[vector<16xi32>, vector<16xi32>, vector<16xi32>], vector<16xf32>,
        %get3A_1182 = arith.constant 0 : i32
        %get3A_1183 = arith.constant 0 : i32
        %get3A_1184 = tpu.memref_slice %arg6[%scan3A_776, %get3A_1182, %get3A_1183] : memref<8x128x64xf32, #tpu.memory_space<vmem>> -> memref<1x128x64xf32, #tpu.memory_space<vmem>>
        %get3A_1185 = tpu.memref_squeeze %get3A_1184 : memref<1x128x64xf32, #tpu.memory_space<vmem>> -> memref<128x64xf32, #tpu.memory_space<vmem>>
        %get3A_1186 = arith.index_cast %add3A_1168 : i32 to index
        %get3A_1187 = arith.constant 16 : index
        %get3A_1188 = tpu.vector_load %get3A_1185[%get3A_1186, %get3A_1187] {strides = array<i32>} : memref<128x64xf32, #tpu.memory_space<vmem>>, vector<16xf32>,
        %scatter3A_1189 = arith.constant 0 : i32
        %scatter3A_1190 = arith.constant 0 : i32
        %scatter3A_1191 = arith.constant 0 : i32
        %scatter3A_1192 = tpu.memref_slice %arg7[%scan3A_777, %scatter3A_1189, %scatter3A_1190, %scatter3A_1191] : memref<2x8x8x129xf32, #tpu.memory_space<vmem>> -> memref<1x8x8x129xf32, #tpu.memory_space<vmem>>
        %scatter3A_1193 = tpu.memref_squeeze %scatter3A_1192 : memref<1x8x8x129xf32, #tpu.memory_space<vmem>> -> memref<8x8x129xf32, #tpu.memory_space<vmem>>
        tpu.vector_store_idx %scatter3A_1193[%shift_right_arithmetic3A_11, %and3A_34, %broadcast_in_dim3A_1169], %get3A_1188 : memref<8x8x129xf32, #tpu.memory_space<vmem>>[vector<16xi32>, vector<16xi32>, vector<16xi32>], vector<16xf32>,
        %get3A_1194 = arith.constant 0 : i32
        %get3A_1195 = arith.constant 0 : i32
        %get3A_1196 = tpu.memref_slice %arg6[%scan3A_776, %get3A_1194, %get3A_1195] : memref<8x128x64xf32, #tpu.memory_space<vmem>> -> memref<1x128x64xf32, #tpu.memory_space<vmem>>
        %get3A_1197 = tpu.memref_squeeze %get3A_1196 : memref<1x128x64xf32, #tpu.memory_space<vmem>> -> memref<128x64xf32, #tpu.memory_space<vmem>>
        %get3A_1198 = arith.index_cast %add3A_1168 : i32 to index
        %get3A_1199 = arith.constant 32 : index
        %get3A_1200 = tpu.vector_load %get3A_1197[%get3A_1198, %get3A_1199] {strides = array<i32>} : memref<128x64xf32, #tpu.memory_space<vmem>>, vector<16xf32>,
        %scatter3A_1201 = arith.constant 0 : i32
        %scatter3A_1202 = arith.constant 0 : i32
        %scatter3A_1203 = arith.constant 0 : i32
        %scatter3A_1204 = tpu.memref_slice %arg7[%scan3A_777, %scatter3A_1201, %scatter3A_1202, %scatter3A_1203] : memref<2x8x8x129xf32, #tpu.memory_space<vmem>> -> memref<1x8x8x129xf32, #tpu.memory_space<vmem>>
        %scatter3A_1205 = tpu.memref_squeeze %scatter3A_1204 : memref<1x8x8x129xf32, #tpu.memory_space<vmem>> -> memref<8x8x129xf32, #tpu.memory_space<vmem>>
        tpu.vector_store_idx %scatter3A_1205[%shift_right_arithmetic3A_17, %and3A_40, %broadcast_in_dim3A_1169], %get3A_1200 : memref<8x8x129xf32, #tpu.memory_space<vmem>>[vector<16xi32>, vector<16xi32>, vector<16xi32>], vector<16xf32>,
        %get3A_1206 = arith.constant 0 : i32
        %get3A_1207 = arith.constant 0 : i32
        %get3A_1208 = tpu.memref_slice %arg6[%scan3A_776, %get3A_1206, %get3A_1207] : memref<8x128x64xf32, #tpu.memory_space<vmem>> -> memref<1x128x64xf32, #tpu.memory_space<vmem>>
        %get3A_1209 = tpu.memref_squeeze %get3A_1208 : memref<1x128x64xf32, #tpu.memory_space<vmem>> -> memref<128x64xf32, #tpu.memory_space<vmem>>
        %get3A_1210 = arith.index_cast %add3A_1168 : i32 to index
        %get3A_1211 = arith.constant 48 : index
        %get3A_1212 = tpu.vector_load %get3A_1209[%get3A_1210, %get3A_1211] {strides = array<i32>} : memref<128x64xf32, #tpu.memory_space<vmem>>, vector<16xf32>,
        %scatter3A_1213 = arith.constant 0 : i32
        %scatter3A_1214 = arith.constant 0 : i32
        %scatter3A_1215 = arith.constant 0 : i32
        %scatter3A_1216 = tpu.memref_slice %arg7[%scan3A_777, %scatter3A_1213, %scatter3A_1214, %scatter3A_1215] : memref<2x8x8x129xf32, #tpu.memory_space<vmem>> -> memref<1x8x8x129xf32, #tpu.memory_space<vmem>>
        %scatter3A_1217 = tpu.memref_squeeze %scatter3A_1216 : memref<1x8x8x129xf32, #tpu.memory_space<vmem>> -> memref<8x8x129xf32, #tpu.memory_space<vmem>>
        tpu.vector_store_idx %scatter3A_1217[%shift_right_arithmetic3A_23, %and3A_46, %broadcast_in_dim3A_1169], %get3A_1212 : memref<8x8x129xf32, #tpu.memory_space<vmem>>[vector<16xi32>, vector<16xi32>, vector<16xi32>], vector<16xf32>,
      }
      %scan3A_782 = arith.constant 32 : i32
      %add3A_783 = arith.constant 8 : i32
      %add3A_784 = arith.addi %add3A_716, %add3A_783 : i32
      %lt3A_785 = arith.constant 200 : i32
      %lt3A_786 = arith.cmpi slt, %add3A_784, %lt3A_785 : i32
      %convert_element_type3A_787 = arith.extui %lt3A_786 : i1 to i32
      %cond3A_788 = arith.constant 0 : i32
      %cond3A_789 = arith.cmpi ne, %convert_element_type3A_787, %cond3A_788 : i32
      scf.if %cond3A_789 {
        %add3A_1012 = arith.constant 8 : i32
        %add3A_1013 = arith.addi %add3A_716, %add3A_1012 : i32
        %jit3A_1014 = arith.constant 8 : i32
        %div3A_1015 = arith.divsi %add3A_1013, %jit3A_1014 : i32
        %sign3A_1016 = arith.constant 0 : i32
        %sign3A_1017 = arith.cmpi sgt, %add3A_1013, %sign3A_1016 : i32
        %sign3A_1018 = arith.extui %sign3A_1017 : i1 to i32
        %sign3A_1019 = arith.constant 0 : i32
        %sign3A_1020 = arith.cmpi slt, %add3A_1013, %sign3A_1019 : i32
        %sign3A_1021 = arith.extui %sign3A_1020 : i1 to i32
        %sign3A_1022 = arith.subi %sign3A_1018, %sign3A_1021 : i32
        %sign3A_1023 = arith.constant 0 : i32
        %sign3A_1024 = arith.cmpi sgt, %jit3A_1014, %sign3A_1023 : i32
        %sign3A_1025 = arith.extui %sign3A_1024 : i1 to i32
        %sign3A_1026 = arith.constant 0 : i32
        %sign3A_1027 = arith.cmpi slt, %jit3A_1014, %sign3A_1026 : i32
        %sign3A_1028 = arith.extui %sign3A_1027 : i1 to i32
        %sign3A_1029 = arith.subi %sign3A_1025, %sign3A_1028 : i32
        %ne3A_1030 = arith.cmpi ne, %sign3A_1022, %sign3A_1029 : i32
        %rem3A_1031 = arith.remsi %add3A_1013, %jit3A_1014 : i32
        %ne3A_1032 = arith.constant 0 : i32
        %ne3A_1033 = arith.cmpi ne, %rem3A_1031, %ne3A_1032 : i32
        %and3A_1034 = arith.andi %ne3A_1030, %ne3A_1033 : i1
        %sub3A_1035 = arith.constant 1 : i32
        %sub3A_1036 = arith.subi %div3A_1015, %sub3A_1035 : i32
        %select_n3A_1037 = arith.select %and3A_1034, %sub3A_1036, %div3A_1015 : i32
        %add3A_1038 = arith.constant 8 : i32
        %add3A_1039 = arith.addi %add3A_716, %add3A_1038 : i32
        %jit3A_1040 = arith.constant 8 : i32
        %eq3A_1041 = arith.constant 0 : i32
        %eq3A_1042 = arith.cmpi eq, %jit3A_1040, %eq3A_1041 : i32
        %jit3A_1043 = arith.constant 1 : i32
        %select_n3A_1044 = arith.select %eq3A_1042, %jit3A_1043, %jit3A_1040 : i32
        %rem3A_1045 = arith.remsi %add3A_1039, %select_n3A_1044 : i32
        %ne3A_1046 = arith.constant 0 : i32
        %ne3A_1047 = arith.cmpi ne, %rem3A_1045, %ne3A_1046 : i32
        %lt3A_1048 = arith.constant 0 : i32
        %lt3A_1049 = arith.cmpi slt, %rem3A_1045, %lt3A_1048 : i32
        %lt3A_1050 = arith.constant 0 : i32
        %lt3A_1051 = arith.cmpi slt, %select_n3A_1044, %lt3A_1050 : i32
        %ne3A_1052 = arith.xori %lt3A_1049, %lt3A_1051 : i1
        %and3A_1053 = arith.andi %ne3A_1052, %ne3A_1047 : i1
        %add3A_1054 = arith.addi %rem3A_1045, %select_n3A_1044 : i32
        %select_n3A_1055 = arith.select %and3A_1053, %add3A_1054, %rem3A_1045 : i32
        %dma_start3A_1056 = arith.constant 5 : i32
        %dma_start3A_1057 = arith.constant 5 : i32
        %dma_start3A_1058 = arith.constant 0 : i32
        %dma_start3A_1059 = arith.constant 0 : i32
        %dma_start3A_1060 = tpu.memref_slice %arg6[%dma_start3A_1056, %dma_start3A_1058, %dma_start3A_1059] : memref<8x128x64xf32, #tpu.memory_space<vmem>> -> memref<1x128x64xf32, #tpu.memory_space<vmem>>
        %dma_start3A_1061 = tpu.memref_squeeze %dma_start3A_1060 : memref<1x128x64xf32, #tpu.memory_space<vmem>> -> memref<128x64xf32, #tpu.memory_space<vmem>>
        %dma_start3A_1062 = arith.constant 0 : i32
        %dma_start3A_1063 = tpu.memref_slice %arg5[%select_n3A_1037, %select_n3A_1055, %dma_start3A_1062] : memref<25x8x128xi32, #tpu.memory_space<vmem>> -> memref<1x1x128xi32, #tpu.memory_space<vmem>>
        %dma_start3A_1064 = tpu.memref_squeeze %dma_start3A_1063 : memref<1x1x128xi32, #tpu.memory_space<vmem>> -> memref<128xi32, #tpu.memory_space<vmem>>
        %dma_start3A_1065 = arith.constant 0 : i32
        %dma_start3A_1066 = arith.constant 0 : i32
        %dma_start3A_1067 = tpu.memref_slice %arg3[%dma_start3A_1065, %dma_start3A_1066] : memref<1000000x64xf32, #tpu.memory_space<hbm>> -> memref<1000000x64xf32, #tpu.memory_space<hbm>>
        %dma_start3A_1068 = tpu.memref_slice %arg8[%dma_start3A_1057] : memref<8x!tpu.dma_semaphore, #tpu.memory_space<semaphore_mem>> -> memref<1x!tpu.dma_semaphore, #tpu.memory_space<semaphore_mem>>
        %dma_start3A_1069 = tpu.memref_squeeze %dma_start3A_1068 : memref<1x!tpu.dma_semaphore, #tpu.memory_space<semaphore_mem>> -> memref<!tpu.dma_semaphore, #tpu.memory_space<semaphore_mem>>
        tpu.enqueue_indirect_dma source(%dma_start3A_1067 : memref<1000000x64xf32, #tpu.memory_space<hbm>>) target(%dma_start3A_1061 : memref<128x64xf32, #tpu.memory_space<vmem>>) offsets(%dma_start3A_1064 : memref<128xi32, #tpu.memory_space<vmem>>) semaphore(%dma_start3A_1069 : memref<!tpu.dma_semaphore, #tpu.memory_space<semaphore_mem>>)
      } else {
      }
      %dma_start3A_790 = arith.constant 1 : i32
      %dma_start3A_791 = arith.constant 1 : i32
      %dma_start3A_792 = arith.constant 0 : i32
      %dma_start3A_793 = arith.constant 0 : i32
      %dma_start3A_794 = arith.constant 0 : i32
      %dma_start3A_795 = tpu.memref_slice %arg7[%dma_start3A_790, %dma_start3A_792, %dma_start3A_793, %dma_start3A_794] : memref<2x8x8x129xf32, #tpu.memory_space<vmem>> -> memref<1x8x8x128xf32, #tpu.memory_space<vmem>>
      %dma_start3A_796 = tpu.memref_squeeze %dma_start3A_795 : memref<1x8x8x128xf32, #tpu.memory_space<vmem>> -> memref<8x8x128xf32, #tpu.memory_space<vmem>>
      %dma_start3A_797 = arith.constant 0 : i32
      %dma_start3A_798 = arith.constant 0 : i32
      %dma_start3A_799 = arith.constant 0 : i32
      %dma_start3A_800 = tpu.memref_slice %arg4[%add3A_716, %dma_start3A_797, %add3A, %dma_start3A_798, %dma_start3A_799] : memref<200x8x32x8x128xf32, #tpu.memory_space<hbm>> -> memref<1x8x1x8x128xf32, #tpu.memory_space<hbm>>
      %dma_start3A_801 = tpu.memref_squeeze %dma_start3A_800 : memref<1x8x1x8x128xf32, #tpu.memory_space<hbm>> -> memref<8x8x128xf32, #tpu.memory_space<hbm>>
      %dma_start3A_802 = tpu.memref_slice %arg9[%dma_start3A_791] : memref<2x!tpu.dma_semaphore, #tpu.memory_space<semaphore_mem>> -> memref<1x!tpu.dma_semaphore, #tpu.memory_space<semaphore_mem>>
      %dma_start3A_803 = tpu.memref_squeeze %dma_start3A_802 : memref<1x!tpu.dma_semaphore, #tpu.memory_space<semaphore_mem>> -> memref<!tpu.dma_semaphore, #tpu.memory_space<semaphore_mem>>
      %dma_start3A_804 = arith.constant 0 : i32
      %dma_start3A_805 = arith.constant 0 : i32
      %dma_start3A_806 = arith.constant 0 : i32
      %dma_start3A_807 = tpu.memref_slice %arg4[%add3A_716, %dma_start3A_804, %add3A, %dma_start3A_805, %dma_start3A_806] : memref<200x8x32x8x128xf32, #tpu.memory_space<hbm>> -> memref<1x8x1x8x128xf32, #tpu.memory_space<hbm>>
      %dma_start3A_808 = tpu.memref_squeeze %dma_start3A_807 : memref<1x8x1x8x128xf32, #tpu.memory_space<hbm>> -> memref<8x8x128xf32, #tpu.memory_space<hbm>>
      %dma_start3A_809 = arith.constant 0 : i32
      %dma_start3A_810 = arith.constant 0 : i32
      %dma_start3A_811 = arith.constant 0 : i32
      %dma_start3A_812 = tpu.memref_slice %arg7[%dma_start3A_790, %dma_start3A_809, %dma_start3A_810, %dma_start3A_811] : memref<2x8x8x129xf32, #tpu.memory_space<vmem>> -> memref<1x8x8x128xf32, #tpu.memory_space<vmem>>
      %dma_start3A_813 = tpu.memref_squeeze %dma_start3A_812 : memref<1x8x8x128xf32, #tpu.memory_space<vmem>> -> memref<8x8x128xf32, #tpu.memory_space<vmem>>
      tpu.enqueue_dma source(%dma_start3A_813 : memref<8x8x128xf32, #tpu.memory_space<vmem>>) target(%dma_start3A_808 : memref<8x8x128xf32, #tpu.memory_space<hbm>>) target_semaphore(%dma_start3A_803 : memref<!tpu.dma_semaphore, #tpu.memory_space<semaphore_mem>>)
      %add3A_814 = arith.constant 6 : i32
      %add3A_815 = arith.addi %add3A_231, %add3A_814 : i32
      %jit3A_816 = arith.constant 8 : i32
      %div3A_817 = arith.divsi %add3A_815, %jit3A_816 : i32
      %sign3A_818 = arith.constant 0 : i32
      %sign3A_819 = arith.cmpi sgt, %add3A_815, %sign3A_818 : i32
      %sign3A_820 = arith.extui %sign3A_819 : i1 to i32
      %sign3A_821 = arith.constant 0 : i32
      %sign3A_822 = arith.cmpi slt, %add3A_815, %sign3A_821 : i32
      %sign3A_823 = arith.extui %sign3A_822 : i1 to i32
      %sign3A_824 = arith.subi %sign3A_820, %sign3A_823 : i32
      %sign3A_825 = arith.constant 0 : i32
      %sign3A_826 = arith.cmpi sgt, %jit3A_816, %sign3A_825 : i32
      %sign3A_827 = arith.extui %sign3A_826 : i1 to i32
      %sign3A_828 = arith.constant 0 : i32
      %sign3A_829 = arith.cmpi slt, %jit3A_816, %sign3A_828 : i32
      %sign3A_830 = arith.extui %sign3A_829 : i1 to i32
      %sign3A_831 = arith.subi %sign3A_827, %sign3A_830 : i32
      %ne3A_832 = arith.cmpi ne, %sign3A_824, %sign3A_831 : i32
      %rem3A_833 = arith.remsi %add3A_815, %jit3A_816 : i32
      %ne3A_834 = arith.constant 0 : i32
      %ne3A_835 = arith.cmpi ne, %rem3A_833, %ne3A_834 : i32
      %and3A_836 = arith.andi %ne3A_832, %ne3A_835 : i1
      %sub3A_837 = arith.constant 1 : i32
      %sub3A_838 = arith.subi %div3A_817, %sub3A_837 : i32
      %select_n3A_839 = arith.select %and3A_836, %sub3A_838, %div3A_817 : i32
      %jit3A_840 = arith.constant 8 : i32
      %eq3A_841 = arith.constant 0 : i32
      %eq3A_842 = arith.cmpi eq, %jit3A_840, %eq3A_841 : i32
      %jit3A_843 = arith.constant 1 : i32
      %select_n3A_844 = arith.select %eq3A_842, %jit3A_843, %jit3A_840 : i32
      %rem3A_845 = arith.remsi %add3A_815, %select_n3A_844 : i32
      %ne3A_846 = arith.constant 0 : i32
      %ne3A_847 = arith.cmpi ne, %rem3A_845, %ne3A_846 : i32
      %lt3A_848 = arith.constant 0 : i32
      %lt3A_849 = arith.cmpi slt, %rem3A_845, %lt3A_848 : i32
      %lt3A_850 = arith.constant 0 : i32
      %lt3A_851 = arith.cmpi slt, %select_n3A_844, %lt3A_850 : i32
      %ne3A_852 = arith.xori %lt3A_849, %lt3A_851 : i1
      %and3A_853 = arith.andi %ne3A_852, %ne3A_847 : i1
      %add3A_854 = arith.addi %rem3A_845, %select_n3A_844 : i32
      %select_n3A_855 = arith.select %and3A_853, %add3A_854, %rem3A_845 : i32
      %dma_wait3A_856 = arith.constant 6 : i32
      %dma_wait3A_857 = arith.constant 6 : i32
      %dma_wait3A_858 = arith.constant 0 : i32
      %dma_wait3A_859 = arith.constant 0 : i32
      %dma_wait3A_860 = tpu.memref_slice %arg6[%dma_wait3A_856, %dma_wait3A_858, %dma_wait3A_859] : memref<8x128x64xf32, #tpu.memory_space<vmem>> -> memref<1x128x64xf32, #tpu.memory_space<vmem>>
      %dma_wait3A_861 = tpu.memref_squeeze %dma_wait3A_860 : memref<1x128x64xf32, #tpu.memory_space<vmem>> -> memref<128x64xf32, #tpu.memory_space<vmem>>
      %dma_wait3A_862 = arith.constant 0 : i32
      %dma_wait3A_863 = tpu.memref_slice %arg5[%select_n3A_839, %select_n3A_855, %dma_wait3A_862] : memref<25x8x128xi32, #tpu.memory_space<vmem>> -> memref<1x1x128xi32, #tpu.memory_space<vmem>>
      %dma_wait3A_864 = tpu.memref_squeeze %dma_wait3A_863 : memref<1x1x128xi32, #tpu.memory_space<vmem>> -> memref<128xi32, #tpu.memory_space<vmem>>
      %dma_wait3A_865 = arith.constant 0 : i32
      %dma_wait3A_866 = arith.constant 0 : i32
      %dma_wait3A_867 = tpu.memref_slice %arg3[%dma_wait3A_865, %dma_wait3A_866] : memref<1000000x64xf32, #tpu.memory_space<hbm>> -> memref<1000000x64xf32, #tpu.memory_space<hbm>>
      %dma_wait3A_868 = tpu.memref_slice %arg8[%dma_wait3A_857] : memref<8x!tpu.dma_semaphore, #tpu.memory_space<semaphore_mem>> -> memref<1x!tpu.dma_semaphore, #tpu.memory_space<semaphore_mem>>
      %dma_wait3A_869 = tpu.memref_squeeze %dma_wait3A_868 : memref<1x!tpu.dma_semaphore, #tpu.memory_space<semaphore_mem>> -> memref<!tpu.dma_semaphore, #tpu.memory_space<semaphore_mem>>
      tpu.wait_indirect_dma semaphore(%dma_wait3A_869 : memref<!tpu.dma_semaphore, #tpu.memory_space<semaphore_mem>>) src(%dma_wait3A_867 : memref<1000000x64xf32, #tpu.memory_space<hbm>>) dst(%dma_wait3A_861 : memref<128x64xf32, #tpu.memory_space<vmem>>)
      %ge3A_870 = arith.constant 2 : i32
      %ge3A_871 = arith.cmpi sge, %add3A_815, %ge3A_870 : i32
      %convert_element_type3A_872 = arith.extui %ge3A_871 : i1 to i32
      %cond3A_873 = arith.constant 0 : i32
      %cond3A_874 = arith.cmpi ne, %convert_element_type3A_872, %cond3A_873 : i32
      scf.if %cond3A_874 {
        %sub3A_1012 = arith.constant 2 : i32
        %sub3A_1013 = arith.subi %add3A_815, %sub3A_1012 : i32
        %dma_wait3A_1014 = arith.constant 0 : i32
        %dma_wait3A_1015 = arith.constant 0 : i32
        %dma_wait3A_1016 = arith.constant 0 : i32
        %dma_wait3A_1017 = arith.constant 0 : i32
        %dma_wait3A_1018 = arith.constant 0 : i32
        %dma_wait3A_1019 = tpu.memref_slice %arg7[%dma_wait3A_1014, %dma_wait3A_1016, %dma_wait3A_1017, %dma_wait3A_1018] : memref<2x8x8x129xf32, #tpu.memory_space<vmem>> -> memref<1x8x8x128xf32, #tpu.memory_space<vmem>>
        %dma_wait3A_1020 = tpu.memref_squeeze %dma_wait3A_1019 : memref<1x8x8x128xf32, #tpu.memory_space<vmem>> -> memref<8x8x128xf32, #tpu.memory_space<vmem>>
        %dma_wait3A_1021 = arith.constant 0 : i32
        %dma_wait3A_1022 = arith.constant 0 : i32
        %dma_wait3A_1023 = arith.constant 0 : i32
        %dma_wait3A_1024 = tpu.memref_slice %arg4[%sub3A_1013, %dma_wait3A_1021, %add3A, %dma_wait3A_1022, %dma_wait3A_1023] : memref<200x8x32x8x128xf32, #tpu.memory_space<hbm>> -> memref<1x8x1x8x128xf32, #tpu.memory_space<hbm>>
        %dma_wait3A_1025 = tpu.memref_squeeze %dma_wait3A_1024 : memref<1x8x1x8x128xf32, #tpu.memory_space<hbm>> -> memref<8x8x128xf32, #tpu.memory_space<hbm>>
        %dma_wait3A_1026 = tpu.memref_slice %arg9[%dma_wait3A_1015] : memref<2x!tpu.dma_semaphore, #tpu.memory_space<semaphore_mem>> -> memref<1x!tpu.dma_semaphore, #tpu.memory_space<semaphore_mem>>
        %dma_wait3A_1027 = tpu.memref_squeeze %dma_wait3A_1026 : memref<1x!tpu.dma_semaphore, #tpu.memory_space<semaphore_mem>> -> memref<!tpu.dma_semaphore, #tpu.memory_space<semaphore_mem>>
        %dma_wait3A_1028 = arith.constant 0 : i32
        %dma_wait3A_1029 = arith.constant 0 : i32
        %dma_wait3A_1030 = arith.constant 0 : i32
        %dma_wait3A_1031 = tpu.memref_slice %arg4[%sub3A_1013, %dma_wait3A_1028, %add3A, %dma_wait3A_1029, %dma_wait3A_1030] : memref<200x8x32x8x128xf32, #tpu.memory_space<hbm>> -> memref<1x8x1x8x128xf32, #tpu.memory_space<hbm>>
        %dma_wait3A_1032 = tpu.memref_squeeze %dma_wait3A_1031 : memref<1x8x1x8x128xf32, #tpu.memory_space<hbm>> -> memref<8x8x128xf32, #tpu.memory_space<hbm>>
        %dma_wait3A_1033 = arith.constant 0 : i32
        %dma_wait3A_1034 = arith.constant 0 : i32
        %dma_wait3A_1035 = arith.constant 0 : i32
        %dma_wait3A_1036 = tpu.memref_slice %arg7[%dma_wait3A_1014, %dma_wait3A_1033, %dma_wait3A_1034, %dma_wait3A_1035] : memref<2x8x8x129xf32, #tpu.memory_space<vmem>> -> memref<1x8x8x128xf32, #tpu.memory_space<vmem>>
        %dma_wait3A_1037 = tpu.memref_squeeze %dma_wait3A_1036 : memref<1x8x8x128xf32, #tpu.memory_space<vmem>> -> memref<8x8x128xf32, #tpu.memory_space<vmem>>
        tpu.wait_dma2 semaphore(%dma_wait3A_1027 : memref<!tpu.dma_semaphore, #tpu.memory_space<semaphore_mem>>) src(%dma_wait3A_1037 : memref<8x8x128xf32, #tpu.memory_space<vmem>>) dst(%dma_wait3A_1032 : memref<8x8x128xf32, #tpu.memory_space<hbm>>)
      } else {
      }
      %scan3A_875 = arith.constant 6 : i32
      %scan3A_876 = arith.constant 0 : i32
      %scan3A_877 = arith.constant 0 : i32
      %scan3A_878 = arith.constant 32 : i32
      %scan3A_879 = arith.addi %scan3A_877, %scan3A_878 : i32
      %scan3A_880 = arith.constant 1 : i32
      scf.for %scan3A_1012 = %scan3A_877 to %scan3A_879 step %scan3A_880  : i32 {
        %mul3A_1013 = arith.constant 4 : i32
        %mul3A_1014 = arith.muli %scan3A_1012, %mul3A_1013 : i32
        %add3A_1015 = arith.constant 0 : i32
        %add3A_1016 = arith.addi %add3A_1015, %mul3A_1014 : i32
        %add3A_1017 = arith.constant 0 : i32
        %add3A_1018 = arith.addi %add3A_1016, %add3A_1017 : i32
        %broadcast_in_dim3A = vector.broadcast %add3A_1018 : i32 to vector<16xi32>
        %get3A = arith.constant 0 : i32
        %get3A_1019 = arith.constant 0 : i32
        %get3A_1020 = tpu.memref_slice %arg6[%scan3A_875, %get3A, %get3A_1019] : memref<8x128x64xf32, #tpu.memory_space<vmem>> -> memref<1x128x64xf32, #tpu.memory_space<vmem>>
        %get3A_1021 = tpu.memref_squeeze %get3A_1020 : memref<1x128x64xf32, #tpu.memory_space<vmem>> -> memref<128x64xf32, #tpu.memory_space<vmem>>
        %get3A_1022 = arith.index_cast %add3A_1018 : i32 to index
        %get3A_1023 = arith.constant 0 : index
        %get3A_1024 = tpu.vector_load %get3A_1021[%get3A_1022, %get3A_1023] {strides = array<i32>} : memref<128x64xf32, #tpu.memory_space<vmem>>, vector<16xf32>,
        %scatter3A = arith.constant 0 : i32
        %scatter3A_1025 = arith.constant 0 : i32
        %scatter3A_1026 = arith.constant 0 : i32
        %scatter3A_1027 = tpu.memref_slice %arg7[%scan3A_876, %scatter3A, %scatter3A_1025, %scatter3A_1026] : memref<2x8x8x129xf32, #tpu.memory_space<vmem>> -> memref<1x8x8x129xf32, #tpu.memory_space<vmem>>
        %scatter3A_1028 = tpu.memref_squeeze %scatter3A_1027 : memref<1x8x8x129xf32, #tpu.memory_space<vmem>> -> memref<8x8x129xf32, #tpu.memory_space<vmem>>
        tpu.vector_store_idx %scatter3A_1028[%shift_right_arithmetic3A_5, %and3A_28, %broadcast_in_dim3A], %get3A_1024 : memref<8x8x129xf32, #tpu.memory_space<vmem>>[vector<16xi32>, vector<16xi32>, vector<16xi32>], vector<16xf32>,
        %get3A_1029 = arith.constant 0 : i32
        %get3A_1030 = arith.constant 0 : i32
        %get3A_1031 = tpu.memref_slice %arg6[%scan3A_875, %get3A_1029, %get3A_1030] : memref<8x128x64xf32, #tpu.memory_space<vmem>> -> memref<1x128x64xf32, #tpu.memory_space<vmem>>
        %get3A_1032 = tpu.memref_squeeze %get3A_1031 : memref<1x128x64xf32, #tpu.memory_space<vmem>> -> memref<128x64xf32, #tpu.memory_space<vmem>>
        %get3A_1033 = arith.index_cast %add3A_1018 : i32 to index
        %get3A_1034 = arith.constant 16 : index
        %get3A_1035 = tpu.vector_load %get3A_1032[%get3A_1033, %get3A_1034] {strides = array<i32>} : memref<128x64xf32, #tpu.memory_space<vmem>>, vector<16xf32>,
        %scatter3A_1036 = arith.constant 0 : i32
        %scatter3A_1037 = arith.constant 0 : i32
        %scatter3A_1038 = arith.constant 0 : i32
        %scatter3A_1039 = tpu.memref_slice %arg7[%scan3A_876, %scatter3A_1036, %scatter3A_1037, %scatter3A_1038] : memref<2x8x8x129xf32, #tpu.memory_space<vmem>> -> memref<1x8x8x129xf32, #tpu.memory_space<vmem>>
        %scatter3A_1040 = tpu.memref_squeeze %scatter3A_1039 : memref<1x8x8x129xf32, #tpu.memory_space<vmem>> -> memref<8x8x129xf32, #tpu.memory_space<vmem>>
        tpu.vector_store_idx %scatter3A_1040[%shift_right_arithmetic3A_11, %and3A_34, %broadcast_in_dim3A], %get3A_1035 : memref<8x8x129xf32, #tpu.memory_space<vmem>>[vector<16xi32>, vector<16xi32>, vector<16xi32>], vector<16xf32>,
        %get3A_1041 = arith.constant 0 : i32
        %get3A_1042 = arith.constant 0 : i32
        %get3A_1043 = tpu.memref_slice %arg6[%scan3A_875, %get3A_1041, %get3A_1042] : memref<8x128x64xf32, #tpu.memory_space<vmem>> -> memref<1x128x64xf32, #tpu.memory_space<vmem>>
        %get3A_1044 = tpu.memref_squeeze %get3A_1043 : memref<1x128x64xf32, #tpu.memory_space<vmem>> -> memref<128x64xf32, #tpu.memory_space<vmem>>
        %get3A_1045 = arith.index_cast %add3A_1018 : i32 to index
        %get3A_1046 = arith.constant 32 : index
        %get3A_1047 = tpu.vector_load %get3A_1044[%get3A_1045, %get3A_1046] {strides = array<i32>} : memref<128x64xf32, #tpu.memory_space<vmem>>, vector<16xf32>,
        %scatter3A_1048 = arith.constant 0 : i32
        %scatter3A_1049 = arith.constant 0 : i32
        %scatter3A_1050 = arith.constant 0 : i32
        %scatter3A_1051 = tpu.memref_slice %arg7[%scan3A_876, %scatter3A_1048, %scatter3A_1049, %scatter3A_1050] : memref<2x8x8x129xf32, #tpu.memory_space<vmem>> -> memref<1x8x8x129xf32, #tpu.memory_space<vmem>>
        %scatter3A_1052 = tpu.memref_squeeze %scatter3A_1051 : memref<1x8x8x129xf32, #tpu.memory_space<vmem>> -> memref<8x8x129xf32, #tpu.memory_space<vmem>>
        tpu.vector_store_idx %scatter3A_1052[%shift_right_arithmetic3A_17, %and3A_40, %broadcast_in_dim3A], %get3A_1047 : memref<8x8x129xf32, #tpu.memory_space<vmem>>[vector<16xi32>, vector<16xi32>, vector<16xi32>], vector<16xf32>,
        %get3A_1053 = arith.constant 0 : i32
        %get3A_1054 = arith.constant 0 : i32
        %get3A_1055 = tpu.memref_slice %arg6[%scan3A_875, %get3A_1053, %get3A_1054] : memref<8x128x64xf32, #tpu.memory_space<vmem>> -> memref<1x128x64xf32, #tpu.memory_space<vmem>>
        %get3A_1056 = tpu.memref_squeeze %get3A_1055 : memref<1x128x64xf32, #tpu.memory_space<vmem>> -> memref<128x64xf32, #tpu.memory_space<vmem>>
        %get3A_1057 = arith.index_cast %add3A_1018 : i32 to index
        %get3A_1058 = arith.constant 48 : index
        %get3A_1059 = tpu.vector_load %get3A_1056[%get3A_1057, %get3A_1058] {strides = array<i32>} : memref<128x64xf32, #tpu.memory_space<vmem>>, vector<16xf32>,
        %scatter3A_1060 = arith.constant 0 : i32
        %scatter3A_1061 = arith.constant 0 : i32
        %scatter3A_1062 = arith.constant 0 : i32
        %scatter3A_1063 = tpu.memref_slice %arg7[%scan3A_876, %scatter3A_1060, %scatter3A_1061, %scatter3A_1062] : memref<2x8x8x129xf32, #tpu.memory_space<vmem>> -> memref<1x8x8x129xf32, #tpu.memory_space<vmem>>
        %scatter3A_1064 = tpu.memref_squeeze %scatter3A_1063 : memref<1x8x8x129xf32, #tpu.memory_space<vmem>> -> memref<8x8x129xf32, #tpu.memory_space<vmem>>
        tpu.vector_store_idx %scatter3A_1064[%shift_right_arithmetic3A_23, %and3A_46, %broadcast_in_dim3A], %get3A_1059 : memref<8x8x129xf32, #tpu.memory_space<vmem>>[vector<16xi32>, vector<16xi32>, vector<16xi32>], vector<16xf32>,
        %add3A_1065 = arith.constant 1 : i32
        %add3A_1066 = arith.addi %add3A_1016, %add3A_1065 : i32
        %broadcast_in_dim3A_1067 = vector.broadcast %add3A_1066 : i32 to vector<16xi32>
        %get3A_1068 = arith.constant 0 : i32
        %get3A_1069 = arith.constant 0 : i32
        %get3A_1070 = tpu.memref_slice %arg6[%scan3A_875, %get3A_1068, %get3A_1069] : memref<8x128x64xf32, #tpu.memory_space<vmem>> -> memref<1x128x64xf32, #tpu.memory_space<vmem>>
        %get3A_1071 = tpu.memref_squeeze %get3A_1070 : memref<1x128x64xf32, #tpu.memory_space<vmem>> -> memref<128x64xf32, #tpu.memory_space<vmem>>
        %get3A_1072 = arith.index_cast %add3A_1066 : i32 to index
        %get3A_1073 = arith.constant 0 : index
        %get3A_1074 = tpu.vector_load %get3A_1071[%get3A_1072, %get3A_1073] {strides = array<i32>} : memref<128x64xf32, #tpu.memory_space<vmem>>, vector<16xf32>,
        %scatter3A_1075 = arith.constant 0 : i32
        %scatter3A_1076 = arith.constant 0 : i32
        %scatter3A_1077 = arith.constant 0 : i32
        %scatter3A_1078 = tpu.memref_slice %arg7[%scan3A_876, %scatter3A_1075, %scatter3A_1076, %scatter3A_1077] : memref<2x8x8x129xf32, #tpu.memory_space<vmem>> -> memref<1x8x8x129xf32, #tpu.memory_space<vmem>>
        %scatter3A_1079 = tpu.memref_squeeze %scatter3A_1078 : memref<1x8x8x129xf32, #tpu.memory_space<vmem>> -> memref<8x8x129xf32, #tpu.memory_space<vmem>>
        tpu.vector_store_idx %scatter3A_1079[%shift_right_arithmetic3A_5, %and3A_28, %broadcast_in_dim3A_1067], %get3A_1074 : memref<8x8x129xf32, #tpu.memory_space<vmem>>[vector<16xi32>, vector<16xi32>, vector<16xi32>], vector<16xf32>,
        %get3A_1080 = arith.constant 0 : i32
        %get3A_1081 = arith.constant 0 : i32
        %get3A_1082 = tpu.memref_slice %arg6[%scan3A_875, %get3A_1080, %get3A_1081] : memref<8x128x64xf32, #tpu.memory_space<vmem>> -> memref<1x128x64xf32, #tpu.memory_space<vmem>>
        %get3A_1083 = tpu.memref_squeeze %get3A_1082 : memref<1x128x64xf32, #tpu.memory_space<vmem>> -> memref<128x64xf32, #tpu.memory_space<vmem>>
        %get3A_1084 = arith.index_cast %add3A_1066 : i32 to index
        %get3A_1085 = arith.constant 16 : index
        %get3A_1086 = tpu.vector_load %get3A_1083[%get3A_1084, %get3A_1085] {strides = array<i32>} : memref<128x64xf32, #tpu.memory_space<vmem>>, vector<16xf32>,
        %scatter3A_1087 = arith.constant 0 : i32
        %scatter3A_1088 = arith.constant 0 : i32
        %scatter3A_1089 = arith.constant 0 : i32
        %scatter3A_1090 = tpu.memref_slice %arg7[%scan3A_876, %scatter3A_1087, %scatter3A_1088, %scatter3A_1089] : memref<2x8x8x129xf32, #tpu.memory_space<vmem>> -> memref<1x8x8x129xf32, #tpu.memory_space<vmem>>
        %scatter3A_1091 = tpu.memref_squeeze %scatter3A_1090 : memref<1x8x8x129xf32, #tpu.memory_space<vmem>> -> memref<8x8x129xf32, #tpu.memory_space<vmem>>
        tpu.vector_store_idx %scatter3A_1091[%shift_right_arithmetic3A_11, %and3A_34, %broadcast_in_dim3A_1067], %get3A_1086 : memref<8x8x129xf32, #tpu.memory_space<vmem>>[vector<16xi32>, vector<16xi32>, vector<16xi32>], vector<16xf32>,
        %get3A_1092 = arith.constant 0 : i32
        %get3A_1093 = arith.constant 0 : i32
        %get3A_1094 = tpu.memref_slice %arg6[%scan3A_875, %get3A_1092, %get3A_1093] : memref<8x128x64xf32, #tpu.memory_space<vmem>> -> memref<1x128x64xf32, #tpu.memory_space<vmem>>
        %get3A_1095 = tpu.memref_squeeze %get3A_1094 : memref<1x128x64xf32, #tpu.memory_space<vmem>> -> memref<128x64xf32, #tpu.memory_space<vmem>>
        %get3A_1096 = arith.index_cast %add3A_1066 : i32 to index
        %get3A_1097 = arith.constant 32 : index
        %get3A_1098 = tpu.vector_load %get3A_1095[%get3A_1096, %get3A_1097] {strides = array<i32>} : memref<128x64xf32, #tpu.memory_space<vmem>>, vector<16xf32>,
        %scatter3A_1099 = arith.constant 0 : i32
        %scatter3A_1100 = arith.constant 0 : i32
        %scatter3A_1101 = arith.constant 0 : i32
        %scatter3A_1102 = tpu.memref_slice %arg7[%scan3A_876, %scatter3A_1099, %scatter3A_1100, %scatter3A_1101] : memref<2x8x8x129xf32, #tpu.memory_space<vmem>> -> memref<1x8x8x129xf32, #tpu.memory_space<vmem>>
        %scatter3A_1103 = tpu.memref_squeeze %scatter3A_1102 : memref<1x8x8x129xf32, #tpu.memory_space<vmem>> -> memref<8x8x129xf32, #tpu.memory_space<vmem>>
        tpu.vector_store_idx %scatter3A_1103[%shift_right_arithmetic3A_17, %and3A_40, %broadcast_in_dim3A_1067], %get3A_1098 : memref<8x8x129xf32, #tpu.memory_space<vmem>>[vector<16xi32>, vector<16xi32>, vector<16xi32>], vector<16xf32>,
        %get3A_1104 = arith.constant 0 : i32
        %get3A_1105 = arith.constant 0 : i32
        %get3A_1106 = tpu.memref_slice %arg6[%scan3A_875, %get3A_1104, %get3A_1105] : memref<8x128x64xf32, #tpu.memory_space<vmem>> -> memref<1x128x64xf32, #tpu.memory_space<vmem>>
        %get3A_1107 = tpu.memref_squeeze %get3A_1106 : memref<1x128x64xf32, #tpu.memory_space<vmem>> -> memref<128x64xf32, #tpu.memory_space<vmem>>
        %get3A_1108 = arith.index_cast %add3A_1066 : i32 to index
        %get3A_1109 = arith.constant 48 : index
        %get3A_1110 = tpu.vector_load %get3A_1107[%get3A_1108, %get3A_1109] {strides = array<i32>} : memref<128x64xf32, #tpu.memory_space<vmem>>, vector<16xf32>,
        %scatter3A_1111 = arith.constant 0 : i32
        %scatter3A_1112 = arith.constant 0 : i32
        %scatter3A_1113 = arith.constant 0 : i32
        %scatter3A_1114 = tpu.memref_slice %arg7[%scan3A_876, %scatter3A_1111, %scatter3A_1112, %scatter3A_1113] : memref<2x8x8x129xf32, #tpu.memory_space<vmem>> -> memref<1x8x8x129xf32, #tpu.memory_space<vmem>>
        %scatter3A_1115 = tpu.memref_squeeze %scatter3A_1114 : memref<1x8x8x129xf32, #tpu.memory_space<vmem>> -> memref<8x8x129xf32, #tpu.memory_space<vmem>>
        tpu.vector_store_idx %scatter3A_1115[%shift_right_arithmetic3A_23, %and3A_46, %broadcast_in_dim3A_1067], %get3A_1110 : memref<8x8x129xf32, #tpu.memory_space<vmem>>[vector<16xi32>, vector<16xi32>, vector<16xi32>], vector<16xf32>,
        %add3A_1116 = arith.constant 2 : i32
        %add3A_1117 = arith.addi %add3A_1016, %add3A_1116 : i32
        %broadcast_in_dim3A_1118 = vector.broadcast %add3A_1117 : i32 to vector<16xi32>
        %get3A_1119 = arith.constant 0 : i32
        %get3A_1120 = arith.constant 0 : i32
        %get3A_1121 = tpu.memref_slice %arg6[%scan3A_875, %get3A_1119, %get3A_1120] : memref<8x128x64xf32, #tpu.memory_space<vmem>> -> memref<1x128x64xf32, #tpu.memory_space<vmem>>
        %get3A_1122 = tpu.memref_squeeze %get3A_1121 : memref<1x128x64xf32, #tpu.memory_space<vmem>> -> memref<128x64xf32, #tpu.memory_space<vmem>>
        %get3A_1123 = arith.index_cast %add3A_1117 : i32 to index
        %get3A_1124 = arith.constant 0 : index
        %get3A_1125 = tpu.vector_load %get3A_1122[%get3A_1123, %get3A_1124] {strides = array<i32>} : memref<128x64xf32, #tpu.memory_space<vmem>>, vector<16xf32>,
        %scatter3A_1126 = arith.constant 0 : i32
        %scatter3A_1127 = arith.constant 0 : i32
        %scatter3A_1128 = arith.constant 0 : i32
        %scatter3A_1129 = tpu.memref_slice %arg7[%scan3A_876, %scatter3A_1126, %scatter3A_1127, %scatter3A_1128] : memref<2x8x8x129xf32, #tpu.memory_space<vmem>> -> memref<1x8x8x129xf32, #tpu.memory_space<vmem>>
        %scatter3A_1130 = tpu.memref_squeeze %scatter3A_1129 : memref<1x8x8x129xf32, #tpu.memory_space<vmem>> -> memref<8x8x129xf32, #tpu.memory_space<vmem>>
        tpu.vector_store_idx %scatter3A_1130[%shift_right_arithmetic3A_5, %and3A_28, %broadcast_in_dim3A_1118], %get3A_1125 : memref<8x8x129xf32, #tpu.memory_space<vmem>>[vector<16xi32>, vector<16xi32>, vector<16xi32>], vector<16xf32>,
        %get3A_1131 = arith.constant 0 : i32
        %get3A_1132 = arith.constant 0 : i32
        %get3A_1133 = tpu.memref_slice %arg6[%scan3A_875, %get3A_1131, %get3A_1132] : memref<8x128x64xf32, #tpu.memory_space<vmem>> -> memref<1x128x64xf32, #tpu.memory_space<vmem>>
        %get3A_1134 = tpu.memref_squeeze %get3A_1133 : memref<1x128x64xf32, #tpu.memory_space<vmem>> -> memref<128x64xf32, #tpu.memory_space<vmem>>
        %get3A_1135 = arith.index_cast %add3A_1117 : i32 to index
        %get3A_1136 = arith.constant 16 : index
        %get3A_1137 = tpu.vector_load %get3A_1134[%get3A_1135, %get3A_1136] {strides = array<i32>} : memref<128x64xf32, #tpu.memory_space<vmem>>, vector<16xf32>,
        %scatter3A_1138 = arith.constant 0 : i32
        %scatter3A_1139 = arith.constant 0 : i32
        %scatter3A_1140 = arith.constant 0 : i32
        %scatter3A_1141 = tpu.memref_slice %arg7[%scan3A_876, %scatter3A_1138, %scatter3A_1139, %scatter3A_1140] : memref<2x8x8x129xf32, #tpu.memory_space<vmem>> -> memref<1x8x8x129xf32, #tpu.memory_space<vmem>>
        %scatter3A_1142 = tpu.memref_squeeze %scatter3A_1141 : memref<1x8x8x129xf32, #tpu.memory_space<vmem>> -> memref<8x8x129xf32, #tpu.memory_space<vmem>>
        tpu.vector_store_idx %scatter3A_1142[%shift_right_arithmetic3A_11, %and3A_34, %broadcast_in_dim3A_1118], %get3A_1137 : memref<8x8x129xf32, #tpu.memory_space<vmem>>[vector<16xi32>, vector<16xi32>, vector<16xi32>], vector<16xf32>,
        %get3A_1143 = arith.constant 0 : i32
        %get3A_1144 = arith.constant 0 : i32
        %get3A_1145 = tpu.memref_slice %arg6[%scan3A_875, %get3A_1143, %get3A_1144] : memref<8x128x64xf32, #tpu.memory_space<vmem>> -> memref<1x128x64xf32, #tpu.memory_space<vmem>>
        %get3A_1146 = tpu.memref_squeeze %get3A_1145 : memref<1x128x64xf32, #tpu.memory_space<vmem>> -> memref<128x64xf32, #tpu.memory_space<vmem>>
        %get3A_1147 = arith.index_cast %add3A_1117 : i32 to index
        %get3A_1148 = arith.constant 32 : index
        %get3A_1149 = tpu.vector_load %get3A_1146[%get3A_1147, %get3A_1148] {strides = array<i32>} : memref<128x64xf32, #tpu.memory_space<vmem>>, vector<16xf32>,
        %scatter3A_1150 = arith.constant 0 : i32
        %scatter3A_1151 = arith.constant 0 : i32
        %scatter3A_1152 = arith.constant 0 : i32
        %scatter3A_1153 = tpu.memref_slice %arg7[%scan3A_876, %scatter3A_1150, %scatter3A_1151, %scatter3A_1152] : memref<2x8x8x129xf32, #tpu.memory_space<vmem>> -> memref<1x8x8x129xf32, #tpu.memory_space<vmem>>
        %scatter3A_1154 = tpu.memref_squeeze %scatter3A_1153 : memref<1x8x8x129xf32, #tpu.memory_space<vmem>> -> memref<8x8x129xf32, #tpu.memory_space<vmem>>
        tpu.vector_store_idx %scatter3A_1154[%shift_right_arithmetic3A_17, %and3A_40, %broadcast_in_dim3A_1118], %get3A_1149 : memref<8x8x129xf32, #tpu.memory_space<vmem>>[vector<16xi32>, vector<16xi32>, vector<16xi32>], vector<16xf32>,
        %get3A_1155 = arith.constant 0 : i32
        %get3A_1156 = arith.constant 0 : i32
        %get3A_1157 = tpu.memref_slice %arg6[%scan3A_875, %get3A_1155, %get3A_1156] : memref<8x128x64xf32, #tpu.memory_space<vmem>> -> memref<1x128x64xf32, #tpu.memory_space<vmem>>
        %get3A_1158 = tpu.memref_squeeze %get3A_1157 : memref<1x128x64xf32, #tpu.memory_space<vmem>> -> memref<128x64xf32, #tpu.memory_space<vmem>>
        %get3A_1159 = arith.index_cast %add3A_1117 : i32 to index
        %get3A_1160 = arith.constant 48 : index
        %get3A_1161 = tpu.vector_load %get3A_1158[%get3A_1159, %get3A_1160] {strides = array<i32>} : memref<128x64xf32, #tpu.memory_space<vmem>>, vector<16xf32>,
        %scatter3A_1162 = arith.constant 0 : i32
        %scatter3A_1163 = arith.constant 0 : i32
        %scatter3A_1164 = arith.constant 0 : i32
        %scatter3A_1165 = tpu.memref_slice %arg7[%scan3A_876, %scatter3A_1162, %scatter3A_1163, %scatter3A_1164] : memref<2x8x8x129xf32, #tpu.memory_space<vmem>> -> memref<1x8x8x129xf32, #tpu.memory_space<vmem>>
        %scatter3A_1166 = tpu.memref_squeeze %scatter3A_1165 : memref<1x8x8x129xf32, #tpu.memory_space<vmem>> -> memref<8x8x129xf32, #tpu.memory_space<vmem>>
        tpu.vector_store_idx %scatter3A_1166[%shift_right_arithmetic3A_23, %and3A_46, %broadcast_in_dim3A_1118], %get3A_1161 : memref<8x8x129xf32, #tpu.memory_space<vmem>>[vector<16xi32>, vector<16xi32>, vector<16xi32>], vector<16xf32>,
        %add3A_1167 = arith.constant 3 : i32
        %add3A_1168 = arith.addi %add3A_1016, %add3A_1167 : i32
        %broadcast_in_dim3A_1169 = vector.broadcast %add3A_1168 : i32 to vector<16xi32>
        %get3A_1170 = arith.constant 0 : i32
        %get3A_1171 = arith.constant 0 : i32
        %get3A_1172 = tpu.memref_slice %arg6[%scan3A_875, %get3A_1170, %get3A_1171] : memref<8x128x64xf32, #tpu.memory_space<vmem>> -> memref<1x128x64xf32, #tpu.memory_space<vmem>>
        %get3A_1173 = tpu.memref_squeeze %get3A_1172 : memref<1x128x64xf32, #tpu.memory_space<vmem>> -> memref<128x64xf32, #tpu.memory_space<vmem>>
        %get3A_1174 = arith.index_cast %add3A_1168 : i32 to index
        %get3A_1175 = arith.constant 0 : index
        %get3A_1176 = tpu.vector_load %get3A_1173[%get3A_1174, %get3A_1175] {strides = array<i32>} : memref<128x64xf32, #tpu.memory_space<vmem>>, vector<16xf32>,
        %scatter3A_1177 = arith.constant 0 : i32
        %scatter3A_1178 = arith.constant 0 : i32
        %scatter3A_1179 = arith.constant 0 : i32
        %scatter3A_1180 = tpu.memref_slice %arg7[%scan3A_876, %scatter3A_1177, %scatter3A_1178, %scatter3A_1179] : memref<2x8x8x129xf32, #tpu.memory_space<vmem>> -> memref<1x8x8x129xf32, #tpu.memory_space<vmem>>
        %scatter3A_1181 = tpu.memref_squeeze %scatter3A_1180 : memref<1x8x8x129xf32, #tpu.memory_space<vmem>> -> memref<8x8x129xf32, #tpu.memory_space<vmem>>
        tpu.vector_store_idx %scatter3A_1181[%shift_right_arithmetic3A_5, %and3A_28, %broadcast_in_dim3A_1169], %get3A_1176 : memref<8x8x129xf32, #tpu.memory_space<vmem>>[vector<16xi32>, vector<16xi32>, vector<16xi32>], vector<16xf32>,
        %get3A_1182 = arith.constant 0 : i32
        %get3A_1183 = arith.constant 0 : i32
        %get3A_1184 = tpu.memref_slice %arg6[%scan3A_875, %get3A_1182, %get3A_1183] : memref<8x128x64xf32, #tpu.memory_space<vmem>> -> memref<1x128x64xf32, #tpu.memory_space<vmem>>
        %get3A_1185 = tpu.memref_squeeze %get3A_1184 : memref<1x128x64xf32, #tpu.memory_space<vmem>> -> memref<128x64xf32, #tpu.memory_space<vmem>>
        %get3A_1186 = arith.index_cast %add3A_1168 : i32 to index
        %get3A_1187 = arith.constant 16 : index
        %get3A_1188 = tpu.vector_load %get3A_1185[%get3A_1186, %get3A_1187] {strides = array<i32>} : memref<128x64xf32, #tpu.memory_space<vmem>>, vector<16xf32>,
        %scatter3A_1189 = arith.constant 0 : i32
        %scatter3A_1190 = arith.constant 0 : i32
        %scatter3A_1191 = arith.constant 0 : i32
        %scatter3A_1192 = tpu.memref_slice %arg7[%scan3A_876, %scatter3A_1189, %scatter3A_1190, %scatter3A_1191] : memref<2x8x8x129xf32, #tpu.memory_space<vmem>> -> memref<1x8x8x129xf32, #tpu.memory_space<vmem>>
        %scatter3A_1193 = tpu.memref_squeeze %scatter3A_1192 : memref<1x8x8x129xf32, #tpu.memory_space<vmem>> -> memref<8x8x129xf32, #tpu.memory_space<vmem>>
        tpu.vector_store_idx %scatter3A_1193[%shift_right_arithmetic3A_11, %and3A_34, %broadcast_in_dim3A_1169], %get3A_1188 : memref<8x8x129xf32, #tpu.memory_space<vmem>>[vector<16xi32>, vector<16xi32>, vector<16xi32>], vector<16xf32>,
        %get3A_1194 = arith.constant 0 : i32
        %get3A_1195 = arith.constant 0 : i32
        %get3A_1196 = tpu.memref_slice %arg6[%scan3A_875, %get3A_1194, %get3A_1195] : memref<8x128x64xf32, #tpu.memory_space<vmem>> -> memref<1x128x64xf32, #tpu.memory_space<vmem>>
        %get3A_1197 = tpu.memref_squeeze %get3A_1196 : memref<1x128x64xf32, #tpu.memory_space<vmem>> -> memref<128x64xf32, #tpu.memory_space<vmem>>
        %get3A_1198 = arith.index_cast %add3A_1168 : i32 to index
        %get3A_1199 = arith.constant 32 : index
        %get3A_1200 = tpu.vector_load %get3A_1197[%get3A_1198, %get3A_1199] {strides = array<i32>} : memref<128x64xf32, #tpu.memory_space<vmem>>, vector<16xf32>,
        %scatter3A_1201 = arith.constant 0 : i32
        %scatter3A_1202 = arith.constant 0 : i32
        %scatter3A_1203 = arith.constant 0 : i32
        %scatter3A_1204 = tpu.memref_slice %arg7[%scan3A_876, %scatter3A_1201, %scatter3A_1202, %scatter3A_1203] : memref<2x8x8x129xf32, #tpu.memory_space<vmem>> -> memref<1x8x8x129xf32, #tpu.memory_space<vmem>>
        %scatter3A_1205 = tpu.memref_squeeze %scatter3A_1204 : memref<1x8x8x129xf32, #tpu.memory_space<vmem>> -> memref<8x8x129xf32, #tpu.memory_space<vmem>>
        tpu.vector_store_idx %scatter3A_1205[%shift_right_arithmetic3A_17, %and3A_40, %broadcast_in_dim3A_1169], %get3A_1200 : memref<8x8x129xf32, #tpu.memory_space<vmem>>[vector<16xi32>, vector<16xi32>, vector<16xi32>], vector<16xf32>,
        %get3A_1206 = arith.constant 0 : i32
        %get3A_1207 = arith.constant 0 : i32
        %get3A_1208 = tpu.memref_slice %arg6[%scan3A_875, %get3A_1206, %get3A_1207] : memref<8x128x64xf32, #tpu.memory_space<vmem>> -> memref<1x128x64xf32, #tpu.memory_space<vmem>>
        %get3A_1209 = tpu.memref_squeeze %get3A_1208 : memref<1x128x64xf32, #tpu.memory_space<vmem>> -> memref<128x64xf32, #tpu.memory_space<vmem>>
        %get3A_1210 = arith.index_cast %add3A_1168 : i32 to index
        %get3A_1211 = arith.constant 48 : index
        %get3A_1212 = tpu.vector_load %get3A_1209[%get3A_1210, %get3A_1211] {strides = array<i32>} : memref<128x64xf32, #tpu.memory_space<vmem>>, vector<16xf32>,
        %scatter3A_1213 = arith.constant 0 : i32
        %scatter3A_1214 = arith.constant 0 : i32
        %scatter3A_1215 = arith.constant 0 : i32
        %scatter3A_1216 = tpu.memref_slice %arg7[%scan3A_876, %scatter3A_1213, %scatter3A_1214, %scatter3A_1215] : memref<2x8x8x129xf32, #tpu.memory_space<vmem>> -> memref<1x8x8x129xf32, #tpu.memory_space<vmem>>
        %scatter3A_1217 = tpu.memref_squeeze %scatter3A_1216 : memref<1x8x8x129xf32, #tpu.memory_space<vmem>> -> memref<8x8x129xf32, #tpu.memory_space<vmem>>
        tpu.vector_store_idx %scatter3A_1217[%shift_right_arithmetic3A_23, %and3A_46, %broadcast_in_dim3A_1169], %get3A_1212 : memref<8x8x129xf32, #tpu.memory_space<vmem>>[vector<16xi32>, vector<16xi32>, vector<16xi32>], vector<16xf32>,
      }
      %scan3A_881 = arith.constant 32 : i32
      %add3A_882 = arith.constant 8 : i32
      %add3A_883 = arith.addi %add3A_815, %add3A_882 : i32
      %lt3A_884 = arith.constant 200 : i32
      %lt3A_885 = arith.cmpi slt, %add3A_883, %lt3A_884 : i32
      %convert_element_type3A_886 = arith.extui %lt3A_885 : i1 to i32
      %cond3A_887 = arith.constant 0 : i32
      %cond3A_888 = arith.cmpi ne, %convert_element_type3A_886, %cond3A_887 : i32
      scf.if %cond3A_888 {
        %add3A_1012 = arith.constant 8 : i32
        %add3A_1013 = arith.addi %add3A_815, %add3A_1012 : i32
        %jit3A_1014 = arith.constant 8 : i32
        %div3A_1015 = arith.divsi %add3A_1013, %jit3A_1014 : i32
        %sign3A_1016 = arith.constant 0 : i32
        %sign3A_1017 = arith.cmpi sgt, %add3A_1013, %sign3A_1016 : i32
        %sign3A_1018 = arith.extui %sign3A_1017 : i1 to i32
        %sign3A_1019 = arith.constant 0 : i32
        %sign3A_1020 = arith.cmpi slt, %add3A_1013, %sign3A_1019 : i32
        %sign3A_1021 = arith.extui %sign3A_1020 : i1 to i32
        %sign3A_1022 = arith.subi %sign3A_1018, %sign3A_1021 : i32
        %sign3A_1023 = arith.constant 0 : i32
        %sign3A_1024 = arith.cmpi sgt, %jit3A_1014, %sign3A_1023 : i32
        %sign3A_1025 = arith.extui %sign3A_1024 : i1 to i32
        %sign3A_1026 = arith.constant 0 : i32
        %sign3A_1027 = arith.cmpi slt, %jit3A_1014, %sign3A_1026 : i32
        %sign3A_1028 = arith.extui %sign3A_1027 : i1 to i32
        %sign3A_1029 = arith.subi %sign3A_1025, %sign3A_1028 : i32
        %ne3A_1030 = arith.cmpi ne, %sign3A_1022, %sign3A_1029 : i32
        %rem3A_1031 = arith.remsi %add3A_1013, %jit3A_1014 : i32
        %ne3A_1032 = arith.constant 0 : i32
        %ne3A_1033 = arith.cmpi ne, %rem3A_1031, %ne3A_1032 : i32
        %and3A_1034 = arith.andi %ne3A_1030, %ne3A_1033 : i1
        %sub3A_1035 = arith.constant 1 : i32
        %sub3A_1036 = arith.subi %div3A_1015, %sub3A_1035 : i32
        %select_n3A_1037 = arith.select %and3A_1034, %sub3A_1036, %div3A_1015 : i32
        %add3A_1038 = arith.constant 8 : i32
        %add3A_1039 = arith.addi %add3A_815, %add3A_1038 : i32
        %jit3A_1040 = arith.constant 8 : i32
        %eq3A_1041 = arith.constant 0 : i32
        %eq3A_1042 = arith.cmpi eq, %jit3A_1040, %eq3A_1041 : i32
        %jit3A_1043 = arith.constant 1 : i32
        %select_n3A_1044 = arith.select %eq3A_1042, %jit3A_1043, %jit3A_1040 : i32
        %rem3A_1045 = arith.remsi %add3A_1039, %select_n3A_1044 : i32
        %ne3A_1046 = arith.constant 0 : i32
        %ne3A_1047 = arith.cmpi ne, %rem3A_1045, %ne3A_1046 : i32
        %lt3A_1048 = arith.constant 0 : i32
        %lt3A_1049 = arith.cmpi slt, %rem3A_1045, %lt3A_1048 : i32
        %lt3A_1050 = arith.constant 0 : i32
        %lt3A_1051 = arith.cmpi slt, %select_n3A_1044, %lt3A_1050 : i32
        %ne3A_1052 = arith.xori %lt3A_1049, %lt3A_1051 : i1
        %and3A_1053 = arith.andi %ne3A_1052, %ne3A_1047 : i1
        %add3A_1054 = arith.addi %rem3A_1045, %select_n3A_1044 : i32
        %select_n3A_1055 = arith.select %and3A_1053, %add3A_1054, %rem3A_1045 : i32
        %dma_start3A_1056 = arith.constant 6 : i32
        %dma_start3A_1057 = arith.constant 6 : i32
        %dma_start3A_1058 = arith.constant 0 : i32
        %dma_start3A_1059 = arith.constant 0 : i32
        %dma_start3A_1060 = tpu.memref_slice %arg6[%dma_start3A_1056, %dma_start3A_1058, %dma_start3A_1059] : memref<8x128x64xf32, #tpu.memory_space<vmem>> -> memref<1x128x64xf32, #tpu.memory_space<vmem>>
        %dma_start3A_1061 = tpu.memref_squeeze %dma_start3A_1060 : memref<1x128x64xf32, #tpu.memory_space<vmem>> -> memref<128x64xf32, #tpu.memory_space<vmem>>
        %dma_start3A_1062 = arith.constant 0 : i32
        %dma_start3A_1063 = tpu.memref_slice %arg5[%select_n3A_1037, %select_n3A_1055, %dma_start3A_1062] : memref<25x8x128xi32, #tpu.memory_space<vmem>> -> memref<1x1x128xi32, #tpu.memory_space<vmem>>
        %dma_start3A_1064 = tpu.memref_squeeze %dma_start3A_1063 : memref<1x1x128xi32, #tpu.memory_space<vmem>> -> memref<128xi32, #tpu.memory_space<vmem>>
        %dma_start3A_1065 = arith.constant 0 : i32
        %dma_start3A_1066 = arith.constant 0 : i32
        %dma_start3A_1067 = tpu.memref_slice %arg3[%dma_start3A_1065, %dma_start3A_1066] : memref<1000000x64xf32, #tpu.memory_space<hbm>> -> memref<1000000x64xf32, #tpu.memory_space<hbm>>
        %dma_start3A_1068 = tpu.memref_slice %arg8[%dma_start3A_1057] : memref<8x!tpu.dma_semaphore, #tpu.memory_space<semaphore_mem>> -> memref<1x!tpu.dma_semaphore, #tpu.memory_space<semaphore_mem>>
        %dma_start3A_1069 = tpu.memref_squeeze %dma_start3A_1068 : memref<1x!tpu.dma_semaphore, #tpu.memory_space<semaphore_mem>> -> memref<!tpu.dma_semaphore, #tpu.memory_space<semaphore_mem>>
        tpu.enqueue_indirect_dma source(%dma_start3A_1067 : memref<1000000x64xf32, #tpu.memory_space<hbm>>) target(%dma_start3A_1061 : memref<128x64xf32, #tpu.memory_space<vmem>>) offsets(%dma_start3A_1064 : memref<128xi32, #tpu.memory_space<vmem>>) semaphore(%dma_start3A_1069 : memref<!tpu.dma_semaphore, #tpu.memory_space<semaphore_mem>>)
      } else {
      }
      %dma_start3A_889 = arith.constant 0 : i32
      %dma_start3A_890 = arith.constant 0 : i32
      %dma_start3A_891 = arith.constant 0 : i32
      %dma_start3A_892 = arith.constant 0 : i32
      %dma_start3A_893 = arith.constant 0 : i32
      %dma_start3A_894 = tpu.memref_slice %arg7[%dma_start3A_889, %dma_start3A_891, %dma_start3A_892, %dma_start3A_893] : memref<2x8x8x129xf32, #tpu.memory_space<vmem>> -> memref<1x8x8x128xf32, #tpu.memory_space<vmem>>
      %dma_start3A_895 = tpu.memref_squeeze %dma_start3A_894 : memref<1x8x8x128xf32, #tpu.memory_space<vmem>> -> memref<8x8x128xf32, #tpu.memory_space<vmem>>
      %dma_start3A_896 = arith.constant 0 : i32
      %dma_start3A_897 = arith.constant 0 : i32
      %dma_start3A_898 = arith.constant 0 : i32
      %dma_start3A_899 = tpu.memref_slice %arg4[%add3A_815, %dma_start3A_896, %add3A, %dma_start3A_897, %dma_start3A_898] : memref<200x8x32x8x128xf32, #tpu.memory_space<hbm>> -> memref<1x8x1x8x128xf32, #tpu.memory_space<hbm>>
      %dma_start3A_900 = tpu.memref_squeeze %dma_start3A_899 : memref<1x8x1x8x128xf32, #tpu.memory_space<hbm>> -> memref<8x8x128xf32, #tpu.memory_space<hbm>>
      %dma_start3A_901 = tpu.memref_slice %arg9[%dma_start3A_890] : memref<2x!tpu.dma_semaphore, #tpu.memory_space<semaphore_mem>> -> memref<1x!tpu.dma_semaphore, #tpu.memory_space<semaphore_mem>>
      %dma_start3A_902 = tpu.memref_squeeze %dma_start3A_901 : memref<1x!tpu.dma_semaphore, #tpu.memory_space<semaphore_mem>> -> memref<!tpu.dma_semaphore, #tpu.memory_space<semaphore_mem>>
      %dma_start3A_903 = arith.constant 0 : i32
      %dma_start3A_904 = arith.constant 0 : i32
      %dma_start3A_905 = arith.constant 0 : i32
      %dma_start3A_906 = tpu.memref_slice %arg4[%add3A_815, %dma_start3A_903, %add3A, %dma_start3A_904, %dma_start3A_905] : memref<200x8x32x8x128xf32, #tpu.memory_space<hbm>> -> memref<1x8x1x8x128xf32, #tpu.memory_space<hbm>>
      %dma_start3A_907 = tpu.memref_squeeze %dma_start3A_906 : memref<1x8x1x8x128xf32, #tpu.memory_space<hbm>> -> memref<8x8x128xf32, #tpu.memory_space<hbm>>
      %dma_start3A_908 = arith.constant 0 : i32
      %dma_start3A_909 = arith.constant 0 : i32
      %dma_start3A_910 = arith.constant 0 : i32
      %dma_start3A_911 = tpu.memref_slice %arg7[%dma_start3A_889, %dma_start3A_908, %dma_start3A_909, %dma_start3A_910] : memref<2x8x8x129xf32, #tpu.memory_space<vmem>> -> memref<1x8x8x128xf32, #tpu.memory_space<vmem>>
      %dma_start3A_912 = tpu.memref_squeeze %dma_start3A_911 : memref<1x8x8x128xf32, #tpu.memory_space<vmem>> -> memref<8x8x128xf32, #tpu.memory_space<vmem>>
      tpu.enqueue_dma source(%dma_start3A_912 : memref<8x8x128xf32, #tpu.memory_space<vmem>>) target(%dma_start3A_907 : memref<8x8x128xf32, #tpu.memory_space<hbm>>) target_semaphore(%dma_start3A_902 : memref<!tpu.dma_semaphore, #tpu.memory_space<semaphore_mem>>)
      %add3A_913 = arith.constant 7 : i32
      %add3A_914 = arith.addi %add3A_231, %add3A_913 : i32
      %jit3A_915 = arith.constant 8 : i32
      %div3A_916 = arith.divsi %add3A_914, %jit3A_915 : i32
      %sign3A_917 = arith.constant 0 : i32
      %sign3A_918 = arith.cmpi sgt, %add3A_914, %sign3A_917 : i32
      %sign3A_919 = arith.extui %sign3A_918 : i1 to i32
      %sign3A_920 = arith.constant 0 : i32
      %sign3A_921 = arith.cmpi slt, %add3A_914, %sign3A_920 : i32
      %sign3A_922 = arith.extui %sign3A_921 : i1 to i32
      %sign3A_923 = arith.subi %sign3A_919, %sign3A_922 : i32
      %sign3A_924 = arith.constant 0 : i32
      %sign3A_925 = arith.cmpi sgt, %jit3A_915, %sign3A_924 : i32
      %sign3A_926 = arith.extui %sign3A_925 : i1 to i32
      %sign3A_927 = arith.constant 0 : i32
      %sign3A_928 = arith.cmpi slt, %jit3A_915, %sign3A_927 : i32
      %sign3A_929 = arith.extui %sign3A_928 : i1 to i32
      %sign3A_930 = arith.subi %sign3A_926, %sign3A_929 : i32
      %ne3A_931 = arith.cmpi ne, %sign3A_923, %sign3A_930 : i32
      %rem3A_932 = arith.remsi %add3A_914, %jit3A_915 : i32
      %ne3A_933 = arith.constant 0 : i32
      %ne3A_934 = arith.cmpi ne, %rem3A_932, %ne3A_933 : i32
      %and3A_935 = arith.andi %ne3A_931, %ne3A_934 : i1
      %sub3A_936 = arith.constant 1 : i32
      %sub3A_937 = arith.subi %div3A_916, %sub3A_936 : i32
      %select_n3A_938 = arith.select %and3A_935, %sub3A_937, %div3A_916 : i32
      %jit3A_939 = arith.constant 8 : i32
      %eq3A_940 = arith.constant 0 : i32
      %eq3A_941 = arith.cmpi eq, %jit3A_939, %eq3A_940 : i32
      %jit3A_942 = arith.constant 1 : i32
      %select_n3A_943 = arith.select %eq3A_941, %jit3A_942, %jit3A_939 : i32
      %rem3A_944 = arith.remsi %add3A_914, %select_n3A_943 : i32
      %ne3A_945 = arith.constant 0 : i32
      %ne3A_946 = arith.cmpi ne, %rem3A_944, %ne3A_945 : i32
      %lt3A_947 = arith.constant 0 : i32
      %lt3A_948 = arith.cmpi slt, %rem3A_944, %lt3A_947 : i32
      %lt3A_949 = arith.constant 0 : i32
      %lt3A_950 = arith.cmpi slt, %select_n3A_943, %lt3A_949 : i32
      %ne3A_951 = arith.xori %lt3A_948, %lt3A_950 : i1
      %and3A_952 = arith.andi %ne3A_951, %ne3A_946 : i1
      %add3A_953 = arith.addi %rem3A_944, %select_n3A_943 : i32
      %select_n3A_954 = arith.select %and3A_952, %add3A_953, %rem3A_944 : i32
      %dma_wait3A_955 = arith.constant 7 : i32
      %dma_wait3A_956 = arith.constant 7 : i32
      %dma_wait3A_957 = arith.constant 0 : i32
      %dma_wait3A_958 = arith.constant 0 : i32
      %dma_wait3A_959 = tpu.memref_slice %arg6[%dma_wait3A_955, %dma_wait3A_957, %dma_wait3A_958] : memref<8x128x64xf32, #tpu.memory_space<vmem>> -> memref<1x128x64xf32, #tpu.memory_space<vmem>>
      %dma_wait3A_960 = tpu.memref_squeeze %dma_wait3A_959 : memref<1x128x64xf32, #tpu.memory_space<vmem>> -> memref<128x64xf32, #tpu.memory_space<vmem>>
      %dma_wait3A_961 = arith.constant 0 : i32
      %dma_wait3A_962 = tpu.memref_slice %arg5[%select_n3A_938, %select_n3A_954, %dma_wait3A_961] : memref<25x8x128xi32, #tpu.memory_space<vmem>> -> memref<1x1x128xi32, #tpu.memory_space<vmem>>
      %dma_wait3A_963 = tpu.memref_squeeze %dma_wait3A_962 : memref<1x1x128xi32, #tpu.memory_space<vmem>> -> memref<128xi32, #tpu.memory_space<vmem>>
      %dma_wait3A_964 = arith.constant 0 : i32
      %dma_wait3A_965 = arith.constant 0 : i32
      %dma_wait3A_966 = tpu.memref_slice %arg3[%dma_wait3A_964, %dma_wait3A_965] : memref<1000000x64xf32, #tpu.memory_space<hbm>> -> memref<1000000x64xf32, #tpu.memory_space<hbm>>
      %dma_wait3A_967 = tpu.memref_slice %arg8[%dma_wait3A_956] : memref<8x!tpu.dma_semaphore, #tpu.memory_space<semaphore_mem>> -> memref<1x!tpu.dma_semaphore, #tpu.memory_space<semaphore_mem>>
      %dma_wait3A_968 = tpu.memref_squeeze %dma_wait3A_967 : memref<1x!tpu.dma_semaphore, #tpu.memory_space<semaphore_mem>> -> memref<!tpu.dma_semaphore, #tpu.memory_space<semaphore_mem>>
      tpu.wait_indirect_dma semaphore(%dma_wait3A_968 : memref<!tpu.dma_semaphore, #tpu.memory_space<semaphore_mem>>) src(%dma_wait3A_966 : memref<1000000x64xf32, #tpu.memory_space<hbm>>) dst(%dma_wait3A_960 : memref<128x64xf32, #tpu.memory_space<vmem>>)
      %ge3A_969 = arith.constant 2 : i32
      %ge3A_970 = arith.cmpi sge, %add3A_914, %ge3A_969 : i32
      %convert_element_type3A_971 = arith.extui %ge3A_970 : i1 to i32
      %cond3A_972 = arith.constant 0 : i32
      %cond3A_973 = arith.cmpi ne, %convert_element_type3A_971, %cond3A_972 : i32
      scf.if %cond3A_973 {
        %sub3A_1012 = arith.constant 2 : i32
        %sub3A_1013 = arith.subi %add3A_914, %sub3A_1012 : i32
        %dma_wait3A_1014 = arith.constant 1 : i32
        %dma_wait3A_1015 = arith.constant 1 : i32
        %dma_wait3A_1016 = arith.constant 0 : i32
        %dma_wait3A_1017 = arith.constant 0 : i32
        %dma_wait3A_1018 = arith.constant 0 : i32
        %dma_wait3A_1019 = tpu.memref_slice %arg7[%dma_wait3A_1014, %dma_wait3A_1016, %dma_wait3A_1017, %dma_wait3A_1018] : memref<2x8x8x129xf32, #tpu.memory_space<vmem>> -> memref<1x8x8x128xf32, #tpu.memory_space<vmem>>
        %dma_wait3A_1020 = tpu.memref_squeeze %dma_wait3A_1019 : memref<1x8x8x128xf32, #tpu.memory_space<vmem>> -> memref<8x8x128xf32, #tpu.memory_space<vmem>>
        %dma_wait3A_1021 = arith.constant 0 : i32
        %dma_wait3A_1022 = arith.constant 0 : i32
        %dma_wait3A_1023 = arith.constant 0 : i32
        %dma_wait3A_1024 = tpu.memref_slice %arg4[%sub3A_1013, %dma_wait3A_1021, %add3A, %dma_wait3A_1022, %dma_wait3A_1023] : memref<200x8x32x8x128xf32, #tpu.memory_space<hbm>> -> memref<1x8x1x8x128xf32, #tpu.memory_space<hbm>>
        %dma_wait3A_1025 = tpu.memref_squeeze %dma_wait3A_1024 : memref<1x8x1x8x128xf32, #tpu.memory_space<hbm>> -> memref<8x8x128xf32, #tpu.memory_space<hbm>>
        %dma_wait3A_1026 = tpu.memref_slice %arg9[%dma_wait3A_1015] : memref<2x!tpu.dma_semaphore, #tpu.memory_space<semaphore_mem>> -> memref<1x!tpu.dma_semaphore, #tpu.memory_space<semaphore_mem>>
        %dma_wait3A_1027 = tpu.memref_squeeze %dma_wait3A_1026 : memref<1x!tpu.dma_semaphore, #tpu.memory_space<semaphore_mem>> -> memref<!tpu.dma_semaphore, #tpu.memory_space<semaphore_mem>>
        %dma_wait3A_1028 = arith.constant 0 : i32
        %dma_wait3A_1029 = arith.constant 0 : i32
        %dma_wait3A_1030 = arith.constant 0 : i32
        %dma_wait3A_1031 = tpu.memref_slice %arg4[%sub3A_1013, %dma_wait3A_1028, %add3A, %dma_wait3A_1029, %dma_wait3A_1030] : memref<200x8x32x8x128xf32, #tpu.memory_space<hbm>> -> memref<1x8x1x8x128xf32, #tpu.memory_space<hbm>>
        %dma_wait3A_1032 = tpu.memref_squeeze %dma_wait3A_1031 : memref<1x8x1x8x128xf32, #tpu.memory_space<hbm>> -> memref<8x8x128xf32, #tpu.memory_space<hbm>>
        %dma_wait3A_1033 = arith.constant 0 : i32
        %dma_wait3A_1034 = arith.constant 0 : i32
        %dma_wait3A_1035 = arith.constant 0 : i32
        %dma_wait3A_1036 = tpu.memref_slice %arg7[%dma_wait3A_1014, %dma_wait3A_1033, %dma_wait3A_1034, %dma_wait3A_1035] : memref<2x8x8x129xf32, #tpu.memory_space<vmem>> -> memref<1x8x8x128xf32, #tpu.memory_space<vmem>>
        %dma_wait3A_1037 = tpu.memref_squeeze %dma_wait3A_1036 : memref<1x8x8x128xf32, #tpu.memory_space<vmem>> -> memref<8x8x128xf32, #tpu.memory_space<vmem>>
        tpu.wait_dma2 semaphore(%dma_wait3A_1027 : memref<!tpu.dma_semaphore, #tpu.memory_space<semaphore_mem>>) src(%dma_wait3A_1037 : memref<8x8x128xf32, #tpu.memory_space<vmem>>) dst(%dma_wait3A_1032 : memref<8x8x128xf32, #tpu.memory_space<hbm>>)
      } else {
      }
      %scan3A_974 = arith.constant 7 : i32
      %scan3A_975 = arith.constant 1 : i32
      %scan3A_976 = arith.constant 0 : i32
      %scan3A_977 = arith.constant 32 : i32
      %scan3A_978 = arith.addi %scan3A_976, %scan3A_977 : i32
      %scan3A_979 = arith.constant 1 : i32
      scf.for %scan3A_1012 = %scan3A_976 to %scan3A_978 step %scan3A_979  : i32 {
        %mul3A_1013 = arith.constant 4 : i32
        %mul3A_1014 = arith.muli %scan3A_1012, %mul3A_1013 : i32
        %add3A_1015 = arith.constant 0 : i32
        %add3A_1016 = arith.addi %add3A_1015, %mul3A_1014 : i32
        %add3A_1017 = arith.constant 0 : i32
        %add3A_1018 = arith.addi %add3A_1016, %add3A_1017 : i32
        %broadcast_in_dim3A = vector.broadcast %add3A_1018 : i32 to vector<16xi32>
        %get3A = arith.constant 0 : i32
        %get3A_1019 = arith.constant 0 : i32
        %get3A_1020 = tpu.memref_slice %arg6[%scan3A_974, %get3A, %get3A_1019] : memref<8x128x64xf32, #tpu.memory_space<vmem>> -> memref<1x128x64xf32, #tpu.memory_space<vmem>>
        %get3A_1021 = tpu.memref_squeeze %get3A_1020 : memref<1x128x64xf32, #tpu.memory_space<vmem>> -> memref<128x64xf32, #tpu.memory_space<vmem>>
        %get3A_1022 = arith.index_cast %add3A_1018 : i32 to index
        %get3A_1023 = arith.constant 0 : index
        %get3A_1024 = tpu.vector_load %get3A_1021[%get3A_1022, %get3A_1023] {strides = array<i32>} : memref<128x64xf32, #tpu.memory_space<vmem>>, vector<16xf32>,
        %scatter3A = arith.constant 0 : i32
        %scatter3A_1025 = arith.constant 0 : i32
        %scatter3A_1026 = arith.constant 0 : i32
        %scatter3A_1027 = tpu.memref_slice %arg7[%scan3A_975, %scatter3A, %scatter3A_1025, %scatter3A_1026] : memref<2x8x8x129xf32, #tpu.memory_space<vmem>> -> memref<1x8x8x129xf32, #tpu.memory_space<vmem>>
        %scatter3A_1028 = tpu.memref_squeeze %scatter3A_1027 : memref<1x8x8x129xf32, #tpu.memory_space<vmem>> -> memref<8x8x129xf32, #tpu.memory_space<vmem>>
        tpu.vector_store_idx %scatter3A_1028[%shift_right_arithmetic3A_5, %and3A_28, %broadcast_in_dim3A], %get3A_1024 : memref<8x8x129xf32, #tpu.memory_space<vmem>>[vector<16xi32>, vector<16xi32>, vector<16xi32>], vector<16xf32>,
        %get3A_1029 = arith.constant 0 : i32
        %get3A_1030 = arith.constant 0 : i32
        %get3A_1031 = tpu.memref_slice %arg6[%scan3A_974, %get3A_1029, %get3A_1030] : memref<8x128x64xf32, #tpu.memory_space<vmem>> -> memref<1x128x64xf32, #tpu.memory_space<vmem>>
        %get3A_1032 = tpu.memref_squeeze %get3A_1031 : memref<1x128x64xf32, #tpu.memory_space<vmem>> -> memref<128x64xf32, #tpu.memory_space<vmem>>
        %get3A_1033 = arith.index_cast %add3A_1018 : i32 to index
        %get3A_1034 = arith.constant 16 : index
        %get3A_1035 = tpu.vector_load %get3A_1032[%get3A_1033, %get3A_1034] {strides = array<i32>} : memref<128x64xf32, #tpu.memory_space<vmem>>, vector<16xf32>,
        %scatter3A_1036 = arith.constant 0 : i32
        %scatter3A_1037 = arith.constant 0 : i32
        %scatter3A_1038 = arith.constant 0 : i32
        %scatter3A_1039 = tpu.memref_slice %arg7[%scan3A_975, %scatter3A_1036, %scatter3A_1037, %scatter3A_1038] : memref<2x8x8x129xf32, #tpu.memory_space<vmem>> -> memref<1x8x8x129xf32, #tpu.memory_space<vmem>>
        %scatter3A_1040 = tpu.memref_squeeze %scatter3A_1039 : memref<1x8x8x129xf32, #tpu.memory_space<vmem>> -> memref<8x8x129xf32, #tpu.memory_space<vmem>>
        tpu.vector_store_idx %scatter3A_1040[%shift_right_arithmetic3A_11, %and3A_34, %broadcast_in_dim3A], %get3A_1035 : memref<8x8x129xf32, #tpu.memory_space<vmem>>[vector<16xi32>, vector<16xi32>, vector<16xi32>], vector<16xf32>,
        %get3A_1041 = arith.constant 0 : i32
        %get3A_1042 = arith.constant 0 : i32
        %get3A_1043 = tpu.memref_slice %arg6[%scan3A_974, %get3A_1041, %get3A_1042] : memref<8x128x64xf32, #tpu.memory_space<vmem>> -> memref<1x128x64xf32, #tpu.memory_space<vmem>>
        %get3A_1044 = tpu.memref_squeeze %get3A_1043 : memref<1x128x64xf32, #tpu.memory_space<vmem>> -> memref<128x64xf32, #tpu.memory_space<vmem>>
        %get3A_1045 = arith.index_cast %add3A_1018 : i32 to index
        %get3A_1046 = arith.constant 32 : index
        %get3A_1047 = tpu.vector_load %get3A_1044[%get3A_1045, %get3A_1046] {strides = array<i32>} : memref<128x64xf32, #tpu.memory_space<vmem>>, vector<16xf32>,
        %scatter3A_1048 = arith.constant 0 : i32
        %scatter3A_1049 = arith.constant 0 : i32
        %scatter3A_1050 = arith.constant 0 : i32
        %scatter3A_1051 = tpu.memref_slice %arg7[%scan3A_975, %scatter3A_1048, %scatter3A_1049, %scatter3A_1050] : memref<2x8x8x129xf32, #tpu.memory_space<vmem>> -> memref<1x8x8x129xf32, #tpu.memory_space<vmem>>
        %scatter3A_1052 = tpu.memref_squeeze %scatter3A_1051 : memref<1x8x8x129xf32, #tpu.memory_space<vmem>> -> memref<8x8x129xf32, #tpu.memory_space<vmem>>
        tpu.vector_store_idx %scatter3A_1052[%shift_right_arithmetic3A_17, %and3A_40, %broadcast_in_dim3A], %get3A_1047 : memref<8x8x129xf32, #tpu.memory_space<vmem>>[vector<16xi32>, vector<16xi32>, vector<16xi32>], vector<16xf32>,
        %get3A_1053 = arith.constant 0 : i32
        %get3A_1054 = arith.constant 0 : i32
        %get3A_1055 = tpu.memref_slice %arg6[%scan3A_974, %get3A_1053, %get3A_1054] : memref<8x128x64xf32, #tpu.memory_space<vmem>> -> memref<1x128x64xf32, #tpu.memory_space<vmem>>
        %get3A_1056 = tpu.memref_squeeze %get3A_1055 : memref<1x128x64xf32, #tpu.memory_space<vmem>> -> memref<128x64xf32, #tpu.memory_space<vmem>>
        %get3A_1057 = arith.index_cast %add3A_1018 : i32 to index
        %get3A_1058 = arith.constant 48 : index
        %get3A_1059 = tpu.vector_load %get3A_1056[%get3A_1057, %get3A_1058] {strides = array<i32>} : memref<128x64xf32, #tpu.memory_space<vmem>>, vector<16xf32>,
        %scatter3A_1060 = arith.constant 0 : i32
        %scatter3A_1061 = arith.constant 0 : i32
        %scatter3A_1062 = arith.constant 0 : i32
        %scatter3A_1063 = tpu.memref_slice %arg7[%scan3A_975, %scatter3A_1060, %scatter3A_1061, %scatter3A_1062] : memref<2x8x8x129xf32, #tpu.memory_space<vmem>> -> memref<1x8x8x129xf32, #tpu.memory_space<vmem>>
        %scatter3A_1064 = tpu.memref_squeeze %scatter3A_1063 : memref<1x8x8x129xf32, #tpu.memory_space<vmem>> -> memref<8x8x129xf32, #tpu.memory_space<vmem>>
        tpu.vector_store_idx %scatter3A_1064[%shift_right_arithmetic3A_23, %and3A_46, %broadcast_in_dim3A], %get3A_1059 : memref<8x8x129xf32, #tpu.memory_space<vmem>>[vector<16xi32>, vector<16xi32>, vector<16xi32>], vector<16xf32>,
        %add3A_1065 = arith.constant 1 : i32
        %add3A_1066 = arith.addi %add3A_1016, %add3A_1065 : i32
        %broadcast_in_dim3A_1067 = vector.broadcast %add3A_1066 : i32 to vector<16xi32>
        %get3A_1068 = arith.constant 0 : i32
        %get3A_1069 = arith.constant 0 : i32
        %get3A_1070 = tpu.memref_slice %arg6[%scan3A_974, %get3A_1068, %get3A_1069] : memref<8x128x64xf32, #tpu.memory_space<vmem>> -> memref<1x128x64xf32, #tpu.memory_space<vmem>>
        %get3A_1071 = tpu.memref_squeeze %get3A_1070 : memref<1x128x64xf32, #tpu.memory_space<vmem>> -> memref<128x64xf32, #tpu.memory_space<vmem>>
        %get3A_1072 = arith.index_cast %add3A_1066 : i32 to index
        %get3A_1073 = arith.constant 0 : index
        %get3A_1074 = tpu.vector_load %get3A_1071[%get3A_1072, %get3A_1073] {strides = array<i32>} : memref<128x64xf32, #tpu.memory_space<vmem>>, vector<16xf32>,
        %scatter3A_1075 = arith.constant 0 : i32
        %scatter3A_1076 = arith.constant 0 : i32
        %scatter3A_1077 = arith.constant 0 : i32
        %scatter3A_1078 = tpu.memref_slice %arg7[%scan3A_975, %scatter3A_1075, %scatter3A_1076, %scatter3A_1077] : memref<2x8x8x129xf32, #tpu.memory_space<vmem>> -> memref<1x8x8x129xf32, #tpu.memory_space<vmem>>
        %scatter3A_1079 = tpu.memref_squeeze %scatter3A_1078 : memref<1x8x8x129xf32, #tpu.memory_space<vmem>> -> memref<8x8x129xf32, #tpu.memory_space<vmem>>
        tpu.vector_store_idx %scatter3A_1079[%shift_right_arithmetic3A_5, %and3A_28, %broadcast_in_dim3A_1067], %get3A_1074 : memref<8x8x129xf32, #tpu.memory_space<vmem>>[vector<16xi32>, vector<16xi32>, vector<16xi32>], vector<16xf32>,
        %get3A_1080 = arith.constant 0 : i32
        %get3A_1081 = arith.constant 0 : i32
        %get3A_1082 = tpu.memref_slice %arg6[%scan3A_974, %get3A_1080, %get3A_1081] : memref<8x128x64xf32, #tpu.memory_space<vmem>> -> memref<1x128x64xf32, #tpu.memory_space<vmem>>
        %get3A_1083 = tpu.memref_squeeze %get3A_1082 : memref<1x128x64xf32, #tpu.memory_space<vmem>> -> memref<128x64xf32, #tpu.memory_space<vmem>>
        %get3A_1084 = arith.index_cast %add3A_1066 : i32 to index
        %get3A_1085 = arith.constant 16 : index
        %get3A_1086 = tpu.vector_load %get3A_1083[%get3A_1084, %get3A_1085] {strides = array<i32>} : memref<128x64xf32, #tpu.memory_space<vmem>>, vector<16xf32>,
        %scatter3A_1087 = arith.constant 0 : i32
        %scatter3A_1088 = arith.constant 0 : i32
        %scatter3A_1089 = arith.constant 0 : i32
        %scatter3A_1090 = tpu.memref_slice %arg7[%scan3A_975, %scatter3A_1087, %scatter3A_1088, %scatter3A_1089] : memref<2x8x8x129xf32, #tpu.memory_space<vmem>> -> memref<1x8x8x129xf32, #tpu.memory_space<vmem>>
        %scatter3A_1091 = tpu.memref_squeeze %scatter3A_1090 : memref<1x8x8x129xf32, #tpu.memory_space<vmem>> -> memref<8x8x129xf32, #tpu.memory_space<vmem>>
        tpu.vector_store_idx %scatter3A_1091[%shift_right_arithmetic3A_11, %and3A_34, %broadcast_in_dim3A_1067], %get3A_1086 : memref<8x8x129xf32, #tpu.memory_space<vmem>>[vector<16xi32>, vector<16xi32>, vector<16xi32>], vector<16xf32>,
        %get3A_1092 = arith.constant 0 : i32
        %get3A_1093 = arith.constant 0 : i32
        %get3A_1094 = tpu.memref_slice %arg6[%scan3A_974, %get3A_1092, %get3A_1093] : memref<8x128x64xf32, #tpu.memory_space<vmem>> -> memref<1x128x64xf32, #tpu.memory_space<vmem>>
        %get3A_1095 = tpu.memref_squeeze %get3A_1094 : memref<1x128x64xf32, #tpu.memory_space<vmem>> -> memref<128x64xf32, #tpu.memory_space<vmem>>
        %get3A_1096 = arith.index_cast %add3A_1066 : i32 to index
        %get3A_1097 = arith.constant 32 : index
        %get3A_1098 = tpu.vector_load %get3A_1095[%get3A_1096, %get3A_1097] {strides = array<i32>} : memref<128x64xf32, #tpu.memory_space<vmem>>, vector<16xf32>,
        %scatter3A_1099 = arith.constant 0 : i32
        %scatter3A_1100 = arith.constant 0 : i32
        %scatter3A_1101 = arith.constant 0 : i32
        %scatter3A_1102 = tpu.memref_slice %arg7[%scan3A_975, %scatter3A_1099, %scatter3A_1100, %scatter3A_1101] : memref<2x8x8x129xf32, #tpu.memory_space<vmem>> -> memref<1x8x8x129xf32, #tpu.memory_space<vmem>>
        %scatter3A_1103 = tpu.memref_squeeze %scatter3A_1102 : memref<1x8x8x129xf32, #tpu.memory_space<vmem>> -> memref<8x8x129xf32, #tpu.memory_space<vmem>>
        tpu.vector_store_idx %scatter3A_1103[%shift_right_arithmetic3A_17, %and3A_40, %broadcast_in_dim3A_1067], %get3A_1098 : memref<8x8x129xf32, #tpu.memory_space<vmem>>[vector<16xi32>, vector<16xi32>, vector<16xi32>], vector<16xf32>,
        %get3A_1104 = arith.constant 0 : i32
        %get3A_1105 = arith.constant 0 : i32
        %get3A_1106 = tpu.memref_slice %arg6[%scan3A_974, %get3A_1104, %get3A_1105] : memref<8x128x64xf32, #tpu.memory_space<vmem>> -> memref<1x128x64xf32, #tpu.memory_space<vmem>>
        %get3A_1107 = tpu.memref_squeeze %get3A_1106 : memref<1x128x64xf32, #tpu.memory_space<vmem>> -> memref<128x64xf32, #tpu.memory_space<vmem>>
        %get3A_1108 = arith.index_cast %add3A_1066 : i32 to index
        %get3A_1109 = arith.constant 48 : index
        %get3A_1110 = tpu.vector_load %get3A_1107[%get3A_1108, %get3A_1109] {strides = array<i32>} : memref<128x64xf32, #tpu.memory_space<vmem>>, vector<16xf32>,
        %scatter3A_1111 = arith.constant 0 : i32
        %scatter3A_1112 = arith.constant 0 : i32
        %scatter3A_1113 = arith.constant 0 : i32
        %scatter3A_1114 = tpu.memref_slice %arg7[%scan3A_975, %scatter3A_1111, %scatter3A_1112, %scatter3A_1113] : memref<2x8x8x129xf32, #tpu.memory_space<vmem>> -> memref<1x8x8x129xf32, #tpu.memory_space<vmem>>
        %scatter3A_1115 = tpu.memref_squeeze %scatter3A_1114 : memref<1x8x8x129xf32, #tpu.memory_space<vmem>> -> memref<8x8x129xf32, #tpu.memory_space<vmem>>
        tpu.vector_store_idx %scatter3A_1115[%shift_right_arithmetic3A_23, %and3A_46, %broadcast_in_dim3A_1067], %get3A_1110 : memref<8x8x129xf32, #tpu.memory_space<vmem>>[vector<16xi32>, vector<16xi32>, vector<16xi32>], vector<16xf32>,
        %add3A_1116 = arith.constant 2 : i32
        %add3A_1117 = arith.addi %add3A_1016, %add3A_1116 : i32
        %broadcast_in_dim3A_1118 = vector.broadcast %add3A_1117 : i32 to vector<16xi32>
        %get3A_1119 = arith.constant 0 : i32
        %get3A_1120 = arith.constant 0 : i32
        %get3A_1121 = tpu.memref_slice %arg6[%scan3A_974, %get3A_1119, %get3A_1120] : memref<8x128x64xf32, #tpu.memory_space<vmem>> -> memref<1x128x64xf32, #tpu.memory_space<vmem>>
        %get3A_1122 = tpu.memref_squeeze %get3A_1121 : memref<1x128x64xf32, #tpu.memory_space<vmem>> -> memref<128x64xf32, #tpu.memory_space<vmem>>
        %get3A_1123 = arith.index_cast %add3A_1117 : i32 to index
        %get3A_1124 = arith.constant 0 : index
        %get3A_1125 = tpu.vector_load %get3A_1122[%get3A_1123, %get3A_1124] {strides = array<i32>} : memref<128x64xf32, #tpu.memory_space<vmem>>, vector<16xf32>,
        %scatter3A_1126 = arith.constant 0 : i32
        %scatter3A_1127 = arith.constant 0 : i32
        %scatter3A_1128 = arith.constant 0 : i32
        %scatter3A_1129 = tpu.memref_slice %arg7[%scan3A_975, %scatter3A_1126, %scatter3A_1127, %scatter3A_1128] : memref<2x8x8x129xf32, #tpu.memory_space<vmem>> -> memref<1x8x8x129xf32, #tpu.memory_space<vmem>>
        %scatter3A_1130 = tpu.memref_squeeze %scatter3A_1129 : memref<1x8x8x129xf32, #tpu.memory_space<vmem>> -> memref<8x8x129xf32, #tpu.memory_space<vmem>>
        tpu.vector_store_idx %scatter3A_1130[%shift_right_arithmetic3A_5, %and3A_28, %broadcast_in_dim3A_1118], %get3A_1125 : memref<8x8x129xf32, #tpu.memory_space<vmem>>[vector<16xi32>, vector<16xi32>, vector<16xi32>], vector<16xf32>,
        %get3A_1131 = arith.constant 0 : i32
        %get3A_1132 = arith.constant 0 : i32
        %get3A_1133 = tpu.memref_slice %arg6[%scan3A_974, %get3A_1131, %get3A_1132] : memref<8x128x64xf32, #tpu.memory_space<vmem>> -> memref<1x128x64xf32, #tpu.memory_space<vmem>>
        %get3A_1134 = tpu.memref_squeeze %get3A_1133 : memref<1x128x64xf32, #tpu.memory_space<vmem>> -> memref<128x64xf32, #tpu.memory_space<vmem>>
        %get3A_1135 = arith.index_cast %add3A_1117 : i32 to index
        %get3A_1136 = arith.constant 16 : index
        %get3A_1137 = tpu.vector_load %get3A_1134[%get3A_1135, %get3A_1136] {strides = array<i32>} : memref<128x64xf32, #tpu.memory_space<vmem>>, vector<16xf32>,
        %scatter3A_1138 = arith.constant 0 : i32
        %scatter3A_1139 = arith.constant 0 : i32
        %scatter3A_1140 = arith.constant 0 : i32
        %scatter3A_1141 = tpu.memref_slice %arg7[%scan3A_975, %scatter3A_1138, %scatter3A_1139, %scatter3A_1140] : memref<2x8x8x129xf32, #tpu.memory_space<vmem>> -> memref<1x8x8x129xf32, #tpu.memory_space<vmem>>
        %scatter3A_1142 = tpu.memref_squeeze %scatter3A_1141 : memref<1x8x8x129xf32, #tpu.memory_space<vmem>> -> memref<8x8x129xf32, #tpu.memory_space<vmem>>
        tpu.vector_store_idx %scatter3A_1142[%shift_right_arithmetic3A_11, %and3A_34, %broadcast_in_dim3A_1118], %get3A_1137 : memref<8x8x129xf32, #tpu.memory_space<vmem>>[vector<16xi32>, vector<16xi32>, vector<16xi32>], vector<16xf32>,
        %get3A_1143 = arith.constant 0 : i32
        %get3A_1144 = arith.constant 0 : i32
        %get3A_1145 = tpu.memref_slice %arg6[%scan3A_974, %get3A_1143, %get3A_1144] : memref<8x128x64xf32, #tpu.memory_space<vmem>> -> memref<1x128x64xf32, #tpu.memory_space<vmem>>
        %get3A_1146 = tpu.memref_squeeze %get3A_1145 : memref<1x128x64xf32, #tpu.memory_space<vmem>> -> memref<128x64xf32, #tpu.memory_space<vmem>>
        %get3A_1147 = arith.index_cast %add3A_1117 : i32 to index
        %get3A_1148 = arith.constant 32 : index
        %get3A_1149 = tpu.vector_load %get3A_1146[%get3A_1147, %get3A_1148] {strides = array<i32>} : memref<128x64xf32, #tpu.memory_space<vmem>>, vector<16xf32>,
        %scatter3A_1150 = arith.constant 0 : i32
        %scatter3A_1151 = arith.constant 0 : i32
        %scatter3A_1152 = arith.constant 0 : i32
        %scatter3A_1153 = tpu.memref_slice %arg7[%scan3A_975, %scatter3A_1150, %scatter3A_1151, %scatter3A_1152] : memref<2x8x8x129xf32, #tpu.memory_space<vmem>> -> memref<1x8x8x129xf32, #tpu.memory_space<vmem>>
        %scatter3A_1154 = tpu.memref_squeeze %scatter3A_1153 : memref<1x8x8x129xf32, #tpu.memory_space<vmem>> -> memref<8x8x129xf32, #tpu.memory_space<vmem>>
        tpu.vector_store_idx %scatter3A_1154[%shift_right_arithmetic3A_17, %and3A_40, %broadcast_in_dim3A_1118], %get3A_1149 : memref<8x8x129xf32, #tpu.memory_space<vmem>>[vector<16xi32>, vector<16xi32>, vector<16xi32>], vector<16xf32>,
        %get3A_1155 = arith.constant 0 : i32
        %get3A_1156 = arith.constant 0 : i32
        %get3A_1157 = tpu.memref_slice %arg6[%scan3A_974, %get3A_1155, %get3A_1156] : memref<8x128x64xf32, #tpu.memory_space<vmem>> -> memref<1x128x64xf32, #tpu.memory_space<vmem>>
        %get3A_1158 = tpu.memref_squeeze %get3A_1157 : memref<1x128x64xf32, #tpu.memory_space<vmem>> -> memref<128x64xf32, #tpu.memory_space<vmem>>
        %get3A_1159 = arith.index_cast %add3A_1117 : i32 to index
        %get3A_1160 = arith.constant 48 : index
        %get3A_1161 = tpu.vector_load %get3A_1158[%get3A_1159, %get3A_1160] {strides = array<i32>} : memref<128x64xf32, #tpu.memory_space<vmem>>, vector<16xf32>,
        %scatter3A_1162 = arith.constant 0 : i32
        %scatter3A_1163 = arith.constant 0 : i32
        %scatter3A_1164 = arith.constant 0 : i32
        %scatter3A_1165 = tpu.memref_slice %arg7[%scan3A_975, %scatter3A_1162, %scatter3A_1163, %scatter3A_1164] : memref<2x8x8x129xf32, #tpu.memory_space<vmem>> -> memref<1x8x8x129xf32, #tpu.memory_space<vmem>>
        %scatter3A_1166 = tpu.memref_squeeze %scatter3A_1165 : memref<1x8x8x129xf32, #tpu.memory_space<vmem>> -> memref<8x8x129xf32, #tpu.memory_space<vmem>>
        tpu.vector_store_idx %scatter3A_1166[%shift_right_arithmetic3A_23, %and3A_46, %broadcast_in_dim3A_1118], %get3A_1161 : memref<8x8x129xf32, #tpu.memory_space<vmem>>[vector<16xi32>, vector<16xi32>, vector<16xi32>], vector<16xf32>,
        %add3A_1167 = arith.constant 3 : i32
        %add3A_1168 = arith.addi %add3A_1016, %add3A_1167 : i32
        %broadcast_in_dim3A_1169 = vector.broadcast %add3A_1168 : i32 to vector<16xi32>
        %get3A_1170 = arith.constant 0 : i32
        %get3A_1171 = arith.constant 0 : i32
        %get3A_1172 = tpu.memref_slice %arg6[%scan3A_974, %get3A_1170, %get3A_1171] : memref<8x128x64xf32, #tpu.memory_space<vmem>> -> memref<1x128x64xf32, #tpu.memory_space<vmem>>
        %get3A_1173 = tpu.memref_squeeze %get3A_1172 : memref<1x128x64xf32, #tpu.memory_space<vmem>> -> memref<128x64xf32, #tpu.memory_space<vmem>>
        %get3A_1174 = arith.index_cast %add3A_1168 : i32 to index
        %get3A_1175 = arith.constant 0 : index
        %get3A_1176 = tpu.vector_load %get3A_1173[%get3A_1174, %get3A_1175] {strides = array<i32>} : memref<128x64xf32, #tpu.memory_space<vmem>>, vector<16xf32>,
        %scatter3A_1177 = arith.constant 0 : i32
        %scatter3A_1178 = arith.constant 0 : i32
        %scatter3A_1179 = arith.constant 0 : i32
        %scatter3A_1180 = tpu.memref_slice %arg7[%scan3A_975, %scatter3A_1177, %scatter3A_1178, %scatter3A_1179] : memref<2x8x8x129xf32, #tpu.memory_space<vmem>> -> memref<1x8x8x129xf32, #tpu.memory_space<vmem>>
        %scatter3A_1181 = tpu.memref_squeeze %scatter3A_1180 : memref<1x8x8x129xf32, #tpu.memory_space<vmem>> -> memref<8x8x129xf32, #tpu.memory_space<vmem>>
        tpu.vector_store_idx %scatter3A_1181[%shift_right_arithmetic3A_5, %and3A_28, %broadcast_in_dim3A_1169], %get3A_1176 : memref<8x8x129xf32, #tpu.memory_space<vmem>>[vector<16xi32>, vector<16xi32>, vector<16xi32>], vector<16xf32>,
        %get3A_1182 = arith.constant 0 : i32
        %get3A_1183 = arith.constant 0 : i32
        %get3A_1184 = tpu.memref_slice %arg6[%scan3A_974, %get3A_1182, %get3A_1183] : memref<8x128x64xf32, #tpu.memory_space<vmem>> -> memref<1x128x64xf32, #tpu.memory_space<vmem>>
        %get3A_1185 = tpu.memref_squeeze %get3A_1184 : memref<1x128x64xf32, #tpu.memory_space<vmem>> -> memref<128x64xf32, #tpu.memory_space<vmem>>
        %get3A_1186 = arith.index_cast %add3A_1168 : i32 to index
        %get3A_1187 = arith.constant 16 : index
        %get3A_1188 = tpu.vector_load %get3A_1185[%get3A_1186, %get3A_1187] {strides = array<i32>} : memref<128x64xf32, #tpu.memory_space<vmem>>, vector<16xf32>,
        %scatter3A_1189 = arith.constant 0 : i32
        %scatter3A_1190 = arith.constant 0 : i32
        %scatter3A_1191 = arith.constant 0 : i32
        %scatter3A_1192 = tpu.memref_slice %arg7[%scan3A_975, %scatter3A_1189, %scatter3A_1190, %scatter3A_1191] : memref<2x8x8x129xf32, #tpu.memory_space<vmem>> -> memref<1x8x8x129xf32, #tpu.memory_space<vmem>>
        %scatter3A_1193 = tpu.memref_squeeze %scatter3A_1192 : memref<1x8x8x129xf32, #tpu.memory_space<vmem>> -> memref<8x8x129xf32, #tpu.memory_space<vmem>>
        tpu.vector_store_idx %scatter3A_1193[%shift_right_arithmetic3A_11, %and3A_34, %broadcast_in_dim3A_1169], %get3A_1188 : memref<8x8x129xf32, #tpu.memory_space<vmem>>[vector<16xi32>, vector<16xi32>, vector<16xi32>], vector<16xf32>,
        %get3A_1194 = arith.constant 0 : i32
        %get3A_1195 = arith.constant 0 : i32
        %get3A_1196 = tpu.memref_slice %arg6[%scan3A_974, %get3A_1194, %get3A_1195] : memref<8x128x64xf32, #tpu.memory_space<vmem>> -> memref<1x128x64xf32, #tpu.memory_space<vmem>>
        %get3A_1197 = tpu.memref_squeeze %get3A_1196 : memref<1x128x64xf32, #tpu.memory_space<vmem>> -> memref<128x64xf32, #tpu.memory_space<vmem>>
        %get3A_1198 = arith.index_cast %add3A_1168 : i32 to index
        %get3A_1199 = arith.constant 32 : index
        %get3A_1200 = tpu.vector_load %get3A_1197[%get3A_1198, %get3A_1199] {strides = array<i32>} : memref<128x64xf32, #tpu.memory_space<vmem>>, vector<16xf32>,
        %scatter3A_1201 = arith.constant 0 : i32
        %scatter3A_1202 = arith.constant 0 : i32
        %scatter3A_1203 = arith.constant 0 : i32
        %scatter3A_1204 = tpu.memref_slice %arg7[%scan3A_975, %scatter3A_1201, %scatter3A_1202, %scatter3A_1203] : memref<2x8x8x129xf32, #tpu.memory_space<vmem>> -> memref<1x8x8x129xf32, #tpu.memory_space<vmem>>
        %scatter3A_1205 = tpu.memref_squeeze %scatter3A_1204 : memref<1x8x8x129xf32, #tpu.memory_space<vmem>> -> memref<8x8x129xf32, #tpu.memory_space<vmem>>
        tpu.vector_store_idx %scatter3A_1205[%shift_right_arithmetic3A_17, %and3A_40, %broadcast_in_dim3A_1169], %get3A_1200 : memref<8x8x129xf32, #tpu.memory_space<vmem>>[vector<16xi32>, vector<16xi32>, vector<16xi32>], vector<16xf32>,
        %get3A_1206 = arith.constant 0 : i32
        %get3A_1207 = arith.constant 0 : i32
        %get3A_1208 = tpu.memref_slice %arg6[%scan3A_974, %get3A_1206, %get3A_1207] : memref<8x128x64xf32, #tpu.memory_space<vmem>> -> memref<1x128x64xf32, #tpu.memory_space<vmem>>
        %get3A_1209 = tpu.memref_squeeze %get3A_1208 : memref<1x128x64xf32, #tpu.memory_space<vmem>> -> memref<128x64xf32, #tpu.memory_space<vmem>>
        %get3A_1210 = arith.index_cast %add3A_1168 : i32 to index
        %get3A_1211 = arith.constant 48 : index
        %get3A_1212 = tpu.vector_load %get3A_1209[%get3A_1210, %get3A_1211] {strides = array<i32>} : memref<128x64xf32, #tpu.memory_space<vmem>>, vector<16xf32>,
        %scatter3A_1213 = arith.constant 0 : i32
        %scatter3A_1214 = arith.constant 0 : i32
        %scatter3A_1215 = arith.constant 0 : i32
        %scatter3A_1216 = tpu.memref_slice %arg7[%scan3A_975, %scatter3A_1213, %scatter3A_1214, %scatter3A_1215] : memref<2x8x8x129xf32, #tpu.memory_space<vmem>> -> memref<1x8x8x129xf32, #tpu.memory_space<vmem>>
        %scatter3A_1217 = tpu.memref_squeeze %scatter3A_1216 : memref<1x8x8x129xf32, #tpu.memory_space<vmem>> -> memref<8x8x129xf32, #tpu.memory_space<vmem>>
        tpu.vector_store_idx %scatter3A_1217[%shift_right_arithmetic3A_23, %and3A_46, %broadcast_in_dim3A_1169], %get3A_1212 : memref<8x8x129xf32, #tpu.memory_space<vmem>>[vector<16xi32>, vector<16xi32>, vector<16xi32>], vector<16xf32>,
      }
      %scan3A_980 = arith.constant 32 : i32
      %add3A_981 = arith.constant 8 : i32
      %add3A_982 = arith.addi %add3A_914, %add3A_981 : i32
      %lt3A_983 = arith.constant 200 : i32
      %lt3A_984 = arith.cmpi slt, %add3A_982, %lt3A_983 : i32
      %convert_element_type3A_985 = arith.extui %lt3A_984 : i1 to i32
      %cond3A_986 = arith.constant 0 : i32
      %cond3A_987 = arith.cmpi ne, %convert_element_type3A_985, %cond3A_986 : i32
      scf.if %cond3A_987 {
        %add3A_1012 = arith.constant 8 : i32
        %add3A_1013 = arith.addi %add3A_914, %add3A_1012 : i32
        %jit3A_1014 = arith.constant 8 : i32
        %div3A_1015 = arith.divsi %add3A_1013, %jit3A_1014 : i32
        %sign3A_1016 = arith.constant 0 : i32
        %sign3A_1017 = arith.cmpi sgt, %add3A_1013, %sign3A_1016 : i32
        %sign3A_1018 = arith.extui %sign3A_1017 : i1 to i32
        %sign3A_1019 = arith.constant 0 : i32
        %sign3A_1020 = arith.cmpi slt, %add3A_1013, %sign3A_1019 : i32
        %sign3A_1021 = arith.extui %sign3A_1020 : i1 to i32
        %sign3A_1022 = arith.subi %sign3A_1018, %sign3A_1021 : i32
        %sign3A_1023 = arith.constant 0 : i32
        %sign3A_1024 = arith.cmpi sgt, %jit3A_1014, %sign3A_1023 : i32
        %sign3A_1025 = arith.extui %sign3A_1024 : i1 to i32
        %sign3A_1026 = arith.constant 0 : i32
        %sign3A_1027 = arith.cmpi slt, %jit3A_1014, %sign3A_1026 : i32
        %sign3A_1028 = arith.extui %sign3A_1027 : i1 to i32
        %sign3A_1029 = arith.subi %sign3A_1025, %sign3A_1028 : i32
        %ne3A_1030 = arith.cmpi ne, %sign3A_1022, %sign3A_1029 : i32
        %rem3A_1031 = arith.remsi %add3A_1013, %jit3A_1014 : i32
        %ne3A_1032 = arith.constant 0 : i32
        %ne3A_1033 = arith.cmpi ne, %rem3A_1031, %ne3A_1032 : i32
        %and3A_1034 = arith.andi %ne3A_1030, %ne3A_1033 : i1
        %sub3A_1035 = arith.constant 1 : i32
        %sub3A_1036 = arith.subi %div3A_1015, %sub3A_1035 : i32
        %select_n3A_1037 = arith.select %and3A_1034, %sub3A_1036, %div3A_1015 : i32
        %add3A_1038 = arith.constant 8 : i32
        %add3A_1039 = arith.addi %add3A_914, %add3A_1038 : i32
        %jit3A_1040 = arith.constant 8 : i32
        %eq3A_1041 = arith.constant 0 : i32
        %eq3A_1042 = arith.cmpi eq, %jit3A_1040, %eq3A_1041 : i32
        %jit3A_1043 = arith.constant 1 : i32
        %select_n3A_1044 = arith.select %eq3A_1042, %jit3A_1043, %jit3A_1040 : i32
        %rem3A_1045 = arith.remsi %add3A_1039, %select_n3A_1044 : i32
        %ne3A_1046 = arith.constant 0 : i32
        %ne3A_1047 = arith.cmpi ne, %rem3A_1045, %ne3A_1046 : i32
        %lt3A_1048 = arith.constant 0 : i32
        %lt3A_1049 = arith.cmpi slt, %rem3A_1045, %lt3A_1048 : i32
        %lt3A_1050 = arith.constant 0 : i32
        %lt3A_1051 = arith.cmpi slt, %select_n3A_1044, %lt3A_1050 : i32
        %ne3A_1052 = arith.xori %lt3A_1049, %lt3A_1051 : i1
        %and3A_1053 = arith.andi %ne3A_1052, %ne3A_1047 : i1
        %add3A_1054 = arith.addi %rem3A_1045, %select_n3A_1044 : i32
        %select_n3A_1055 = arith.select %and3A_1053, %add3A_1054, %rem3A_1045 : i32
        %dma_start3A_1056 = arith.constant 7 : i32
        %dma_start3A_1057 = arith.constant 7 : i32
        %dma_start3A_1058 = arith.constant 0 : i32
        %dma_start3A_1059 = arith.constant 0 : i32
        %dma_start3A_1060 = tpu.memref_slice %arg6[%dma_start3A_1056, %dma_start3A_1058, %dma_start3A_1059] : memref<8x128x64xf32, #tpu.memory_space<vmem>> -> memref<1x128x64xf32, #tpu.memory_space<vmem>>
        %dma_start3A_1061 = tpu.memref_squeeze %dma_start3A_1060 : memref<1x128x64xf32, #tpu.memory_space<vmem>> -> memref<128x64xf32, #tpu.memory_space<vmem>>
        %dma_start3A_1062 = arith.constant 0 : i32
        %dma_start3A_1063 = tpu.memref_slice %arg5[%select_n3A_1037, %select_n3A_1055, %dma_start3A_1062] : memref<25x8x128xi32, #tpu.memory_space<vmem>> -> memref<1x1x128xi32, #tpu.memory_space<vmem>>
        %dma_start3A_1064 = tpu.memref_squeeze %dma_start3A_1063 : memref<1x1x128xi32, #tpu.memory_space<vmem>> -> memref<128xi32, #tpu.memory_space<vmem>>
        %dma_start3A_1065 = arith.constant 0 : i32
        %dma_start3A_1066 = arith.constant 0 : i32
        %dma_start3A_1067 = tpu.memref_slice %arg3[%dma_start3A_1065, %dma_start3A_1066] : memref<1000000x64xf32, #tpu.memory_space<hbm>> -> memref<1000000x64xf32, #tpu.memory_space<hbm>>
        %dma_start3A_1068 = tpu.memref_slice %arg8[%dma_start3A_1057] : memref<8x!tpu.dma_semaphore, #tpu.memory_space<semaphore_mem>> -> memref<1x!tpu.dma_semaphore, #tpu.memory_space<semaphore_mem>>
        %dma_start3A_1069 = tpu.memref_squeeze %dma_start3A_1068 : memref<1x!tpu.dma_semaphore, #tpu.memory_space<semaphore_mem>> -> memref<!tpu.dma_semaphore, #tpu.memory_space<semaphore_mem>>
        tpu.enqueue_indirect_dma source(%dma_start3A_1067 : memref<1000000x64xf32, #tpu.memory_space<hbm>>) target(%dma_start3A_1061 : memref<128x64xf32, #tpu.memory_space<vmem>>) offsets(%dma_start3A_1064 : memref<128xi32, #tpu.memory_space<vmem>>) semaphore(%dma_start3A_1069 : memref<!tpu.dma_semaphore, #tpu.memory_space<semaphore_mem>>)
      } else {
      }
      %dma_start3A_988 = arith.constant 1 : i32
      %dma_start3A_989 = arith.constant 1 : i32
      %dma_start3A_990 = arith.constant 0 : i32
      %dma_start3A_991 = arith.constant 0 : i32
      %dma_start3A_992 = arith.constant 0 : i32
      %dma_start3A_993 = tpu.memref_slice %arg7[%dma_start3A_988, %dma_start3A_990, %dma_start3A_991, %dma_start3A_992] : memref<2x8x8x129xf32, #tpu.memory_space<vmem>> -> memref<1x8x8x128xf32, #tpu.memory_space<vmem>>
      %dma_start3A_994 = tpu.memref_squeeze %dma_start3A_993 : memref<1x8x8x128xf32, #tpu.memory_space<vmem>> -> memref<8x8x128xf32, #tpu.memory_space<vmem>>
      %dma_start3A_995 = arith.constant 0 : i32
      %dma_start3A_996 = arith.constant 0 : i32
      %dma_start3A_997 = arith.constant 0 : i32
      %dma_start3A_998 = tpu.memref_slice %arg4[%add3A_914, %dma_start3A_995, %add3A, %dma_start3A_996, %dma_start3A_997] : memref<200x8x32x8x128xf32, #tpu.memory_space<hbm>> -> memref<1x8x1x8x128xf32, #tpu.memory_space<hbm>>
      %dma_start3A_999 = tpu.memref_squeeze %dma_start3A_998 : memref<1x8x1x8x128xf32, #tpu.memory_space<hbm>> -> memref<8x8x128xf32, #tpu.memory_space<hbm>>
      %dma_start3A_1000 = tpu.memref_slice %arg9[%dma_start3A_989] : memref<2x!tpu.dma_semaphore, #tpu.memory_space<semaphore_mem>> -> memref<1x!tpu.dma_semaphore, #tpu.memory_space<semaphore_mem>>
      %dma_start3A_1001 = tpu.memref_squeeze %dma_start3A_1000 : memref<1x!tpu.dma_semaphore, #tpu.memory_space<semaphore_mem>> -> memref<!tpu.dma_semaphore, #tpu.memory_space<semaphore_mem>>
      %dma_start3A_1002 = arith.constant 0 : i32
      %dma_start3A_1003 = arith.constant 0 : i32
      %dma_start3A_1004 = arith.constant 0 : i32
      %dma_start3A_1005 = tpu.memref_slice %arg4[%add3A_914, %dma_start3A_1002, %add3A, %dma_start3A_1003, %dma_start3A_1004] : memref<200x8x32x8x128xf32, #tpu.memory_space<hbm>> -> memref<1x8x1x8x128xf32, #tpu.memory_space<hbm>>
      %dma_start3A_1006 = tpu.memref_squeeze %dma_start3A_1005 : memref<1x8x1x8x128xf32, #tpu.memory_space<hbm>> -> memref<8x8x128xf32, #tpu.memory_space<hbm>>
      %dma_start3A_1007 = arith.constant 0 : i32
      %dma_start3A_1008 = arith.constant 0 : i32
      %dma_start3A_1009 = arith.constant 0 : i32
      %dma_start3A_1010 = tpu.memref_slice %arg7[%dma_start3A_988, %dma_start3A_1007, %dma_start3A_1008, %dma_start3A_1009] : memref<2x8x8x129xf32, #tpu.memory_space<vmem>> -> memref<1x8x8x128xf32, #tpu.memory_space<vmem>>
      %dma_start3A_1011 = tpu.memref_squeeze %dma_start3A_1010 : memref<1x8x8x128xf32, #tpu.memory_space<vmem>> -> memref<8x8x128xf32, #tpu.memory_space<vmem>>
      tpu.enqueue_dma source(%dma_start3A_1011 : memref<8x8x128xf32, #tpu.memory_space<vmem>>) target(%dma_start3A_1006 : memref<8x8x128xf32, #tpu.memory_space<hbm>>) target_semaphore(%dma_start3A_1001 : memref<!tpu.dma_semaphore, #tpu.memory_space<semaphore_mem>>)
    }
    %scan3A_177 = arith.constant 25 : i32
    %dma_wait3A = arith.constant 0 : i32
    %dma_wait3A_178 = arith.constant 198 : i32
    %dma_wait3A_179 = arith.constant 0 : i32
    %dma_wait3A_180 = arith.constant 0 : i32
    %dma_wait3A_181 = arith.constant 0 : i32
    %dma_wait3A_182 = arith.constant 0 : i32
    %dma_wait3A_183 = tpu.memref_slice %arg7[%dma_wait3A, %dma_wait3A_180, %dma_wait3A_181, %dma_wait3A_182] : memref<2x8x8x129xf32, #tpu.memory_space<vmem>> -> memref<1x8x8x128xf32, #tpu.memory_space<vmem>>
    %dma_wait3A_184 = tpu.memref_squeeze %dma_wait3A_183 : memref<1x8x8x128xf32, #tpu.memory_space<vmem>> -> memref<8x8x128xf32, #tpu.memory_space<vmem>>
    %dma_wait3A_185 = arith.constant 0 : i32
    %dma_wait3A_186 = arith.constant 0 : i32
    %dma_wait3A_187 = arith.constant 0 : i32
    %dma_wait3A_188 = tpu.memref_slice %arg4[%dma_wait3A_178, %dma_wait3A_185, %add3A, %dma_wait3A_186, %dma_wait3A_187] : memref<200x8x32x8x128xf32, #tpu.memory_space<hbm>> -> memref<1x8x1x8x128xf32, #tpu.memory_space<hbm>>
    %dma_wait3A_189 = tpu.memref_squeeze %dma_wait3A_188 : memref<1x8x1x8x128xf32, #tpu.memory_space<hbm>> -> memref<8x8x128xf32, #tpu.memory_space<hbm>>
    %dma_wait3A_190 = tpu.memref_slice %arg9[%dma_wait3A_179] : memref<2x!tpu.dma_semaphore, #tpu.memory_space<semaphore_mem>> -> memref<1x!tpu.dma_semaphore, #tpu.memory_space<semaphore_mem>>
    %dma_wait3A_191 = tpu.memref_squeeze %dma_wait3A_190 : memref<1x!tpu.dma_semaphore, #tpu.memory_space<semaphore_mem>> -> memref<!tpu.dma_semaphore, #tpu.memory_space<semaphore_mem>>
    %dma_wait3A_192 = arith.constant 0 : i32
    %dma_wait3A_193 = arith.constant 0 : i32
    %dma_wait3A_194 = arith.constant 0 : i32
    %dma_wait3A_195 = tpu.memref_slice %arg4[%dma_wait3A_178, %dma_wait3A_192, %add3A, %dma_wait3A_193, %dma_wait3A_194] : memref<200x8x32x8x128xf32, #tpu.memory_space<hbm>> -> memref<1x8x1x8x128xf32, #tpu.memory_space<hbm>>
    %dma_wait3A_196 = tpu.memref_squeeze %dma_wait3A_195 : memref<1x8x1x8x128xf32, #tpu.memory_space<hbm>> -> memref<8x8x128xf32, #tpu.memory_space<hbm>>
    %dma_wait3A_197 = arith.constant 0 : i32
    %dma_wait3A_198 = arith.constant 0 : i32
    %dma_wait3A_199 = arith.constant 0 : i32
    %dma_wait3A_200 = tpu.memref_slice %arg7[%dma_wait3A, %dma_wait3A_197, %dma_wait3A_198, %dma_wait3A_199] : memref<2x8x8x129xf32, #tpu.memory_space<vmem>> -> memref<1x8x8x128xf32, #tpu.memory_space<vmem>>
    %dma_wait3A_201 = tpu.memref_squeeze %dma_wait3A_200 : memref<1x8x8x128xf32, #tpu.memory_space<vmem>> -> memref<8x8x128xf32, #tpu.memory_space<vmem>>
    tpu.wait_dma2 semaphore(%dma_wait3A_191 : memref<!tpu.dma_semaphore, #tpu.memory_space<semaphore_mem>>) src(%dma_wait3A_201 : memref<8x8x128xf32, #tpu.memory_space<vmem>>) dst(%dma_wait3A_196 : memref<8x8x128xf32, #tpu.memory_space<hbm>>)
    %dma_wait3A_202 = arith.constant 1 : i32
    %dma_wait3A_203 = arith.constant 199 : i32
    %dma_wait3A_204 = arith.constant 1 : i32
    %dma_wait3A_205 = arith.constant 0 : i32
    %dma_wait3A_206 = arith.constant 0 : i32
    %dma_wait3A_207 = arith.constant 0 : i32
    %dma_wait3A_208 = tpu.memref_slice %arg7[%dma_wait3A_202, %dma_wait3A_205, %dma_wait3A_206, %dma_wait3A_207] : memref<2x8x8x129xf32, #tpu.memory_space<vmem>> -> memref<1x8x8x128xf32, #tpu.memory_space<vmem>>
    %dma_wait3A_209 = tpu.memref_squeeze %dma_wait3A_208 : memref<1x8x8x128xf32, #tpu.memory_space<vmem>> -> memref<8x8x128xf32, #tpu.memory_space<vmem>>
    %dma_wait3A_210 = arith.constant 0 : i32
    %dma_wait3A_211 = arith.constant 0 : i32
    %dma_wait3A_212 = arith.constant 0 : i32
    %dma_wait3A_213 = tpu.memref_slice %arg4[%dma_wait3A_203, %dma_wait3A_210, %add3A, %dma_wait3A_211, %dma_wait3A_212] : memref<200x8x32x8x128xf32, #tpu.memory_space<hbm>> -> memref<1x8x1x8x128xf32, #tpu.memory_space<hbm>>
    %dma_wait3A_214 = tpu.memref_squeeze %dma_wait3A_213 : memref<1x8x1x8x128xf32, #tpu.memory_space<hbm>> -> memref<8x8x128xf32, #tpu.memory_space<hbm>>
    %dma_wait3A_215 = tpu.memref_slice %arg9[%dma_wait3A_204] : memref<2x!tpu.dma_semaphore, #tpu.memory_space<semaphore_mem>> -> memref<1x!tpu.dma_semaphore, #tpu.memory_space<semaphore_mem>>
    %dma_wait3A_216 = tpu.memref_squeeze %dma_wait3A_215 : memref<1x!tpu.dma_semaphore, #tpu.memory_space<semaphore_mem>> -> memref<!tpu.dma_semaphore, #tpu.memory_space<semaphore_mem>>
    %dma_wait3A_217 = arith.constant 0 : i32
    %dma_wait3A_218 = arith.constant 0 : i32
    %dma_wait3A_219 = arith.constant 0 : i32
    %dma_wait3A_220 = tpu.memref_slice %arg4[%dma_wait3A_203, %dma_wait3A_217, %add3A, %dma_wait3A_218, %dma_wait3A_219] : memref<200x8x32x8x128xf32, #tpu.memory_space<hbm>> -> memref<1x8x1x8x128xf32, #tpu.memory_space<hbm>>
    %dma_wait3A_221 = tpu.memref_squeeze %dma_wait3A_220 : memref<1x8x1x8x128xf32, #tpu.memory_space<hbm>> -> memref<8x8x128xf32, #tpu.memory_space<hbm>>
    %dma_wait3A_222 = arith.constant 0 : i32
    %dma_wait3A_223 = arith.constant 0 : i32
    %dma_wait3A_224 = arith.constant 0 : i32
    %dma_wait3A_225 = tpu.memref_slice %arg7[%dma_wait3A_202, %dma_wait3A_222, %dma_wait3A_223, %dma_wait3A_224] : memref<2x8x8x129xf32, #tpu.memory_space<vmem>> -> memref<1x8x8x128xf32, #tpu.memory_space<vmem>>
    %dma_wait3A_226 = tpu.memref_squeeze %dma_wait3A_225 : memref<1x8x8x128xf32, #tpu.memory_space<vmem>> -> memref<8x8x128xf32, #tpu.memory_space<vmem>>
    tpu.wait_dma2 semaphore(%dma_wait3A_216 : memref<!tpu.dma_semaphore, #tpu.memory_space<semaphore_mem>>) src(%dma_wait3A_226 : memref<8x8x128xf32, #tpu.memory_space<vmem>>) dst(%dma_wait3A_221 : memref<8x8x128xf32, #tpu.memory_space<hbm>>)
    return
  }
}

</mosaic_0001>

<sc_bundles>
// kernel: kernel.3.cloned.1.call-start
scs
__scs_entry_jumppad:
0x0: {  	(pc) =	sbr.rel $0x88, $3  }
0x1: {  	(tag) =	ssettag $0x0;
	lr =	simm.s32 $0x1  }
0x2: {  	[smem:$0x3F9F] =	sst lr;
	_ =	strace $0xD0000000  }
0x3: {  	_ = 	snop  }
0x4: {  	_ = 	snop  }
0x5: {  	_ = 	snop  }
0x6: {  	_ = 	snop  }
0x7: {  	_ = 	snop  }
__scs_overlays_trampoline_lowered:
0x8: {  	[smem:$0x3FAE] =	sst s0  }
0x9: {  	[smem:$0x3FAF] =	sst s1  }
0xa: {  	[smem:$0x3FB0] =	sst s2  }
0xb: {  	[smem:$0x3FB1] =	sst s3  }
0xc: {  	[smem:$0x3FB2] =	sst s4  }
0xd: {  	[smem:$0x3FB3] =	sst s5  }
0xe: {  	[smem:$0x3FB4] =	sst s6  }
0xf: {  	[smem:$0x3FB5] =	sst s7  }
0x10: {  	[smem:$0x3FB6] =	sst s8  }
0x11: {  	[smem:$0x3FB7] =	sst s9;
	s0 =	simm.s32 @!p0 $0x0  }
0x12: {  	s1 =	sld [smem:$0x3F9D];
	s0 =	simm.s32 @p0 $0x1  }
0x13: {  	[smem:$0x3FB8] =	sst s0;
	s0 =	simm.s32 @!p1 $0x0  }
0x14: {  	s2 =	sld [smem:$0x3F9C];
	s0 =	simm.s32 @p1 $0x1  }
0x15: {  	[smem:$0x3FB9] =	sst s0;
	s0 =	simm.s32 @!p2 $0x0  }
0x16: {  	s3 =	sld [smem:$0x3FDB];
	s0 =	simm.s32 @p2 $0x1  }
0x17: {  	s4 =	simm.s32 $0x1BF5;
	[smem:$0x3FBB] =	sst s0  }
0x18: {  	s0 =	sld [smem:$0x3F9E];
	_ =	swait.ge [sflag:s4], $0x0  }
0x19: {  	s7 =	sld [smem:$0x3F9F]  }
0x1a: {  	s8 =	sadd.s32 $0xFFFFE003, lr  }
0x1b: {  	s9 =	sadd.s32 $0xFFFFFEF7, lr;
	s5 =	simm.s32 $0xFFFFFFFF;
	p2 =	slt.u32 s8, $0xFFFFF086  }
0x1c: {  	p1 =	slt.u32 s9, $0xF7A;
	s5 =	simm.s32 @!p2 $0x0  }
0x1d: {  	s5 =	simm.s32 @p1 $0x1;
	p0 =	seq.s32 s7, s2  }
0x1e: {  	s7 =	smul.u32 @!p0 $0xF7A, s2;
	p2 =	seq.s32 @!p0 s5, $0x0  }
0x1f: {  	s9 =	smul.u32 $0xF7A, s1;
	s8 =	simm.s32 @!p0 $0x1BF5;
	p2 =	por !p2, p0  }
0x20: {  	[sflag:s8] =	ssyncset.s32 @!p0 $0xFFFFF086;
	s6 =	sadd.s32 @!p0 s3, s7;
	s7 =	simm.s32 @!p0 $0x108  }
0x21: {  	s3 =	sadd.s32 s3, s9;
	s6 =	sadd.s32 @!p0 $0x88, s6;
	s7 =	simm.s32 @p2 $0x1082  }
0x22: {  	[simem:s7], [sflag:s8] =	dma.local @!p0 [hbm:s6], $0xF7A  }
0x23: {  	s9 =	sor.u32 $0xD0000000, s2;
	s6 =	simm.s32 $0x108;
	_ =	swait.ge @!p0 [sflag:s8], $0x0  }
0x24: {  	s3 =	sadd.s32 $0x88, s3;
	s6 =	simm.s32 @!p1 $0x1082;
	[sflag:s4] =	ssyncset.s32 $0xFFFFF086  }
0x25: {  	[simem:s6], [sflag:s4] =	dma.local [hbm:s3], $0xF7A  }
0x26: {  	[smem:$0x3F9F] =	sst s1;
	(tag) =	ssettag s2;
	_ =	strace s9  }
0x27: {  	s1 =	sld [smem:$0x3FAF]  }
0x28: {  	s2 =	sld [smem:$0x3FB0]  }
0x29: {  	s4 =	sld [smem:$0x3FB2]  }
0x2a: {  	p0 =	seq.s32 s5, $0x0;
	s5 =	sld [smem:$0x3FB3]  }
0x2b: {  	s6 =	sld [smem:$0x3FB4]  }
0x2c: {  	s7 =	sld [smem:$0x3FB5]  }
0x2d: {  	s3 =	simm.s32 $0x108;
	s8 =	sld [smem:$0x3FB6]  }
0x2e: {  	s3 =	simm.s32 @!p0 $0x1082;
	s9 =	sld [smem:$0x3FB7]  }
0x2f: {  	lr =	sadd.s32 s0, s3;
	s0 =	sld [smem:$0x3FAE]  }
0x30: {  	s3 =	sld [smem:$0x3FB1]  }
0x31: {  	[smem:$0x3FBA] =	sst s10  }
0x32: {  	s10 =	sld [smem:$0x3FB8];
	_ =	sdelay $0x3  }
0x33: {  	p0 =	seq.s32 s10, $0x1;
	s10 =	sld [smem:$0x3FBA];
	_ =	sdelay $0x3  }
0x34: {  	[smem:$0x3FBA] =	sst s10  }
0x35: {  	s10 =	sld [smem:$0x3FB9];
	_ =	sdelay $0x3  }
0x36: {  	p1 =	seq.s32 s10, $0x1;
	s10 =	sld [smem:$0x3FBA];
	_ =	sdelay $0x3  }
0x37: {  	[smem:$0x3FBA] =	sst s10  }
0x38: {  	s10 =	sld [smem:$0x3FBB]  }
0x39: {  	_ = 	snop;
	(pc) =	sbr.ind lr, $3  }
0x3a: {  	_ = 	snop  }
0x3b: {  	_ = 	snop  }
0x3c: {  	p2 =	seq.s32 s10, $0x1;
	s10 =	sld [smem:$0x3FBA]  }
0x3d: {  	_ =	shalt  }
0x3e: {  	_ =	shalt  }
0x3f: {  	_ =	shalt  }
0x40: {  	_ =	shalt  }
0x41: {  	_ =	shalt  }
0x42: {  	_ =	shalt  }
0x43: {  	_ =	shalt  }
0x44: {  	_ =	shalt  }
0x45: {  	_ =	shalt  }
0x46: {  	_ =	shalt  }
0x47: {  	_ =	shalt  }
0x48: {  	_ =	shalt  }
0x49: {  	_ =	shalt  }
0x4a: {  	_ =	shalt  }
0x4b: {  	_ =	shalt  }
0x4c: {  	_ =	shalt  }
0x4d: {  	_ =	shalt  }
0x4e: {  	_ =	shalt  }
0x4f: {  	_ =	shalt  }
0x50: {  	_ =	shalt  }
0x51: {  	_ =	shalt  }
0x52: {  	_ =	shalt  }
0x53: {  	_ =	shalt  }
0x54: {  	_ =	shalt  }
0x55: {  	_ =	shalt  }
0x56: {  	_ =	shalt  }
0x57: {  	_ =	shalt  }
0x58: {  	_ =	shalt  }
0x59: {  	_ =	shalt  }
0x5a: {  	_ =	shalt  }
0x5b: {  	_ =	shalt  }
0x5c: {  	_ =	shalt  }
0x5d: {  	_ =	shalt  }
0x5e: {  	_ =	shalt  }
0x5f: {  	_ =	shalt  }
0x60: {  	_ =	shalt  }
0x61: {  	_ =	shalt  }
0x62: {  	_ =	shalt  }
0x63: {  	_ =	shalt  }
0x64: {  	_ =	shalt  }
0x65: {  	_ =	shalt  }
0x66: {  	_ =	shalt  }
0x67: {  	_ =	shalt  }
0x68: {  	_ =	shalt  }
0x69: {  	_ =	shalt  }
0x6a: {  	_ =	shalt  }
0x6b: {  	_ =	shalt  }
0x6c: {  	_ =	shalt  }
0x6d: {  	_ =	shalt  }
0x6e: {  	_ =	shalt  }
0x6f: {  	_ =	shalt  }
0x70: {  	_ =	shalt  }
0x71: {  	_ =	shalt  }
0x72: {  	_ =	shalt  }
0x73: {  	_ =	shalt  }
0x74: {  	_ =	shalt  }
0x75: {  	_ =	shalt  }
0x76: {  	_ =	shalt  }
0x77: {  	_ =	shalt  }
0x78: {  	_ =	shalt  }
0x79: {  	_ =	shalt  }
0x7a: {  	_ =	shalt  }
0x7b: {  	_ =	shalt  }
0x7c: {  	_ =	shalt  }
0x7d: {  	_ =	shalt  }
0x7e: {  	_ =	shalt  }
0x7f: {  	_ =	shalt  }
0x80: {  	_ =	shalt  }
0x81: {  	_ =	shalt  }
0x82: {  	_ =	shalt  }
0x83: {  	_ =	shalt  }
0x84: {  	_ =	shalt  }
0x85: {  	_ =	shalt  }
0x86: {  	_ =	shalt  }
0x87: {  	_ =	shalt  }
.Lfunc_end0:
.L_simem_size_0:
called_computation_lowered:
.L_overlay_start_0:
0x88: {  	s2 =	sld [smem:$0x3FD9]  }
0x89: {  	s3 =	sld [smem:$0x3FFE];
	_ =	sdelay $0x1  }
0x8a: {  	s1 =	srdreg.scid  }
0x8b: {  	s0 =	sand.u32 $0x1, s1  }
0x8c: {  	s17 =	sshll.u32 s0, $0xA;
	s2 =	sadd.s32 s3, s2  }
0x8d: {  	s2 =	sadd.s32 s2, s17  }
0x8e: {  	[smem:$0x3FC6] =	sst s2  }
0x8f: {  	_ = 	snop  }
0x90: {  	s2 =	sld [smem:$0x3FC9]  }
0x91: {  	s18 =	sld [smem:$0x3FD0];
	(tm) =	ssettm $0x1  }
0x92: {  	s4 =	sld [smem:$0x3FFB];
	_ =	sdelay $0x3  }
0x93: {  	_ =	strace s4  }
0x94: {  	s4 =	sld [smem:$0x3FFC];
	_ =	sdelay $0x3  }
0x95: {  	_ =	strace s4  }
0x96: {  	s4 =	sld [smem:$0x3FFD];
	_ =	sdelay $0x3  }
0x97: {  	_ =	strace s4  }
0x98: {  	_ =	strace $0x8FFFFFFF  }
0x99: {  	s19 =	sld [smem:$0x3FDB];
	_ =	sdelay $0x1  }
0x9a: {  	s5 =	simm.s32 $_scs_section_size  }
0x9b: {  	s6 =	simm.s32 $_size__tile_overlayer_lowered;
	s7 =	simm.s32 $_tile_overlayer_lowered  }
0x9c: {  	s22 =	simm.s32 $0x1BFF;
	s21 =	sshll.u32 s7, $0x1;
	s4 =	sadd.s32 s5, s19  }
0x9d: {  	s8 =	simm.s32 $0x0;
	s20 =	sshll.u32 s6, $0x1;
	s6 =	sadd.s32 s21, s4  }
0x9e: {  	[timem:s8], [sflag:s22] =	dma.local [hbm:s6], s20  }
0x9f: {  	_ =	swait.ge [sflag:s22], s20  }
0xa0: {  	s5 =	ssub.s32 $0x0, s20;
	[sflag:s22] =	ssyncset.done $0x0  }
0xa1: {  	[sflag:s22] =	ssyncadd.s32 s5;
	_ =	sdelay $0x1  }
0xa2: {  	s23 =	simm.s32 $0x1B8B  }
0xa3: {  	_ =	swait.ge [sflag:s23], $0x1  }
0xa4: {  	[sflag:s23] =	ssyncset.done $0x0  }
0xa5: {  	s25 =	simm.s32 $0x1B8E;
	s24 =	sld [smem:$0x3FFE];
	[sflag:s23] =	ssyncadd.s32 $0xFFFFFFFF  }
0xa6: {  	s26 =	simm.s32 $execute0_lowered;
	[smem:$0x3FD2] =	sst s25  }
0xa7: {  	s6 =	sshll.u32 s26, $0x1;
	_ =	strace $0x80000046;
	[dreg:$0x1] =	wrdreg $0xFFFFFFFF  }
0xa8: {  	s28 =	simm.s32 $_size_execute0_lowered;
	s4 =	sadd.s32 s4, s6;
	[dreg:$0x0] =	wrdreg $0x0  }
0xa9: {  	s6 =	sshll.u32 s28, $0x1;
	[dreg:$0x2] =	wrdreg s4  }
0xaa: {  	[dreg:$0x3] =	wrdreg s6  }
0xab: {  	[dreg:$0x4] =	wrdreg $0xC0  }
0xac: {  	_ =	task [dreg:s8], $0x5FFFF  }
0xad: {  	[dreg:$0x1] =	wrdreg $0xFFFFFFFF  }
0xae: {  	[dreg:$0x0] =	wrdreg $0x60  }
0xaf: {  	[dreg:$0x2] =	wrdreg s2  }
0xb0: {  	[dreg:$0x3] =	wrdreg s24  }
0xb1: {  	[dreg:$0x4] =	wrdreg s18  }
0xb2: {  	[dreg:$0x5] =	wrdreg $0x9  }
0xb3: {  	_ =	task.clear_ibuf [dreg:s8], $0x6FFFF;
	_ =	strace $0x90000046  }
0xb4: {  	s29 =	simm.s32 $0x9;
	_ =	strace $0x80000048  }
0xb5: {  	_ =	swait.ge [sflag:s29], $0x1  }
0xb6: {  	[sflag:s29] =	ssyncadd.s32 $0xFFFFFFFF  }
0xb7: {  	_ =	strace $0x90000048  }
0xb8: {  	_ =	sfence  }
0xb9: {  	s30 =	sld [smem:$0x0];
	_ =	sdelay $0x2  }
0xba: {  	s31 =	sshll.u32 s1, $0xD;
	s1 =	sshrl.u32 s1, $0x2  }
0xbb: {  	s3 =	sand.u32 $0x4000, s31;
	s1 =	sadd.s32 s1, s30  }
0xbc: {  	s0 =	sor.u32 s3, s0;
	s1 =	sshll.u32 s1, $0x11  }
0xbd: {  	s0 =	sor.u32 s1, s0  }
0xbe: {  	s0 =	sadd.s32 $0x8F2B, s0  }
0xbf: {  	[sflag:s0] =	ssyncadd.remote.s32 $0x1  }
0xc0: {  	_ =	sfence.sel $0xFFFF  }
0xc1: {  	[dreg:$0x0] =	wrdreg $0xFFFFFFFF;
	(pc) =	sbr.abs _section_cstart, $3  }
0xc2: {  	[dreg:$0x1] =	wrdreg $0xFFFFFFFF  }
0xc3: {  	_ =	task.clear_ibuf [dreg:s8], $0x2FFFF;
	_ =	strace $0x9FFFFFFF  }
0xc4: {  	(tm) =	ssettm $0x7FFFFFFF  }
0xc5: {  	_ =	shalt  }
tec
execute0_lowered:
.L_overlay_start_1:
0x0: {  	(tag) =	ssettag $0x1  }
0x1: {  	s0 =	rddreg [dreg:$0x0]  }
0x2: {  	s2 =	rddreg [dreg:$0x1]  }
0x3: {  	s1 =	rddreg [dreg:$0x2];
	s3 =	simm.s32 $0x0  }
0x4: {  	s4 =	srdreg.scid;
	s5 =	stileid.u32;
	s15 =	simm.s32 $0x1  }
0x5: {  	s16 =	simm.s32 $0x16400;
	s19 =	simm.s32 $0x2;
	s20 =	simm.s32 $0x18600  }
0x6: {  	s21 =	simm.s32 $0x9;
	s22 =	simm.s32 $0x4;
	s23 =	simm.s32 $0xA  }
0x7: {  	s24 =	simm.s32 $0x5;
	s25 =	simm.s32 $0x6;
	s26 =	simm.s32 $0x7  }
0x8: {  	s28 =	simm.s32 $0x8;
	[smem:$0x7FF] =	sst s3;
	s4 =	sand.u32 $0x1, s4  }
0x9: {  	s5 =	sshll.u32 s5, $0xB;
	s8 =	sadd.s32 $0x10000, s1;
	s9 =	sadd.s32 $0x18000, s1  }
0xa: {  	s10 =	sadd.s32 $0x20000, s1;
	s6 =	ssub.s32 $0x2, s4;
	s4 =	sshll.u32 s4, $0xA  }
0xb: {  	s11 =	sadd.s32 $0x28000, s1;
	s12 =	sadd.s32 $0x30000, s1;
	s4 =	sor.u32 s4, s5  }
0xc: {  	v0 =	vlaneseq.u32;
	s13 =	sadd.s32 $0x38000, s1;
	s7 =	sshrl.u32 s6, $0x1;
	s30 =	sshrl.u32 s4, $0x3  }
0xd: {  	v0 =	vmul.u32 $0x88, v0;
	_ =	strace $0x80000047;
	s29 =	ssub.s32 s6, s7;
	s0 =	sadd.s32 s0, s30  }
0xe: {  	s5 =	sadd.s32 $0xF42800, s2;
	s31 =	smax.u32 s29, $0x1;
	[dreg:$0x4] =	wrdreg s0  }
0xf: {  	v1 =	vadd.s32 $0x880, v0;
	v2 =	vadd.s32 $0x1100, v0;
	v3 =	vadd.s32 $0x1980, v0;
	s2 =	simm.s32 $0x0;
	s7 =	sadd.s32 $0x8000, s1;
	[dreg:$0x5] =	wrdreg s31  }
.LBB2_1:
0x10: {  	[dreg:$0x6] =	wrdreg s2  }
0x11: {  	s0 =	rddreg [dreg:$0x4]  }
0x12: {  	s17 =	simm.s32 $0x400;
	s6 =	simm.s32 $0x8000;
	s18 =	simm.s32 $0xB  }
0x13: {  	[tilespmem:s3], [sflag:$0xB] =	stream.strided.gather [hbm4b:s0+s17], $0x6400, s6, s17, $0x38;
	[tilespmem:$0x1A800] =	vst v63  }
0x14: {  	_ =	swait.ge [sflag:s18], $0x6400  }
0x15: {  	[sflag:s18] =	ssyncset.done $0x0  }
0x16: {  	s29 =	simm.s32 $0x6400;
	s0 =	simm.s32 $0x80;
	[sflag:s18] =	ssyncadd.s32 $0xFFFF9C00  }
0x17: {  	[tilespmem:s29], [sflag:$0x1] =	stream.indirect.gather [hbm4b:s5+s0], $0x40, s3, s0, $0xb8;
	[tilespmem:$0x1A800] =	vst v63  }
0x18: {  	s31 =	simm.s32 $0x8400  }
0x19: {  	[tilespmem:s31], [sflag:$0x2] =	stream.indirect.gather [hbm4b:s5+s0], $0x40, s0, s0, $0xb8;
	[tilespmem:$0x1A800] =	vst v63  }
0x1a: {  	s14 =	simm.s32 $0xA400;
	s6 =	simm.s32 $0x100  }
0x1b: {  	[tilespmem:s14], [sflag:$0x3] =	stream.indirect.gather [hbm4b:s5+s0], $0x40, s6, s0, $0xb8;
	[tilespmem:$0x1A800] =	vst v63  }
0x1c: {  	s17 =	simm.s32 $0x180;
	s18 =	simm.s32 $0xC400  }
0x1d: {  	[tilespmem:s18], [sflag:$0x4] =	stream.indirect.gather [hbm4b:s5+s0], $0x40, s17, s0, $0xb8;
	[tilespmem:$0x1A800] =	vst v63  }
0x1e: {  	s29 =	simm.s32 $0x200;
	s31 =	simm.s32 $0xE400  }
0x1f: {  	[tilespmem:s31], [sflag:$0x5] =	stream.indirect.gather [hbm4b:s5+s0], $0x40, s29, s0, $0xb8;
	[tilespmem:$0x1A800] =	vst v63  }
0x20: {  	s6 =	simm.s32 $0x280;
	s14 =	simm.s32 $0x10400  }
0x21: {  	[tilespmem:s14], [sflag:$0x6] =	stream.indirect.gather [hbm4b:s5+s0], $0x40, s6, s0, $0xb8;
	[tilespmem:$0x1A800] =	vst v63  }
0x22: {  	s17 =	simm.s32 $0x300;
	s18 =	simm.s32 $0x12400  }
0x23: {  	[tilespmem:s18], [sflag:$0x7] =	stream.indirect.gather [hbm4b:s5+s0], $0x40, s17, s0, $0xb8;
	[tilespmem:$0x1A800] =	vst v63  }
0x24: {  	s30 =	simm.s32 $0x0;
	s29 =	simm.s32 $0x380;
	s31 =	simm.s32 $0x14400  }
0x25: {  	[tilespmem:s31], [sflag:$0x8] =	stream.indirect.gather [hbm4b:s5+s0], $0x40, s29, s0, $0xb8;
	[tilespmem:$0x1A800] =	vst v63  }
.LBB2_2:
0x26: {  	_ =	swait.ge [sflag:s15], $0x2000  }
0x27: {  	p1 =	seq.s32 s30, $0x0;
	[sflag:s15] =	ssyncset.done $0x0  }
0x28: {  	s0 =	simm.s32 @!p1 $0x9;
	[sflag:s15] =	ssyncadd.s32 $0xFFFFE000  }
0x29: {  	s2 =	simm.s32 $0x0;
	_ =	swait.ge @!p1 [sflag:s0], $0x2000  }
0x2a: {  	v4 =	vmov s2;
	[sflag:s0] =	ssyncset.done @!p1 $0x0  }
0x2b: {  	v4 =	vand.u32 $0x7C, v4;
	[sflag:s0] =	ssyncadd.s32 @!p1 $0xFFFFE000;
	s0 =	simm.s32 $0x6480  }
0x2c: {  	v6 =	vadd.s32 v0, v4;
	v5 =	vld [tilespmem:s0+$0xFFFFFF80];
	_ =	sdelay $0x4  }
0x2d: {  	[tilespmem:v6+s16+$0x0] =	vst.idx.msk $0xffff, v5  }
0x2e: {  	v6 =	vadd.s32 v1, v4;
	v5 =	vld [tilespmem:s0+$0xFFFFFF90];
	_ =	sdelay $0x4  }
0x2f: {  	[tilespmem:v6+s16+$0x0] =	vst.idx.msk $0xffff, v5  }
0x30: {  	v6 =	vadd.s32 v2, v4;
	v5 =	vld [tilespmem:s0+$0xFFFFFFA0];
	_ =	sdelay $0x4  }
0x31: {  	[tilespmem:v6+s16+$0x0] =	vst.idx.msk $0xffff, v5  }
0x32: {  	v4 =	vadd.s32 v3, v4;
	v5 =	vld [tilespmem:s0+$0xFFFFFFB0];
	_ =	sdelay $0x2  }
0x33: {  	s18 =	simm.s32 $0x1  }
0x34: {  	v6 =	vmov s18  }
0x35: {  	[tilespmem:v4+s16+$0x0] =	vst.idx.msk $0xffff, v5;
	v4 =	vand.u32 $0x7D, v6  }
0x36: {  	v5 =	vld [tilespmem:s0+$0xFFFFFFC0];
	v6 =	vadd.s32 v0, v4;
	_ =	sdelay $0x4  }
0x37: {  	[tilespmem:v6+s16+$0x0] =	vst.idx.msk $0xffff, v5  }
0x38: {  	v6 =	vadd.s32 v1, v4;
	v5 =	vld [tilespmem:s0+$0xFFFFFFD0];
	_ =	sdelay $0x4  }
0x39: {  	[tilespmem:v6+s16+$0x0] =	vst.idx.msk $0xffff, v5  }
0x3a: {  	v6 =	vadd.s32 v2, v4;
	v5 =	vld [tilespmem:s0+$0xFFFFFFE0];
	_ =	sdelay $0x4  }
0x3b: {  	[tilespmem:v6+s16+$0x0] =	vst.idx.msk $0xffff, v5  }
0x3c: {  	v4 =	vadd.s32 v3, v4;
	v5 =	vld [tilespmem:s0+$0xFFFFFFF0];
	_ =	sdelay $0x2  }
0x3d: {  	s29 =	simm.s32 $0x2  }
0x3e: {  	v6 =	vmov s29  }
0x3f: {  	[tilespmem:v4+s16+$0x0] =	vst.idx.msk $0xffff, v5;
	v4 =	vand.u32 $0x7E, v6  }
0x40: {  	v5 =	vld [tilespmem:s0+$0x0];
	v6 =	vadd.s32 v0, v4;
	_ =	sdelay $0x4  }
0x41: {  	[tilespmem:v6+s16+$0x0] =	vst.idx.msk $0xffff, v5  }
0x42: {  	v6 =	vadd.s32 v1, v4;
	v5 =	vld [tilespmem:s0+$0x10];
	_ =	sdelay $0x4  }
0x43: {  	[tilespmem:v6+s16+$0x0] =	vst.idx.msk $0xffff, v5  }
0x44: {  	v6 =	vadd.s32 v2, v4;
	v5 =	vld [tilespmem:s0+$0x20];
	_ =	sdelay $0x4  }
0x45: {  	[tilespmem:v6+s16+$0x0] =	vst.idx.msk $0xffff, v5  }
0x46: {  	v4 =	vadd.s32 v3, v4;
	v5 =	vld [tilespmem:s0+$0x30];
	_ =	sdelay $0x2  }
0x47: {  	s31 =	simm.s32 $0x3  }
0x48: {  	v6 =	vmov s31  }
0x49: {  	[tilespmem:v4+s16+$0x0] =	vst.idx.msk $0xffff, v5;
	v5 =	vand.u32 $0x7F, v6  }
0x4a: {  	v4 =	vld [tilespmem:s0+$0x40];
	v6 =	vadd.s32 v0, v5;
	_ =	sdelay $0x4  }
0x4b: {  	[tilespmem:v6+s16+$0x0] =	vst.idx.msk $0xffff, v4  }
0x4c: {  	v6 =	vadd.s32 v1, v5;
	v4 =	vld [tilespmem:s0+$0x50];
	_ =	sdelay $0x4  }
0x4d: {  	[tilespmem:v6+s16+$0x0] =	vst.idx.msk $0xffff, v4  }
0x4e: {  	v6 =	vadd.s32 v2, v5;
	v4 =	vld [tilespmem:s0+$0x60];
	_ =	sdelay $0x4  }
0x4f: {  	[tilespmem:v6+s16+$0x0] =	vst.idx.msk $0xffff, v4  }
0x50: {  	v5 =	vadd.s32 v3, v5;
	v4 =	vld [tilespmem:s0+$0x70];
	_ =	sdelay $0x2  }
0x51: {  	s2 =	simm.s32 $0x4  }
0x52: {  	s6 =	simm.s32 $0x8;
	v6 =	vmov s2  }
.LBB2_3:
0x53: {  	p0 =	sne.s32 s6, $0x7C;
	v6 =	vand.u32 $0x7C, v6;
	[tilespmem:v5+s16+$0x0] =	vst.idx.msk $0xffff, v4;
	s0 =	sadd.s32 $0x100, s0  }
0x54: {  	v4 =	vld [tilespmem:s0+$0xFFFFFF80];
	v5 =	vadd.s32 v0, v6;
	_ =	sdelay $0x4  }
0x55: {  	[tilespmem:v5+s16+$0x0] =	vst.idx.msk $0xffff, v4  }
0x56: {  	v5 =	vadd.s32 v1, v6;
	v4 =	vld [tilespmem:s0+$0xFFFFFF90];
	_ =	sdelay $0x4  }
0x57: {  	[tilespmem:v5+s16+$0x0] =	vst.idx.msk $0xffff, v4  }
0x58: {  	v5 =	vadd.s32 v2, v6;
	v4 =	vld [tilespmem:s0+$0xFFFFFFA0];
	_ =	sdelay $0x4  }
0x59: {  	[tilespmem:v5+s16+$0x0] =	vst.idx.msk $0xffff, v4  }
0x5a: {  	v5 =	vadd.s32 v3, v6;
	v4 =	vld [tilespmem:s0+$0xFFFFFFB0];
	_ =	sdelay $0x2  }
0x5b: {  	s14 =	sadd.s32 $0x1, s2  }
0x5c: {  	v6 =	vmov s14  }
0x5d: {  	[tilespmem:v5+s16+$0x0] =	vst.idx.msk $0xffff, v4;
	v4 =	vand.u32 $0x7D, v6  }
0x5e: {  	v5 =	vld [tilespmem:s0+$0xFFFFFFC0];
	v6 =	vadd.s32 v0, v4;
	_ =	sdelay $0x4  }
0x5f: {  	[tilespmem:v6+s16+$0x0] =	vst.idx.msk $0xffff, v5  }
0x60: {  	v6 =	vadd.s32 v1, v4;
	v5 =	vld [tilespmem:s0+$0xFFFFFFD0];
	_ =	sdelay $0x4  }
0x61: {  	[tilespmem:v6+s16+$0x0] =	vst.idx.msk $0xffff, v5  }
0x62: {  	v6 =	vadd.s32 v2, v4;
	v5 =	vld [tilespmem:s0+$0xFFFFFFE0];
	_ =	sdelay $0x4  }
0x63: {  	[tilespmem:v6+s16+$0x0] =	vst.idx.msk $0xffff, v5  }
0x64: {  	v4 =	vadd.s32 v3, v4;
	v5 =	vld [tilespmem:s0+$0xFFFFFFF0];
	_ =	sdelay $0x2  }
0x65: {  	s14 =	sadd.s32 $0x2, s2  }
0x66: {  	v6 =	vmov s14  }
0x67: {  	[tilespmem:v4+s16+$0x0] =	vst.idx.msk $0xffff, v5;
	v4 =	vand.u32 $0x7E, v6  }
0x68: {  	v5 =	vld [tilespmem:s0+$0x0];
	v6 =	vadd.s32 v0, v4;
	_ =	sdelay $0x4  }
0x69: {  	[tilespmem:v6+s16+$0x0] =	vst.idx.msk $0xffff, v5  }
0x6a: {  	v6 =	vadd.s32 v1, v4;
	v5 =	vld [tilespmem:s0+$0x10];
	_ =	sdelay $0x4  }
0x6b: {  	[tilespmem:v6+s16+$0x0] =	vst.idx.msk $0xffff, v5  }
0x6c: {  	v6 =	vadd.s32 v2, v4;
	v5 =	vld [tilespmem:s0+$0x20];
	_ =	sdelay $0x4  }
0x6d: {  	[tilespmem:v6+s16+$0x0] =	vst.idx.msk $0xffff, v5  }
0x6e: {  	v4 =	vadd.s32 v3, v4;
	v5 =	vld [tilespmem:s0+$0x30];
	_ =	sdelay $0x2  }
0x6f: {  	s14 =	sadd.s32 $0x3, s2;
	s2 =	smov.u32 s6  }
0x70: {  	v6 =	vmov s14  }
0x71: {  	[tilespmem:v4+s16+$0x0] =	vst.idx.msk $0xffff, v5;
	v5 =	vand.u32 $0x7F, v6  }
0x72: {  	v4 =	vld [tilespmem:s0+$0x40];
	v6 =	vadd.s32 v0, v5;
	_ =	sdelay $0x4  }
0x73: {  	[tilespmem:v6+s16+$0x0] =	vst.idx.msk $0xffff, v4  }
0x74: {  	v6 =	vadd.s32 v1, v5;
	v4 =	vld [tilespmem:s0+$0x50];
	_ =	sdelay $0x4  }
0x75: {  	[tilespmem:v6+s16+$0x0] =	vst.idx.msk $0xffff, v4  }
0x76: {  	v6 =	vadd.s32 v2, v5;
	v4 =	vld [tilespmem:s0+$0x60];
	_ =	sdelay $0x4  }
0x77: {  	[tilespmem:v6+s16+$0x0] =	vst.idx.msk $0xffff, v4  }
.Ltmp0:
0x78: {  	v5 =	vadd.s32 v3, v5;
	v4 =	vld [tilespmem:s0+$0x70];
	(pc) =	sbr.rel @p0 .LBB2_3-.Ltmp0, $2  }
0x79: {  	_ =	sdelay $0x2  }
0x7a: {  	s6 =	sadd.s32 $0x4, s6;
	v6 =	vmov s2  }
0x7b: {  	_ =	sdelay $0x3  }
0x7c: {  	v6 =	vand.u32 $0x7C, v6;
	[tilespmem:v5+s16+$0x0] =	vst.idx.msk $0xffff, v4;
	s0 =	sadd.s32 $0x100, s0  }
0x7d: {  	v4 =	vld [tilespmem:s0+$0xFFFFFF80];
	v5 =	vadd.s32 v0, v6;
	_ =	sdelay $0x4  }
0x7e: {  	[tilespmem:v5+s16+$0x0] =	vst.idx.msk $0xffff, v4  }
0x7f: {  	v5 =	vadd.s32 v1, v6;
	v4 =	vld [tilespmem:s0+$0xFFFFFF90];
	_ =	sdelay $0x4  }
0x80: {  	[tilespmem:v5+s16+$0x0] =	vst.idx.msk $0xffff, v4  }
0x81: {  	v5 =	vadd.s32 v2, v6;
	v4 =	vld [tilespmem:s0+$0xFFFFFFA0];
	_ =	sdelay $0x4  }
0x82: {  	[tilespmem:v5+s16+$0x0] =	vst.idx.msk $0xffff, v4  }
0x83: {  	v5 =	vadd.s32 v3, v6;
	v4 =	vld [tilespmem:s0+$0xFFFFFFB0];
	_ =	sdelay $0x2  }
0x84: {  	s6 =	sadd.s32 $0x1, s2  }
0x85: {  	v55 =	vmov s6  }
0x86: {  	[tilespmem:v5+s16+$0x0] =	vst.idx.msk $0xffff, v4;
	v4 =	vand.u32 $0x7D, v55  }
0x87: {  	v5 =	vld [tilespmem:s0+$0xFFFFFFC0];
	v6 =	vadd.s32 v0, v4;
	_ =	sdelay $0x4  }
0x88: {  	[tilespmem:v6+s16+$0x0] =	vst.idx.msk $0xffff, v5  }
0x89: {  	v56 =	vadd.s32 v1, v4;
	v5 =	vld [tilespmem:s0+$0xFFFFFFD0];
	_ =	sdelay $0x4  }
0x8a: {  	[tilespmem:v56+s16+$0x0] =	vst.idx.msk $0xffff, v5  }
0x8b: {  	v57 =	vadd.s32 v2, v4;
	v5 =	vld [tilespmem:s0+$0xFFFFFFE0];
	_ =	sdelay $0x4  }
0x8c: {  	[tilespmem:v57+s16+$0x0] =	vst.idx.msk $0xffff, v5  }
0x8d: {  	v4 =	vadd.s32 v3, v4;
	v5 =	vld [tilespmem:s0+$0xFFFFFFF0];
	_ =	sdelay $0x2  }
0x8e: {  	s18 =	sadd.s32 $0x2, s2  }
0x8f: {  	v58 =	vmov s18  }
0x90: {  	[tilespmem:v4+s16+$0x0] =	vst.idx.msk $0xffff, v5;
	v4 =	vand.u32 $0x7E, v58  }
0x91: {  	v5 =	vld [tilespmem:s0+$0x0];
	v6 =	vadd.s32 v0, v4;
	_ =	sdelay $0x4  }
0x92: {  	[tilespmem:v6+s16+$0x0] =	vst.idx.msk $0xffff, v5  }
0x93: {  	v59 =	vadd.s32 v1, v4;
	v5 =	vld [tilespmem:s0+$0x10];
	_ =	sdelay $0x4  }
0x94: {  	[tilespmem:v59+s16+$0x0] =	vst.idx.msk $0xffff, v5  }
0x95: {  	v60 =	vadd.s32 v2, v4;
	v5 =	vld [tilespmem:s0+$0x20];
	_ =	sdelay $0x4  }
0x96: {  	[tilespmem:v60+s16+$0x0] =	vst.idx.msk $0xffff, v5  }
0x97: {  	v4 =	vadd.s32 v3, v4;
	v5 =	vld [tilespmem:s0+$0x30];
	_ =	sdelay $0x2  }
0x98: {  	s29 =	sadd.s32 $0x3, s2  }
0x99: {  	v61 =	vmov s29  }
0x9a: {  	[tilespmem:v4+s16+$0x0] =	vst.idx.msk $0xffff, v5;
	v4 =	vand.u32 $0x7F, v61  }
0x9b: {  	v5 =	vld [tilespmem:s0+$0x40];
	v6 =	vadd.s32 v0, v4;
	_ =	sdelay $0x4  }
0x9c: {  	[tilespmem:v6+s16+$0x0] =	vst.idx.msk $0xffff, v5  }
0x9d: {  	v62 =	vadd.s32 v1, v4;
	v5 =	vld [tilespmem:s0+$0x50];
	_ =	sdelay $0x4  }
0x9e: {  	[tilespmem:v62+s16+$0x0] =	vst.idx.msk $0xffff, v5  }
0x9f: {  	v63 =	vadd.s32 v2, v4;
	v5 =	vld [tilespmem:s0+$0x60];
	_ =	sdelay $0x4  }
0xa0: {  	[tilespmem:v63+s16+$0x0] =	vst.idx.msk $0xffff, v5  }
0xa1: {  	v4 =	vadd.s32 v3, v4;
	v5 =	vld [tilespmem:s0+$0x70];
	_ =	sdelay $0x1  }
0xa2: {  	p0 =	seq.s32 s30, $0x18  }
0xa3: {  	s0 =	sshll.u32 @!p0 s30, $0xA  }
0xa4: {  	s31 =	sand.u32 @!p0 $0x3FFFFC00, s0  }
0xa5: {  	s2 =	simm.s32 @!p0 $0x80;
	s6 =	simm.s32 @!p0 $0x6400;
	s0 =	sadd.s32 @!p0 $0x400, s31;
	[tilespmem:v4+s16+$0x0] =	vst.idx.msk $0xffff, v5  }
0xa6: {  	[tilespmem:s6], [sflag:$0x1] =	stream.indirect.gather @!p0 [hbm4b:s5+s2], $0x40, s0, s2, $0xb8;
	[tilespmem:$0x1A800] =	vst v63  }
0xa7: {  	s6 =	sshll.u32 s30, $0x15  }
0xa8: {  	s0 =	sor.u32 s4, s6  }
0xa9: {  	s0 =	sshrl.u32 s0, $0x3  }
0xaa: {  	s14 =	simm.s32 $0x16400;
	s6 =	sadd.s32 s1, s0  }
0xab: {  	[hbm4b:s6+s3] =	stream.linear.scatter [tilespmem:s14], [sflag:$0x9], $0x80, $0x38;
	[tilespmem:$0x1A800] =	vst v63  }
0xac: {  	s17 =	simm.s32 $0x16488;
	s14 =	sadd.s32 $0x10, s6  }
0xad: {  	[hbm4b:s14+s3] =	stream.linear.scatter [tilespmem:s17], [sflag:$0x9], $0x80, $0x38;
	[tilespmem:$0x1A800] =	vst v63  }
0xae: {  	s18 =	simm.s32 $0x16510;
	s29 =	sadd.s32 $0x20, s6  }
0xaf: {  	[hbm4b:s29+s3] =	stream.linear.scatter [tilespmem:s18], [sflag:$0x9], $0x80, $0x38;
	[tilespmem:$0x1A800] =	vst v63  }
0xb0: {  	s14 =	simm.s32 $0x16598;
	s17 =	sadd.s32 $0x30, s6  }
0xb1: {  	[hbm4b:s17+s3] =	stream.linear.scatter [tilespmem:s14], [sflag:$0x9], $0x80, $0x38;
	[tilespmem:$0x1A800] =	vst v63  }
0xb2: {  	s18 =	simm.s32 $0x16620;
	s29 =	sadd.s32 $0x40, s6  }
0xb3: {  	[hbm4b:s29+s3] =	stream.linear.scatter [tilespmem:s18], [sflag:$0x9], $0x80, $0x38;
	[tilespmem:$0x1A800] =	vst v63  }
0xb4: {  	s2 =	simm.s32 $0x440;
	s14 =	simm.s32 $0x166A8;
	s17 =	sadd.s32 $0x50, s6  }
0xb5: {  	[hbm4b:s17+s3] =	stream.linear.scatter [tilespmem:s14], [sflag:$0x9], $0x80, $0x38;
	[tilespmem:$0x1A800] =	vst v63  }
0xb6: {  	s18 =	simm.s32 $0x16730;
	s29 =	sadd.s32 $0x60, s6;
	s14 =	simm.s32 $0x2200  }
0xb7: {  	[hbm4b:s29+s3] =	stream.linear.scatter [tilespmem:s18], [sflag:$0x9], $0x80, $0x38;
	[tilespmem:$0x1A800] =	vst v63  }
0xb8: {  	s17 =	simm.s32 $0x167B8;
	s18 =	sadd.s32 $0x70, s6;
	s6 =	sadd.s32 $0x1000, s6  }
.LBB2_5:
0xb9: {  	[hbm4b:s18+s3] =	stream.linear.scatter [tilespmem:s17], [sflag:$0x9], $0x80, $0x38;
	[tilespmem:$0x1A800] =	vst v63  }
0xba: {  	s17 =	smov.u32 s2;
	s2 =	smov.u32 s14  }
0xbb: {  	s29 =	sadd.s32 $0x1100, s14;
	s2 =	sshra.s32 s2, $0x2;
	s18 =	sadd.s32 $0x16400, s17  }
0xbc: {  	[hbm4b:s6+s3] =	stream.linear.scatter [tilespmem:s18], [sflag:$0x9], $0x80, $0x38;
	[tilespmem:$0x1A800] =	vst v63  }
0xbd: {  	p2 =	sne.s32 s14, $0x7700;
	s14 =	sadd.s32 $0x16488, s17;
	s18 =	sadd.s32 $0x10, s6  }
0xbe: {  	[hbm4b:s18+s3] =	stream.linear.scatter [tilespmem:s14], [sflag:$0x9], $0x80, $0x38;
	[tilespmem:$0x1A800] =	vst v63  }
0xbf: {  	s14 =	sadd.s32 $0x16510, s17;
	s18 =	sadd.s32 $0x20, s6  }
0xc0: {  	[hbm4b:s18+s3] =	stream.linear.scatter [tilespmem:s14], [sflag:$0x9], $0x80, $0x38;
	[tilespmem:$0x1A800] =	vst v63  }
0xc1: {  	s14 =	sadd.s32 $0x16598, s17;
	s18 =	sadd.s32 $0x30, s6  }
0xc2: {  	[hbm4b:s18+s3] =	stream.linear.scatter [tilespmem:s14], [sflag:$0x9], $0x80, $0x38;
	[tilespmem:$0x1A800] =	vst v63  }
0xc3: {  	s14 =	sadd.s32 $0x16620, s17;
	s18 =	sadd.s32 $0x40, s6  }
0xc4: {  	[hbm4b:s18+s3] =	stream.linear.scatter [tilespmem:s14], [sflag:$0x9], $0x80, $0x38;
	[tilespmem:$0x1A800] =	vst v63  }
.Ltmp1:
0xc5: {  	s14 =	sadd.s32 $0x166A8, s17;
	s18 =	sadd.s32 $0x50, s6;
	(pc) =	sbr.rel @p2 .LBB2_5-.Ltmp1, $4  }
0xc6: {  	[hbm4b:s18+s3] =	stream.linear.scatter [tilespmem:s14], [sflag:$0x9], $0x80, $0x38;
	[tilespmem:$0x1A800] =	vst v63  }
0xc7: {  	s14 =	sadd.s32 $0x16730, s17;
	s18 =	sadd.s32 $0x60, s6;
	s17 =	sadd.s32 $0x167B8, s17  }
0xc8: {  	[hbm4b:s18+s3] =	stream.linear.scatter [tilespmem:s14], [sflag:$0x9], $0x80, $0x38;
	[tilespmem:$0x1A800] =	vst v63  }
0xc9: {  	s18 =	sadd.s32 $0x70, s6;
	s6 =	sadd.s32 $0x1000, s6;
	s14 =	smov.u32 s29  }
0xca: {  	[hbm4b:s18+s3] =	stream.linear.scatter [tilespmem:s17], [sflag:$0x9], $0x80, $0x38;
	[tilespmem:$0x1A800] =	vst v63  }
0xcb: {  	s14 =	sadd.s32 $0x16400, s2  }
0xcc: {  	[hbm4b:s6+s3] =	stream.linear.scatter [tilespmem:s14], [sflag:$0x9], $0x80, $0x38;
	[tilespmem:$0x1A800] =	vst v63  }
0xcd: {  	s18 =	sadd.s32 $0x16488, s2;
	s29 =	sadd.s32 $0x10, s6  }
0xce: {  	[hbm4b:s29+s3] =	stream.linear.scatter [tilespmem:s18], [sflag:$0x9], $0x80, $0x38;
	[tilespmem:$0x1A800] =	vst v63  }
0xcf: {  	s18 =	sadd.s32 $0x16510, s2;
	s29 =	sadd.s32 $0x20, s6  }
0xd0: {  	[hbm4b:s29+s3] =	stream.linear.scatter [tilespmem:s18], [sflag:$0x9], $0x80, $0x38;
	[tilespmem:$0x1A800] =	vst v63  }
0xd1: {  	s18 =	sadd.s32 $0x16598, s2;
	s29 =	sadd.s32 $0x30, s6  }
0xd2: {  	[hbm4b:s29+s3] =	stream.linear.scatter [tilespmem:s18], [sflag:$0x9], $0x80, $0x38;
	[tilespmem:$0x1A800] =	vst v63  }
0xd3: {  	s18 =	sadd.s32 $0x16620, s2;
	s29 =	sadd.s32 $0x40, s6  }
0xd4: {  	[hbm4b:s29+s3] =	stream.linear.scatter [tilespmem:s18], [sflag:$0x9], $0x80, $0x38;
	[tilespmem:$0x1A800] =	vst v63  }
0xd5: {  	s18 =	sadd.s32 $0x166A8, s2;
	s29 =	sadd.s32 $0x50, s6  }
0xd6: {  	[hbm4b:s29+s3] =	stream.linear.scatter [tilespmem:s18], [sflag:$0x9], $0x80, $0x38;
	[tilespmem:$0x1A800] =	vst v63  }
0xd7: {  	s18 =	sadd.s32 $0x16730, s2;
	s29 =	sadd.s32 $0x60, s6  }
0xd8: {  	[hbm4b:s29+s3] =	stream.linear.scatter [tilespmem:s18], [sflag:$0x9], $0x80, $0x38;
	[tilespmem:$0x1A800] =	vst v63  }
0xd9: {  	s18 =	sadd.s32 $0x167B8, s2;
	s29 =	sadd.s32 $0x70, s6  }
0xda: {  	[hbm4b:s29+s3] =	stream.linear.scatter [tilespmem:s18], [sflag:$0x9], $0x80, $0x38;
	[tilespmem:$0x1A800] =	vst v63  }
0xdb: {  	_ =	swait.ge [sflag:s19], $0x2000  }
0xdc: {  	[sflag:s19] =	ssyncset.done $0x0  }
0xdd: {  	s2 =	simm.s32 @!p1 $0xA;
	[sflag:s19] =	ssyncadd.s32 $0xFFFFE000  }
0xde: {  	s14 =	simm.s32 $0x0;
	_ =	swait.ge @!p1 [sflag:s2], $0x2000  }
0xdf: {  	v4 =	vmov s14;
	[sflag:s2] =	ssyncset.done @!p1 $0x0  }
0xe0: {  	v4 =	vand.u32 $0x7C, v4;
	[sflag:s2] =	ssyncadd.s32 @!p1 $0xFFFFE000;
	s2 =	simm.s32 $0x84F0  }
0xe1: {  	v6 =	vadd.s32 v0, v4;
	v5 =	vld [tilespmem:s2+$0xFFFFFF10];
	_ =	sdelay $0x4  }
0xe2: {  	[tilespmem:v6+s20+$0x0] =	vst.idx.msk $0xffff, v5  }
0xe3: {  	v6 =	vadd.s32 v1, v4;
	v5 =	vld [tilespmem:s2+$0xFFFFFF20];
	_ =	sdelay $0x4  }
0xe4: {  	[tilespmem:v6+s20+$0x0] =	vst.idx.msk $0xffff, v5  }
0xe5: {  	v6 =	vadd.s32 v2, v4;
	v5 =	vld [tilespmem:s2+$0xFFFFFF30];
	_ =	sdelay $0x4  }
0xe6: {  	[tilespmem:v6+s20+$0x0] =	vst.idx.msk $0xffff, v5  }
0xe7: {  	v4 =	vadd.s32 v3, v4;
	v5 =	vld [tilespmem:s2+$0xFFFFFF40];
	_ =	sdelay $0x2  }
0xe8: {  	s17 =	simm.s32 $0x1  }
0xe9: {  	v6 =	vmov s17  }
0xea: {  	[tilespmem:v4+s20+$0x0] =	vst.idx.msk $0xffff, v5;
	v4 =	vand.u32 $0x7D, v6  }
0xeb: {  	v5 =	vld [tilespmem:s2+$0xFFFFFF50];
	v6 =	vadd.s32 v0, v4;
	_ =	sdelay $0x4  }
0xec: {  	[tilespmem:v6+s20+$0x0] =	vst.idx.msk $0xffff, v5  }
0xed: {  	v6 =	vadd.s32 v1, v4;
	v5 =	vld [tilespmem:s2+$0xFFFFFF60];
	_ =	sdelay $0x4  }
0xee: {  	[tilespmem:v6+s20+$0x0] =	vst.idx.msk $0xffff, v5  }
0xef: {  	v6 =	vadd.s32 v2, v4;
	v5 =	vld [tilespmem:s2+$0xFFFFFF70];
	_ =	sdelay $0x4  }
0xf0: {  	[tilespmem:v6+s20+$0x0] =	vst.idx.msk $0xffff, v5  }
0xf1: {  	v4 =	vadd.s32 v3, v4;
	v5 =	vld [tilespmem:s2+$0xFFFFFF80];
	_ =	sdelay $0x2  }
0xf2: {  	s18 =	simm.s32 $0x2  }
0xf3: {  	v6 =	vmov s18  }
0xf4: {  	[tilespmem:v4+s20+$0x0] =	vst.idx.msk $0xffff, v5;
	v4 =	vand.u32 $0x7E, v6  }
0xf5: {  	v5 =	vld [tilespmem:s2+$0xFFFFFF90];
	v6 =	vadd.s32 v0, v4;
	_ =	sdelay $0x4  }
0xf6: {  	[tilespmem:v6+s20+$0x0] =	vst.idx.msk $0xffff, v5  }
0xf7: {  	v6 =	vadd.s32 v1, v4;
	v5 =	vld [tilespmem:s2+$0xFFFFFFA0];
	_ =	sdelay $0x4  }
0xf8: {  	[tilespmem:v6+s20+$0x0] =	vst.idx.msk $0xffff, v5  }
0xf9: {  	v6 =	vadd.s32 v2, v4;
	v5 =	vld [tilespmem:s2+$0xFFFFFFB0];
	_ =	sdelay $0x4  }
0xfa: {  	[tilespmem:v6+s20+$0x0] =	vst.idx.msk $0xffff, v5  }
0xfb: {  	v4 =	vadd.s32 v3, v4;
	v5 =	vld [tilespmem:s2+$0xFFFFFFC0];
	_ =	sdelay $0x2  }
0xfc: {  	s29 =	simm.s32 $0x3  }
0xfd: {  	v6 =	vmov s29  }
0xfe: {  	[tilespmem:v4+s20+$0x0] =	vst.idx.msk $0xffff, v5;
	v5 =	vand.u32 $0x7F, v6  }
0xff: {  	v4 =	vld [tilespmem:s2+$0xFFFFFFD0];
	v6 =	vadd.s32 v0, v5;
	_ =	sdelay $0x4  }
0x100: {  	[tilespmem:v6+s20+$0x0] =	vst.idx.msk $0xffff, v4  }
0x101: {  	v6 =	vadd.s32 v1, v5;
	v4 =	vld [tilespmem:s2+$0xFFFFFFE0];
	_ =	sdelay $0x4  }
0x102: {  	[tilespmem:v6+s20+$0x0] =	vst.idx.msk $0xffff, v4  }
0x103: {  	v6 =	vadd.s32 v2, v5;
	v4 =	vld [tilespmem:s2+$0xFFFFFFF0];
	_ =	sdelay $0x4  }
0x104: {  	[tilespmem:v6+s20+$0x0] =	vst.idx.msk $0xffff, v4  }
0x105: {  	v5 =	vadd.s32 v3, v5;
	v4 =	vld [tilespmem:s2+$0x0];
	_ =	sdelay $0x2  }
0x106: {  	s6 =	simm.s32 $0x4  }
0x107: {  	s14 =	simm.s32 $0x8;
	v6 =	vmov s6  }
.LBB2_7:
0x108: {  	p1 =	sne.s32 s14, $0x7C;
	v6 =	vand.u32 $0x7C, v6;
	[tilespmem:v5+s20+$0x0] =	vst.idx.msk $0xffff, v4;
	s2 =	sadd.s32 $0x100, s2  }
0x109: {  	v4 =	vld [tilespmem:s2+$0xFFFFFF10];
	v5 =	vadd.s32 v0, v6;
	_ =	sdelay $0x4  }
0x10a: {  	[tilespmem:v5+s20+$0x0] =	vst.idx.msk $0xffff, v4  }
0x10b: {  	v5 =	vadd.s32 v1, v6;
	v4 =	vld [tilespmem:s2+$0xFFFFFF20];
	_ =	sdelay $0x4  }
0x10c: {  	[tilespmem:v5+s20+$0x0] =	vst.idx.msk $0xffff, v4  }
0x10d: {  	v5 =	vadd.s32 v2, v6;
	v4 =	vld [tilespmem:s2+$0xFFFFFF30];
	_ =	sdelay $0x4  }
0x10e: {  	[tilespmem:v5+s20+$0x0] =	vst.idx.msk $0xffff, v4  }
0x10f: {  	v5 =	vadd.s32 v3, v6;
	v4 =	vld [tilespmem:s2+$0xFFFFFF40];
	_ =	sdelay $0x2  }
0x110: {  	s17 =	sadd.s32 $0x1, s6  }
0x111: {  	v6 =	vmov s17  }
0x112: {  	[tilespmem:v5+s20+$0x0] =	vst.idx.msk $0xffff, v4;
	v4 =	vand.u32 $0x7D, v6  }
0x113: {  	v5 =	vld [tilespmem:s2+$0xFFFFFF50];
	v6 =	vadd.s32 v0, v4;
	_ =	sdelay $0x4  }
0x114: {  	[tilespmem:v6+s20+$0x0] =	vst.idx.msk $0xffff, v5  }
0x115: {  	v6 =	vadd.s32 v1, v4;
	v5 =	vld [tilespmem:s2+$0xFFFFFF60];
	_ =	sdelay $0x4  }
0x116: {  	[tilespmem:v6+s20+$0x0] =	vst.idx.msk $0xffff, v5  }
0x117: {  	v6 =	vadd.s32 v2, v4;
	v5 =	vld [tilespmem:s2+$0xFFFFFF70];
	_ =	sdelay $0x4  }
0x118: {  	[tilespmem:v6+s20+$0x0] =	vst.idx.msk $0xffff, v5  }
0x119: {  	v4 =	vadd.s32 v3, v4;
	v5 =	vld [tilespmem:s2+$0xFFFFFF80];
	_ =	sdelay $0x2  }
0x11a: {  	s17 =	sadd.s32 $0x2, s6  }
0x11b: {  	v6 =	vmov s17  }
0x11c: {  	[tilespmem:v4+s20+$0x0] =	vst.idx.msk $0xffff, v5;
	v4 =	vand.u32 $0x7E, v6  }
0x11d: {  	v5 =	vld [tilespmem:s2+$0xFFFFFF90];
	v6 =	vadd.s32 v0, v4;
	_ =	sdelay $0x4  }
0x11e: {  	[tilespmem:v6+s20+$0x0] =	vst.idx.msk $0xffff, v5  }
0x11f: {  	v6 =	vadd.s32 v1, v4;
	v5 =	vld [tilespmem:s2+$0xFFFFFFA0];
	_ =	sdelay $0x4  }
0x120: {  	[tilespmem:v6+s20+$0x0] =	vst.idx.msk $0xffff, v5  }
0x121: {  	v6 =	vadd.s32 v2, v4;
	v5 =	vld [tilespmem:s2+$0xFFFFFFB0];
	_ =	sdelay $0x4  }
0x122: {  	[tilespmem:v6+s20+$0x0] =	vst.idx.msk $0xffff, v5  }
0x123: {  	v4 =	vadd.s32 v3, v4;
	v5 =	vld [tilespmem:s2+$0xFFFFFFC0];
	_ =	sdelay $0x2  }
0x124: {  	s17 =	sadd.s32 $0x3, s6;
	s6 =	smov.u32 s14  }
0x125: {  	v6 =	vmov s17  }
0x126: {  	[tilespmem:v4+s20+$0x0] =	vst.idx.msk $0xffff, v5;
	v5 =	vand.u32 $0x7F, v6  }
0x127: {  	v4 =	vld [tilespmem:s2+$0xFFFFFFD0];
	v6 =	vadd.s32 v0, v5;
	_ =	sdelay $0x4  }
0x128: {  	[tilespmem:v6+s20+$0x0] =	vst.idx.msk $0xffff, v4  }
0x129: {  	v6 =	vadd.s32 v1, v5;
	v4 =	vld [tilespmem:s2+$0xFFFFFFE0];
	_ =	sdelay $0x4  }
0x12a: {  	[tilespmem:v6+s20+$0x0] =	vst.idx.msk $0xffff, v4  }
0x12b: {  	v6 =	vadd.s32 v2, v5;
	v4 =	vld [tilespmem:s2+$0xFFFFFFF0];
	_ =	sdelay $0x4  }
0x12c: {  	[tilespmem:v6+s20+$0x0] =	vst.idx.msk $0xffff, v4  }
.Ltmp2:
0x12d: {  	v5 =	vadd.s32 v3, v5;
	v4 =	vld [tilespmem:s2+$0x0];
	(pc) =	sbr.rel @p1 .LBB2_7-.Ltmp2, $2  }
0x12e: {  	_ =	sdelay $0x2  }
0x12f: {  	s14 =	sadd.s32 $0x4, s14;
	v6 =	vmov s6  }
0x130: {  	_ =	sdelay $0x3  }
0x131: {  	v6 =	vand.u32 $0x7C, v6;
	[tilespmem:v5+s20+$0x0] =	vst.idx.msk $0xffff, v4;
	s2 =	sadd.s32 $0x100, s2  }
0x132: {  	v4 =	vld [tilespmem:s2+$0xFFFFFF10];
	v5 =	vadd.s32 v0, v6;
	_ =	sdelay $0x4  }
0x133: {  	[tilespmem:v5+s20+$0x0] =	vst.idx.msk $0xffff, v4  }
0x134: {  	v5 =	vadd.s32 v1, v6;
	v4 =	vld [tilespmem:s2+$0xFFFFFF20];
	_ =	sdelay $0x4  }
0x135: {  	[tilespmem:v5+s20+$0x0] =	vst.idx.msk $0xffff, v4  }
0x136: {  	v5 =	vadd.s32 v2, v6;
	v4 =	vld [tilespmem:s2+$0xFFFFFF30];
	_ =	sdelay $0x4  }
0x137: {  	[tilespmem:v5+s20+$0x0] =	vst.idx.msk $0xffff, v4  }
0x138: {  	v5 =	vadd.s32 v3, v6;
	v4 =	vld [tilespmem:s2+$0xFFFFFF40];
	_ =	sdelay $0x2  }
0x139: {  	s14 =	sadd.s32 $0x1, s6  }
0x13a: {  	v55 =	vmov s14  }
0x13b: {  	[tilespmem:v5+s20+$0x0] =	vst.idx.msk $0xffff, v4;
	v4 =	vand.u32 $0x7D, v55  }
0x13c: {  	v5 =	vld [tilespmem:s2+$0xFFFFFF50];
	v6 =	vadd.s32 v0, v4;
	_ =	sdelay $0x4  }
0x13d: {  	[tilespmem:v6+s20+$0x0] =	vst.idx.msk $0xffff, v5  }
0x13e: {  	v56 =	vadd.s32 v1, v4;
	v5 =	vld [tilespmem:s2+$0xFFFFFF60];
	_ =	sdelay $0x4  }
0x13f: {  	[tilespmem:v56+s20+$0x0] =	vst.idx.msk $0xffff, v5  }
0x140: {  	v57 =	vadd.s32 v2, v4;
	v5 =	vld [tilespmem:s2+$0xFFFFFF70];
	_ =	sdelay $0x4  }
0x141: {  	[tilespmem:v57+s20+$0x0] =	vst.idx.msk $0xffff, v5  }
0x142: {  	v4 =	vadd.s32 v3, v4;
	v5 =	vld [tilespmem:s2+$0xFFFFFF80];
	_ =	sdelay $0x2  }
0x143: {  	s17 =	sadd.s32 $0x2, s6  }
0x144: {  	v58 =	vmov s17  }
0x145: {  	[tilespmem:v4+s20+$0x0] =	vst.idx.msk $0xffff, v5;
	v4 =	vand.u32 $0x7E, v58  }
0x146: {  	v5 =	vld [tilespmem:s2+$0xFFFFFF90];
	v6 =	vadd.s32 v0, v4;
	_ =	sdelay $0x4  }
0x147: {  	[tilespmem:v6+s20+$0x0] =	vst.idx.msk $0xffff, v5  }
0x148: {  	v59 =	vadd.s32 v1, v4;
	v5 =	vld [tilespmem:s2+$0xFFFFFFA0];
	_ =	sdelay $0x4  }
0x149: {  	[tilespmem:v59+s20+$0x0] =	vst.idx.msk $0xffff, v5  }
0x14a: {  	v60 =	vadd.s32 v2, v4;
	v5 =	vld [tilespmem:s2+$0xFFFFFFB0];
	_ =	sdelay $0x4  }
0x14b: {  	[tilespmem:v60+s20+$0x0] =	vst.idx.msk $0xffff, v5  }
0x14c: {  	v4 =	vadd.s32 v3, v4;
	v5 =	vld [tilespmem:s2+$0xFFFFFFC0];
	_ =	sdelay $0x2  }
0x14d: {  	s18 =	sadd.s32 $0x3, s6  }
0x14e: {  	v61 =	vmov s18  }
0x14f: {  	[tilespmem:v4+s20+$0x0] =	vst.idx.msk $0xffff, v5;
	v4 =	vand.u32 $0x7F, v61  }
0x150: {  	v5 =	vld [tilespmem:s2+$0xFFFFFFD0];
	v6 =	vadd.s32 v0, v4;
	_ =	sdelay $0x4  }
0x151: {  	[tilespmem:v6+s20+$0x0] =	vst.idx.msk $0xffff, v5  }
0x152: {  	v62 =	vadd.s32 v1, v4;
	v5 =	vld [tilespmem:s2+$0xFFFFFFE0];
	_ =	sdelay $0x4  }
0x153: {  	[tilespmem:v62+s20+$0x0] =	vst.idx.msk $0xffff, v5  }
0x154: {  	v63 =	vadd.s32 v2, v4;
	v5 =	vld [tilespmem:s2+$0xFFFFFFF0];
	_ =	sdelay $0x4  }
0x155: {  	[tilespmem:v63+s20+$0x0] =	vst.idx.msk $0xffff, v5  }
0x156: {  	v4 =	vadd.s32 v3, v4;
	v5 =	vld [tilespmem:s2+$0x0];
	_ =	sdelay $0x4  }
0x157: {  	s6 =	simm.s32 @!p0 $0x80;
	s14 =	simm.s32 @!p0 $0x8400;
	s2 =	sadd.s32 @!p0 $0x480, s31;
	[tilespmem:v4+s20+$0x0] =	vst.idx.msk $0xffff, v5  }
0x158: {  	[tilespmem:s14], [sflag:$0x2] =	stream.indirect.gather @!p0 [hbm4b:s5+s6], $0x40, s2, s6, $0xb8;
	[tilespmem:$0x1A800] =	vst v63  }
0x159: {  	s29 =	simm.s32 $0x18600;
	s6 =	sadd.s32 s0, s7  }
0x15a: {  	[hbm4b:s6+s3] =	stream.linear.scatter [tilespmem:s29], [sflag:$0xA], $0x80, $0x38;
	[tilespmem:$0x1A800] =	vst v63  }
0x15b: {  	s14 =	simm.s32 $0x18688;
	s17 =	sadd.s32 $0x10, s6  }
0x15c: {  	[hbm4b:s17+s3] =	stream.linear.scatter [tilespmem:s14], [sflag:$0xA], $0x80, $0x38;
	[tilespmem:$0x1A800] =	vst v63  }
0x15d: {  	s18 =	simm.s32 $0x18710;
	s29 =	sadd.s32 $0x20, s6  }
0x15e: {  	[hbm4b:s29+s3] =	stream.linear.scatter [tilespmem:s18], [sflag:$0xA], $0x80, $0x38;
	[tilespmem:$0x1A800] =	vst v63  }
0x15f: {  	s14 =	simm.s32 $0x18798;
	s17 =	sadd.s32 $0x30, s6  }
0x160: {  	[hbm4b:s17+s3] =	stream.linear.scatter [tilespmem:s14], [sflag:$0xA], $0x80, $0x38;
	[tilespmem:$0x1A800] =	vst v63  }
0x161: {  	s18 =	simm.s32 $0x18820;
	s29 =	sadd.s32 $0x40, s6  }
0x162: {  	[hbm4b:s29+s3] =	stream.linear.scatter [tilespmem:s18], [sflag:$0xA], $0x80, $0x38;
	[tilespmem:$0x1A800] =	vst v63  }
0x163: {  	s2 =	simm.s32 $0x440;
	s14 =	simm.s32 $0x188A8;
	s17 =	sadd.s32 $0x50, s6  }
0x164: {  	[hbm4b:s17+s3] =	stream.linear.scatter [tilespmem:s14], [sflag:$0xA], $0x80, $0x38;
	[tilespmem:$0x1A800] =	vst v63  }
0x165: {  	s18 =	simm.s32 $0x18930;
	s29 =	sadd.s32 $0x60, s6;
	s14 =	simm.s32 $0x2200  }
0x166: {  	[hbm4b:s29+s3] =	stream.linear.scatter [tilespmem:s18], [sflag:$0xA], $0x80, $0x38;
	[tilespmem:$0x1A800] =	vst v63  }
0x167: {  	s17 =	simm.s32 $0x189B8;
	s18 =	sadd.s32 $0x70, s6;
	s6 =	sadd.s32 $0x1000, s6  }
.LBB2_9:
0x168: {  	[hbm4b:s18+s3] =	stream.linear.scatter [tilespmem:s17], [sflag:$0xA], $0x80, $0x38;
	[tilespmem:$0x1A800] =	vst v63  }
0x169: {  	s17 =	smov.u32 s2;
	s2 =	smov.u32 s14  }
0x16a: {  	s29 =	sadd.s32 $0x1100, s14;
	s2 =	sshra.s32 s2, $0x2;
	s18 =	sadd.s32 $0x18600, s17  }
0x16b: {  	[hbm4b:s6+s3] =	stream.linear.scatter [tilespmem:s18], [sflag:$0xA], $0x80, $0x38;
	[tilespmem:$0x1A800] =	vst v63  }
0x16c: {  	p1 =	sne.s32 s14, $0x7700;
	s14 =	sadd.s32 $0x18688, s17;
	s18 =	sadd.s32 $0x10, s6  }
0x16d: {  	[hbm4b:s18+s3] =	stream.linear.scatter [tilespmem:s14], [sflag:$0xA], $0x80, $0x38;
	[tilespmem:$0x1A800] =	vst v63  }
0x16e: {  	s14 =	sadd.s32 $0x18710, s17;
	s18 =	sadd.s32 $0x20, s6  }
0x16f: {  	[hbm4b:s18+s3] =	stream.linear.scatter [tilespmem:s14], [sflag:$0xA], $0x80, $0x38;
	[tilespmem:$0x1A800] =	vst v63  }
0x170: {  	s14 =	sadd.s32 $0x18798, s17;
	s18 =	sadd.s32 $0x30, s6  }
0x171: {  	[hbm4b:s18+s3] =	stream.linear.scatter [tilespmem:s14], [sflag:$0xA], $0x80, $0x38;
	[tilespmem:$0x1A800] =	vst v63  }
0x172: {  	s14 =	sadd.s32 $0x18820, s17;
	s18 =	sadd.s32 $0x40, s6  }
0x173: {  	[hbm4b:s18+s3] =	stream.linear.scatter [tilespmem:s14], [sflag:$0xA], $0x80, $0x38;
	[tilespmem:$0x1A800] =	vst v63  }
.Ltmp3:
0x174: {  	s14 =	sadd.s32 $0x188A8, s17;
	s18 =	sadd.s32 $0x50, s6;
	(pc) =	sbr.rel @p1 .LBB2_9-.Ltmp3, $4  }
0x175: {  	[hbm4b:s18+s3] =	stream.linear.scatter [tilespmem:s14], [sflag:$0xA], $0x80, $0x38;
	[tilespmem:$0x1A800] =	vst v63  }
0x176: {  	s14 =	sadd.s32 $0x18930, s17;
	s18 =	sadd.s32 $0x60, s6;
	s17 =	sadd.s32 $0x189B8, s17  }
0x177: {  	[hbm4b:s18+s3] =	stream.linear.scatter [tilespmem:s14], [sflag:$0xA], $0x80, $0x38;
	[tilespmem:$0x1A800] =	vst v63  }
0x178: {  	s18 =	sadd.s32 $0x70, s6;
	s6 =	sadd.s32 $0x1000, s6;
	s14 =	smov.u32 s29  }
0x179: {  	[hbm4b:s18+s3] =	stream.linear.scatter [tilespmem:s17], [sflag:$0xA], $0x80, $0x38;
	[tilespmem:$0x1A800] =	vst v63  }
0x17a: {  	s14 =	sadd.s32 $0x18600, s2  }
0x17b: {  	[hbm4b:s6+s3] =	stream.linear.scatter [tilespmem:s14], [sflag:$0xA], $0x80, $0x38;
	[tilespmem:$0x1A800] =	vst v63  }
0x17c: {  	s18 =	sadd.s32 $0x18688, s2;
	s29 =	sadd.s32 $0x10, s6  }
0x17d: {  	[hbm4b:s29+s3] =	stream.linear.scatter [tilespmem:s18], [sflag:$0xA], $0x80, $0x38;
	[tilespmem:$0x1A800] =	vst v63  }
0x17e: {  	s18 =	sadd.s32 $0x18710, s2;
	s29 =	sadd.s32 $0x20, s6  }
0x17f: {  	[hbm4b:s29+s3] =	stream.linear.scatter [tilespmem:s18], [sflag:$0xA], $0x80, $0x38;
	[tilespmem:$0x1A800] =	vst v63  }
0x180: {  	s18 =	sadd.s32 $0x18798, s2;
	s29 =	sadd.s32 $0x30, s6  }
0x181: {  	[hbm4b:s29+s3] =	stream.linear.scatter [tilespmem:s18], [sflag:$0xA], $0x80, $0x38;
	[tilespmem:$0x1A800] =	vst v63  }
0x182: {  	s18 =	sadd.s32 $0x18820, s2;
	s29 =	sadd.s32 $0x40, s6  }
0x183: {  	[hbm4b:s29+s3] =	stream.linear.scatter [tilespmem:s18], [sflag:$0xA], $0x80, $0x38;
	[tilespmem:$0x1A800] =	vst v63  }
0x184: {  	s18 =	sadd.s32 $0x188A8, s2;
	s29 =	sadd.s32 $0x50, s6  }
0x185: {  	[hbm4b:s29+s3] =	stream.linear.scatter [tilespmem:s18], [sflag:$0xA], $0x80, $0x38;
	[tilespmem:$0x1A800] =	vst v63  }
0x186: {  	s18 =	sadd.s32 $0x18930, s2;
	s29 =	sadd.s32 $0x60, s6  }
0x187: {  	[hbm4b:s29+s3] =	stream.linear.scatter [tilespmem:s18], [sflag:$0xA], $0x80, $0x38;
	[tilespmem:$0x1A800] =	vst v63  }
0x188: {  	s18 =	sadd.s32 $0x189B8, s2;
	s29 =	sadd.s32 $0x70, s6;
	s2 =	simm.s32 $0x3  }
0x189: {  	[hbm4b:s29+s3] =	stream.linear.scatter [tilespmem:s18], [sflag:$0xA], $0x80, $0x38;
	[tilespmem:$0x1A800] =	vst v63  }
0x18a: {  	_ =	swait.ge [sflag:s2], $0x2000  }
0x18b: {  	[sflag:s2] =	ssyncset.done $0x0  }
0x18c: {  	[sflag:s2] =	ssyncadd.s32 $0xFFFFE000  }
0x18d: {  	s14 =	simm.s32 $0x0;
	_ =	swait.ge [sflag:s21], $0x2000  }
0x18e: {  	v4 =	vmov s14;
	[sflag:s21] =	ssyncset.done $0x0  }
0x18f: {  	s17 =	simm.s32 $0x0;
	v4 =	vand.u32 $0x7C, v4;
	[sflag:s21] =	ssyncadd.s32 $0xFFFFE000  }
0x190: {  	v6 =	vadd.s32 v0, v4;
	v5 =	vld [tilespmem:s17+$0xA400];
	_ =	sdelay $0x4  }
0x191: {  	[tilespmem:v6+s16+$0x0] =	vst.idx.msk $0xffff, v5  }
0x192: {  	v6 =	vadd.s32 v1, v4;
	v5 =	vld [tilespmem:s17+$0xA410];
	_ =	sdelay $0x4  }
0x193: {  	[tilespmem:v6+s16+$0x0] =	vst.idx.msk $0xffff, v5  }
0x194: {  	v6 =	vadd.s32 v2, v4;
	v5 =	vld [tilespmem:s17+$0xA420];
	_ =	sdelay $0x4  }
0x195: {  	[tilespmem:v6+s16+$0x0] =	vst.idx.msk $0xffff, v5  }
0x196: {  	v4 =	vadd.s32 v3, v4;
	v5 =	vld [tilespmem:s17+$0xA430];
	_ =	sdelay $0x2  }
0x197: {  	s18 =	simm.s32 $0x1  }
0x198: {  	v6 =	vmov s18  }
0x199: {  	[tilespmem:v4+s16+$0x0] =	vst.idx.msk $0xffff, v5;
	v4 =	vand.u32 $0x7D, v6  }
0x19a: {  	v5 =	vld [tilespmem:s17+$0xA440];
	v6 =	vadd.s32 v0, v4;
	_ =	sdelay $0x4  }
0x19b: {  	[tilespmem:v6+s16+$0x0] =	vst.idx.msk $0xffff, v5  }
0x19c: {  	v6 =	vadd.s32 v1, v4;
	v5 =	vld [tilespmem:s17+$0xA450];
	_ =	sdelay $0x4  }
0x19d: {  	[tilespmem:v6+s16+$0x0] =	vst.idx.msk $0xffff, v5  }
0x19e: {  	v6 =	vadd.s32 v2, v4;
	v5 =	vld [tilespmem:s17+$0xA460];
	_ =	sdelay $0x4  }
0x19f: {  	[tilespmem:v6+s16+$0x0] =	vst.idx.msk $0xffff, v5  }
0x1a0: {  	v4 =	vadd.s32 v3, v4;
	v5 =	vld [tilespmem:s17+$0xA470];
	_ =	sdelay $0x2  }
0x1a1: {  	s29 =	simm.s32 $0x2  }
0x1a2: {  	v6 =	vmov s29  }
0x1a3: {  	[tilespmem:v4+s16+$0x0] =	vst.idx.msk $0xffff, v5;
	v4 =	vand.u32 $0x7E, v6  }
0x1a4: {  	v5 =	vld [tilespmem:s17+$0xA480];
	v6 =	vadd.s32 v0, v4;
	_ =	sdelay $0x4  }
0x1a5: {  	[tilespmem:v6+s16+$0x0] =	vst.idx.msk $0xffff, v5  }
0x1a6: {  	v6 =	vadd.s32 v1, v4;
	v5 =	vld [tilespmem:s17+$0xA490];
	_ =	sdelay $0x4  }
0x1a7: {  	[tilespmem:v6+s16+$0x0] =	vst.idx.msk $0xffff, v5  }
0x1a8: {  	v6 =	vadd.s32 v2, v4;
	v5 =	vld [tilespmem:s17+$0xA4A0];
	_ =	sdelay $0x4  }
0x1a9: {  	[tilespmem:v6+s16+$0x0] =	vst.idx.msk $0xffff, v5  }
0x1aa: {  	v4 =	vadd.s32 v3, v4;
	v5 =	vld [tilespmem:s17+$0xA4B0];
	_ =	sdelay $0x3  }
0x1ab: {  	v6 =	vmov s2  }
0x1ac: {  	[tilespmem:v4+s16+$0x0] =	vst.idx.msk $0xffff, v5;
	v5 =	vand.u32 $0x7F, v6  }
0x1ad: {  	v4 =	vld [tilespmem:s17+$0xA4C0];
	v6 =	vadd.s32 v0, v5;
	_ =	sdelay $0x4  }
0x1ae: {  	[tilespmem:v6+s16+$0x0] =	vst.idx.msk $0xffff, v4  }
0x1af: {  	v6 =	vadd.s32 v1, v5;
	v4 =	vld [tilespmem:s17+$0xA4D0];
	_ =	sdelay $0x4  }
0x1b0: {  	[tilespmem:v6+s16+$0x0] =	vst.idx.msk $0xffff, v4  }
0x1b1: {  	v6 =	vadd.s32 v2, v5;
	v4 =	vld [tilespmem:s17+$0xA4E0];
	_ =	sdelay $0x4  }
0x1b2: {  	[tilespmem:v6+s16+$0x0] =	vst.idx.msk $0xffff, v4  }
0x1b3: {  	v5 =	vadd.s32 v3, v5;
	v4 =	vld [tilespmem:s17+$0xA4F0];
	_ =	sdelay $0x1  }
0x1b4: {  	s14 =	simm.s32 $0x800  }
0x1b5: {  	s6 =	simm.s32 $0x400;
	s2 =	simm.s32 $0x7;
	s17 =	simm.s32 $0x4  }
.LBB2_11:
0x1b6: {  	p1 =	sne.s32 s14, $0x7C00;
	v6 =	vmov s17  }
0x1b7: {  	s17 =	sshra.s32 s6, $0x2;
	s6 =	smov.u32 s14;
	v6 =	vand.u32 $0x7C, v6;
	[tilespmem:v5+s16+$0x0] =	vst.idx.msk $0xffff, v4  }
0x1b8: {  	v4 =	vld [tilespmem:s17+$0xA400];
	v5 =	vadd.s32 v0, v6;
	_ =	sdelay $0x4  }
0x1b9: {  	[tilespmem:v5+s16+$0x0] =	vst.idx.msk $0xffff, v4  }
0x1ba: {  	v5 =	vadd.s32 v1, v6;
	v4 =	vld [tilespmem:s17+$0xA410];
	_ =	sdelay $0x4  }
0x1bb: {  	[tilespmem:v5+s16+$0x0] =	vst.idx.msk $0xffff, v4  }
0x1bc: {  	v5 =	vadd.s32 v2, v6;
	v4 =	vld [tilespmem:s17+$0xA420];
	_ =	sdelay $0x4  }
0x1bd: {  	[tilespmem:v5+s16+$0x0] =	vst.idx.msk $0xffff, v4  }
0x1be: {  	v5 =	vadd.s32 v3, v6;
	v4 =	vld [tilespmem:s17+$0xA430];
	_ =	sdelay $0x2  }
0x1bf: {  	s18 =	sadd.s32 $0xFFFFFFFE, s2  }
0x1c0: {  	v6 =	vmov s18  }
0x1c1: {  	[tilespmem:v5+s16+$0x0] =	vst.idx.msk $0xffff, v4;
	v4 =	vand.u32 $0x7D, v6  }
0x1c2: {  	v5 =	vld [tilespmem:s17+$0xA440];
	v6 =	vadd.s32 v0, v4;
	_ =	sdelay $0x4  }
0x1c3: {  	[tilespmem:v6+s16+$0x0] =	vst.idx.msk $0xffff, v5  }
0x1c4: {  	v6 =	vadd.s32 v1, v4;
	v5 =	vld [tilespmem:s17+$0xA450];
	_ =	sdelay $0x4  }
0x1c5: {  	[tilespmem:v6+s16+$0x0] =	vst.idx.msk $0xffff, v5  }
0x1c6: {  	v6 =	vadd.s32 v2, v4;
	v5 =	vld [tilespmem:s17+$0xA460];
	_ =	sdelay $0x4  }
0x1c7: {  	[tilespmem:v6+s16+$0x0] =	vst.idx.msk $0xffff, v5  }
0x1c8: {  	v4 =	vadd.s32 v3, v4;
	v5 =	vld [tilespmem:s17+$0xA470];
	_ =	sdelay $0x2  }
0x1c9: {  	s18 =	sadd.s32 $0xFFFFFFFF, s2  }
0x1ca: {  	v6 =	vmov s18  }
0x1cb: {  	[tilespmem:v4+s16+$0x0] =	vst.idx.msk $0xffff, v5;
	v4 =	vand.u32 $0x7E, v6  }
0x1cc: {  	v5 =	vld [tilespmem:s17+$0xA480];
	v6 =	vadd.s32 v0, v4;
	_ =	sdelay $0x4  }
0x1cd: {  	[tilespmem:v6+s16+$0x0] =	vst.idx.msk $0xffff, v5  }
0x1ce: {  	v6 =	vadd.s32 v1, v4;
	v5 =	vld [tilespmem:s17+$0xA490];
	_ =	sdelay $0x4  }
0x1cf: {  	[tilespmem:v6+s16+$0x0] =	vst.idx.msk $0xffff, v5  }
0x1d0: {  	v6 =	vadd.s32 v2, v4;
	v5 =	vld [tilespmem:s17+$0xA4A0];
	_ =	sdelay $0x4  }
0x1d1: {  	[tilespmem:v6+s16+$0x0] =	vst.idx.msk $0xffff, v5  }
0x1d2: {  	v4 =	vadd.s32 v3, v4;
	v5 =	vld [tilespmem:s17+$0xA4B0];
	_ =	sdelay $0x3  }
0x1d3: {  	v6 =	vmov s2  }
0x1d4: {  	[tilespmem:v4+s16+$0x0] =	vst.idx.msk $0xffff, v5;
	v5 =	vand.u32 $0x7F, v6  }
0x1d5: {  	v4 =	vld [tilespmem:s17+$0xA4C0];
	v6 =	vadd.s32 v0, v5;
	_ =	sdelay $0x4  }
0x1d6: {  	[tilespmem:v6+s16+$0x0] =	vst.idx.msk $0xffff, v4  }
0x1d7: {  	v6 =	vadd.s32 v1, v5;
	v4 =	vld [tilespmem:s17+$0xA4D0];
	_ =	sdelay $0x4  }
0x1d8: {  	[tilespmem:v6+s16+$0x0] =	vst.idx.msk $0xffff, v4  }
0x1d9: {  	v6 =	vadd.s32 v2, v5;
	v4 =	vld [tilespmem:s17+$0xA4E0];
	_ =	sdelay $0x4  }
.Ltmp4:
0x1da: {  	[tilespmem:v6+s16+$0x0] =	vst.idx.msk $0xffff, v4;
	(pc) =	sbr.rel @p1 .LBB2_11-.Ltmp4, $3  }
0x1db: {  	v5 =	vadd.s32 v3, v5;
	v4 =	vld [tilespmem:s17+$0xA4F0];
	_ =	sdelay $0x1  }
0x1dc: {  	s2 =	sadd.s32 $0x4, s2  }
0x1dd: {  	s14 =	sadd.s32 $0x400, s14;
	s17 =	sadd.s32 $0xFFFFFFFD, s2  }
0x1de: {  	_ =	sdelay $0x2  }
0x1df: {  	v6 =	vmov s17  }
0x1e0: {  	s6 =	sshra.s32 s6, $0x2;
	v6 =	vand.u32 $0x7C, v6;
	[tilespmem:v5+s16+$0x0] =	vst.idx.msk $0xffff, v4  }
0x1e1: {  	v4 =	vld [tilespmem:s6+$0xA400];
	v5 =	vadd.s32 v0, v6;
	_ =	sdelay $0x4  }
0x1e2: {  	[tilespmem:v5+s16+$0x0] =	vst.idx.msk $0xffff, v4  }
0x1e3: {  	v5 =	vadd.s32 v1, v6;
	v4 =	vld [tilespmem:s6+$0xA410];
	_ =	sdelay $0x4  }
0x1e4: {  	[tilespmem:v5+s16+$0x0] =	vst.idx.msk $0xffff, v4  }
0x1e5: {  	v5 =	vadd.s32 v2, v6;
	v4 =	vld [tilespmem:s6+$0xA420];
	_ =	sdelay $0x4  }
0x1e6: {  	[tilespmem:v5+s16+$0x0] =	vst.idx.msk $0xffff, v4  }
0x1e7: {  	v5 =	vadd.s32 v3, v6;
	v4 =	vld [tilespmem:s6+$0xA430];
	_ =	sdelay $0x2  }
0x1e8: {  	s14 =	sadd.s32 $0xFFFFFFFE, s2  }
0x1e9: {  	v55 =	vmov s14  }
0x1ea: {  	[tilespmem:v5+s16+$0x0] =	vst.idx.msk $0xffff, v4;
	v4 =	vand.u32 $0x7D, v55  }
0x1eb: {  	v5 =	vld [tilespmem:s6+$0xA440];
	v6 =	vadd.s32 v0, v4;
	_ =	sdelay $0x4  }
0x1ec: {  	[tilespmem:v6+s16+$0x0] =	vst.idx.msk $0xffff, v5  }
0x1ed: {  	v56 =	vadd.s32 v1, v4;
	v5 =	vld [tilespmem:s6+$0xA450];
	_ =	sdelay $0x4  }
0x1ee: {  	[tilespmem:v56+s16+$0x0] =	vst.idx.msk $0xffff, v5  }
0x1ef: {  	v57 =	vadd.s32 v2, v4;
	v5 =	vld [tilespmem:s6+$0xA460];
	_ =	sdelay $0x4  }
0x1f0: {  	[tilespmem:v57+s16+$0x0] =	vst.idx.msk $0xffff, v5  }
0x1f1: {  	v4 =	vadd.s32 v3, v4;
	v5 =	vld [tilespmem:s6+$0xA470];
	_ =	sdelay $0x2  }
0x1f2: {  	s18 =	sadd.s32 $0xFFFFFFFF, s2  }
0x1f3: {  	v58 =	vmov s18  }
0x1f4: {  	[tilespmem:v4+s16+$0x0] =	vst.idx.msk $0xffff, v5;
	v4 =	vand.u32 $0x7E, v58  }
0x1f5: {  	v5 =	vld [tilespmem:s6+$0xA480];
	v6 =	vadd.s32 v0, v4;
	_ =	sdelay $0x4  }
0x1f6: {  	[tilespmem:v6+s16+$0x0] =	vst.idx.msk $0xffff, v5  }
0x1f7: {  	v59 =	vadd.s32 v1, v4;
	v5 =	vld [tilespmem:s6+$0xA490];
	_ =	sdelay $0x4  }
0x1f8: {  	[tilespmem:v59+s16+$0x0] =	vst.idx.msk $0xffff, v5  }
0x1f9: {  	v60 =	vadd.s32 v2, v4;
	v5 =	vld [tilespmem:s6+$0xA4A0];
	_ =	sdelay $0x4  }
0x1fa: {  	[tilespmem:v60+s16+$0x0] =	vst.idx.msk $0xffff, v5  }
0x1fb: {  	v4 =	vadd.s32 v3, v4;
	v5 =	vld [tilespmem:s6+$0xA4B0];
	_ =	sdelay $0x3  }
0x1fc: {  	v61 =	vmov s2  }
0x1fd: {  	[tilespmem:v4+s16+$0x0] =	vst.idx.msk $0xffff, v5;
	v4 =	vand.u32 $0x7F, v61  }
0x1fe: {  	v5 =	vld [tilespmem:s6+$0xA4C0];
	v6 =	vadd.s32 v0, v4;
	_ =	sdelay $0x4  }
0x1ff: {  	[tilespmem:v6+s16+$0x0] =	vst.idx.msk $0xffff, v5  }
0x200: {  	v62 =	vadd.s32 v1, v4;
	v5 =	vld [tilespmem:s6+$0xA4D0];
	_ =	sdelay $0x4  }
0x201: {  	[tilespmem:v62+s16+$0x0] =	vst.idx.msk $0xffff, v5  }
0x202: {  	v63 =	vadd.s32 v2, v4;
	v5 =	vld [tilespmem:s6+$0xA4E0];
	_ =	sdelay $0x4  }
0x203: {  	[tilespmem:v63+s16+$0x0] =	vst.idx.msk $0xffff, v5  }
0x204: {  	v4 =	vadd.s32 v3, v4;
	v5 =	vld [tilespmem:s6+$0xA4F0];
	_ =	sdelay $0x4  }
0x205: {  	s2 =	sadd.s32 @!p0 $0x500, s31;
	s14 =	simm.s32 @!p0 $0xA400;
	s6 =	simm.s32 @!p0 $0x80;
	[tilespmem:v4+s16+$0x0] =	vst.idx.msk $0xffff, v5  }
0x206: {  	[tilespmem:s14], [sflag:$0x3] =	stream.indirect.gather @!p0 [hbm4b:s5+s6], $0x40, s2, s6, $0xb8;
	[tilespmem:$0x1A800] =	vst v63  }
0x207: {  	s29 =	simm.s32 $0x16400;
	s6 =	sadd.s32 s0, s8  }
0x208: {  	[hbm4b:s6+s3] =	stream.linear.scatter [tilespmem:s29], [sflag:$0x9], $0x80, $0x38;
	[tilespmem:$0x1A800] =	vst v63  }
0x209: {  	s14 =	simm.s32 $0x16488;
	s17 =	sadd.s32 $0x10, s6  }
0x20a: {  	[hbm4b:s17+s3] =	stream.linear.scatter [tilespmem:s14], [sflag:$0x9], $0x80, $0x38;
	[tilespmem:$0x1A800] =	vst v63  }
0x20b: {  	s18 =	simm.s32 $0x16510;
	s29 =	sadd.s32 $0x20, s6  }
0x20c: {  	[hbm4b:s29+s3] =	stream.linear.scatter [tilespmem:s18], [sflag:$0x9], $0x80, $0x38;
	[tilespmem:$0x1A800] =	vst v63  }
0x20d: {  	s14 =	simm.s32 $0x16598;
	s17 =	sadd.s32 $0x30, s6  }
0x20e: {  	[hbm4b:s17+s3] =	stream.linear.scatter [tilespmem:s14], [sflag:$0x9], $0x80, $0x38;
	[tilespmem:$0x1A800] =	vst v63  }
0x20f: {  	s18 =	simm.s32 $0x16620;
	s29 =	sadd.s32 $0x40, s6  }
0x210: {  	[hbm4b:s29+s3] =	stream.linear.scatter [tilespmem:s18], [sflag:$0x9], $0x80, $0x38;
	[tilespmem:$0x1A800] =	vst v63  }
0x211: {  	s2 =	simm.s32 $0x440;
	s14 =	simm.s32 $0x166A8;
	s17 =	sadd.s32 $0x50, s6  }
0x212: {  	[hbm4b:s17+s3] =	stream.linear.scatter [tilespmem:s14], [sflag:$0x9], $0x80, $0x38;
	[tilespmem:$0x1A800] =	vst v63  }
0x213: {  	s18 =	simm.s32 $0x16730;
	s29 =	sadd.s32 $0x60, s6;
	s14 =	simm.s32 $0x2200  }
0x214: {  	[hbm4b:s29+s3] =	stream.linear.scatter [tilespmem:s18], [sflag:$0x9], $0x80, $0x38;
	[tilespmem:$0x1A800] =	vst v63  }
0x215: {  	s17 =	simm.s32 $0x167B8;
	s18 =	sadd.s32 $0x70, s6;
	s6 =	sadd.s32 $0x1000, s6  }
.LBB2_13:
0x216: {  	[hbm4b:s18+s3] =	stream.linear.scatter [tilespmem:s17], [sflag:$0x9], $0x80, $0x38;
	[tilespmem:$0x1A800] =	vst v63  }
0x217: {  	s17 =	smov.u32 s2;
	s2 =	smov.u32 s14  }
0x218: {  	s29 =	sadd.s32 $0x1100, s14;
	s2 =	sshra.s32 s2, $0x2;
	s18 =	sadd.s32 $0x16400, s17  }
0x219: {  	[hbm4b:s6+s3] =	stream.linear.scatter [tilespmem:s18], [sflag:$0x9], $0x80, $0x38;
	[tilespmem:$0x1A800] =	vst v63  }
0x21a: {  	p1 =	sne.s32 s14, $0x7700;
	s14 =	sadd.s32 $0x16488, s17;
	s18 =	sadd.s32 $0x10, s6  }
0x21b: {  	[hbm4b:s18+s3] =	stream.linear.scatter [tilespmem:s14], [sflag:$0x9], $0x80, $0x38;
	[tilespmem:$0x1A800] =	vst v63  }
0x21c: {  	s14 =	sadd.s32 $0x16510, s17;
	s18 =	sadd.s32 $0x20, s6  }
0x21d: {  	[hbm4b:s18+s3] =	stream.linear.scatter [tilespmem:s14], [sflag:$0x9], $0x80, $0x38;
	[tilespmem:$0x1A800] =	vst v63  }
0x21e: {  	s14 =	sadd.s32 $0x16598, s17;
	s18 =	sadd.s32 $0x30, s6  }
0x21f: {  	[hbm4b:s18+s3] =	stream.linear.scatter [tilespmem:s14], [sflag:$0x9], $0x80, $0x38;
	[tilespmem:$0x1A800] =	vst v63  }
0x220: {  	s14 =	sadd.s32 $0x16620, s17;
	s18 =	sadd.s32 $0x40, s6  }
0x221: {  	[hbm4b:s18+s3] =	stream.linear.scatter [tilespmem:s14], [sflag:$0x9], $0x80, $0x38;
	[tilespmem:$0x1A800] =	vst v63  }
.Ltmp5:
0x222: {  	s14 =	sadd.s32 $0x166A8, s17;
	s18 =	sadd.s32 $0x50, s6;
	(pc) =	sbr.rel @p1 .LBB2_13-.Ltmp5, $4  }
0x223: {  	[hbm4b:s18+s3] =	stream.linear.scatter [tilespmem:s14], [sflag:$0x9], $0x80, $0x38;
	[tilespmem:$0x1A800] =	vst v63  }
0x224: {  	s14 =	sadd.s32 $0x16730, s17;
	s18 =	sadd.s32 $0x60, s6;
	s17 =	sadd.s32 $0x167B8, s17  }
0x225: {  	[hbm4b:s18+s3] =	stream.linear.scatter [tilespmem:s14], [sflag:$0x9], $0x80, $0x38;
	[tilespmem:$0x1A800] =	vst v63  }
0x226: {  	s18 =	sadd.s32 $0x70, s6;
	s6 =	sadd.s32 $0x1000, s6;
	s14 =	smov.u32 s29  }
0x227: {  	[hbm4b:s18+s3] =	stream.linear.scatter [tilespmem:s17], [sflag:$0x9], $0x80, $0x38;
	[tilespmem:$0x1A800] =	vst v63  }
0x228: {  	s14 =	sadd.s32 $0x16400, s2  }
0x229: {  	[hbm4b:s6+s3] =	stream.linear.scatter [tilespmem:s14], [sflag:$0x9], $0x80, $0x38;
	[tilespmem:$0x1A800] =	vst v63  }
0x22a: {  	s18 =	sadd.s32 $0x16488, s2;
	s29 =	sadd.s32 $0x10, s6  }
0x22b: {  	[hbm4b:s29+s3] =	stream.linear.scatter [tilespmem:s18], [sflag:$0x9], $0x80, $0x38;
	[tilespmem:$0x1A800] =	vst v63  }
0x22c: {  	s18 =	sadd.s32 $0x16510, s2;
	s29 =	sadd.s32 $0x20, s6  }
0x22d: {  	[hbm4b:s29+s3] =	stream.linear.scatter [tilespmem:s18], [sflag:$0x9], $0x80, $0x38;
	[tilespmem:$0x1A800] =	vst v63  }
0x22e: {  	s18 =	sadd.s32 $0x16598, s2;
	s29 =	sadd.s32 $0x30, s6  }
0x22f: {  	[hbm4b:s29+s3] =	stream.linear.scatter [tilespmem:s18], [sflag:$0x9], $0x80, $0x38;
	[tilespmem:$0x1A800] =	vst v63  }
0x230: {  	s18 =	sadd.s32 $0x16620, s2;
	s29 =	sadd.s32 $0x40, s6  }
0x231: {  	[hbm4b:s29+s3] =	stream.linear.scatter [tilespmem:s18], [sflag:$0x9], $0x80, $0x38;
	[tilespmem:$0x1A800] =	vst v63  }
0x232: {  	s18 =	sadd.s32 $0x166A8, s2;
	s29 =	sadd.s32 $0x50, s6  }
0x233: {  	[hbm4b:s29+s3] =	stream.linear.scatter [tilespmem:s18], [sflag:$0x9], $0x80, $0x38;
	[tilespmem:$0x1A800] =	vst v63  }
0x234: {  	s18 =	sadd.s32 $0x16730, s2;
	s29 =	sadd.s32 $0x60, s6  }
0x235: {  	[hbm4b:s29+s3] =	stream.linear.scatter [tilespmem:s18], [sflag:$0x9], $0x80, $0x38;
	[tilespmem:$0x1A800] =	vst v63  }
0x236: {  	s18 =	sadd.s32 $0x167B8, s2;
	s29 =	sadd.s32 $0x70, s6  }
0x237: {  	[hbm4b:s29+s3] =	stream.linear.scatter [tilespmem:s18], [sflag:$0x9], $0x80, $0x38;
	[tilespmem:$0x1A800] =	vst v63  }
0x238: {  	_ =	swait.ge [sflag:s22], $0x2000  }
0x239: {  	[sflag:s22] =	ssyncset.done $0x0  }
0x23a: {  	[sflag:s22] =	ssyncadd.s32 $0xFFFFE000  }
0x23b: {  	s6 =	simm.s32 $0x0;
	_ =	swait.ge [sflag:s23], $0x2000  }
0x23c: {  	v4 =	vmov s6;
	[sflag:s23] =	ssyncset.done $0x0  }
0x23d: {  	s14 =	simm.s32 $0x0;
	v4 =	vand.u32 $0x7C, v4;
	[sflag:s23] =	ssyncadd.s32 $0xFFFFE000  }
0x23e: {  	v6 =	vadd.s32 v0, v4;
	v5 =	vld [tilespmem:s14+$0xC400];
	_ =	sdelay $0x4  }
0x23f: {  	[tilespmem:v6+s20+$0x0] =	vst.idx.msk $0xffff, v5  }
0x240: {  	v6 =	vadd.s32 v1, v4;
	v5 =	vld [tilespmem:s14+$0xC410];
	_ =	sdelay $0x4  }
0x241: {  	[tilespmem:v6+s20+$0x0] =	vst.idx.msk $0xffff, v5  }
0x242: {  	v6 =	vadd.s32 v2, v4;
	v5 =	vld [tilespmem:s14+$0xC420];
	_ =	sdelay $0x4  }
0x243: {  	[tilespmem:v6+s20+$0x0] =	vst.idx.msk $0xffff, v5  }
0x244: {  	v4 =	vadd.s32 v3, v4;
	v5 =	vld [tilespmem:s14+$0xC430];
	_ =	sdelay $0x2  }
0x245: {  	s17 =	simm.s32 $0x1  }
0x246: {  	v6 =	vmov s17  }
0x247: {  	[tilespmem:v4+s20+$0x0] =	vst.idx.msk $0xffff, v5;
	v4 =	vand.u32 $0x7D, v6  }
0x248: {  	v5 =	vld [tilespmem:s14+$0xC440];
	v6 =	vadd.s32 v0, v4;
	_ =	sdelay $0x4  }
0x249: {  	[tilespmem:v6+s20+$0x0] =	vst.idx.msk $0xffff, v5  }
0x24a: {  	v6 =	vadd.s32 v1, v4;
	v5 =	vld [tilespmem:s14+$0xC450];
	_ =	sdelay $0x4  }
0x24b: {  	[tilespmem:v6+s20+$0x0] =	vst.idx.msk $0xffff, v5  }
0x24c: {  	v6 =	vadd.s32 v2, v4;
	v5 =	vld [tilespmem:s14+$0xC460];
	_ =	sdelay $0x4  }
0x24d: {  	[tilespmem:v6+s20+$0x0] =	vst.idx.msk $0xffff, v5  }
0x24e: {  	v4 =	vadd.s32 v3, v4;
	v5 =	vld [tilespmem:s14+$0xC470];
	_ =	sdelay $0x2  }
0x24f: {  	s18 =	simm.s32 $0x2  }
0x250: {  	v6 =	vmov s18  }
0x251: {  	[tilespmem:v4+s20+$0x0] =	vst.idx.msk $0xffff, v5;
	v4 =	vand.u32 $0x7E, v6  }
0x252: {  	v5 =	vld [tilespmem:s14+$0xC480];
	v6 =	vadd.s32 v0, v4;
	_ =	sdelay $0x4  }
0x253: {  	[tilespmem:v6+s20+$0x0] =	vst.idx.msk $0xffff, v5  }
0x254: {  	v6 =	vadd.s32 v1, v4;
	v5 =	vld [tilespmem:s14+$0xC490];
	_ =	sdelay $0x4  }
0x255: {  	[tilespmem:v6+s20+$0x0] =	vst.idx.msk $0xffff, v5  }
0x256: {  	v6 =	vadd.s32 v2, v4;
	v5 =	vld [tilespmem:s14+$0xC4A0];
	_ =	sdelay $0x4  }
0x257: {  	[tilespmem:v6+s20+$0x0] =	vst.idx.msk $0xffff, v5  }
0x258: {  	v4 =	vadd.s32 v3, v4;
	v5 =	vld [tilespmem:s14+$0xC4B0];
	_ =	sdelay $0x2  }
0x259: {  	s29 =	simm.s32 $0x3  }
0x25a: {  	v6 =	vmov s29  }
0x25b: {  	[tilespmem:v4+s20+$0x0] =	vst.idx.msk $0xffff, v5;
	v5 =	vand.u32 $0x7F, v6  }
0x25c: {  	v4 =	vld [tilespmem:s14+$0xC4C0];
	v6 =	vadd.s32 v0, v5;
	_ =	sdelay $0x4  }
0x25d: {  	[tilespmem:v6+s20+$0x0] =	vst.idx.msk $0xffff, v4  }
0x25e: {  	v6 =	vadd.s32 v1, v5;
	v4 =	vld [tilespmem:s14+$0xC4D0];
	_ =	sdelay $0x4  }
0x25f: {  	[tilespmem:v6+s20+$0x0] =	vst.idx.msk $0xffff, v4  }
0x260: {  	v6 =	vadd.s32 v2, v5;
	v4 =	vld [tilespmem:s14+$0xC4E0];
	_ =	sdelay $0x4  }
0x261: {  	[tilespmem:v6+s20+$0x0] =	vst.idx.msk $0xffff, v4  }
0x262: {  	v5 =	vadd.s32 v3, v5;
	v4 =	vld [tilespmem:s14+$0xC4F0];
	_ =	sdelay $0x1  }
0x263: {  	s2 =	simm.s32 $0x7  }
0x264: {  	s6 =	simm.s32 $0x400;
	s17 =	simm.s32 $0x4;
	s14 =	simm.s32 $0x800  }
.LBB2_15:
0x265: {  	p1 =	sne.s32 s14, $0x7C00;
	v6 =	vmov s17  }
0x266: {  	s17 =	sshra.s32 s6, $0x2;
	s6 =	smov.u32 s14;
	v6 =	vand.u32 $0x7C, v6;
	[tilespmem:v5+s20+$0x0] =	vst.idx.msk $0xffff, v4  }
0x267: {  	v4 =	vld [tilespmem:s17+$0xC400];
	v5 =	vadd.s32 v0, v6;
	_ =	sdelay $0x4  }
0x268: {  	[tilespmem:v5+s20+$0x0] =	vst.idx.msk $0xffff, v4  }
0x269: {  	v5 =	vadd.s32 v1, v6;
	v4 =	vld [tilespmem:s17+$0xC410];
	_ =	sdelay $0x4  }
0x26a: {  	[tilespmem:v5+s20+$0x0] =	vst.idx.msk $0xffff, v4  }
0x26b: {  	v5 =	vadd.s32 v2, v6;
	v4 =	vld [tilespmem:s17+$0xC420];
	_ =	sdelay $0x4  }
0x26c: {  	[tilespmem:v5+s20+$0x0] =	vst.idx.msk $0xffff, v4  }
0x26d: {  	v5 =	vadd.s32 v3, v6;
	v4 =	vld [tilespmem:s17+$0xC430];
	_ =	sdelay $0x2  }
0x26e: {  	s18 =	sadd.s32 $0xFFFFFFFE, s2  }
0x26f: {  	v6 =	vmov s18  }
0x270: {  	[tilespmem:v5+s20+$0x0] =	vst.idx.msk $0xffff, v4;
	v4 =	vand.u32 $0x7D, v6  }
0x271: {  	v5 =	vld [tilespmem:s17+$0xC440];
	v6 =	vadd.s32 v0, v4;
	_ =	sdelay $0x4  }
0x272: {  	[tilespmem:v6+s20+$0x0] =	vst.idx.msk $0xffff, v5  }
0x273: {  	v6 =	vadd.s32 v1, v4;
	v5 =	vld [tilespmem:s17+$0xC450];
	_ =	sdelay $0x4  }
0x274: {  	[tilespmem:v6+s20+$0x0] =	vst.idx.msk $0xffff, v5  }
0x275: {  	v6 =	vadd.s32 v2, v4;
	v5 =	vld [tilespmem:s17+$0xC460];
	_ =	sdelay $0x4  }
0x276: {  	[tilespmem:v6+s20+$0x0] =	vst.idx.msk $0xffff, v5  }
0x277: {  	v4 =	vadd.s32 v3, v4;
	v5 =	vld [tilespmem:s17+$0xC470];
	_ =	sdelay $0x2  }
0x278: {  	s18 =	sadd.s32 $0xFFFFFFFF, s2  }
0x279: {  	v6 =	vmov s18  }
0x27a: {  	[tilespmem:v4+s20+$0x0] =	vst.idx.msk $0xffff, v5;
	v4 =	vand.u32 $0x7E, v6  }
0x27b: {  	v5 =	vld [tilespmem:s17+$0xC480];
	v6 =	vadd.s32 v0, v4;
	_ =	sdelay $0x4  }
0x27c: {  	[tilespmem:v6+s20+$0x0] =	vst.idx.msk $0xffff, v5  }
0x27d: {  	v6 =	vadd.s32 v1, v4;
	v5 =	vld [tilespmem:s17+$0xC490];
	_ =	sdelay $0x4  }
0x27e: {  	[tilespmem:v6+s20+$0x0] =	vst.idx.msk $0xffff, v5  }
0x27f: {  	v6 =	vadd.s32 v2, v4;
	v5 =	vld [tilespmem:s17+$0xC4A0];
	_ =	sdelay $0x4  }
0x280: {  	[tilespmem:v6+s20+$0x0] =	vst.idx.msk $0xffff, v5  }
0x281: {  	v4 =	vadd.s32 v3, v4;
	v5 =	vld [tilespmem:s17+$0xC4B0];
	_ =	sdelay $0x3  }
0x282: {  	v6 =	vmov s2  }
0x283: {  	[tilespmem:v4+s20+$0x0] =	vst.idx.msk $0xffff, v5;
	v5 =	vand.u32 $0x7F, v6  }
0x284: {  	v4 =	vld [tilespmem:s17+$0xC4C0];
	v6 =	vadd.s32 v0, v5;
	_ =	sdelay $0x4  }
0x285: {  	[tilespmem:v6+s20+$0x0] =	vst.idx.msk $0xffff, v4  }
0x286: {  	v6 =	vadd.s32 v1, v5;
	v4 =	vld [tilespmem:s17+$0xC4D0];
	_ =	sdelay $0x4  }
0x287: {  	[tilespmem:v6+s20+$0x0] =	vst.idx.msk $0xffff, v4  }
0x288: {  	v6 =	vadd.s32 v2, v5;
	v4 =	vld [tilespmem:s17+$0xC4E0];
	_ =	sdelay $0x4  }
.Ltmp6:
0x289: {  	[tilespmem:v6+s20+$0x0] =	vst.idx.msk $0xffff, v4;
	(pc) =	sbr.rel @p1 .LBB2_15-.Ltmp6, $3  }
0x28a: {  	v5 =	vadd.s32 v3, v5;
	v4 =	vld [tilespmem:s17+$0xC4F0];
	_ =	sdelay $0x1  }
0x28b: {  	s2 =	sadd.s32 $0x4, s2  }
0x28c: {  	s14 =	sadd.s32 $0x400, s14;
	s17 =	sadd.s32 $0xFFFFFFFD, s2  }
0x28d: {  	_ =	sdelay $0x2  }
0x28e: {  	v6 =	vmov s17  }
0x28f: {  	s6 =	sshra.s32 s6, $0x2;
	v6 =	vand.u32 $0x7C, v6;
	[tilespmem:v5+s20+$0x0] =	vst.idx.msk $0xffff, v4  }
0x290: {  	v4 =	vld [tilespmem:s6+$0xC400];
	v5 =	vadd.s32 v0, v6;
	_ =	sdelay $0x4  }
0x291: {  	[tilespmem:v5+s20+$0x0] =	vst.idx.msk $0xffff, v4  }
0x292: {  	v5 =	vadd.s32 v1, v6;
	v4 =	vld [tilespmem:s6+$0xC410];
	_ =	sdelay $0x4  }
0x293: {  	[tilespmem:v5+s20+$0x0] =	vst.idx.msk $0xffff, v4  }
0x294: {  	v5 =	vadd.s32 v2, v6;
	v4 =	vld [tilespmem:s6+$0xC420];
	_ =	sdelay $0x4  }
0x295: {  	[tilespmem:v5+s20+$0x0] =	vst.idx.msk $0xffff, v4  }
0x296: {  	v5 =	vadd.s32 v3, v6;
	v4 =	vld [tilespmem:s6+$0xC430];
	_ =	sdelay $0x2  }
0x297: {  	s14 =	sadd.s32 $0xFFFFFFFE, s2  }
0x298: {  	v55 =	vmov s14  }
0x299: {  	[tilespmem:v5+s20+$0x0] =	vst.idx.msk $0xffff, v4;
	v4 =	vand.u32 $0x7D, v55  }
0x29a: {  	v5 =	vld [tilespmem:s6+$0xC440];
	v6 =	vadd.s32 v0, v4;
	_ =	sdelay $0x4  }
0x29b: {  	[tilespmem:v6+s20+$0x0] =	vst.idx.msk $0xffff, v5  }
0x29c: {  	v56 =	vadd.s32 v1, v4;
	v5 =	vld [tilespmem:s6+$0xC450];
	_ =	sdelay $0x4  }
0x29d: {  	[tilespmem:v56+s20+$0x0] =	vst.idx.msk $0xffff, v5  }
0x29e: {  	v57 =	vadd.s32 v2, v4;
	v5 =	vld [tilespmem:s6+$0xC460];
	_ =	sdelay $0x4  }
0x29f: {  	[tilespmem:v57+s20+$0x0] =	vst.idx.msk $0xffff, v5  }
0x2a0: {  	v4 =	vadd.s32 v3, v4;
	v5 =	vld [tilespmem:s6+$0xC470];
	_ =	sdelay $0x2  }
0x2a1: {  	s18 =	sadd.s32 $0xFFFFFFFF, s2  }
0x2a2: {  	v58 =	vmov s18  }
0x2a3: {  	[tilespmem:v4+s20+$0x0] =	vst.idx.msk $0xffff, v5;
	v4 =	vand.u32 $0x7E, v58  }
0x2a4: {  	v5 =	vld [tilespmem:s6+$0xC480];
	v6 =	vadd.s32 v0, v4;
	_ =	sdelay $0x4  }
0x2a5: {  	[tilespmem:v6+s20+$0x0] =	vst.idx.msk $0xffff, v5  }
0x2a6: {  	v59 =	vadd.s32 v1, v4;
	v5 =	vld [tilespmem:s6+$0xC490];
	_ =	sdelay $0x4  }
0x2a7: {  	[tilespmem:v59+s20+$0x0] =	vst.idx.msk $0xffff, v5  }
0x2a8: {  	v60 =	vadd.s32 v2, v4;
	v5 =	vld [tilespmem:s6+$0xC4A0];
	_ =	sdelay $0x4  }
0x2a9: {  	[tilespmem:v60+s20+$0x0] =	vst.idx.msk $0xffff, v5  }
0x2aa: {  	v4 =	vadd.s32 v3, v4;
	v5 =	vld [tilespmem:s6+$0xC4B0];
	_ =	sdelay $0x3  }
0x2ab: {  	v61 =	vmov s2  }
0x2ac: {  	[tilespmem:v4+s20+$0x0] =	vst.idx.msk $0xffff, v5;
	v4 =	vand.u32 $0x7F, v61  }
0x2ad: {  	v5 =	vld [tilespmem:s6+$0xC4C0];
	v6 =	vadd.s32 v0, v4;
	_ =	sdelay $0x4  }
0x2ae: {  	[tilespmem:v6+s20+$0x0] =	vst.idx.msk $0xffff, v5  }
0x2af: {  	v62 =	vadd.s32 v1, v4;
	v5 =	vld [tilespmem:s6+$0xC4D0];
	_ =	sdelay $0x4  }
0x2b0: {  	[tilespmem:v62+s20+$0x0] =	vst.idx.msk $0xffff, v5  }
0x2b1: {  	v63 =	vadd.s32 v2, v4;
	v5 =	vld [tilespmem:s6+$0xC4E0];
	_ =	sdelay $0x4  }
0x2b2: {  	[tilespmem:v63+s20+$0x0] =	vst.idx.msk $0xffff, v5  }
0x2b3: {  	v4 =	vadd.s32 v3, v4;
	v5 =	vld [tilespmem:s6+$0xC4F0];
	_ =	sdelay $0x4  }
0x2b4: {  	s2 =	sadd.s32 @!p0 $0x580, s31;
	s14 =	simm.s32 @!p0 $0xC400;
	s6 =	simm.s32 @!p0 $0x80;
	[tilespmem:v4+s20+$0x0] =	vst.idx.msk $0xffff, v5  }
0x2b5: {  	[tilespmem:s14], [sflag:$0x4] =	stream.indirect.gather @!p0 [hbm4b:s5+s6], $0x40, s2, s6, $0xb8;
	[tilespmem:$0x1A800] =	vst v63  }
0x2b6: {  	s29 =	simm.s32 $0x18600;
	s6 =	sadd.s32 s0, s9  }
0x2b7: {  	[hbm4b:s6+s3] =	stream.linear.scatter [tilespmem:s29], [sflag:$0xA], $0x80, $0x38;
	[tilespmem:$0x1A800] =	vst v63  }
0x2b8: {  	s14 =	simm.s32 $0x18688;
	s17 =	sadd.s32 $0x10, s6  }
0x2b9: {  	[hbm4b:s17+s3] =	stream.linear.scatter [tilespmem:s14], [sflag:$0xA], $0x80, $0x38;
	[tilespmem:$0x1A800] =	vst v63  }
0x2ba: {  	s18 =	simm.s32 $0x18710;
	s29 =	sadd.s32 $0x20, s6  }
0x2bb: {  	[hbm4b:s29+s3] =	stream.linear.scatter [tilespmem:s18], [sflag:$0xA], $0x80, $0x38;
	[tilespmem:$0x1A800] =	vst v63  }
0x2bc: {  	s14 =	simm.s32 $0x18798;
	s17 =	sadd.s32 $0x30, s6  }
0x2bd: {  	[hbm4b:s17+s3] =	stream.linear.scatter [tilespmem:s14], [sflag:$0xA], $0x80, $0x38;
	[tilespmem:$0x1A800] =	vst v63  }
0x2be: {  	s18 =	simm.s32 $0x18820;
	s29 =	sadd.s32 $0x40, s6  }
0x2bf: {  	[hbm4b:s29+s3] =	stream.linear.scatter [tilespmem:s18], [sflag:$0xA], $0x80, $0x38;
	[tilespmem:$0x1A800] =	vst v63  }
0x2c0: {  	s2 =	simm.s32 $0x440;
	s14 =	simm.s32 $0x188A8;
	s17 =	sadd.s32 $0x50, s6  }
0x2c1: {  	[hbm4b:s17+s3] =	stream.linear.scatter [tilespmem:s14], [sflag:$0xA], $0x80, $0x38;
	[tilespmem:$0x1A800] =	vst v63  }
0x2c2: {  	s18 =	simm.s32 $0x18930;
	s29 =	sadd.s32 $0x60, s6;
	s14 =	simm.s32 $0x2200  }
0x2c3: {  	[hbm4b:s29+s3] =	stream.linear.scatter [tilespmem:s18], [sflag:$0xA], $0x80, $0x38;
	[tilespmem:$0x1A800] =	vst v63  }
0x2c4: {  	s17 =	simm.s32 $0x189B8;
	s18 =	sadd.s32 $0x70, s6;
	s6 =	sadd.s32 $0x1000, s6  }
.LBB2_17:
0x2c5: {  	[hbm4b:s18+s3] =	stream.linear.scatter [tilespmem:s17], [sflag:$0xA], $0x80, $0x38;
	[tilespmem:$0x1A800] =	vst v63  }
0x2c6: {  	s17 =	smov.u32 s2;
	s2 =	smov.u32 s14  }
0x2c7: {  	s29 =	sadd.s32 $0x1100, s14;
	s2 =	sshra.s32 s2, $0x2;
	s18 =	sadd.s32 $0x18600, s17  }
0x2c8: {  	[hbm4b:s6+s3] =	stream.linear.scatter [tilespmem:s18], [sflag:$0xA], $0x80, $0x38;
	[tilespmem:$0x1A800] =	vst v63  }
0x2c9: {  	p1 =	sne.s32 s14, $0x7700;
	s14 =	sadd.s32 $0x18688, s17;
	s18 =	sadd.s32 $0x10, s6  }
0x2ca: {  	[hbm4b:s18+s3] =	stream.linear.scatter [tilespmem:s14], [sflag:$0xA], $0x80, $0x38;
	[tilespmem:$0x1A800] =	vst v63  }
0x2cb: {  	s14 =	sadd.s32 $0x18710, s17;
	s18 =	sadd.s32 $0x20, s6  }
0x2cc: {  	[hbm4b:s18+s3] =	stream.linear.scatter [tilespmem:s14], [sflag:$0xA], $0x80, $0x38;
	[tilespmem:$0x1A800] =	vst v63  }
0x2cd: {  	s14 =	sadd.s32 $0x18798, s17;
	s18 =	sadd.s32 $0x30, s6  }
0x2ce: {  	[hbm4b:s18+s3] =	stream.linear.scatter [tilespmem:s14], [sflag:$0xA], $0x80, $0x38;
	[tilespmem:$0x1A800] =	vst v63  }
0x2cf: {  	s14 =	sadd.s32 $0x18820, s17;
	s18 =	sadd.s32 $0x40, s6  }
0x2d0: {  	[hbm4b:s18+s3] =	stream.linear.scatter [tilespmem:s14], [sflag:$0xA], $0x80, $0x38;
	[tilespmem:$0x1A800] =	vst v63  }
.Ltmp7:
0x2d1: {  	s14 =	sadd.s32 $0x188A8, s17;
	s18 =	sadd.s32 $0x50, s6;
	(pc) =	sbr.rel @p1 .LBB2_17-.Ltmp7, $4  }
0x2d2: {  	[hbm4b:s18+s3] =	stream.linear.scatter [tilespmem:s14], [sflag:$0xA], $0x80, $0x38;
	[tilespmem:$0x1A800] =	vst v63  }
0x2d3: {  	s14 =	sadd.s32 $0x18930, s17;
	s18 =	sadd.s32 $0x60, s6;
	s17 =	sadd.s32 $0x189B8, s17  }
0x2d4: {  	[hbm4b:s18+s3] =	stream.linear.scatter [tilespmem:s14], [sflag:$0xA], $0x80, $0x38;
	[tilespmem:$0x1A800] =	vst v63  }
0x2d5: {  	s18 =	sadd.s32 $0x70, s6;
	s6 =	sadd.s32 $0x1000, s6;
	s14 =	smov.u32 s29  }
0x2d6: {  	[hbm4b:s18+s3] =	stream.linear.scatter [tilespmem:s17], [sflag:$0xA], $0x80, $0x38;
	[tilespmem:$0x1A800] =	vst v63  }
0x2d7: {  	s14 =	sadd.s32 $0x18600, s2  }
0x2d8: {  	[hbm4b:s6+s3] =	stream.linear.scatter [tilespmem:s14], [sflag:$0xA], $0x80, $0x38;
	[tilespmem:$0x1A800] =	vst v63  }
0x2d9: {  	s18 =	sadd.s32 $0x18688, s2;
	s29 =	sadd.s32 $0x10, s6  }
0x2da: {  	[hbm4b:s29+s3] =	stream.linear.scatter [tilespmem:s18], [sflag:$0xA], $0x80, $0x38;
	[tilespmem:$0x1A800] =	vst v63  }
0x2db: {  	s18 =	sadd.s32 $0x18710, s2;
	s29 =	sadd.s32 $0x20, s6  }
0x2dc: {  	[hbm4b:s29+s3] =	stream.linear.scatter [tilespmem:s18], [sflag:$0xA], $0x80, $0x38;
	[tilespmem:$0x1A800] =	vst v63  }
0x2dd: {  	s18 =	sadd.s32 $0x18798, s2;
	s29 =	sadd.s32 $0x30, s6  }
0x2de: {  	[hbm4b:s29+s3] =	stream.linear.scatter [tilespmem:s18], [sflag:$0xA], $0x80, $0x38;
	[tilespmem:$0x1A800] =	vst v63  }
0x2df: {  	s18 =	sadd.s32 $0x18820, s2;
	s29 =	sadd.s32 $0x40, s6  }
0x2e0: {  	[hbm4b:s29+s3] =	stream.linear.scatter [tilespmem:s18], [sflag:$0xA], $0x80, $0x38;
	[tilespmem:$0x1A800] =	vst v63  }
0x2e1: {  	s18 =	sadd.s32 $0x188A8, s2;
	s29 =	sadd.s32 $0x50, s6  }
0x2e2: {  	[hbm4b:s29+s3] =	stream.linear.scatter [tilespmem:s18], [sflag:$0xA], $0x80, $0x38;
	[tilespmem:$0x1A800] =	vst v63  }
0x2e3: {  	s18 =	sadd.s32 $0x18930, s2;
	s29 =	sadd.s32 $0x60, s6  }
0x2e4: {  	[hbm4b:s29+s3] =	stream.linear.scatter [tilespmem:s18], [sflag:$0xA], $0x80, $0x38;
	[tilespmem:$0x1A800] =	vst v63  }
0x2e5: {  	s18 =	sadd.s32 $0x189B8, s2;
	s29 =	sadd.s32 $0x70, s6  }
0x2e6: {  	[hbm4b:s29+s3] =	stream.linear.scatter [tilespmem:s18], [sflag:$0xA], $0x80, $0x38;
	[tilespmem:$0x1A800] =	vst v63  }
0x2e7: {  	_ =	swait.ge [sflag:s24], $0x2000  }
0x2e8: {  	[sflag:s24] =	ssyncset.done $0x0  }
0x2e9: {  	[sflag:s24] =	ssyncadd.s32 $0xFFFFE000  }
0x2ea: {  	s6 =	simm.s32 $0x0;
	_ =	swait.ge [sflag:s21], $0x2000  }
0x2eb: {  	v4 =	vmov s6;
	[sflag:s21] =	ssyncset.done $0x0  }
0x2ec: {  	s14 =	simm.s32 $0x0;
	v4 =	vand.u32 $0x7C, v4;
	[sflag:s21] =	ssyncadd.s32 $0xFFFFE000  }
0x2ed: {  	v6 =	vadd.s32 v0, v4;
	v5 =	vld [tilespmem:s14+$0xE400];
	_ =	sdelay $0x4  }
0x2ee: {  	[tilespmem:v6+s16+$0x0] =	vst.idx.msk $0xffff, v5  }
0x2ef: {  	v6 =	vadd.s32 v1, v4;
	v5 =	vld [tilespmem:s14+$0xE410];
	_ =	sdelay $0x4  }
0x2f0: {  	[tilespmem:v6+s16+$0x0] =	vst.idx.msk $0xffff, v5  }
0x2f1: {  	v6 =	vadd.s32 v2, v4;
	v5 =	vld [tilespmem:s14+$0xE420];
	_ =	sdelay $0x4  }
0x2f2: {  	[tilespmem:v6+s16+$0x0] =	vst.idx.msk $0xffff, v5  }
0x2f3: {  	v4 =	vadd.s32 v3, v4;
	v5 =	vld [tilespmem:s14+$0xE430];
	_ =	sdelay $0x2  }
0x2f4: {  	s17 =	simm.s32 $0x1  }
0x2f5: {  	v6 =	vmov s17  }
0x2f6: {  	[tilespmem:v4+s16+$0x0] =	vst.idx.msk $0xffff, v5;
	v4 =	vand.u32 $0x7D, v6  }
0x2f7: {  	v5 =	vld [tilespmem:s14+$0xE440];
	v6 =	vadd.s32 v0, v4;
	_ =	sdelay $0x4  }
0x2f8: {  	[tilespmem:v6+s16+$0x0] =	vst.idx.msk $0xffff, v5  }
0x2f9: {  	v6 =	vadd.s32 v1, v4;
	v5 =	vld [tilespmem:s14+$0xE450];
	_ =	sdelay $0x4  }
0x2fa: {  	[tilespmem:v6+s16+$0x0] =	vst.idx.msk $0xffff, v5  }
0x2fb: {  	v6 =	vadd.s32 v2, v4;
	v5 =	vld [tilespmem:s14+$0xE460];
	_ =	sdelay $0x4  }
0x2fc: {  	[tilespmem:v6+s16+$0x0] =	vst.idx.msk $0xffff, v5  }
0x2fd: {  	v4 =	vadd.s32 v3, v4;
	v5 =	vld [tilespmem:s14+$0xE470];
	_ =	sdelay $0x2  }
0x2fe: {  	s18 =	simm.s32 $0x2  }
0x2ff: {  	v6 =	vmov s18  }
0x300: {  	[tilespmem:v4+s16+$0x0] =	vst.idx.msk $0xffff, v5;
	v4 =	vand.u32 $0x7E, v6  }
0x301: {  	v5 =	vld [tilespmem:s14+$0xE480];
	v6 =	vadd.s32 v0, v4;
	_ =	sdelay $0x4  }
0x302: {  	[tilespmem:v6+s16+$0x0] =	vst.idx.msk $0xffff, v5  }
0x303: {  	v6 =	vadd.s32 v1, v4;
	v5 =	vld [tilespmem:s14+$0xE490];
	_ =	sdelay $0x4  }
0x304: {  	[tilespmem:v6+s16+$0x0] =	vst.idx.msk $0xffff, v5  }
0x305: {  	v6 =	vadd.s32 v2, v4;
	v5 =	vld [tilespmem:s14+$0xE4A0];
	_ =	sdelay $0x4  }
0x306: {  	[tilespmem:v6+s16+$0x0] =	vst.idx.msk $0xffff, v5  }
0x307: {  	v4 =	vadd.s32 v3, v4;
	v5 =	vld [tilespmem:s14+$0xE4B0];
	_ =	sdelay $0x2  }
0x308: {  	s29 =	simm.s32 $0x3  }
0x309: {  	v6 =	vmov s29  }
0x30a: {  	[tilespmem:v4+s16+$0x0] =	vst.idx.msk $0xffff, v5;
	v5 =	vand.u32 $0x7F, v6  }
0x30b: {  	v4 =	vld [tilespmem:s14+$0xE4C0];
	v6 =	vadd.s32 v0, v5;
	_ =	sdelay $0x4  }
0x30c: {  	[tilespmem:v6+s16+$0x0] =	vst.idx.msk $0xffff, v4  }
0x30d: {  	v6 =	vadd.s32 v1, v5;
	v4 =	vld [tilespmem:s14+$0xE4D0];
	_ =	sdelay $0x4  }
0x30e: {  	[tilespmem:v6+s16+$0x0] =	vst.idx.msk $0xffff, v4  }
0x30f: {  	v6 =	vadd.s32 v2, v5;
	v4 =	vld [tilespmem:s14+$0xE4E0];
	_ =	sdelay $0x4  }
0x310: {  	[tilespmem:v6+s16+$0x0] =	vst.idx.msk $0xffff, v4  }
0x311: {  	v5 =	vadd.s32 v3, v5;
	v4 =	vld [tilespmem:s14+$0xE4F0];
	_ =	sdelay $0x1  }
0x312: {  	s2 =	simm.s32 $0x7  }
0x313: {  	s6 =	simm.s32 $0x400;
	s17 =	simm.s32 $0x4;
	s14 =	simm.s32 $0x800  }
.LBB2_19:
0x314: {  	p1 =	sne.s32 s14, $0x7C00;
	v6 =	vmov s17  }
0x315: {  	s17 =	sshra.s32 s6, $0x2;
	s6 =	smov.u32 s14;
	v6 =	vand.u32 $0x7C, v6;
	[tilespmem:v5+s16+$0x0] =	vst.idx.msk $0xffff, v4  }
0x316: {  	v4 =	vld [tilespmem:s17+$0xE400];
	v5 =	vadd.s32 v0, v6;
	_ =	sdelay $0x4  }
0x317: {  	[tilespmem:v5+s16+$0x0] =	vst.idx.msk $0xffff, v4  }
0x318: {  	v5 =	vadd.s32 v1, v6;
	v4 =	vld [tilespmem:s17+$0xE410];
	_ =	sdelay $0x4  }
0x319: {  	[tilespmem:v5+s16+$0x0] =	vst.idx.msk $0xffff, v4  }
0x31a: {  	v5 =	vadd.s32 v2, v6;
	v4 =	vld [tilespmem:s17+$0xE420];
	_ =	sdelay $0x4  }
0x31b: {  	[tilespmem:v5+s16+$0x0] =	vst.idx.msk $0xffff, v4  }
0x31c: {  	v5 =	vadd.s32 v3, v6;
	v4 =	vld [tilespmem:s17+$0xE430];
	_ =	sdelay $0x2  }
0x31d: {  	s18 =	sadd.s32 $0xFFFFFFFE, s2  }
0x31e: {  	v6 =	vmov s18  }
0x31f: {  	[tilespmem:v5+s16+$0x0] =	vst.idx.msk $0xffff, v4;
	v4 =	vand.u32 $0x7D, v6  }
0x320: {  	v5 =	vld [tilespmem:s17+$0xE440];
	v6 =	vadd.s32 v0, v4;
	_ =	sdelay $0x4  }
0x321: {  	[tilespmem:v6+s16+$0x0] =	vst.idx.msk $0xffff, v5  }
0x322: {  	v6 =	vadd.s32 v1, v4;
	v5 =	vld [tilespmem:s17+$0xE450];
	_ =	sdelay $0x4  }
0x323: {  	[tilespmem:v6+s16+$0x0] =	vst.idx.msk $0xffff, v5  }
0x324: {  	v6 =	vadd.s32 v2, v4;
	v5 =	vld [tilespmem:s17+$0xE460];
	_ =	sdelay $0x4  }
0x325: {  	[tilespmem:v6+s16+$0x0] =	vst.idx.msk $0xffff, v5  }
0x326: {  	v4 =	vadd.s32 v3, v4;
	v5 =	vld [tilespmem:s17+$0xE470];
	_ =	sdelay $0x2  }
0x327: {  	s18 =	sadd.s32 $0xFFFFFFFF, s2  }
0x328: {  	v6 =	vmov s18  }
0x329: {  	[tilespmem:v4+s16+$0x0] =	vst.idx.msk $0xffff, v5;
	v4 =	vand.u32 $0x7E, v6  }
0x32a: {  	v5 =	vld [tilespmem:s17+$0xE480];
	v6 =	vadd.s32 v0, v4;
	_ =	sdelay $0x4  }
0x32b: {  	[tilespmem:v6+s16+$0x0] =	vst.idx.msk $0xffff, v5  }
0x32c: {  	v6 =	vadd.s32 v1, v4;
	v5 =	vld [tilespmem:s17+$0xE490];
	_ =	sdelay $0x4  }
0x32d: {  	[tilespmem:v6+s16+$0x0] =	vst.idx.msk $0xffff, v5  }
0x32e: {  	v6 =	vadd.s32 v2, v4;
	v5 =	vld [tilespmem:s17+$0xE4A0];
	_ =	sdelay $0x4  }
0x32f: {  	[tilespmem:v6+s16+$0x0] =	vst.idx.msk $0xffff, v5  }
0x330: {  	v4 =	vadd.s32 v3, v4;
	v5 =	vld [tilespmem:s17+$0xE4B0];
	_ =	sdelay $0x3  }
0x331: {  	v6 =	vmov s2  }
0x332: {  	[tilespmem:v4+s16+$0x0] =	vst.idx.msk $0xffff, v5;
	v5 =	vand.u32 $0x7F, v6  }
0x333: {  	v4 =	vld [tilespmem:s17+$0xE4C0];
	v6 =	vadd.s32 v0, v5;
	_ =	sdelay $0x4  }
0x334: {  	[tilespmem:v6+s16+$0x0] =	vst.idx.msk $0xffff, v4  }
0x335: {  	v6 =	vadd.s32 v1, v5;
	v4 =	vld [tilespmem:s17+$0xE4D0];
	_ =	sdelay $0x4  }
0x336: {  	[tilespmem:v6+s16+$0x0] =	vst.idx.msk $0xffff, v4  }
0x337: {  	v6 =	vadd.s32 v2, v5;
	v4 =	vld [tilespmem:s17+$0xE4E0];
	_ =	sdelay $0x4  }
.Ltmp8:
0x338: {  	[tilespmem:v6+s16+$0x0] =	vst.idx.msk $0xffff, v4;
	(pc) =	sbr.rel @p1 .LBB2_19-.Ltmp8, $3  }
0x339: {  	v5 =	vadd.s32 v3, v5;
	v4 =	vld [tilespmem:s17+$0xE4F0];
	_ =	sdelay $0x1  }
0x33a: {  	s2 =	sadd.s32 $0x4, s2  }
0x33b: {  	s14 =	sadd.s32 $0x400, s14;
	s17 =	sadd.s32 $0xFFFFFFFD, s2  }
0x33c: {  	_ =	sdelay $0x2  }
0x33d: {  	v6 =	vmov s17  }
0x33e: {  	s6 =	sshra.s32 s6, $0x2;
	v6 =	vand.u32 $0x7C, v6;
	[tilespmem:v5+s16+$0x0] =	vst.idx.msk $0xffff, v4  }
0x33f: {  	v4 =	vld [tilespmem:s6+$0xE400];
	v5 =	vadd.s32 v0, v6;
	_ =	sdelay $0x4  }
0x340: {  	[tilespmem:v5+s16+$0x0] =	vst.idx.msk $0xffff, v4  }
0x341: {  	v5 =	vadd.s32 v1, v6;
	v4 =	vld [tilespmem:s6+$0xE410];
	_ =	sdelay $0x4  }
0x342: {  	[tilespmem:v5+s16+$0x0] =	vst.idx.msk $0xffff, v4  }
0x343: {  	v5 =	vadd.s32 v2, v6;
	v4 =	vld [tilespmem:s6+$0xE420];
	_ =	sdelay $0x4  }
0x344: {  	[tilespmem:v5+s16+$0x0] =	vst.idx.msk $0xffff, v4  }
0x345: {  	v5 =	vadd.s32 v3, v6;
	v4 =	vld [tilespmem:s6+$0xE430];
	_ =	sdelay $0x2  }
0x346: {  	s14 =	sadd.s32 $0xFFFFFFFE, s2  }
0x347: {  	v55 =	vmov s14  }
0x348: {  	[tilespmem:v5+s16+$0x0] =	vst.idx.msk $0xffff, v4;
	v4 =	vand.u32 $0x7D, v55  }
0x349: {  	v5 =	vld [tilespmem:s6+$0xE440];
	v6 =	vadd.s32 v0, v4;
	_ =	sdelay $0x4  }
0x34a: {  	[tilespmem:v6+s16+$0x0] =	vst.idx.msk $0xffff, v5  }
0x34b: {  	v56 =	vadd.s32 v1, v4;
	v5 =	vld [tilespmem:s6+$0xE450];
	_ =	sdelay $0x4  }
0x34c: {  	[tilespmem:v56+s16+$0x0] =	vst.idx.msk $0xffff, v5  }
0x34d: {  	v57 =	vadd.s32 v2, v4;
	v5 =	vld [tilespmem:s6+$0xE460];
	_ =	sdelay $0x4  }
0x34e: {  	[tilespmem:v57+s16+$0x0] =	vst.idx.msk $0xffff, v5  }
0x34f: {  	v4 =	vadd.s32 v3, v4;
	v5 =	vld [tilespmem:s6+$0xE470];
	_ =	sdelay $0x2  }
0x350: {  	s18 =	sadd.s32 $0xFFFFFFFF, s2  }
0x351: {  	v58 =	vmov s18  }
0x352: {  	[tilespmem:v4+s16+$0x0] =	vst.idx.msk $0xffff, v5;
	v4 =	vand.u32 $0x7E, v58  }
0x353: {  	v5 =	vld [tilespmem:s6+$0xE480];
	v6 =	vadd.s32 v0, v4;
	_ =	sdelay $0x4  }
0x354: {  	[tilespmem:v6+s16+$0x0] =	vst.idx.msk $0xffff, v5  }
0x355: {  	v59 =	vadd.s32 v1, v4;
	v5 =	vld [tilespmem:s6+$0xE490];
	_ =	sdelay $0x4  }
0x356: {  	[tilespmem:v59+s16+$0x0] =	vst.idx.msk $0xffff, v5  }
0x357: {  	v60 =	vadd.s32 v2, v4;
	v5 =	vld [tilespmem:s6+$0xE4A0];
	_ =	sdelay $0x4  }
0x358: {  	[tilespmem:v60+s16+$0x0] =	vst.idx.msk $0xffff, v5  }
0x359: {  	v4 =	vadd.s32 v3, v4;
	v5 =	vld [tilespmem:s6+$0xE4B0];
	_ =	sdelay $0x3  }
0x35a: {  	v61 =	vmov s2  }
0x35b: {  	[tilespmem:v4+s16+$0x0] =	vst.idx.msk $0xffff, v5;
	v4 =	vand.u32 $0x7F, v61  }
0x35c: {  	v5 =	vld [tilespmem:s6+$0xE4C0];
	v6 =	vadd.s32 v0, v4;
	_ =	sdelay $0x4  }
0x35d: {  	[tilespmem:v6+s16+$0x0] =	vst.idx.msk $0xffff, v5  }
0x35e: {  	v62 =	vadd.s32 v1, v4;
	v5 =	vld [tilespmem:s6+$0xE4D0];
	_ =	sdelay $0x4  }
0x35f: {  	[tilespmem:v62+s16+$0x0] =	vst.idx.msk $0xffff, v5  }
0x360: {  	v63 =	vadd.s32 v2, v4;
	v5 =	vld [tilespmem:s6+$0xE4E0];
	_ =	sdelay $0x4  }
0x361: {  	[tilespmem:v63+s16+$0x0] =	vst.idx.msk $0xffff, v5  }
0x362: {  	v4 =	vadd.s32 v3, v4;
	v5 =	vld [tilespmem:s6+$0xE4F0];
	_ =	sdelay $0x4  }
0x363: {  	s2 =	sadd.s32 @!p0 $0x600, s31;
	s14 =	simm.s32 @!p0 $0xE400;
	s6 =	simm.s32 @!p0 $0x80;
	[tilespmem:v4+s16+$0x0] =	vst.idx.msk $0xffff, v5  }
0x364: {  	[tilespmem:s14], [sflag:$0x5] =	stream.indirect.gather @!p0 [hbm4b:s5+s6], $0x40, s2, s6, $0xb8;
	[tilespmem:$0x1A800] =	vst v63  }
0x365: {  	s29 =	simm.s32 $0x16400;
	s6 =	sadd.s32 s0, s10  }
0x366: {  	[hbm4b:s6+s3] =	stream.linear.scatter [tilespmem:s29], [sflag:$0x9], $0x80, $0x38;
	[tilespmem:$0x1A800] =	vst v63  }
0x367: {  	s14 =	simm.s32 $0x16488;
	s17 =	sadd.s32 $0x10, s6  }
0x368: {  	[hbm4b:s17+s3] =	stream.linear.scatter [tilespmem:s14], [sflag:$0x9], $0x80, $0x38;
	[tilespmem:$0x1A800] =	vst v63  }
0x369: {  	s18 =	simm.s32 $0x16510;
	s29 =	sadd.s32 $0x20, s6  }
0x36a: {  	[hbm4b:s29+s3] =	stream.linear.scatter [tilespmem:s18], [sflag:$0x9], $0x80, $0x38;
	[tilespmem:$0x1A800] =	vst v63  }
0x36b: {  	s14 =	simm.s32 $0x16598;
	s17 =	sadd.s32 $0x30, s6  }
0x36c: {  	[hbm4b:s17+s3] =	stream.linear.scatter [tilespmem:s14], [sflag:$0x9], $0x80, $0x38;
	[tilespmem:$0x1A800] =	vst v63  }
0x36d: {  	s18 =	simm.s32 $0x16620;
	s29 =	sadd.s32 $0x40, s6  }
0x36e: {  	[hbm4b:s29+s3] =	stream.linear.scatter [tilespmem:s18], [sflag:$0x9], $0x80, $0x38;
	[tilespmem:$0x1A800] =	vst v63  }
0x36f: {  	s2 =	simm.s32 $0x440;
	s14 =	simm.s32 $0x166A8;
	s17 =	sadd.s32 $0x50, s6  }
0x370: {  	[hbm4b:s17+s3] =	stream.linear.scatter [tilespmem:s14], [sflag:$0x9], $0x80, $0x38;
	[tilespmem:$0x1A800] =	vst v63  }
0x371: {  	s18 =	simm.s32 $0x16730;
	s29 =	sadd.s32 $0x60, s6;
	s14 =	simm.s32 $0x2200  }
0x372: {  	[hbm4b:s29+s3] =	stream.linear.scatter [tilespmem:s18], [sflag:$0x9], $0x80, $0x38;
	[tilespmem:$0x1A800] =	vst v63  }
0x373: {  	s17 =	simm.s32 $0x167B8;
	s18 =	sadd.s32 $0x70, s6;
	s6 =	sadd.s32 $0x1000, s6  }
.LBB2_21:
0x374: {  	[hbm4b:s18+s3] =	stream.linear.scatter [tilespmem:s17], [sflag:$0x9], $0x80, $0x38;
	[tilespmem:$0x1A800] =	vst v63  }
0x375: {  	s17 =	smov.u32 s2;
	s2 =	smov.u32 s14  }
0x376: {  	s29 =	sadd.s32 $0x1100, s14;
	s2 =	sshra.s32 s2, $0x2;
	s18 =	sadd.s32 $0x16400, s17  }
0x377: {  	[hbm4b:s6+s3] =	stream.linear.scatter [tilespmem:s18], [sflag:$0x9], $0x80, $0x38;
	[tilespmem:$0x1A800] =	vst v63  }
0x378: {  	p1 =	sne.s32 s14, $0x7700;
	s14 =	sadd.s32 $0x16488, s17;
	s18 =	sadd.s32 $0x10, s6  }
0x379: {  	[hbm4b:s18+s3] =	stream.linear.scatter [tilespmem:s14], [sflag:$0x9], $0x80, $0x38;
	[tilespmem:$0x1A800] =	vst v63  }
0x37a: {  	s14 =	sadd.s32 $0x16510, s17;
	s18 =	sadd.s32 $0x20, s6  }
0x37b: {  	[hbm4b:s18+s3] =	stream.linear.scatter [tilespmem:s14], [sflag:$0x9], $0x80, $0x38;
	[tilespmem:$0x1A800] =	vst v63  }
0x37c: {  	s14 =	sadd.s32 $0x16598, s17;
	s18 =	sadd.s32 $0x30, s6  }
0x37d: {  	[hbm4b:s18+s3] =	stream.linear.scatter [tilespmem:s14], [sflag:$0x9], $0x80, $0x38;
	[tilespmem:$0x1A800] =	vst v63  }
0x37e: {  	s14 =	sadd.s32 $0x16620, s17;
	s18 =	sadd.s32 $0x40, s6  }
0x37f: {  	[hbm4b:s18+s3] =	stream.linear.scatter [tilespmem:s14], [sflag:$0x9], $0x80, $0x38;
	[tilespmem:$0x1A800] =	vst v63  }
.Ltmp9:
0x380: {  	s14 =	sadd.s32 $0x166A8, s17;
	s18 =	sadd.s32 $0x50, s6;
	(pc) =	sbr.rel @p1 .LBB2_21-.Ltmp9, $4  }
0x381: {  	[hbm4b:s18+s3] =	stream.linear.scatter [tilespmem:s14], [sflag:$0x9], $0x80, $0x38;
	[tilespmem:$0x1A800] =	vst v63  }
0x382: {  	s14 =	sadd.s32 $0x16730, s17;
	s18 =	sadd.s32 $0x60, s6;
	s17 =	sadd.s32 $0x167B8, s17  }
0x383: {  	[hbm4b:s18+s3] =	stream.linear.scatter [tilespmem:s14], [sflag:$0x9], $0x80, $0x38;
	[tilespmem:$0x1A800] =	vst v63  }
0x384: {  	s18 =	sadd.s32 $0x70, s6;
	s6 =	sadd.s32 $0x1000, s6;
	s14 =	smov.u32 s29  }
0x385: {  	[hbm4b:s18+s3] =	stream.linear.scatter [tilespmem:s17], [sflag:$0x9], $0x80, $0x38;
	[tilespmem:$0x1A800] =	vst v63  }
0x386: {  	s14 =	sadd.s32 $0x16400, s2  }
0x387: {  	[hbm4b:s6+s3] =	stream.linear.scatter [tilespmem:s14], [sflag:$0x9], $0x80, $0x38;
	[tilespmem:$0x1A800] =	vst v63  }
0x388: {  	s18 =	sadd.s32 $0x16488, s2;
	s29 =	sadd.s32 $0x10, s6  }
0x389: {  	[hbm4b:s29+s3] =	stream.linear.scatter [tilespmem:s18], [sflag:$0x9], $0x80, $0x38;
	[tilespmem:$0x1A800] =	vst v63  }
0x38a: {  	s18 =	sadd.s32 $0x16510, s2;
	s29 =	sadd.s32 $0x20, s6  }
0x38b: {  	[hbm4b:s29+s3] =	stream.linear.scatter [tilespmem:s18], [sflag:$0x9], $0x80, $0x38;
	[tilespmem:$0x1A800] =	vst v63  }
0x38c: {  	s18 =	sadd.s32 $0x16598, s2;
	s29 =	sadd.s32 $0x30, s6  }
0x38d: {  	[hbm4b:s29+s3] =	stream.linear.scatter [tilespmem:s18], [sflag:$0x9], $0x80, $0x38;
	[tilespmem:$0x1A800] =	vst v63  }
0x38e: {  	s18 =	sadd.s32 $0x16620, s2;
	s29 =	sadd.s32 $0x40, s6  }
0x38f: {  	[hbm4b:s29+s3] =	stream.linear.scatter [tilespmem:s18], [sflag:$0x9], $0x80, $0x38;
	[tilespmem:$0x1A800] =	vst v63  }
0x390: {  	s18 =	sadd.s32 $0x166A8, s2;
	s29 =	sadd.s32 $0x50, s6  }
0x391: {  	[hbm4b:s29+s3] =	stream.linear.scatter [tilespmem:s18], [sflag:$0x9], $0x80, $0x38;
	[tilespmem:$0x1A800] =	vst v63  }
0x392: {  	s18 =	sadd.s32 $0x16730, s2;
	s29 =	sadd.s32 $0x60, s6  }
0x393: {  	[hbm4b:s29+s3] =	stream.linear.scatter [tilespmem:s18], [sflag:$0x9], $0x80, $0x38;
	[tilespmem:$0x1A800] =	vst v63  }
0x394: {  	s18 =	sadd.s32 $0x167B8, s2;
	s29 =	sadd.s32 $0x70, s6  }
0x395: {  	[hbm4b:s29+s3] =	stream.linear.scatter [tilespmem:s18], [sflag:$0x9], $0x80, $0x38;
	[tilespmem:$0x1A800] =	vst v63  }
0x396: {  	_ =	swait.ge [sflag:s25], $0x2000  }
0x397: {  	[sflag:s25] =	ssyncset.done $0x0  }
0x398: {  	[sflag:s25] =	ssyncadd.s32 $0xFFFFE000  }
0x399: {  	s6 =	simm.s32 $0x0;
	_ =	swait.ge [sflag:s23], $0x2000  }
0x39a: {  	v4 =	vmov s6;
	[sflag:s23] =	ssyncset.done $0x0  }
0x39b: {  	s14 =	simm.s32 $0x0;
	v4 =	vand.u32 $0x7C, v4;
	[sflag:s23] =	ssyncadd.s32 $0xFFFFE000  }
0x39c: {  	v6 =	vadd.s32 v0, v4;
	v5 =	vld [tilespmem:s14+$0x10400];
	_ =	sdelay $0x4  }
0x39d: {  	[tilespmem:v6+s20+$0x0] =	vst.idx.msk $0xffff, v5  }
0x39e: {  	v6 =	vadd.s32 v1, v4;
	v5 =	vld [tilespmem:s14+$0x10410];
	_ =	sdelay $0x4  }
0x39f: {  	[tilespmem:v6+s20+$0x0] =	vst.idx.msk $0xffff, v5  }
0x3a0: {  	v6 =	vadd.s32 v2, v4;
	v5 =	vld [tilespmem:s14+$0x10420];
	_ =	sdelay $0x4  }
0x3a1: {  	[tilespmem:v6+s20+$0x0] =	vst.idx.msk $0xffff, v5  }
0x3a2: {  	v4 =	vadd.s32 v3, v4;
	v5 =	vld [tilespmem:s14+$0x10430];
	_ =	sdelay $0x2  }
0x3a3: {  	s17 =	simm.s32 $0x1  }
0x3a4: {  	v6 =	vmov s17  }
0x3a5: {  	[tilespmem:v4+s20+$0x0] =	vst.idx.msk $0xffff, v5;
	v4 =	vand.u32 $0x7D, v6  }
0x3a6: {  	v5 =	vld [tilespmem:s14+$0x10440];
	v6 =	vadd.s32 v0, v4;
	_ =	sdelay $0x4  }
0x3a7: {  	[tilespmem:v6+s20+$0x0] =	vst.idx.msk $0xffff, v5  }
0x3a8: {  	v6 =	vadd.s32 v1, v4;
	v5 =	vld [tilespmem:s14+$0x10450];
	_ =	sdelay $0x4  }
0x3a9: {  	[tilespmem:v6+s20+$0x0] =	vst.idx.msk $0xffff, v5  }
0x3aa: {  	v6 =	vadd.s32 v2, v4;
	v5 =	vld [tilespmem:s14+$0x10460];
	_ =	sdelay $0x4  }
0x3ab: {  	[tilespmem:v6+s20+$0x0] =	vst.idx.msk $0xffff, v5  }
0x3ac: {  	v4 =	vadd.s32 v3, v4;
	v5 =	vld [tilespmem:s14+$0x10470];
	_ =	sdelay $0x2  }
0x3ad: {  	s18 =	simm.s32 $0x2  }
0x3ae: {  	v6 =	vmov s18  }
0x3af: {  	[tilespmem:v4+s20+$0x0] =	vst.idx.msk $0xffff, v5;
	v4 =	vand.u32 $0x7E, v6  }
0x3b0: {  	v5 =	vld [tilespmem:s14+$0x10480];
	v6 =	vadd.s32 v0, v4;
	_ =	sdelay $0x4  }
0x3b1: {  	[tilespmem:v6+s20+$0x0] =	vst.idx.msk $0xffff, v5  }
0x3b2: {  	v6 =	vadd.s32 v1, v4;
	v5 =	vld [tilespmem:s14+$0x10490];
	_ =	sdelay $0x4  }
0x3b3: {  	[tilespmem:v6+s20+$0x0] =	vst.idx.msk $0xffff, v5  }
0x3b4: {  	v6 =	vadd.s32 v2, v4;
	v5 =	vld [tilespmem:s14+$0x104A0];
	_ =	sdelay $0x4  }
0x3b5: {  	[tilespmem:v6+s20+$0x0] =	vst.idx.msk $0xffff, v5  }
0x3b6: {  	v4 =	vadd.s32 v3, v4;
	v5 =	vld [tilespmem:s14+$0x104B0];
	_ =	sdelay $0x2  }
0x3b7: {  	s29 =	simm.s32 $0x3  }
0x3b8: {  	v6 =	vmov s29  }
0x3b9: {  	[tilespmem:v4+s20+$0x0] =	vst.idx.msk $0xffff, v5;
	v5 =	vand.u32 $0x7F, v6  }
0x3ba: {  	v4 =	vld [tilespmem:s14+$0x104C0];
	v6 =	vadd.s32 v0, v5;
	_ =	sdelay $0x4  }
0x3bb: {  	[tilespmem:v6+s20+$0x0] =	vst.idx.msk $0xffff, v4  }
0x3bc: {  	v6 =	vadd.s32 v1, v5;
	v4 =	vld [tilespmem:s14+$0x104D0];
	_ =	sdelay $0x4  }
0x3bd: {  	[tilespmem:v6+s20+$0x0] =	vst.idx.msk $0xffff, v4  }
0x3be: {  	v6 =	vadd.s32 v2, v5;
	v4 =	vld [tilespmem:s14+$0x104E0];
	_ =	sdelay $0x4  }
0x3bf: {  	[tilespmem:v6+s20+$0x0] =	vst.idx.msk $0xffff, v4  }
0x3c0: {  	v5 =	vadd.s32 v3, v5;
	v4 =	vld [tilespmem:s14+$0x104F0];
	_ =	sdelay $0x1  }
0x3c1: {  	s2 =	simm.s32 $0x7  }
0x3c2: {  	s6 =	simm.s32 $0x400;
	s17 =	simm.s32 $0x4;
	s14 =	simm.s32 $0x800  }
.LBB2_23:
0x3c3: {  	p1 =	sne.s32 s14, $0x7C00;
	v6 =	vmov s17  }
0x3c4: {  	s17 =	sshra.s32 s6, $0x2;
	s6 =	smov.u32 s14;
	v6 =	vand.u32 $0x7C, v6;
	[tilespmem:v5+s20+$0x0] =	vst.idx.msk $0xffff, v4  }
0x3c5: {  	v4 =	vld [tilespmem:s17+$0x10400];
	v5 =	vadd.s32 v0, v6;
	_ =	sdelay $0x4  }
0x3c6: {  	[tilespmem:v5+s20+$0x0] =	vst.idx.msk $0xffff, v4  }
0x3c7: {  	v5 =	vadd.s32 v1, v6;
	v4 =	vld [tilespmem:s17+$0x10410];
	_ =	sdelay $0x4  }
0x3c8: {  	[tilespmem:v5+s20+$0x0] =	vst.idx.msk $0xffff, v4  }
0x3c9: {  	v5 =	vadd.s32 v2, v6;
	v4 =	vld [tilespmem:s17+$0x10420];
	_ =	sdelay $0x4  }
0x3ca: {  	[tilespmem:v5+s20+$0x0] =	vst.idx.msk $0xffff, v4  }
0x3cb: {  	v5 =	vadd.s32 v3, v6;
	v4 =	vld [tilespmem:s17+$0x10430];
	_ =	sdelay $0x2  }
0x3cc: {  	s18 =	sadd.s32 $0xFFFFFFFE, s2  }
0x3cd: {  	v6 =	vmov s18  }
0x3ce: {  	[tilespmem:v5+s20+$0x0] =	vst.idx.msk $0xffff, v4;
	v4 =	vand.u32 $0x7D, v6  }
0x3cf: {  	v5 =	vld [tilespmem:s17+$0x10440];
	v6 =	vadd.s32 v0, v4;
	_ =	sdelay $0x4  }
0x3d0: {  	[tilespmem:v6+s20+$0x0] =	vst.idx.msk $0xffff, v5  }
0x3d1: {  	v6 =	vadd.s32 v1, v4;
	v5 =	vld [tilespmem:s17+$0x10450];
	_ =	sdelay $0x4  }
0x3d2: {  	[tilespmem:v6+s20+$0x0] =	vst.idx.msk $0xffff, v5  }
0x3d3: {  	v6 =	vadd.s32 v2, v4;
	v5 =	vld [tilespmem:s17+$0x10460];
	_ =	sdelay $0x4  }
0x3d4: {  	[tilespmem:v6+s20+$0x0] =	vst.idx.msk $0xffff, v5  }
0x3d5: {  	v4 =	vadd.s32 v3, v4;
	v5 =	vld [tilespmem:s17+$0x10470];
	_ =	sdelay $0x2  }
0x3d6: {  	s18 =	sadd.s32 $0xFFFFFFFF, s2  }
0x3d7: {  	v6 =	vmov s18  }
0x3d8: {  	[tilespmem:v4+s20+$0x0] =	vst.idx.msk $0xffff, v5;
	v4 =	vand.u32 $0x7E, v6  }
0x3d9: {  	v5 =	vld [tilespmem:s17+$0x10480];
	v6 =	vadd.s32 v0, v4;
	_ =	sdelay $0x4  }
0x3da: {  	[tilespmem:v6+s20+$0x0] =	vst.idx.msk $0xffff, v5  }
0x3db: {  	v6 =	vadd.s32 v1, v4;
	v5 =	vld [tilespmem:s17+$0x10490];
	_ =	sdelay $0x4  }
0x3dc: {  	[tilespmem:v6+s20+$0x0] =	vst.idx.msk $0xffff, v5  }
0x3dd: {  	v6 =	vadd.s32 v2, v4;
	v5 =	vld [tilespmem:s17+$0x104A0];
	_ =	sdelay $0x4  }
0x3de: {  	[tilespmem:v6+s20+$0x0] =	vst.idx.msk $0xffff, v5  }
0x3df: {  	v4 =	vadd.s32 v3, v4;
	v5 =	vld [tilespmem:s17+$0x104B0];
	_ =	sdelay $0x3  }
0x3e0: {  	v6 =	vmov s2  }
0x3e1: {  	[tilespmem:v4+s20+$0x0] =	vst.idx.msk $0xffff, v5;
	v5 =	vand.u32 $0x7F, v6  }
0x3e2: {  	v4 =	vld [tilespmem:s17+$0x104C0];
	v6 =	vadd.s32 v0, v5;
	_ =	sdelay $0x4  }
0x3e3: {  	[tilespmem:v6+s20+$0x0] =	vst.idx.msk $0xffff, v4  }
0x3e4: {  	v6 =	vadd.s32 v1, v5;
	v4 =	vld [tilespmem:s17+$0x104D0];
	_ =	sdelay $0x4  }
0x3e5: {  	[tilespmem:v6+s20+$0x0] =	vst.idx.msk $0xffff, v4  }
0x3e6: {  	v6 =	vadd.s32 v2, v5;
	v4 =	vld [tilespmem:s17+$0x104E0];
	_ =	sdelay $0x4  }
.Ltmp10:
0x3e7: {  	[tilespmem:v6+s20+$0x0] =	vst.idx.msk $0xffff, v4;
	(pc) =	sbr.rel @p1 .LBB2_23-.Ltmp10, $3  }
0x3e8: {  	v5 =	vadd.s32 v3, v5;
	v4 =	vld [tilespmem:s17+$0x104F0];
	_ =	sdelay $0x1  }
0x3e9: {  	s2 =	sadd.s32 $0x4, s2  }
0x3ea: {  	s14 =	sadd.s32 $0x400, s14;
	s17 =	sadd.s32 $0xFFFFFFFD, s2  }
0x3eb: {  	_ =	sdelay $0x2  }
0x3ec: {  	v6 =	vmov s17  }
0x3ed: {  	s6 =	sshra.s32 s6, $0x2;
	v6 =	vand.u32 $0x7C, v6;
	[tilespmem:v5+s20+$0x0] =	vst.idx.msk $0xffff, v4  }
0x3ee: {  	v4 =	vld [tilespmem:s6+$0x10400];
	v5 =	vadd.s32 v0, v6;
	_ =	sdelay $0x4  }
0x3ef: {  	[tilespmem:v5+s20+$0x0] =	vst.idx.msk $0xffff, v4  }
0x3f0: {  	v5 =	vadd.s32 v1, v6;
	v4 =	vld [tilespmem:s6+$0x10410];
	_ =	sdelay $0x4  }
0x3f1: {  	[tilespmem:v5+s20+$0x0] =	vst.idx.msk $0xffff, v4  }
0x3f2: {  	v5 =	vadd.s32 v2, v6;
	v4 =	vld [tilespmem:s6+$0x10420];
	_ =	sdelay $0x4  }
0x3f3: {  	[tilespmem:v5+s20+$0x0] =	vst.idx.msk $0xffff, v4  }
0x3f4: {  	v5 =	vadd.s32 v3, v6;
	v4 =	vld [tilespmem:s6+$0x10430];
	_ =	sdelay $0x2  }
0x3f5: {  	s14 =	sadd.s32 $0xFFFFFFFE, s2  }
0x3f6: {  	v55 =	vmov s14  }
0x3f7: {  	[tilespmem:v5+s20+$0x0] =	vst.idx.msk $0xffff, v4;
	v4 =	vand.u32 $0x7D, v55  }
0x3f8: {  	v5 =	vld [tilespmem:s6+$0x10440];
	v6 =	vadd.s32 v0, v4;
	_ =	sdelay $0x4  }
0x3f9: {  	[tilespmem:v6+s20+$0x0] =	vst.idx.msk $0xffff, v5  }
0x3fa: {  	v56 =	vadd.s32 v1, v4;
	v5 =	vld [tilespmem:s6+$0x10450];
	_ =	sdelay $0x4  }
0x3fb: {  	[tilespmem:v56+s20+$0x0] =	vst.idx.msk $0xffff, v5  }
0x3fc: {  	v57 =	vadd.s32 v2, v4;
	v5 =	vld [tilespmem:s6+$0x10460];
	_ =	sdelay $0x4  }
0x3fd: {  	[tilespmem:v57+s20+$0x0] =	vst.idx.msk $0xffff, v5  }
0x3fe: {  	v4 =	vadd.s32 v3, v4;
	v5 =	vld [tilespmem:s6+$0x10470];
	_ =	sdelay $0x2  }
0x3ff: {  	s18 =	sadd.s32 $0xFFFFFFFF, s2  }
0x400: {  	v58 =	vmov s18  }
0x401: {  	[tilespmem:v4+s20+$0x0] =	vst.idx.msk $0xffff, v5;
	v4 =	vand.u32 $0x7E, v58  }
0x402: {  	v5 =	vld [tilespmem:s6+$0x10480];
	v6 =	vadd.s32 v0, v4;
	_ =	sdelay $0x4  }
0x403: {  	[tilespmem:v6+s20+$0x0] =	vst.idx.msk $0xffff, v5  }
0x404: {  	v59 =	vadd.s32 v1, v4;
	v5 =	vld [tilespmem:s6+$0x10490];
	_ =	sdelay $0x4  }
0x405: {  	[tilespmem:v59+s20+$0x0] =	vst.idx.msk $0xffff, v5  }
0x406: {  	v60 =	vadd.s32 v2, v4;
	v5 =	vld [tilespmem:s6+$0x104A0];
	_ =	sdelay $0x4  }
0x407: {  	[tilespmem:v60+s20+$0x0] =	vst.idx.msk $0xffff, v5  }
0x408: {  	v4 =	vadd.s32 v3, v4;
	v5 =	vld [tilespmem:s6+$0x104B0];
	_ =	sdelay $0x3  }
0x409: {  	v61 =	vmov s2  }
0x40a: {  	[tilespmem:v4+s20+$0x0] =	vst.idx.msk $0xffff, v5;
	v4 =	vand.u32 $0x7F, v61  }
0x40b: {  	v5 =	vld [tilespmem:s6+$0x104C0];
	v6 =	vadd.s32 v0, v4;
	_ =	sdelay $0x4  }
0x40c: {  	[tilespmem:v6+s20+$0x0] =	vst.idx.msk $0xffff, v5  }
0x40d: {  	v62 =	vadd.s32 v1, v4;
	v5 =	vld [tilespmem:s6+$0x104D0];
	_ =	sdelay $0x4  }
0x40e: {  	[tilespmem:v62+s20+$0x0] =	vst.idx.msk $0xffff, v5  }
0x40f: {  	v63 =	vadd.s32 v2, v4;
	v5 =	vld [tilespmem:s6+$0x104E0];
	_ =	sdelay $0x4  }
0x410: {  	[tilespmem:v63+s20+$0x0] =	vst.idx.msk $0xffff, v5  }
0x411: {  	v4 =	vadd.s32 v3, v4;
	v5 =	vld [tilespmem:s6+$0x104F0];
	_ =	sdelay $0x4  }
0x412: {  	s2 =	sadd.s32 @!p0 $0x680, s31;
	s14 =	simm.s32 @!p0 $0x10400;
	s6 =	simm.s32 @!p0 $0x80;
	[tilespmem:v4+s20+$0x0] =	vst.idx.msk $0xffff, v5  }
0x413: {  	[tilespmem:s14], [sflag:$0x6] =	stream.indirect.gather @!p0 [hbm4b:s5+s6], $0x40, s2, s6, $0xb8;
	[tilespmem:$0x1A800] =	vst v63  }
0x414: {  	s29 =	simm.s32 $0x18600;
	s6 =	sadd.s32 s0, s11  }
0x415: {  	[hbm4b:s6+s3] =	stream.linear.scatter [tilespmem:s29], [sflag:$0xA], $0x80, $0x38;
	[tilespmem:$0x1A800] =	vst v63  }
0x416: {  	s14 =	simm.s32 $0x18688;
	s17 =	sadd.s32 $0x10, s6  }
0x417: {  	[hbm4b:s17+s3] =	stream.linear.scatter [tilespmem:s14], [sflag:$0xA], $0x80, $0x38;
	[tilespmem:$0x1A800] =	vst v63  }
0x418: {  	s18 =	simm.s32 $0x18710;
	s29 =	sadd.s32 $0x20, s6  }
0x419: {  	[hbm4b:s29+s3] =	stream.linear.scatter [tilespmem:s18], [sflag:$0xA], $0x80, $0x38;
	[tilespmem:$0x1A800] =	vst v63  }
0x41a: {  	s14 =	simm.s32 $0x18798;
	s17 =	sadd.s32 $0x30, s6  }
0x41b: {  	[hbm4b:s17+s3] =	stream.linear.scatter [tilespmem:s14], [sflag:$0xA], $0x80, $0x38;
	[tilespmem:$0x1A800] =	vst v63  }
0x41c: {  	s18 =	simm.s32 $0x18820;
	s29 =	sadd.s32 $0x40, s6  }
0x41d: {  	[hbm4b:s29+s3] =	stream.linear.scatter [tilespmem:s18], [sflag:$0xA], $0x80, $0x38;
	[tilespmem:$0x1A800] =	vst v63  }
0x41e: {  	s2 =	simm.s32 $0x440;
	s14 =	simm.s32 $0x188A8;
	s17 =	sadd.s32 $0x50, s6  }
0x41f: {  	[hbm4b:s17+s3] =	stream.linear.scatter [tilespmem:s14], [sflag:$0xA], $0x80, $0x38;
	[tilespmem:$0x1A800] =	vst v63  }
0x420: {  	s18 =	simm.s32 $0x18930;
	s29 =	sadd.s32 $0x60, s6;
	s14 =	simm.s32 $0x2200  }
0x421: {  	[hbm4b:s29+s3] =	stream.linear.scatter [tilespmem:s18], [sflag:$0xA], $0x80, $0x38;
	[tilespmem:$0x1A800] =	vst v63  }
0x422: {  	s17 =	simm.s32 $0x189B8;
	s18 =	sadd.s32 $0x70, s6;
	s6 =	sadd.s32 $0x1000, s6  }
.LBB2_25:
0x423: {  	[hbm4b:s18+s3] =	stream.linear.scatter [tilespmem:s17], [sflag:$0xA], $0x80, $0x38;
	[tilespmem:$0x1A800] =	vst v63  }
0x424: {  	s17 =	smov.u32 s2;
	s2 =	smov.u32 s14  }
0x425: {  	s29 =	sadd.s32 $0x1100, s14;
	s2 =	sshra.s32 s2, $0x2;
	s18 =	sadd.s32 $0x18600, s17  }
0x426: {  	[hbm4b:s6+s3] =	stream.linear.scatter [tilespmem:s18], [sflag:$0xA], $0x80, $0x38;
	[tilespmem:$0x1A800] =	vst v63  }
0x427: {  	p1 =	sne.s32 s14, $0x7700;
	s14 =	sadd.s32 $0x18688, s17;
	s18 =	sadd.s32 $0x10, s6  }
0x428: {  	[hbm4b:s18+s3] =	stream.linear.scatter [tilespmem:s14], [sflag:$0xA], $0x80, $0x38;
	[tilespmem:$0x1A800] =	vst v63  }
0x429: {  	s14 =	sadd.s32 $0x18710, s17;
	s18 =	sadd.s32 $0x20, s6  }
0x42a: {  	[hbm4b:s18+s3] =	stream.linear.scatter [tilespmem:s14], [sflag:$0xA], $0x80, $0x38;
	[tilespmem:$0x1A800] =	vst v63  }
0x42b: {  	s14 =	sadd.s32 $0x18798, s17;
	s18 =	sadd.s32 $0x30, s6  }
0x42c: {  	[hbm4b:s18+s3] =	stream.linear.scatter [tilespmem:s14], [sflag:$0xA], $0x80, $0x38;
	[tilespmem:$0x1A800] =	vst v63  }
0x42d: {  	s14 =	sadd.s32 $0x18820, s17;
	s18 =	sadd.s32 $0x40, s6  }
0x42e: {  	[hbm4b:s18+s3] =	stream.linear.scatter [tilespmem:s14], [sflag:$0xA], $0x80, $0x38;
	[tilespmem:$0x1A800] =	vst v63  }
.Ltmp11:
0x42f: {  	s14 =	sadd.s32 $0x188A8, s17;
	s18 =	sadd.s32 $0x50, s6;
	(pc) =	sbr.rel @p1 .LBB2_25-.Ltmp11, $4  }
0x430: {  	[hbm4b:s18+s3] =	stream.linear.scatter [tilespmem:s14], [sflag:$0xA], $0x80, $0x38;
	[tilespmem:$0x1A800] =	vst v63  }
0x431: {  	s14 =	sadd.s32 $0x18930, s17;
	s18 =	sadd.s32 $0x60, s6;
	s17 =	sadd.s32 $0x189B8, s17  }
0x432: {  	[hbm4b:s18+s3] =	stream.linear.scatter [tilespmem:s14], [sflag:$0xA], $0x80, $0x38;
	[tilespmem:$0x1A800] =	vst v63  }
0x433: {  	s18 =	sadd.s32 $0x70, s6;
	s6 =	sadd.s32 $0x1000, s6;
	s14 =	smov.u32 s29  }
0x434: {  	[hbm4b:s18+s3] =	stream.linear.scatter [tilespmem:s17], [sflag:$0xA], $0x80, $0x38;
	[tilespmem:$0x1A800] =	vst v63  }
0x435: {  	s14 =	sadd.s32 $0x18600, s2  }
0x436: {  	[hbm4b:s6+s3] =	stream.linear.scatter [tilespmem:s14], [sflag:$0xA], $0x80, $0x38;
	[tilespmem:$0x1A800] =	vst v63  }
0x437: {  	s18 =	sadd.s32 $0x18688, s2;
	s29 =	sadd.s32 $0x10, s6  }
0x438: {  	[hbm4b:s29+s3] =	stream.linear.scatter [tilespmem:s18], [sflag:$0xA], $0x80, $0x38;
	[tilespmem:$0x1A800] =	vst v63  }
0x439: {  	s18 =	sadd.s32 $0x18710, s2;
	s29 =	sadd.s32 $0x20, s6  }
0x43a: {  	[hbm4b:s29+s3] =	stream.linear.scatter [tilespmem:s18], [sflag:$0xA], $0x80, $0x38;
	[tilespmem:$0x1A800] =	vst v63  }
0x43b: {  	s18 =	sadd.s32 $0x18798, s2;
	s29 =	sadd.s32 $0x30, s6  }
0x43c: {  	[hbm4b:s29+s3] =	stream.linear.scatter [tilespmem:s18], [sflag:$0xA], $0x80, $0x38;
	[tilespmem:$0x1A800] =	vst v63  }
0x43d: {  	s18 =	sadd.s32 $0x18820, s2;
	s29 =	sadd.s32 $0x40, s6  }
0x43e: {  	[hbm4b:s29+s3] =	stream.linear.scatter [tilespmem:s18], [sflag:$0xA], $0x80, $0x38;
	[tilespmem:$0x1A800] =	vst v63  }
0x43f: {  	s18 =	sadd.s32 $0x188A8, s2;
	s29 =	sadd.s32 $0x50, s6  }
0x440: {  	[hbm4b:s29+s3] =	stream.linear.scatter [tilespmem:s18], [sflag:$0xA], $0x80, $0x38;
	[tilespmem:$0x1A800] =	vst v63  }
0x441: {  	s18 =	sadd.s32 $0x18930, s2;
	s29 =	sadd.s32 $0x60, s6  }
0x442: {  	[hbm4b:s29+s3] =	stream.linear.scatter [tilespmem:s18], [sflag:$0xA], $0x80, $0x38;
	[tilespmem:$0x1A800] =	vst v63  }
0x443: {  	s18 =	sadd.s32 $0x189B8, s2;
	s29 =	sadd.s32 $0x70, s6  }
0x444: {  	[hbm4b:s29+s3] =	stream.linear.scatter [tilespmem:s18], [sflag:$0xA], $0x80, $0x38;
	[tilespmem:$0x1A800] =	vst v63  }
0x445: {  	_ =	swait.ge [sflag:s26], $0x2000  }
0x446: {  	[sflag:s26] =	ssyncset.done $0x0  }
0x447: {  	[sflag:s26] =	ssyncadd.s32 $0xFFFFE000  }
0x448: {  	s6 =	simm.s32 $0x0;
	_ =	swait.ge [sflag:s21], $0x2000  }
0x449: {  	v4 =	vmov s6;
	[sflag:s21] =	ssyncset.done $0x0  }
0x44a: {  	s14 =	simm.s32 $0x0;
	v4 =	vand.u32 $0x7C, v4;
	[sflag:s21] =	ssyncadd.s32 $0xFFFFE000  }
0x44b: {  	v6 =	vadd.s32 v0, v4;
	v5 =	vld [tilespmem:s14+$0x12400];
	_ =	sdelay $0x4  }
0x44c: {  	[tilespmem:v6+s16+$0x0] =	vst.idx.msk $0xffff, v5  }
0x44d: {  	v6 =	vadd.s32 v1, v4;
	v5 =	vld [tilespmem:s14+$0x12410];
	_ =	sdelay $0x4  }
0x44e: {  	[tilespmem:v6+s16+$0x0] =	vst.idx.msk $0xffff, v5  }
0x44f: {  	v6 =	vadd.s32 v2, v4;
	v5 =	vld [tilespmem:s14+$0x12420];
	_ =	sdelay $0x4  }
0x450: {  	[tilespmem:v6+s16+$0x0] =	vst.idx.msk $0xffff, v5  }
0x451: {  	v4 =	vadd.s32 v3, v4;
	v5 =	vld [tilespmem:s14+$0x12430];
	_ =	sdelay $0x2  }
0x452: {  	s17 =	simm.s32 $0x1  }
0x453: {  	v6 =	vmov s17  }
0x454: {  	[tilespmem:v4+s16+$0x0] =	vst.idx.msk $0xffff, v5;
	v4 =	vand.u32 $0x7D, v6  }
0x455: {  	v5 =	vld [tilespmem:s14+$0x12440];
	v6 =	vadd.s32 v0, v4;
	_ =	sdelay $0x4  }
0x456: {  	[tilespmem:v6+s16+$0x0] =	vst.idx.msk $0xffff, v5  }
0x457: {  	v6 =	vadd.s32 v1, v4;
	v5 =	vld [tilespmem:s14+$0x12450];
	_ =	sdelay $0x4  }
0x458: {  	[tilespmem:v6+s16+$0x0] =	vst.idx.msk $0xffff, v5  }
0x459: {  	v6 =	vadd.s32 v2, v4;
	v5 =	vld [tilespmem:s14+$0x12460];
	_ =	sdelay $0x4  }
0x45a: {  	[tilespmem:v6+s16+$0x0] =	vst.idx.msk $0xffff, v5  }
0x45b: {  	v4 =	vadd.s32 v3, v4;
	v5 =	vld [tilespmem:s14+$0x12470];
	_ =	sdelay $0x2  }
0x45c: {  	s18 =	simm.s32 $0x2  }
0x45d: {  	v6 =	vmov s18  }
0x45e: {  	[tilespmem:v4+s16+$0x0] =	vst.idx.msk $0xffff, v5;
	v4 =	vand.u32 $0x7E, v6  }
0x45f: {  	v5 =	vld [tilespmem:s14+$0x12480];
	v6 =	vadd.s32 v0, v4;
	_ =	sdelay $0x4  }
0x460: {  	[tilespmem:v6+s16+$0x0] =	vst.idx.msk $0xffff, v5  }
0x461: {  	v6 =	vadd.s32 v1, v4;
	v5 =	vld [tilespmem:s14+$0x12490];
	_ =	sdelay $0x4  }
0x462: {  	[tilespmem:v6+s16+$0x0] =	vst.idx.msk $0xffff, v5  }
0x463: {  	v6 =	vadd.s32 v2, v4;
	v5 =	vld [tilespmem:s14+$0x124A0];
	_ =	sdelay $0x4  }
0x464: {  	[tilespmem:v6+s16+$0x0] =	vst.idx.msk $0xffff, v5  }
0x465: {  	v4 =	vadd.s32 v3, v4;
	v5 =	vld [tilespmem:s14+$0x124B0];
	_ =	sdelay $0x2  }
0x466: {  	s29 =	simm.s32 $0x3  }
0x467: {  	v6 =	vmov s29  }
0x468: {  	[tilespmem:v4+s16+$0x0] =	vst.idx.msk $0xffff, v5;
	v5 =	vand.u32 $0x7F, v6  }
0x469: {  	v4 =	vld [tilespmem:s14+$0x124C0];
	v6 =	vadd.s32 v0, v5;
	_ =	sdelay $0x4  }
0x46a: {  	[tilespmem:v6+s16+$0x0] =	vst.idx.msk $0xffff, v4  }
0x46b: {  	v6 =	vadd.s32 v1, v5;
	v4 =	vld [tilespmem:s14+$0x124D0];
	_ =	sdelay $0x4  }
0x46c: {  	[tilespmem:v6+s16+$0x0] =	vst.idx.msk $0xffff, v4  }
0x46d: {  	v6 =	vadd.s32 v2, v5;
	v4 =	vld [tilespmem:s14+$0x124E0];
	_ =	sdelay $0x4  }
0x46e: {  	[tilespmem:v6+s16+$0x0] =	vst.idx.msk $0xffff, v4  }
0x46f: {  	v5 =	vadd.s32 v3, v5;
	v4 =	vld [tilespmem:s14+$0x124F0];
	_ =	sdelay $0x1  }
0x470: {  	s2 =	simm.s32 $0x7  }
0x471: {  	s6 =	simm.s32 $0x400;
	s17 =	simm.s32 $0x4;
	s14 =	simm.s32 $0x800  }
.LBB2_27:
0x472: {  	p1 =	sne.s32 s14, $0x7C00;
	v6 =	vmov s17  }
0x473: {  	s17 =	sshra.s32 s6, $0x2;
	s6 =	smov.u32 s14;
	v6 =	vand.u32 $0x7C, v6;
	[tilespmem:v5+s16+$0x0] =	vst.idx.msk $0xffff, v4  }
0x474: {  	v4 =	vld [tilespmem:s17+$0x12400];
	v5 =	vadd.s32 v0, v6;
	_ =	sdelay $0x4  }
0x475: {  	[tilespmem:v5+s16+$0x0] =	vst.idx.msk $0xffff, v4  }
0x476: {  	v5 =	vadd.s32 v1, v6;
	v4 =	vld [tilespmem:s17+$0x12410];
	_ =	sdelay $0x4  }
0x477: {  	[tilespmem:v5+s16+$0x0] =	vst.idx.msk $0xffff, v4  }
0x478: {  	v5 =	vadd.s32 v2, v6;
	v4 =	vld [tilespmem:s17+$0x12420];
	_ =	sdelay $0x4  }
0x479: {  	[tilespmem:v5+s16+$0x0] =	vst.idx.msk $0xffff, v4  }
0x47a: {  	v5 =	vadd.s32 v3, v6;
	v4 =	vld [tilespmem:s17+$0x12430];
	_ =	sdelay $0x2  }
0x47b: {  	s18 =	sadd.s32 $0xFFFFFFFE, s2  }
0x47c: {  	v6 =	vmov s18  }
0x47d: {  	[tilespmem:v5+s16+$0x0] =	vst.idx.msk $0xffff, v4;
	v4 =	vand.u32 $0x7D, v6  }
0x47e: {  	v5 =	vld [tilespmem:s17+$0x12440];
	v6 =	vadd.s32 v0, v4;
	_ =	sdelay $0x4  }
0x47f: {  	[tilespmem:v6+s16+$0x0] =	vst.idx.msk $0xffff, v5  }
0x480: {  	v6 =	vadd.s32 v1, v4;
	v5 =	vld [tilespmem:s17+$0x12450];
	_ =	sdelay $0x4  }
0x481: {  	[tilespmem:v6+s16+$0x0] =	vst.idx.msk $0xffff, v5  }
0x482: {  	v6 =	vadd.s32 v2, v4;
	v5 =	vld [tilespmem:s17+$0x12460];
	_ =	sdelay $0x4  }
0x483: {  	[tilespmem:v6+s16+$0x0] =	vst.idx.msk $0xffff, v5  }
0x484: {  	v4 =	vadd.s32 v3, v4;
	v5 =	vld [tilespmem:s17+$0x12470];
	_ =	sdelay $0x2  }
0x485: {  	s18 =	sadd.s32 $0xFFFFFFFF, s2  }
0x486: {  	v6 =	vmov s18  }
0x487: {  	[tilespmem:v4+s16+$0x0] =	vst.idx.msk $0xffff, v5;
	v4 =	vand.u32 $0x7E, v6  }
0x488: {  	v5 =	vld [tilespmem:s17+$0x12480];
	v6 =	vadd.s32 v0, v4;
	_ =	sdelay $0x4  }
0x489: {  	[tilespmem:v6+s16+$0x0] =	vst.idx.msk $0xffff, v5  }
0x48a: {  	v6 =	vadd.s32 v1, v4;
	v5 =	vld [tilespmem:s17+$0x12490];
	_ =	sdelay $0x4  }
0x48b: {  	[tilespmem:v6+s16+$0x0] =	vst.idx.msk $0xffff, v5  }
0x48c: {  	v6 =	vadd.s32 v2, v4;
	v5 =	vld [tilespmem:s17+$0x124A0];
	_ =	sdelay $0x4  }
0x48d: {  	[tilespmem:v6+s16+$0x0] =	vst.idx.msk $0xffff, v5  }
0x48e: {  	v4 =	vadd.s32 v3, v4;
	v5 =	vld [tilespmem:s17+$0x124B0];
	_ =	sdelay $0x3  }
0x48f: {  	v6 =	vmov s2  }
0x490: {  	[tilespmem:v4+s16+$0x0] =	vst.idx.msk $0xffff, v5;
	v5 =	vand.u32 $0x7F, v6  }
0x491: {  	v4 =	vld [tilespmem:s17+$0x124C0];
	v6 =	vadd.s32 v0, v5;
	_ =	sdelay $0x4  }
0x492: {  	[tilespmem:v6+s16+$0x0] =	vst.idx.msk $0xffff, v4  }
0x493: {  	v6 =	vadd.s32 v1, v5;
	v4 =	vld [tilespmem:s17+$0x124D0];
	_ =	sdelay $0x4  }
0x494: {  	[tilespmem:v6+s16+$0x0] =	vst.idx.msk $0xffff, v4  }
0x495: {  	v6 =	vadd.s32 v2, v5;
	v4 =	vld [tilespmem:s17+$0x124E0];
	_ =	sdelay $0x4  }
.Ltmp12:
0x496: {  	[tilespmem:v6+s16+$0x0] =	vst.idx.msk $0xffff, v4;
	(pc) =	sbr.rel @p1 .LBB2_27-.Ltmp12, $3  }
0x497: {  	v5 =	vadd.s32 v3, v5;
	v4 =	vld [tilespmem:s17+$0x124F0];
	_ =	sdelay $0x1  }
0x498: {  	s2 =	sadd.s32 $0x4, s2  }
0x499: {  	s14 =	sadd.s32 $0x400, s14;
	s17 =	sadd.s32 $0xFFFFFFFD, s2  }
0x49a: {  	_ =	sdelay $0x2  }
0x49b: {  	v6 =	vmov s17  }
0x49c: {  	s6 =	sshra.s32 s6, $0x2;
	v6 =	vand.u32 $0x7C, v6;
	[tilespmem:v5+s16+$0x0] =	vst.idx.msk $0xffff, v4  }
0x49d: {  	v4 =	vld [tilespmem:s6+$0x12400];
	v5 =	vadd.s32 v0, v6;
	_ =	sdelay $0x4  }
0x49e: {  	[tilespmem:v5+s16+$0x0] =	vst.idx.msk $0xffff, v4  }
0x49f: {  	v5 =	vadd.s32 v1, v6;
	v4 =	vld [tilespmem:s6+$0x12410];
	_ =	sdelay $0x4  }
0x4a0: {  	[tilespmem:v5+s16+$0x0] =	vst.idx.msk $0xffff, v4  }
0x4a1: {  	v5 =	vadd.s32 v2, v6;
	v4 =	vld [tilespmem:s6+$0x12420];
	_ =	sdelay $0x4  }
0x4a2: {  	[tilespmem:v5+s16+$0x0] =	vst.idx.msk $0xffff, v4  }
0x4a3: {  	v5 =	vadd.s32 v3, v6;
	v4 =	vld [tilespmem:s6+$0x12430];
	_ =	sdelay $0x2  }
0x4a4: {  	s14 =	sadd.s32 $0xFFFFFFFE, s2  }
0x4a5: {  	v55 =	vmov s14  }
0x4a6: {  	[tilespmem:v5+s16+$0x0] =	vst.idx.msk $0xffff, v4;
	v4 =	vand.u32 $0x7D, v55  }
0x4a7: {  	v5 =	vld [tilespmem:s6+$0x12440];
	v6 =	vadd.s32 v0, v4;
	_ =	sdelay $0x4  }
0x4a8: {  	[tilespmem:v6+s16+$0x0] =	vst.idx.msk $0xffff, v5  }
0x4a9: {  	v56 =	vadd.s32 v1, v4;
	v5 =	vld [tilespmem:s6+$0x12450];
	_ =	sdelay $0x4  }
0x4aa: {  	[tilespmem:v56+s16+$0x0] =	vst.idx.msk $0xffff, v5  }
0x4ab: {  	v57 =	vadd.s32 v2, v4;
	v5 =	vld [tilespmem:s6+$0x12460];
	_ =	sdelay $0x4  }
0x4ac: {  	[tilespmem:v57+s16+$0x0] =	vst.idx.msk $0xffff, v5  }
0x4ad: {  	v4 =	vadd.s32 v3, v4;
	v5 =	vld [tilespmem:s6+$0x12470];
	_ =	sdelay $0x2  }
0x4ae: {  	s18 =	sadd.s32 $0xFFFFFFFF, s2  }
0x4af: {  	v58 =	vmov s18  }
0x4b0: {  	[tilespmem:v4+s16+$0x0] =	vst.idx.msk $0xffff, v5;
	v4 =	vand.u32 $0x7E, v58  }
0x4b1: {  	v5 =	vld [tilespmem:s6+$0x12480];
	v6 =	vadd.s32 v0, v4;
	_ =	sdelay $0x4  }
0x4b2: {  	[tilespmem:v6+s16+$0x0] =	vst.idx.msk $0xffff, v5  }
0x4b3: {  	v59 =	vadd.s32 v1, v4;
	v5 =	vld [tilespmem:s6+$0x12490];
	_ =	sdelay $0x4  }
0x4b4: {  	[tilespmem:v59+s16+$0x0] =	vst.idx.msk $0xffff, v5  }
0x4b5: {  	v60 =	vadd.s32 v2, v4;
	v5 =	vld [tilespmem:s6+$0x124A0];
	_ =	sdelay $0x4  }
0x4b6: {  	[tilespmem:v60+s16+$0x0] =	vst.idx.msk $0xffff, v5  }
0x4b7: {  	v4 =	vadd.s32 v3, v4;
	v5 =	vld [tilespmem:s6+$0x124B0];
	_ =	sdelay $0x3  }
0x4b8: {  	v61 =	vmov s2  }
0x4b9: {  	[tilespmem:v4+s16+$0x0] =	vst.idx.msk $0xffff, v5;
	v4 =	vand.u32 $0x7F, v61  }
0x4ba: {  	v5 =	vld [tilespmem:s6+$0x124C0];
	v6 =	vadd.s32 v0, v4;
	_ =	sdelay $0x4  }
0x4bb: {  	[tilespmem:v6+s16+$0x0] =	vst.idx.msk $0xffff, v5  }
0x4bc: {  	v62 =	vadd.s32 v1, v4;
	v5 =	vld [tilespmem:s6+$0x124D0];
	_ =	sdelay $0x4  }
0x4bd: {  	[tilespmem:v62+s16+$0x0] =	vst.idx.msk $0xffff, v5  }
0x4be: {  	v63 =	vadd.s32 v2, v4;
	v5 =	vld [tilespmem:s6+$0x124E0];
	_ =	sdelay $0x4  }
0x4bf: {  	[tilespmem:v63+s16+$0x0] =	vst.idx.msk $0xffff, v5  }
0x4c0: {  	v4 =	vadd.s32 v3, v4;
	v5 =	vld [tilespmem:s6+$0x124F0];
	_ =	sdelay $0x4  }
0x4c1: {  	s2 =	sadd.s32 @!p0 $0x700, s31;
	s14 =	simm.s32 @!p0 $0x12400;
	s6 =	simm.s32 @!p0 $0x80;
	[tilespmem:v4+s16+$0x0] =	vst.idx.msk $0xffff, v5  }
0x4c2: {  	[tilespmem:s14], [sflag:$0x7] =	stream.indirect.gather @!p0 [hbm4b:s5+s6], $0x40, s2, s6, $0xb8;
	[tilespmem:$0x1A800] =	vst v63  }
0x4c3: {  	s29 =	simm.s32 $0x16400;
	s6 =	sadd.s32 s0, s12  }
0x4c4: {  	[hbm4b:s6+s3] =	stream.linear.scatter [tilespmem:s29], [sflag:$0x9], $0x80, $0x38;
	[tilespmem:$0x1A800] =	vst v63  }
0x4c5: {  	s14 =	simm.s32 $0x16488;
	s17 =	sadd.s32 $0x10, s6  }
0x4c6: {  	[hbm4b:s17+s3] =	stream.linear.scatter [tilespmem:s14], [sflag:$0x9], $0x80, $0x38;
	[tilespmem:$0x1A800] =	vst v63  }
0x4c7: {  	s18 =	simm.s32 $0x16510;
	s29 =	sadd.s32 $0x20, s6  }
0x4c8: {  	[hbm4b:s29+s3] =	stream.linear.scatter [tilespmem:s18], [sflag:$0x9], $0x80, $0x38;
	[tilespmem:$0x1A800] =	vst v63  }
0x4c9: {  	s14 =	simm.s32 $0x16598;
	s17 =	sadd.s32 $0x30, s6  }
0x4ca: {  	[hbm4b:s17+s3] =	stream.linear.scatter [tilespmem:s14], [sflag:$0x9], $0x80, $0x38;
	[tilespmem:$0x1A800] =	vst v63  }
0x4cb: {  	s18 =	simm.s32 $0x16620;
	s29 =	sadd.s32 $0x40, s6  }
0x4cc: {  	[hbm4b:s29+s3] =	stream.linear.scatter [tilespmem:s18], [sflag:$0x9], $0x80, $0x38;
	[tilespmem:$0x1A800] =	vst v63  }
0x4cd: {  	s2 =	simm.s32 $0x440;
	s14 =	simm.s32 $0x166A8;
	s17 =	sadd.s32 $0x50, s6  }
0x4ce: {  	[hbm4b:s17+s3] =	stream.linear.scatter [tilespmem:s14], [sflag:$0x9], $0x80, $0x38;
	[tilespmem:$0x1A800] =	vst v63  }
0x4cf: {  	s18 =	simm.s32 $0x16730;
	s29 =	sadd.s32 $0x60, s6;
	s14 =	simm.s32 $0x2200  }
0x4d0: {  	[hbm4b:s29+s3] =	stream.linear.scatter [tilespmem:s18], [sflag:$0x9], $0x80, $0x38;
	[tilespmem:$0x1A800] =	vst v63  }
0x4d1: {  	s17 =	simm.s32 $0x167B8;
	s18 =	sadd.s32 $0x70, s6;
	s6 =	sadd.s32 $0x1000, s6  }
.LBB2_29:
0x4d2: {  	[hbm4b:s18+s3] =	stream.linear.scatter [tilespmem:s17], [sflag:$0x9], $0x80, $0x38;
	[tilespmem:$0x1A800] =	vst v63  }
0x4d3: {  	s17 =	smov.u32 s2;
	s2 =	smov.u32 s14  }
0x4d4: {  	s29 =	sadd.s32 $0x1100, s14;
	s2 =	sshra.s32 s2, $0x2;
	s18 =	sadd.s32 $0x16400, s17  }
0x4d5: {  	[hbm4b:s6+s3] =	stream.linear.scatter [tilespmem:s18], [sflag:$0x9], $0x80, $0x38;
	[tilespmem:$0x1A800] =	vst v63  }
0x4d6: {  	p1 =	sne.s32 s14, $0x7700;
	s14 =	sadd.s32 $0x16488, s17;
	s18 =	sadd.s32 $0x10, s6  }
0x4d7: {  	[hbm4b:s18+s3] =	stream.linear.scatter [tilespmem:s14], [sflag:$0x9], $0x80, $0x38;
	[tilespmem:$0x1A800] =	vst v63  }
0x4d8: {  	s14 =	sadd.s32 $0x16510, s17;
	s18 =	sadd.s32 $0x20, s6  }
0x4d9: {  	[hbm4b:s18+s3] =	stream.linear.scatter [tilespmem:s14], [sflag:$0x9], $0x80, $0x38;
	[tilespmem:$0x1A800] =	vst v63  }
0x4da: {  	s14 =	sadd.s32 $0x16598, s17;
	s18 =	sadd.s32 $0x30, s6  }
0x4db: {  	[hbm4b:s18+s3] =	stream.linear.scatter [tilespmem:s14], [sflag:$0x9], $0x80, $0x38;
	[tilespmem:$0x1A800] =	vst v63  }
0x4dc: {  	s14 =	sadd.s32 $0x16620, s17;
	s18 =	sadd.s32 $0x40, s6  }
0x4dd: {  	[hbm4b:s18+s3] =	stream.linear.scatter [tilespmem:s14], [sflag:$0x9], $0x80, $0x38;
	[tilespmem:$0x1A800] =	vst v63  }
.Ltmp13:
0x4de: {  	s14 =	sadd.s32 $0x166A8, s17;
	s18 =	sadd.s32 $0x50, s6;
	(pc) =	sbr.rel @p1 .LBB2_29-.Ltmp13, $4  }
0x4df: {  	[hbm4b:s18+s3] =	stream.linear.scatter [tilespmem:s14], [sflag:$0x9], $0x80, $0x38;
	[tilespmem:$0x1A800] =	vst v63  }
0x4e0: {  	s14 =	sadd.s32 $0x16730, s17;
	s18 =	sadd.s32 $0x60, s6;
	s17 =	sadd.s32 $0x167B8, s17  }
0x4e1: {  	[hbm4b:s18+s3] =	stream.linear.scatter [tilespmem:s14], [sflag:$0x9], $0x80, $0x38;
	[tilespmem:$0x1A800] =	vst v63  }
0x4e2: {  	s18 =	sadd.s32 $0x70, s6;
	s6 =	sadd.s32 $0x1000, s6;
	s14 =	smov.u32 s29  }
0x4e3: {  	[hbm4b:s18+s3] =	stream.linear.scatter [tilespmem:s17], [sflag:$0x9], $0x80, $0x38;
	[tilespmem:$0x1A800] =	vst v63  }
0x4e4: {  	s14 =	sadd.s32 $0x16400, s2  }
0x4e5: {  	[hbm4b:s6+s3] =	stream.linear.scatter [tilespmem:s14], [sflag:$0x9], $0x80, $0x38;
	[tilespmem:$0x1A800] =	vst v63  }
0x4e6: {  	s18 =	sadd.s32 $0x16488, s2;
	s29 =	sadd.s32 $0x10, s6  }
0x4e7: {  	[hbm4b:s29+s3] =	stream.linear.scatter [tilespmem:s18], [sflag:$0x9], $0x80, $0x38;
	[tilespmem:$0x1A800] =	vst v63  }
0x4e8: {  	s18 =	sadd.s32 $0x16510, s2;
	s29 =	sadd.s32 $0x20, s6  }
0x4e9: {  	[hbm4b:s29+s3] =	stream.linear.scatter [tilespmem:s18], [sflag:$0x9], $0x80, $0x38;
	[tilespmem:$0x1A800] =	vst v63  }
0x4ea: {  	s18 =	sadd.s32 $0x16598, s2;
	s29 =	sadd.s32 $0x30, s6  }
0x4eb: {  	[hbm4b:s29+s3] =	stream.linear.scatter [tilespmem:s18], [sflag:$0x9], $0x80, $0x38;
	[tilespmem:$0x1A800] =	vst v63  }
0x4ec: {  	s18 =	sadd.s32 $0x16620, s2;
	s29 =	sadd.s32 $0x40, s6  }
0x4ed: {  	[hbm4b:s29+s3] =	stream.linear.scatter [tilespmem:s18], [sflag:$0x9], $0x80, $0x38;
	[tilespmem:$0x1A800] =	vst v63  }
0x4ee: {  	s18 =	sadd.s32 $0x166A8, s2;
	s29 =	sadd.s32 $0x50, s6  }
0x4ef: {  	[hbm4b:s29+s3] =	stream.linear.scatter [tilespmem:s18], [sflag:$0x9], $0x80, $0x38;
	[tilespmem:$0x1A800] =	vst v63  }
0x4f0: {  	s18 =	sadd.s32 $0x16730, s2;
	s29 =	sadd.s32 $0x60, s6  }
0x4f1: {  	[hbm4b:s29+s3] =	stream.linear.scatter [tilespmem:s18], [sflag:$0x9], $0x80, $0x38;
	[tilespmem:$0x1A800] =	vst v63  }
0x4f2: {  	s18 =	sadd.s32 $0x167B8, s2;
	s29 =	sadd.s32 $0x70, s6  }
0x4f3: {  	[hbm4b:s29+s3] =	stream.linear.scatter [tilespmem:s18], [sflag:$0x9], $0x80, $0x38;
	[tilespmem:$0x1A800] =	vst v63  }
0x4f4: {  	_ =	swait.ge [sflag:s28], $0x2000  }
0x4f5: {  	[sflag:s28] =	ssyncset.done $0x0  }
0x4f6: {  	[sflag:s28] =	ssyncadd.s32 $0xFFFFE000  }
0x4f7: {  	s6 =	simm.s32 $0x0;
	_ =	swait.ge [sflag:s23], $0x2000  }
0x4f8: {  	v4 =	vmov s6;
	[sflag:s23] =	ssyncset.done $0x0  }
0x4f9: {  	s14 =	simm.s32 $0x0;
	v4 =	vand.u32 $0x7C, v4;
	[sflag:s23] =	ssyncadd.s32 $0xFFFFE000  }
0x4fa: {  	v6 =	vadd.s32 v0, v4;
	v5 =	vld [tilespmem:s14+$0x14400];
	_ =	sdelay $0x4  }
0x4fb: {  	[tilespmem:v6+s20+$0x0] =	vst.idx.msk $0xffff, v5  }
0x4fc: {  	v6 =	vadd.s32 v1, v4;
	v5 =	vld [tilespmem:s14+$0x14410];
	_ =	sdelay $0x4  }
0x4fd: {  	[tilespmem:v6+s20+$0x0] =	vst.idx.msk $0xffff, v5  }
0x4fe: {  	v6 =	vadd.s32 v2, v4;
	v5 =	vld [tilespmem:s14+$0x14420];
	_ =	sdelay $0x4  }
0x4ff: {  	[tilespmem:v6+s20+$0x0] =	vst.idx.msk $0xffff, v5  }
0x500: {  	v4 =	vadd.s32 v3, v4;
	v5 =	vld [tilespmem:s14+$0x14430];
	_ =	sdelay $0x2  }
0x501: {  	s17 =	simm.s32 $0x1  }
0x502: {  	v6 =	vmov s17  }
0x503: {  	[tilespmem:v4+s20+$0x0] =	vst.idx.msk $0xffff, v5;
	v4 =	vand.u32 $0x7D, v6  }
0x504: {  	v5 =	vld [tilespmem:s14+$0x14440];
	v6 =	vadd.s32 v0, v4;
	_ =	sdelay $0x4  }
0x505: {  	[tilespmem:v6+s20+$0x0] =	vst.idx.msk $0xffff, v5  }
0x506: {  	v6 =	vadd.s32 v1, v4;
	v5 =	vld [tilespmem:s14+$0x14450];
	_ =	sdelay $0x4  }
0x507: {  	[tilespmem:v6+s20+$0x0] =	vst.idx.msk $0xffff, v5  }
0x508: {  	v6 =	vadd.s32 v2, v4;
	v5 =	vld [tilespmem:s14+$0x14460];
	_ =	sdelay $0x4  }
0x509: {  	[tilespmem:v6+s20+$0x0] =	vst.idx.msk $0xffff, v5  }
0x50a: {  	v4 =	vadd.s32 v3, v4;
	v5 =	vld [tilespmem:s14+$0x14470];
	_ =	sdelay $0x2  }
0x50b: {  	s18 =	simm.s32 $0x2  }
0x50c: {  	v6 =	vmov s18  }
0x50d: {  	[tilespmem:v4+s20+$0x0] =	vst.idx.msk $0xffff, v5;
	v4 =	vand.u32 $0x7E, v6  }
0x50e: {  	v5 =	vld [tilespmem:s14+$0x14480];
	v6 =	vadd.s32 v0, v4;
	_ =	sdelay $0x4  }
0x50f: {  	[tilespmem:v6+s20+$0x0] =	vst.idx.msk $0xffff, v5  }
0x510: {  	v6 =	vadd.s32 v1, v4;
	v5 =	vld [tilespmem:s14+$0x14490];
	_ =	sdelay $0x4  }
0x511: {  	[tilespmem:v6+s20+$0x0] =	vst.idx.msk $0xffff, v5  }
0x512: {  	v6 =	vadd.s32 v2, v4;
	v5 =	vld [tilespmem:s14+$0x144A0];
	_ =	sdelay $0x4  }
0x513: {  	[tilespmem:v6+s20+$0x0] =	vst.idx.msk $0xffff, v5  }
0x514: {  	v4 =	vadd.s32 v3, v4;
	v5 =	vld [tilespmem:s14+$0x144B0];
	_ =	sdelay $0x2  }
0x515: {  	s29 =	simm.s32 $0x3  }
0x516: {  	v6 =	vmov s29  }
0x517: {  	[tilespmem:v4+s20+$0x0] =	vst.idx.msk $0xffff, v5;
	v5 =	vand.u32 $0x7F, v6  }
0x518: {  	v4 =	vld [tilespmem:s14+$0x144C0];
	v6 =	vadd.s32 v0, v5;
	_ =	sdelay $0x4  }
0x519: {  	[tilespmem:v6+s20+$0x0] =	vst.idx.msk $0xffff, v4  }
0x51a: {  	v6 =	vadd.s32 v1, v5;
	v4 =	vld [tilespmem:s14+$0x144D0];
	_ =	sdelay $0x4  }
0x51b: {  	[tilespmem:v6+s20+$0x0] =	vst.idx.msk $0xffff, v4  }
0x51c: {  	v6 =	vadd.s32 v2, v5;
	v4 =	vld [tilespmem:s14+$0x144E0];
	_ =	sdelay $0x4  }
0x51d: {  	[tilespmem:v6+s20+$0x0] =	vst.idx.msk $0xffff, v4  }
0x51e: {  	v5 =	vadd.s32 v3, v5;
	v4 =	vld [tilespmem:s14+$0x144F0];
	_ =	sdelay $0x1  }
0x51f: {  	s2 =	simm.s32 $0x7  }
0x520: {  	s6 =	simm.s32 $0x400;
	s17 =	simm.s32 $0x4;
	s14 =	simm.s32 $0x800  }
.LBB2_31:
0x521: {  	p1 =	sne.s32 s14, $0x7C00;
	v6 =	vmov s17  }
0x522: {  	s17 =	sshra.s32 s6, $0x2;
	s6 =	smov.u32 s14;
	v6 =	vand.u32 $0x7C, v6;
	[tilespmem:v5+s20+$0x0] =	vst.idx.msk $0xffff, v4  }
0x523: {  	v4 =	vld [tilespmem:s17+$0x14400];
	v5 =	vadd.s32 v0, v6;
	_ =	sdelay $0x4  }
0x524: {  	[tilespmem:v5+s20+$0x0] =	vst.idx.msk $0xffff, v4  }
0x525: {  	v5 =	vadd.s32 v1, v6;
	v4 =	vld [tilespmem:s17+$0x14410];
	_ =	sdelay $0x4  }
0x526: {  	[tilespmem:v5+s20+$0x0] =	vst.idx.msk $0xffff, v4  }
0x527: {  	v5 =	vadd.s32 v2, v6;
	v4 =	vld [tilespmem:s17+$0x14420];
	_ =	sdelay $0x4  }
0x528: {  	[tilespmem:v5+s20+$0x0] =	vst.idx.msk $0xffff, v4  }
0x529: {  	v5 =	vadd.s32 v3, v6;
	v4 =	vld [tilespmem:s17+$0x14430];
	_ =	sdelay $0x2  }
0x52a: {  	s18 =	sadd.s32 $0xFFFFFFFE, s2  }
0x52b: {  	v6 =	vmov s18  }
0x52c: {  	[tilespmem:v5+s20+$0x0] =	vst.idx.msk $0xffff, v4;
	v4 =	vand.u32 $0x7D, v6  }
0x52d: {  	v5 =	vld [tilespmem:s17+$0x14440];
	v6 =	vadd.s32 v0, v4;
	_ =	sdelay $0x4  }
0x52e: {  	[tilespmem:v6+s20+$0x0] =	vst.idx.msk $0xffff, v5  }
0x52f: {  	v6 =	vadd.s32 v1, v4;
	v5 =	vld [tilespmem:s17+$0x14450];
	_ =	sdelay $0x4  }
0x530: {  	[tilespmem:v6+s20+$0x0] =	vst.idx.msk $0xffff, v5  }
0x531: {  	v6 =	vadd.s32 v2, v4;
	v5 =	vld [tilespmem:s17+$0x14460];
	_ =	sdelay $0x4  }
0x532: {  	[tilespmem:v6+s20+$0x0] =	vst.idx.msk $0xffff, v5  }
0x533: {  	v4 =	vadd.s32 v3, v4;
	v5 =	vld [tilespmem:s17+$0x14470];
	_ =	sdelay $0x2  }
0x534: {  	s18 =	sadd.s32 $0xFFFFFFFF, s2  }
0x535: {  	v6 =	vmov s18  }
0x536: {  	[tilespmem:v4+s20+$0x0] =	vst.idx.msk $0xffff, v5;
	v4 =	vand.u32 $0x7E, v6  }
0x537: {  	v5 =	vld [tilespmem:s17+$0x14480];
	v6 =	vadd.s32 v0, v4;
	_ =	sdelay $0x4  }
0x538: {  	[tilespmem:v6+s20+$0x0] =	vst.idx.msk $0xffff, v5  }
0x539: {  	v6 =	vadd.s32 v1, v4;
	v5 =	vld [tilespmem:s17+$0x14490];
	_ =	sdelay $0x4  }
0x53a: {  	[tilespmem:v6+s20+$0x0] =	vst.idx.msk $0xffff, v5  }
0x53b: {  	v6 =	vadd.s32 v2, v4;
	v5 =	vld [tilespmem:s17+$0x144A0];
	_ =	sdelay $0x4  }
0x53c: {  	[tilespmem:v6+s20+$0x0] =	vst.idx.msk $0xffff, v5  }
0x53d: {  	v4 =	vadd.s32 v3, v4;
	v5 =	vld [tilespmem:s17+$0x144B0];
	_ =	sdelay $0x3  }
0x53e: {  	v6 =	vmov s2  }
0x53f: {  	[tilespmem:v4+s20+$0x0] =	vst.idx.msk $0xffff, v5;
	v5 =	vand.u32 $0x7F, v6  }
0x540: {  	v4 =	vld [tilespmem:s17+$0x144C0];
	v6 =	vadd.s32 v0, v5;
	_ =	sdelay $0x4  }
0x541: {  	[tilespmem:v6+s20+$0x0] =	vst.idx.msk $0xffff, v4  }
0x542: {  	v6 =	vadd.s32 v1, v5;
	v4 =	vld [tilespmem:s17+$0x144D0];
	_ =	sdelay $0x4  }
0x543: {  	[tilespmem:v6+s20+$0x0] =	vst.idx.msk $0xffff, v4  }
0x544: {  	v6 =	vadd.s32 v2, v5;
	v4 =	vld [tilespmem:s17+$0x144E0];
	_ =	sdelay $0x4  }
.Ltmp14:
0x545: {  	[tilespmem:v6+s20+$0x0] =	vst.idx.msk $0xffff, v4;
	(pc) =	sbr.rel @p1 .LBB2_31-.Ltmp14, $3  }
0x546: {  	v5 =	vadd.s32 v3, v5;
	v4 =	vld [tilespmem:s17+$0x144F0];
	_ =	sdelay $0x1  }
0x547: {  	s2 =	sadd.s32 $0x4, s2  }
0x548: {  	s14 =	sadd.s32 $0x400, s14;
	s17 =	sadd.s32 $0xFFFFFFFD, s2  }
0x549: {  	_ =	sdelay $0x2  }
0x54a: {  	v6 =	vmov s17  }
0x54b: {  	s6 =	sshra.s32 s6, $0x2;
	v6 =	vand.u32 $0x7C, v6;
	[tilespmem:v5+s20+$0x0] =	vst.idx.msk $0xffff, v4  }
0x54c: {  	v4 =	vld [tilespmem:s6+$0x14400];
	v5 =	vadd.s32 v0, v6;
	_ =	sdelay $0x4  }
0x54d: {  	[tilespmem:v5+s20+$0x0] =	vst.idx.msk $0xffff, v4  }
0x54e: {  	v5 =	vadd.s32 v1, v6;
	v4 =	vld [tilespmem:s6+$0x14410];
	_ =	sdelay $0x4  }
0x54f: {  	[tilespmem:v5+s20+$0x0] =	vst.idx.msk $0xffff, v4  }
0x550: {  	v5 =	vadd.s32 v2, v6;
	v4 =	vld [tilespmem:s6+$0x14420];
	_ =	sdelay $0x4  }
0x551: {  	[tilespmem:v5+s20+$0x0] =	vst.idx.msk $0xffff, v4  }
0x552: {  	v5 =	vadd.s32 v3, v6;
	v4 =	vld [tilespmem:s6+$0x14430];
	_ =	sdelay $0x2  }
0x553: {  	s14 =	sadd.s32 $0xFFFFFFFE, s2  }
0x554: {  	v55 =	vmov s14  }
0x555: {  	[tilespmem:v5+s20+$0x0] =	vst.idx.msk $0xffff, v4;
	v4 =	vand.u32 $0x7D, v55  }
0x556: {  	v5 =	vld [tilespmem:s6+$0x14440];
	v6 =	vadd.s32 v0, v4;
	_ =	sdelay $0x4  }
0x557: {  	[tilespmem:v6+s20+$0x0] =	vst.idx.msk $0xffff, v5  }
0x558: {  	v56 =	vadd.s32 v1, v4;
	v5 =	vld [tilespmem:s6+$0x14450];
	_ =	sdelay $0x4  }
0x559: {  	[tilespmem:v56+s20+$0x0] =	vst.idx.msk $0xffff, v5  }
0x55a: {  	v57 =	vadd.s32 v2, v4;
	v5 =	vld [tilespmem:s6+$0x14460];
	_ =	sdelay $0x4  }
0x55b: {  	[tilespmem:v57+s20+$0x0] =	vst.idx.msk $0xffff, v5  }
0x55c: {  	v4 =	vadd.s32 v3, v4;
	v5 =	vld [tilespmem:s6+$0x14470];
	_ =	sdelay $0x2  }
0x55d: {  	s29 =	sadd.s32 $0xFFFFFFFF, s2  }
0x55e: {  	v58 =	vmov s29  }
0x55f: {  	[tilespmem:v4+s20+$0x0] =	vst.idx.msk $0xffff, v5;
	v4 =	vand.u32 $0x7E, v58  }
0x560: {  	v5 =	vld [tilespmem:s6+$0x14480];
	v6 =	vadd.s32 v0, v4;
	_ =	sdelay $0x4  }
0x561: {  	[tilespmem:v6+s20+$0x0] =	vst.idx.msk $0xffff, v5  }
0x562: {  	v59 =	vadd.s32 v1, v4;
	v5 =	vld [tilespmem:s6+$0x14490];
	_ =	sdelay $0x4  }
0x563: {  	[tilespmem:v59+s20+$0x0] =	vst.idx.msk $0xffff, v5  }
0x564: {  	v60 =	vadd.s32 v2, v4;
	v5 =	vld [tilespmem:s6+$0x144A0];
	_ =	sdelay $0x4  }
0x565: {  	[tilespmem:v60+s20+$0x0] =	vst.idx.msk $0xffff, v5  }
0x566: {  	v4 =	vadd.s32 v3, v4;
	v5 =	vld [tilespmem:s6+$0x144B0];
	_ =	sdelay $0x3  }
0x567: {  	v61 =	vmov s2  }
0x568: {  	[tilespmem:v4+s20+$0x0] =	vst.idx.msk $0xffff, v5;
	v4 =	vand.u32 $0x7F, v61  }
0x569: {  	v5 =	vld [tilespmem:s6+$0x144C0];
	v6 =	vadd.s32 v0, v4;
	_ =	sdelay $0x4  }
0x56a: {  	[tilespmem:v6+s20+$0x0] =	vst.idx.msk $0xffff, v5  }
0x56b: {  	v62 =	vadd.s32 v1, v4;
	v5 =	vld [tilespmem:s6+$0x144D0];
	_ =	sdelay $0x4  }
0x56c: {  	[tilespmem:v62+s20+$0x0] =	vst.idx.msk $0xffff, v5  }
0x56d: {  	v63 =	vadd.s32 v2, v4;
	v5 =	vld [tilespmem:s6+$0x144E0];
	_ =	sdelay $0x4  }
0x56e: {  	[tilespmem:v63+s20+$0x0] =	vst.idx.msk $0xffff, v5  }
0x56f: {  	v4 =	vadd.s32 v3, v4;
	v5 =	vld [tilespmem:s6+$0x144F0];
	_ =	sdelay $0x4  }
0x570: {  	s2 =	sadd.s32 @!p0 $0x780, s31;
	s14 =	simm.s32 @!p0 $0x14400;
	s6 =	simm.s32 @!p0 $0x80;
	[tilespmem:v4+s20+$0x0] =	vst.idx.msk $0xffff, v5  }
0x571: {  	[tilespmem:s14], [sflag:$0x8] =	stream.indirect.gather @!p0 [hbm4b:s5+s6], $0x40, s2, s6, $0xb8;
	[tilespmem:$0x1A800] =	vst v63  }
0x572: {  	s31 =	simm.s32 $0x18600;
	s2 =	sadd.s32 s0, s13  }
0x573: {  	[hbm4b:s2+s3] =	stream.linear.scatter [tilespmem:s31], [sflag:$0xA], $0x80, $0x38;
	[tilespmem:$0x1A800] =	vst v63  }
0x574: {  	s6 =	simm.s32 $0x18688;
	s14 =	sadd.s32 $0x10, s2  }
0x575: {  	[hbm4b:s14+s3] =	stream.linear.scatter [tilespmem:s6], [sflag:$0xA], $0x80, $0x38;
	[tilespmem:$0x1A800] =	vst v63  }
0x576: {  	s17 =	simm.s32 $0x18710;
	s29 =	simm.s32 $0x18798;
	s18 =	sadd.s32 $0x20, s2  }
0x577: {  	[hbm4b:s18+s3] =	stream.linear.scatter [tilespmem:s17], [sflag:$0xA], $0x80, $0x38;
	[tilespmem:$0x1A800] =	vst v63  }
0x578: {  	s0 =	simm.s32 $0x440;
	s31 =	sadd.s32 $0x30, s2;
	s6 =	simm.s32 $0x18820  }
0x579: {  	[hbm4b:s31+s3] =	stream.linear.scatter [tilespmem:s29], [sflag:$0xA], $0x80, $0x38;
	[tilespmem:$0x1A800] =	vst v63  }
0x57a: {  	s14 =	sadd.s32 $0x40, s2;
	s17 =	simm.s32 $0x188A8;
	s18 =	sadd.s32 $0x50, s2  }
0x57b: {  	[hbm4b:s14+s3] =	stream.linear.scatter [tilespmem:s6], [sflag:$0xA], $0x80, $0x38;
	[tilespmem:$0x1A800] =	vst v63  }
0x57c: {  	s29 =	simm.s32 $0x18930;
	s31 =	sadd.s32 $0x60, s2;
	s6 =	simm.s32 $0x2200  }
0x57d: {  	[hbm4b:s18+s3] =	stream.linear.scatter [tilespmem:s17], [sflag:$0xA], $0x80, $0x38;
	[tilespmem:$0x1A800] =	vst v63  }
0x57e: {  	s14 =	simm.s32 $0x189B8;
	s17 =	sadd.s32 $0x70, s2;
	s2 =	sadd.s32 $0x1000, s2  }
0x57f: {  	[hbm4b:s31+s3] =	stream.linear.scatter [tilespmem:s29], [sflag:$0xA], $0x80, $0x38;
	[tilespmem:$0x1A800] =	vst v63  }
.LBB2_33:
0x580: {  	[hbm4b:s17+s3] =	stream.linear.scatter [tilespmem:s14], [sflag:$0xA], $0x80, $0x38;
	[tilespmem:$0x1A800] =	vst v63  }
0x581: {  	s14 =	smov.u32 s0;
	s0 =	smov.u32 s6  }
0x582: {  	s18 =	sadd.s32 $0x1100, s6;
	s0 =	sshra.s32 s0, $0x2;
	s17 =	sadd.s32 $0x18600, s14  }
0x583: {  	[hbm4b:s2+s3] =	stream.linear.scatter [tilespmem:s17], [sflag:$0xA], $0x80, $0x38;
	[tilespmem:$0x1A800] =	vst v63  }
0x584: {  	p0 =	sne.s32 s6, $0x7700;
	s6 =	sadd.s32 $0x18688, s14;
	s17 =	sadd.s32 $0x10, s2  }
0x585: {  	[hbm4b:s17+s3] =	stream.linear.scatter [tilespmem:s6], [sflag:$0xA], $0x80, $0x38;
	[tilespmem:$0x1A800] =	vst v63  }
0x586: {  	s6 =	sadd.s32 $0x18710, s14;
	s17 =	sadd.s32 $0x20, s2  }
0x587: {  	[hbm4b:s17+s3] =	stream.linear.scatter [tilespmem:s6], [sflag:$0xA], $0x80, $0x38;
	[tilespmem:$0x1A800] =	vst v63  }
0x588: {  	s6 =	sadd.s32 $0x18798, s14;
	s17 =	sadd.s32 $0x30, s2  }
0x589: {  	[hbm4b:s17+s3] =	stream.linear.scatter [tilespmem:s6], [sflag:$0xA], $0x80, $0x38;
	[tilespmem:$0x1A800] =	vst v63  }
0x58a: {  	s6 =	sadd.s32 $0x18820, s14;
	s17 =	sadd.s32 $0x40, s2  }
0x58b: {  	[hbm4b:s17+s3] =	stream.linear.scatter [tilespmem:s6], [sflag:$0xA], $0x80, $0x38;
	[tilespmem:$0x1A800] =	vst v63  }
.Ltmp15:
0x58c: {  	s6 =	sadd.s32 $0x188A8, s14;
	s17 =	sadd.s32 $0x50, s2;
	(pc) =	sbr.rel @p0 .LBB2_33-.Ltmp15, $4  }
0x58d: {  	[hbm4b:s17+s3] =	stream.linear.scatter [tilespmem:s6], [sflag:$0xA], $0x80, $0x38;
	[tilespmem:$0x1A800] =	vst v63  }
0x58e: {  	s6 =	sadd.s32 $0x18930, s14;
	s17 =	sadd.s32 $0x60, s2;
	s14 =	sadd.s32 $0x189B8, s14  }
0x58f: {  	[hbm4b:s17+s3] =	stream.linear.scatter [tilespmem:s6], [sflag:$0xA], $0x80, $0x38;
	[tilespmem:$0x1A800] =	vst v63  }
0x590: {  	s17 =	sadd.s32 $0x70, s2;
	s2 =	sadd.s32 $0x1000, s2;
	s6 =	smov.u32 s18  }
0x591: {  	[hbm4b:s17+s3] =	stream.linear.scatter [tilespmem:s14], [sflag:$0xA], $0x80, $0x38;
	[tilespmem:$0x1A800] =	vst v63  }
0x592: {  	s6 =	sadd.s32 $0x18600, s0  }
0x593: {  	[hbm4b:s2+s3] =	stream.linear.scatter [tilespmem:s6], [sflag:$0xA], $0x80, $0x38;
	[tilespmem:$0x1A800] =	vst v63  }
0x594: {  	s29 =	sadd.s32 $0x18688, s0;
	s31 =	sadd.s32 $0x10, s2  }
0x595: {  	[hbm4b:s31+s3] =	stream.linear.scatter [tilespmem:s29], [sflag:$0xA], $0x80, $0x38;
	[tilespmem:$0x1A800] =	vst v63  }
0x596: {  	s17 =	sadd.s32 $0x18710, s0;
	s18 =	sadd.s32 $0x20, s2  }
0x597: {  	[hbm4b:s18+s3] =	stream.linear.scatter [tilespmem:s17], [sflag:$0xA], $0x80, $0x38;
	[tilespmem:$0x1A800] =	vst v63  }
0x598: {  	s29 =	sadd.s32 $0x18798, s0;
	s31 =	sadd.s32 $0x30, s2  }
0x599: {  	[hbm4b:s31+s3] =	stream.linear.scatter [tilespmem:s29], [sflag:$0xA], $0x80, $0x38;
	[tilespmem:$0x1A800] =	vst v63  }
0x59a: {  	s30 =	sadd.s32 $0x1, s30;
	s17 =	sadd.s32 $0x18820, s0;
	s18 =	sadd.s32 $0x40, s2  }
0x59b: {  	[hbm4b:s18+s3] =	stream.linear.scatter [tilespmem:s17], [sflag:$0xA], $0x80, $0x38;
	[tilespmem:$0x1A800] =	vst v63  }
0x59c: {  	p0 =	sne.s32 s30, $0x19;
	s29 =	sadd.s32 $0x188A8, s0;
	s31 =	sadd.s32 $0x50, s2  }
0x59d: {  	[hbm4b:s31+s3] =	stream.linear.scatter [tilespmem:s29], [sflag:$0xA], $0x80, $0x38;
	[tilespmem:$0x1A800] =	vst v63  }
.Ltmp16:
0x59e: {  	_ = 	snop;
	(pc) =	sbr.rel @p0 .LBB2_2-.Ltmp16, $4  }
0x59f: {  	s17 =	sadd.s32 $0x18930, s0;
	s18 =	sadd.s32 $0x60, s2  }
0x5a0: {  	[hbm4b:s18+s3] =	stream.linear.scatter [tilespmem:s17], [sflag:$0xA], $0x80, $0x38;
	[tilespmem:$0x1A800] =	vst v63  }
0x5a1: {  	s29 =	sadd.s32 $0x189B8, s0;
	s31 =	sadd.s32 $0x70, s2  }
0x5a2: {  	[hbm4b:s31+s3] =	stream.linear.scatter [tilespmem:s29], [sflag:$0xA], $0x80, $0x38;
	[tilespmem:$0x1A800] =	vst v63  }
0x5a3: {  	_ =	swait.ge [sflag:s21], $0x2000  }
0x5a4: {  	[sflag:s21] =	ssyncset.done $0x0  }
0x5a5: {  	[sflag:s21] =	ssyncadd.s32 $0xFFFFE000  }
0x5a6: {  	_ =	swait.ge [sflag:s23], $0x2000  }
0x5a7: {  	s2 =	rddreg [dreg:$0x6]  }
0x5a8: {  	s0 =	rddreg [dreg:$0x5];
	s2 =	sadd.s32 $0x1, s2  }
0x5a9: {  	p0 =	sne.s32 s2, s0  }
.Ltmp17:
0x5aa: {  	_ = 	snop;
	(pc) =	sbr.rel @p0 .LBB2_1-.Ltmp17, $3  }
0x5ab: {  	_ =	sdelay $0x1  }
0x5ac: {  	[sflag:s23] =	ssyncset.done $0x0  }
0x5ad: {  	[sflag:s23] =	ssyncadd.s32 $0xFFFFE000  }
0x5ae: {  	_ =	sfence.sel $0x180000  }
0x5af: {  	[bflag:$0x0] =	sbarrier.arrive $0xFFFF  }
0x5b0: {  	_ =	strace $0x90000047  }
0x5b1: {  	s0 =	stileid.u32;
	[bflag:$0x2] =	sbarrier.arrive $0xFFFF  }
0x5b2: {  	p0 =	sne.s32 s0, $0x0;
	s0 =	rddreg [dreg:$0x3]  }
0x5b3: {  	s0 =	sadd.s32 @!p0 $0x100000, s0  }
0x5b4: {  	[sflag:s0] =	ssyncadd.tile.s32 @!p0 $0x1;
	_ =	shalt  }
.Lfunc_end2:
_tile_overlayer_lowered:
.L_overlay_start_2:
0x5b5: {  	(tag) =	ssettag $0x2  }
0x5b6: {  	s0 =	rddreg [dreg:$0x0];
	s2 =	stileid.u32  }
0x5b7: {  	s1 =	rddreg [dreg:$0x1];
	p0 =	sne.s32 s2, $0x0  }
0x5b8: {  	s3 =	rddreg [dreg:$0x2];
	[bflag:$0x3] =	sbarrier.arrive $0xFFFF;
	s2 =	simm.s32 @!p0 $0x1C0B  }
0x5b9: {  	[timem:s3], [sflag:s2] =	dma.local @!p0 [hbm:s0], s1  }
0x5ba: {  	s0 =	simm.s32 @!p0 $0xB  }
0x5bb: {  	_ =	swait.ge @!p0 [sflag:s0], s1  }
0x5bc: {  	s1 =	ssub.s32 @!p0 $0x0, s1;
	[sflag:s0] =	ssyncset.done @!p0 $0x0  }
0x5bd: {  	[sflag:s0] =	ssyncadd.s32 @!p0 s1  }
0x5be: {  	[bflag:$0x3] =	sbarrier.arrive $0xFFFF  }
0x5bf: {  	_ =	shalt  }

</sc_bundles>
